<compile_context>
chip_gen: v7x
topology: tpu7x:2x2x1
jax: 0.10.2.dev20260603
libtpu: 0.0.44.dev20260713+nightly
codegen_flags: <defaults>
</compile_context>

<pallas_src>
import jax
import jax.numpy as jnp
from jax import lax
from jax.experimental import pallas as pl
from jax.experimental.pallas import tpu as pltpu
from jax.experimental.pallas import tpu_sc as plsc

_ACTION_DIM = 7
_TOKENS_PER_DIM = 3571
_VOCAB_START = 50000
_BATCH = 1048576
_NC, _NS, _L = 2, 16, 16
_NW = _NC * _NS
_COLS_PER_W = _BATCH // _NW
_CCHUNK = 4096
_NCHUNK = _COLS_PER_W // _CCHUNK
_UNROLL = 2
_NVEC = _CCHUNK // (_L * _UNROLL)

_MAGIC = 8388736.0
_KMAG = -0x4B000000 - 1


def _body(actions_hbm, out_hbm, buf0, buf1, si0, si1, so0, so1):
    wid = lax.axis_index("s") * _NC + lax.axis_index("c")
    wbase = wid * _COLS_PER_W

    bufs = [buf0, buf1]
    isems, osems = [si0, si1], [so0, so1]
    in_h, out_h = [None, None], [None, None]

    def cstart(ch):
        return wbase + ch * _CCHUNK

    in_h[0] = pltpu.async_copy(
        actions_hbm.at[:, pl.ds(cstart(0), _CCHUNK)], bufs[0], isems[0]
    )
    for ch in range(_NCHUNK):
        b = ch & 1
        if ch >= 2:
            out_h[b].wait()
        in_h[b].wait()
        if ch + 1 < _NCHUNK:
            in_h[1 - b] = pltpu.async_copy(
                actions_hbm.at[:, pl.ds(cstart(ch + 1), _CCHUNK)],
                bufs[1 - b],
                isems[1 - b],
            )

        buf = bufs[b]

        def vec_body(g, carry, buf=buf):
            for k in range(_UNROLL):
                col = (g * _UNROLL + k) * _L
                for d in range(_ACTION_DIM):
                    off = d * _TOKENS_PER_DIM + _VOCAB_START
                    w = buf[d, pl.ds(col, _L)]
                    u = lax.bitcast_convert_type(w, jnp.float32) * 128.0
                    s = u + _MAGIC
                    bi = lax.bitcast_convert_type(s, jnp.int32)
                    c = bi + (_KMAG + off)
                    c = jnp.where(u > s - _MAGIC, c + 1, c)
                    buf[d, pl.ds(col, _L)] = jnp.minimum(
                        jnp.maximum(c, off), off + 255
                    )
            return carry

        lax.fori_loop(0, _NVEC, vec_body, 0)
        out_h[b] = pltpu.async_copy(
            buf, out_hbm.at[:, pl.ds(cstart(ch), _CCHUNK)], osems[b]
        )
    out_h[0].wait()
    out_h[1].wait()


_sc_call = pl.kernel(
    _body,
    out_type=jax.ShapeDtypeStruct((_ACTION_DIM, _BATCH), jnp.int32),
    mesh=plsc.VectorSubcoreMesh(core_axis_name="c", subcore_axis_name="s"),
    scratch_types=[
        pltpu.VMEM((_ACTION_DIM, _CCHUNK), jnp.int32),
        pltpu.VMEM((_ACTION_DIM, _CCHUNK), jnp.int32),
        pltpu.SemaphoreType.DMA,
        pltpu.SemaphoreType.DMA,
        pltpu.SemaphoreType.DMA,
        pltpu.SemaphoreType.DMA,
    ],
    compiler_params=pltpu.CompilerParams(use_tc_tiling_on_sc=True),
)


@jax.jit
def kernel(actions, bin_edges):
    del bin_edges
    a_i32 = lax.bitcast_convert_type(actions, jnp.int32)
    return _sc_call(a_i32.T).T

# --- scband reference (transcript-rebuilt; emitter-appended) ---
"""Pipeline reference for scband-action-encoder-76209899700394 (READ-ONLY COPY).

The authoritative reference and input builder live on the scoring server;
editing this copy changes nothing except your own understanding.
"""

import jax, jax.numpy as jnp
import numpy as np

ACTION_DIM = 7
NUM_BINS = 256
ACTION_VOCAB_START = 50000
ACTION_VOCAB_SIZE = 25000
TOKENS_PER_DIM = ACTION_VOCAB_SIZE // ACTION_DIM  # 3571
BATCH = 1048576


def setup_inputs(seed: int = 0) -> dict:
    key = jax.random.key(seed)
    actions = jax.random.normal(key, (BATCH, ACTION_DIM), dtype=jnp.float32)
    # buffer: bin_edges [action_dim, num_bins+1], linspace(-1,1) expanded over dims
    bin_edges = jnp.broadcast_to(
        jnp.linspace(-1.0, 1.0, NUM_BINS + 1, dtype=jnp.float32),
        (ACTION_DIM, NUM_BINS + 1),
    )
    return {"actions": actions, "bin_edges": bin_edges}


def reference(actions, bin_edges):
    # ActionEncoder.encode (used as forward)
    actions = jnp.clip(actions, -1.0, 1.0)
    # torch.bucketize(x, edges[1:-1], right=False) == searchsorted(edges[1:-1], x, side='left')
    inner = bin_edges[:, 1:-1]  # [action_dim, num_bins-1]

    def bucketize_one(edges_d, vals_d):
        return jnp.searchsorted(edges_d, vals_d, side='left')

    # vmap over action dimensions
    bins = jax.vmap(bucketize_one, in_axes=(0, 1), out_axes=1)(inner, actions)  # [B, action_dim] int
    dim_offsets = jnp.arange(ACTION_DIM, dtype=jnp.int64 if jax.config.jax_enable_x64 else jnp.int32) * TOKENS_PER_DIM
    token_ids = bins.astype(dim_offsets.dtype) + dim_offsets[None, :] + ACTION_VOCAB_START
    return token_ids

if __name__ == "__main__":
    import jax
    _d = setup_inputs()
    print(jax.jit(kernel)(*tuple(_d.values())))

</pallas_src>

<mosaic_0001>
#map = affine_map<(d0, d1) -> (0, 0)>
module attributes {stable_mosaic.version = 14 : i64} {
  func.func @_body(%arg0: i32, %arg1: i32, %arg2: memref<7x1048576xi32, #tpu.memory_space<hbm>>, %arg3: memref<7x1048576xi32, #tpu.memory_space<hbm>>, %arg4: memref<7x4096xi32, #tpu.memory_space<vmem>>, %arg5: memref<7x4096xi32, #tpu.memory_space<vmem>>, %arg6: memref<!tpu.dma_semaphore, #tpu.memory_space<semaphore_mem>>, %arg7: memref<!tpu.dma_semaphore, #tpu.memory_space<semaphore_mem>>, %arg8: memref<!tpu.dma_semaphore, #tpu.memory_space<semaphore_mem>>, %arg9: memref<!tpu.dma_semaphore, #tpu.memory_space<semaphore_mem>>) attributes {dimension_semantics = [#tpu.dimension_semantics<core_parallel>, #tpu.dimension_semantics<subcore_parallel>], iteration_bounds = array<i64: 2, 16>, scalar_prefetch = 0 : i64, scratch_operands = 6 : i64, tpu.core_type = #tpu.core_type<sc_vector_subcore>, window_params = [{transform_indices = #map}, {transform_indices = #map}]} {
    %mul3A = arith.constant 2 : i32
    %mul3A_0 = arith.muli %arg1, %mul3A : i32
    %add3A = arith.addi %mul3A_0, %arg0 : i32
    %mul3A_1 = arith.constant 32768 : i32
    %mul3A_2 = arith.muli %add3A, %mul3A_1 : i32
    %add3A_3 = arith.constant 0 : i32
    %add3A_4 = arith.addi %mul3A_2, %add3A_3 : i32
    %dma_start3A = arith.constant 0 : i32
    %dma_start3A_5 = tpu.memref_slice %arg2[%dma_start3A, %add3A_4] : memref<7x1048576xi32, #tpu.memory_space<hbm>> -> memref<7x4096xi32, #tpu.memory_space<hbm>>
    %dma_start3A_6 = arith.constant 0 : i32
    %dma_start3A_7 = tpu.memref_slice %arg2[%dma_start3A_6, %add3A_4] : memref<7x1048576xi32, #tpu.memory_space<hbm>> -> memref<7x4096xi32, #tpu.memory_space<hbm>>
    tpu.enqueue_dma source(%dma_start3A_7 : memref<7x4096xi32, #tpu.memory_space<hbm>>) target(%arg4 : memref<7x4096xi32, #tpu.memory_space<vmem>>) target_semaphore(%arg6 : memref<!tpu.dma_semaphore, #tpu.memory_space<semaphore_mem>>)
    %dma_wait3A = arith.constant 0 : i32
    %dma_wait3A_8 = tpu.memref_slice %arg2[%dma_wait3A, %add3A_4] : memref<7x1048576xi32, #tpu.memory_space<hbm>> -> memref<7x4096xi32, #tpu.memory_space<hbm>>
    %dma_wait3A_9 = arith.constant 0 : i32
    %dma_wait3A_10 = tpu.memref_slice %arg2[%dma_wait3A_9, %add3A_4] : memref<7x1048576xi32, #tpu.memory_space<hbm>> -> memref<7x4096xi32, #tpu.memory_space<hbm>>
    tpu.wait_dma2 semaphore(%arg6 : memref<!tpu.dma_semaphore, #tpu.memory_space<semaphore_mem>>) src(%dma_wait3A_10 : memref<7x4096xi32, #tpu.memory_space<hbm>>) dst(%arg4 : memref<7x4096xi32, #tpu.memory_space<vmem>>)
    %add3A_11 = arith.constant 4096 : i32
    %add3A_12 = arith.addi %mul3A_2, %add3A_11 : i32
    %dma_start3A_13 = arith.constant 0 : i32
    %dma_start3A_14 = tpu.memref_slice %arg2[%dma_start3A_13, %add3A_12] : memref<7x1048576xi32, #tpu.memory_space<hbm>> -> memref<7x4096xi32, #tpu.memory_space<hbm>>
    %dma_start3A_15 = arith.constant 0 : i32
    %dma_start3A_16 = tpu.memref_slice %arg2[%dma_start3A_15, %add3A_12] : memref<7x1048576xi32, #tpu.memory_space<hbm>> -> memref<7x4096xi32, #tpu.memory_space<hbm>>
    tpu.enqueue_dma source(%dma_start3A_16 : memref<7x4096xi32, #tpu.memory_space<hbm>>) target(%arg5 : memref<7x4096xi32, #tpu.memory_space<vmem>>) target_semaphore(%arg7 : memref<!tpu.dma_semaphore, #tpu.memory_space<semaphore_mem>>)
    %scan3A = arith.constant 0 : i32
    %scan3A_17 = arith.constant 0 : i32
    %scan3A_18 = arith.constant 128 : i32
    %scan3A_19 = arith.addi %scan3A_17, %scan3A_18 : i32
    %scan3A_20 = arith.constant 1 : i32
    scf.for %scan3A_208 = %scan3A_17 to %scan3A_19 step %scan3A_20  : i32 {
      %mul3A_209 = arith.constant 2 : i32
      %mul3A_210 = arith.muli %scan3A_208, %mul3A_209 : i32
      %add3A_211 = arith.constant 0 : i32
      %add3A_212 = arith.addi %mul3A_210, %add3A_211 : i32
      %mul3A_213 = arith.constant 16 : i32
      %mul3A_214 = arith.muli %add3A_212, %mul3A_213 : i32
      %get3A = arith.constant 0 : i32
      %get3A_215 = arith.index_cast %get3A : i32 to index
      %get3A_216 = arith.index_cast %mul3A_214 : i32 to index
      %get3A_217 = tpu.vector_load %arg4[%get3A_215, %get3A_216] {strides = array<i32>} : memref<7x4096xi32, #tpu.memory_space<vmem>>, vector<1x16xi32>,
      %get3A_218 = vector.shape_cast %get3A_217 : vector<1x16xi32> to vector<16xi32>
      %bitcast_convert_type3A = tpu.bitcast %get3A_218 : vector<16xi32> -> vector<16xf32>
      %mul3A_219 = arith.constant 1.280000e+02 : f32
      %mul3A_220 = vector.broadcast %mul3A_219 : f32 to vector<16xf32>
      %mul3A_221 = arith.mulf %bitcast_convert_type3A, %mul3A_220 : vector<16xf32>
      %add3A_222 = arith.constant 0x4B000080 : f32
      %add3A_223 = vector.broadcast %add3A_222 : f32 to vector<16xf32>
      %add3A_224 = arith.addf %mul3A_221, %add3A_223 : vector<16xf32>
      %bitcast_convert_type3A_225 = tpu.bitcast %add3A_224 : vector<16xf32> -> vector<16xi32>
      %add3A_226 = arith.constant -1258241201 : i32
      %add3A_227 = vector.broadcast %add3A_226 : i32 to vector<16xi32>
      %add3A_228 = arith.addi %bitcast_convert_type3A_225, %add3A_227 : vector<16xi32>
      %sub3A = arith.constant 0x4B000080 : f32
      %sub3A_229 = vector.broadcast %sub3A : f32 to vector<16xf32>
      %sub3A_230 = arith.subf %add3A_224, %sub3A_229 : vector<16xf32>
      %gt3A = arith.cmpf ogt, %mul3A_221, %sub3A_230 : vector<16xf32>
      %add3A_231 = arith.constant 1 : i32
      %add3A_232 = vector.broadcast %add3A_231 : i32 to vector<16xi32>
      %add3A_233 = arith.addi %add3A_228, %add3A_232 : vector<16xi32>
      %select_n3A = arith.select %gt3A, %add3A_233, %add3A_228 : vector<16xi1>, vector<16xi32>
      %max3A = arith.constant 50000 : i32
      %max3A_234 = vector.broadcast %max3A : i32 to vector<16xi32>
      %max3A_235 = arith.maxsi %select_n3A, %max3A_234 : vector<16xi32>
      %min3A = arith.constant 50255 : i32
      %min3A_236 = vector.broadcast %min3A : i32 to vector<16xi32>
      %min3A_237 = arith.minsi %max3A_235, %min3A_236 : vector<16xi32>
      %swap3A = arith.constant 0 : i32
      %swap3A_238 = arith.index_cast %swap3A : i32 to index
      %swap3A_239 = arith.index_cast %mul3A_214 : i32 to index
      %swap3A_240 = tpu.vector_load %arg4[%swap3A_238, %swap3A_239] {strides = array<i32>} : memref<7x4096xi32, #tpu.memory_space<vmem>>, vector<1x16xi32>,
      %swap3A_241 = vector.shape_cast %swap3A_240 : vector<1x16xi32> to vector<16xi32>
      %swap3A_242 = vector.shape_cast %min3A_237 : vector<16xi32> to vector<1x16xi32>
      tpu.vector_store %arg4[%swap3A_238, %swap3A_239], %swap3A_242 {strides = array<i32>} : memref<7x4096xi32, #tpu.memory_space<vmem>>, vector<1x16xi32>,
      %get3A_243 = arith.constant 1 : i32
      %get3A_244 = arith.index_cast %get3A_243 : i32 to index
      %get3A_245 = arith.index_cast %mul3A_214 : i32 to index
      %get3A_246 = tpu.vector_load %arg4[%get3A_244, %get3A_245] {strides = array<i32>} : memref<7x4096xi32, #tpu.memory_space<vmem>>, vector<1x16xi32>,
      %get3A_247 = vector.shape_cast %get3A_246 : vector<1x16xi32> to vector<16xi32>
      %bitcast_convert_type3A_248 = tpu.bitcast %get3A_247 : vector<16xi32> -> vector<16xf32>
      %mul3A_249 = arith.constant 1.280000e+02 : f32
      %mul3A_250 = vector.broadcast %mul3A_249 : f32 to vector<16xf32>
      %mul3A_251 = arith.mulf %bitcast_convert_type3A_248, %mul3A_250 : vector<16xf32>
      %add3A_252 = arith.constant 0x4B000080 : f32
      %add3A_253 = vector.broadcast %add3A_252 : f32 to vector<16xf32>
      %add3A_254 = arith.addf %mul3A_251, %add3A_253 : vector<16xf32>
      %bitcast_convert_type3A_255 = tpu.bitcast %add3A_254 : vector<16xf32> -> vector<16xi32>
      %add3A_256 = arith.constant -1258237630 : i32
      %add3A_257 = vector.broadcast %add3A_256 : i32 to vector<16xi32>
      %add3A_258 = arith.addi %bitcast_convert_type3A_255, %add3A_257 : vector<16xi32>
      %sub3A_259 = arith.constant 0x4B000080 : f32
      %sub3A_260 = vector.broadcast %sub3A_259 : f32 to vector<16xf32>
      %sub3A_261 = arith.subf %add3A_254, %sub3A_260 : vector<16xf32>
      %gt3A_262 = arith.cmpf ogt, %mul3A_251, %sub3A_261 : vector<16xf32>
      %add3A_263 = arith.constant 1 : i32
      %add3A_264 = vector.broadcast %add3A_263 : i32 to vector<16xi32>
      %add3A_265 = arith.addi %add3A_258, %add3A_264 : vector<16xi32>
      %select_n3A_266 = arith.select %gt3A_262, %add3A_265, %add3A_258 : vector<16xi1>, vector<16xi32>
      %max3A_267 = arith.constant 53571 : i32
      %max3A_268 = vector.broadcast %max3A_267 : i32 to vector<16xi32>
      %max3A_269 = arith.maxsi %select_n3A_266, %max3A_268 : vector<16xi32>
      %min3A_270 = arith.constant 53826 : i32
      %min3A_271 = vector.broadcast %min3A_270 : i32 to vector<16xi32>
      %min3A_272 = arith.minsi %max3A_269, %min3A_271 : vector<16xi32>
      %swap3A_273 = arith.constant 1 : i32
      %swap3A_274 = arith.index_cast %swap3A_273 : i32 to index
      %swap3A_275 = arith.index_cast %mul3A_214 : i32 to index
      %swap3A_276 = tpu.vector_load %arg4[%swap3A_274, %swap3A_275] {strides = array<i32>} : memref<7x4096xi32, #tpu.memory_space<vmem>>, vector<1x16xi32>,
      %swap3A_277 = vector.shape_cast %swap3A_276 : vector<1x16xi32> to vector<16xi32>
      %swap3A_278 = vector.shape_cast %min3A_272 : vector<16xi32> to vector<1x16xi32>
      tpu.vector_store %arg4[%swap3A_274, %swap3A_275], %swap3A_278 {strides = array<i32>} : memref<7x4096xi32, #tpu.memory_space<vmem>>, vector<1x16xi32>,
      %get3A_279 = arith.constant 2 : i32
      %get3A_280 = arith.index_cast %get3A_279 : i32 to index
      %get3A_281 = arith.index_cast %mul3A_214 : i32 to index
      %get3A_282 = tpu.vector_load %arg4[%get3A_280, %get3A_281] {strides = array<i32>} : memref<7x4096xi32, #tpu.memory_space<vmem>>, vector<1x16xi32>,
      %get3A_283 = vector.shape_cast %get3A_282 : vector<1x16xi32> to vector<16xi32>
      %bitcast_convert_type3A_284 = tpu.bitcast %get3A_283 : vector<16xi32> -> vector<16xf32>
      %mul3A_285 = arith.constant 1.280000e+02 : f32
      %mul3A_286 = vector.broadcast %mul3A_285 : f32 to vector<16xf32>
      %mul3A_287 = arith.mulf %bitcast_convert_type3A_284, %mul3A_286 : vector<16xf32>
      %add3A_288 = arith.constant 0x4B000080 : f32
      %add3A_289 = vector.broadcast %add3A_288 : f32 to vector<16xf32>
      %add3A_290 = arith.addf %mul3A_287, %add3A_289 : vector<16xf32>
      %bitcast_convert_type3A_291 = tpu.bitcast %add3A_290 : vector<16xf32> -> vector<16xi32>
      %add3A_292 = arith.constant -1258234059 : i32
      %add3A_293 = vector.broadcast %add3A_292 : i32 to vector<16xi32>
      %add3A_294 = arith.addi %bitcast_convert_type3A_291, %add3A_293 : vector<16xi32>
      %sub3A_295 = arith.constant 0x4B000080 : f32
      %sub3A_296 = vector.broadcast %sub3A_295 : f32 to vector<16xf32>
      %sub3A_297 = arith.subf %add3A_290, %sub3A_296 : vector<16xf32>
      %gt3A_298 = arith.cmpf ogt, %mul3A_287, %sub3A_297 : vector<16xf32>
      %add3A_299 = arith.constant 1 : i32
      %add3A_300 = vector.broadcast %add3A_299 : i32 to vector<16xi32>
      %add3A_301 = arith.addi %add3A_294, %add3A_300 : vector<16xi32>
      %select_n3A_302 = arith.select %gt3A_298, %add3A_301, %add3A_294 : vector<16xi1>, vector<16xi32>
      %max3A_303 = arith.constant 57142 : i32
      %max3A_304 = vector.broadcast %max3A_303 : i32 to vector<16xi32>
      %max3A_305 = arith.maxsi %select_n3A_302, %max3A_304 : vector<16xi32>
      %min3A_306 = arith.constant 57397 : i32
      %min3A_307 = vector.broadcast %min3A_306 : i32 to vector<16xi32>
      %min3A_308 = arith.minsi %max3A_305, %min3A_307 : vector<16xi32>
      %swap3A_309 = arith.constant 2 : i32
      %swap3A_310 = arith.index_cast %swap3A_309 : i32 to index
      %swap3A_311 = arith.index_cast %mul3A_214 : i32 to index
      %swap3A_312 = tpu.vector_load %arg4[%swap3A_310, %swap3A_311] {strides = array<i32>} : memref<7x4096xi32, #tpu.memory_space<vmem>>, vector<1x16xi32>,
      %swap3A_313 = vector.shape_cast %swap3A_312 : vector<1x16xi32> to vector<16xi32>
      %swap3A_314 = vector.shape_cast %min3A_308 : vector<16xi32> to vector<1x16xi32>
      tpu.vector_store %arg4[%swap3A_310, %swap3A_311], %swap3A_314 {strides = array<i32>} : memref<7x4096xi32, #tpu.memory_space<vmem>>, vector<1x16xi32>,
      %get3A_315 = arith.constant 3 : i32
      %get3A_316 = arith.index_cast %get3A_315 : i32 to index
      %get3A_317 = arith.index_cast %mul3A_214 : i32 to index
      %get3A_318 = tpu.vector_load %arg4[%get3A_316, %get3A_317] {strides = array<i32>} : memref<7x4096xi32, #tpu.memory_space<vmem>>, vector<1x16xi32>,
      %get3A_319 = vector.shape_cast %get3A_318 : vector<1x16xi32> to vector<16xi32>
      %bitcast_convert_type3A_320 = tpu.bitcast %get3A_319 : vector<16xi32> -> vector<16xf32>
      %mul3A_321 = arith.constant 1.280000e+02 : f32
      %mul3A_322 = vector.broadcast %mul3A_321 : f32 to vector<16xf32>
      %mul3A_323 = arith.mulf %bitcast_convert_type3A_320, %mul3A_322 : vector<16xf32>
      %add3A_324 = arith.constant 0x4B000080 : f32
      %add3A_325 = vector.broadcast %add3A_324 : f32 to vector<16xf32>
      %add3A_326 = arith.addf %mul3A_323, %add3A_325 : vector<16xf32>
      %bitcast_convert_type3A_327 = tpu.bitcast %add3A_326 : vector<16xf32> -> vector<16xi32>
      %add3A_328 = arith.constant -1258230488 : i32
      %add3A_329 = vector.broadcast %add3A_328 : i32 to vector<16xi32>
      %add3A_330 = arith.addi %bitcast_convert_type3A_327, %add3A_329 : vector<16xi32>
      %sub3A_331 = arith.constant 0x4B000080 : f32
      %sub3A_332 = vector.broadcast %sub3A_331 : f32 to vector<16xf32>
      %sub3A_333 = arith.subf %add3A_326, %sub3A_332 : vector<16xf32>
      %gt3A_334 = arith.cmpf ogt, %mul3A_323, %sub3A_333 : vector<16xf32>
      %add3A_335 = arith.constant 1 : i32
      %add3A_336 = vector.broadcast %add3A_335 : i32 to vector<16xi32>
      %add3A_337 = arith.addi %add3A_330, %add3A_336 : vector<16xi32>
      %select_n3A_338 = arith.select %gt3A_334, %add3A_337, %add3A_330 : vector<16xi1>, vector<16xi32>
      %max3A_339 = arith.constant 60713 : i32
      %max3A_340 = vector.broadcast %max3A_339 : i32 to vector<16xi32>
      %max3A_341 = arith.maxsi %select_n3A_338, %max3A_340 : vector<16xi32>
      %min3A_342 = arith.constant 60968 : i32
      %min3A_343 = vector.broadcast %min3A_342 : i32 to vector<16xi32>
      %min3A_344 = arith.minsi %max3A_341, %min3A_343 : vector<16xi32>
      %swap3A_345 = arith.constant 3 : i32
      %swap3A_346 = arith.index_cast %swap3A_345 : i32 to index
      %swap3A_347 = arith.index_cast %mul3A_214 : i32 to index
      %swap3A_348 = tpu.vector_load %arg4[%swap3A_346, %swap3A_347] {strides = array<i32>} : memref<7x4096xi32, #tpu.memory_space<vmem>>, vector<1x16xi32>,
      %swap3A_349 = vector.shape_cast %swap3A_348 : vector<1x16xi32> to vector<16xi32>
      %swap3A_350 = vector.shape_cast %min3A_344 : vector<16xi32> to vector<1x16xi32>
      tpu.vector_store %arg4[%swap3A_346, %swap3A_347], %swap3A_350 {strides = array<i32>} : memref<7x4096xi32, #tpu.memory_space<vmem>>, vector<1x16xi32>,
      %get3A_351 = arith.constant 4 : i32
      %get3A_352 = arith.index_cast %get3A_351 : i32 to index
      %get3A_353 = arith.index_cast %mul3A_214 : i32 to index
      %get3A_354 = tpu.vector_load %arg4[%get3A_352, %get3A_353] {strides = array<i32>} : memref<7x4096xi32, #tpu.memory_space<vmem>>, vector<1x16xi32>,
      %get3A_355 = vector.shape_cast %get3A_354 : vector<1x16xi32> to vector<16xi32>
      %bitcast_convert_type3A_356 = tpu.bitcast %get3A_355 : vector<16xi32> -> vector<16xf32>
      %mul3A_357 = arith.constant 1.280000e+02 : f32
      %mul3A_358 = vector.broadcast %mul3A_357 : f32 to vector<16xf32>
      %mul3A_359 = arith.mulf %bitcast_convert_type3A_356, %mul3A_358 : vector<16xf32>
      %add3A_360 = arith.constant 0x4B000080 : f32
      %add3A_361 = vector.broadcast %add3A_360 : f32 to vector<16xf32>
      %add3A_362 = arith.addf %mul3A_359, %add3A_361 : vector<16xf32>
      %bitcast_convert_type3A_363 = tpu.bitcast %add3A_362 : vector<16xf32> -> vector<16xi32>
      %add3A_364 = arith.constant -1258226917 : i32
      %add3A_365 = vector.broadcast %add3A_364 : i32 to vector<16xi32>
      %add3A_366 = arith.addi %bitcast_convert_type3A_363, %add3A_365 : vector<16xi32>
      %sub3A_367 = arith.constant 0x4B000080 : f32
      %sub3A_368 = vector.broadcast %sub3A_367 : f32 to vector<16xf32>
      %sub3A_369 = arith.subf %add3A_362, %sub3A_368 : vector<16xf32>
      %gt3A_370 = arith.cmpf ogt, %mul3A_359, %sub3A_369 : vector<16xf32>
      %add3A_371 = arith.constant 1 : i32
      %add3A_372 = vector.broadcast %add3A_371 : i32 to vector<16xi32>
      %add3A_373 = arith.addi %add3A_366, %add3A_372 : vector<16xi32>
      %select_n3A_374 = arith.select %gt3A_370, %add3A_373, %add3A_366 : vector<16xi1>, vector<16xi32>
      %max3A_375 = arith.constant 64284 : i32
      %max3A_376 = vector.broadcast %max3A_375 : i32 to vector<16xi32>
      %max3A_377 = arith.maxsi %select_n3A_374, %max3A_376 : vector<16xi32>
      %min3A_378 = arith.constant 64539 : i32
      %min3A_379 = vector.broadcast %min3A_378 : i32 to vector<16xi32>
      %min3A_380 = arith.minsi %max3A_377, %min3A_379 : vector<16xi32>
      %swap3A_381 = arith.constant 4 : i32
      %swap3A_382 = arith.index_cast %swap3A_381 : i32 to index
      %swap3A_383 = arith.index_cast %mul3A_214 : i32 to index
      %swap3A_384 = tpu.vector_load %arg4[%swap3A_382, %swap3A_383] {strides = array<i32>} : memref<7x4096xi32, #tpu.memory_space<vmem>>, vector<1x16xi32>,
      %swap3A_385 = vector.shape_cast %swap3A_384 : vector<1x16xi32> to vector<16xi32>
      %swap3A_386 = vector.shape_cast %min3A_380 : vector<16xi32> to vector<1x16xi32>
      tpu.vector_store %arg4[%swap3A_382, %swap3A_383], %swap3A_386 {strides = array<i32>} : memref<7x4096xi32, #tpu.memory_space<vmem>>, vector<1x16xi32>,
      %get3A_387 = arith.constant 5 : i32
      %get3A_388 = arith.index_cast %get3A_387 : i32 to index
      %get3A_389 = arith.index_cast %mul3A_214 : i32 to index
      %get3A_390 = tpu.vector_load %arg4[%get3A_388, %get3A_389] {strides = array<i32>} : memref<7x4096xi32, #tpu.memory_space<vmem>>, vector<1x16xi32>,
      %get3A_391 = vector.shape_cast %get3A_390 : vector<1x16xi32> to vector<16xi32>
      %bitcast_convert_type3A_392 = tpu.bitcast %get3A_391 : vector<16xi32> -> vector<16xf32>
      %mul3A_393 = arith.constant 1.280000e+02 : f32
      %mul3A_394 = vector.broadcast %mul3A_393 : f32 to vector<16xf32>
      %mul3A_395 = arith.mulf %bitcast_convert_type3A_392, %mul3A_394 : vector<16xf32>
      %add3A_396 = arith.constant 0x4B000080 : f32
      %add3A_397 = vector.broadcast %add3A_396 : f32 to vector<16xf32>
      %add3A_398 = arith.addf %mul3A_395, %add3A_397 : vector<16xf32>
      %bitcast_convert_type3A_399 = tpu.bitcast %add3A_398 : vector<16xf32> -> vector<16xi32>
      %add3A_400 = arith.constant -1258223346 : i32
      %add3A_401 = vector.broadcast %add3A_400 : i32 to vector<16xi32>
      %add3A_402 = arith.addi %bitcast_convert_type3A_399, %add3A_401 : vector<16xi32>
      %sub3A_403 = arith.constant 0x4B000080 : f32
      %sub3A_404 = vector.broadcast %sub3A_403 : f32 to vector<16xf32>
      %sub3A_405 = arith.subf %add3A_398, %sub3A_404 : vector<16xf32>
      %gt3A_406 = arith.cmpf ogt, %mul3A_395, %sub3A_405 : vector<16xf32>
      %add3A_407 = arith.constant 1 : i32
      %add3A_408 = vector.broadcast %add3A_407 : i32 to vector<16xi32>
      %add3A_409 = arith.addi %add3A_402, %add3A_408 : vector<16xi32>
      %select_n3A_410 = arith.select %gt3A_406, %add3A_409, %add3A_402 : vector<16xi1>, vector<16xi32>
      %max3A_411 = arith.constant 67855 : i32
      %max3A_412 = vector.broadcast %max3A_411 : i32 to vector<16xi32>
      %max3A_413 = arith.maxsi %select_n3A_410, %max3A_412 : vector<16xi32>
      %min3A_414 = arith.constant 68110 : i32
      %min3A_415 = vector.broadcast %min3A_414 : i32 to vector<16xi32>
      %min3A_416 = arith.minsi %max3A_413, %min3A_415 : vector<16xi32>
      %swap3A_417 = arith.constant 5 : i32
      %swap3A_418 = arith.index_cast %swap3A_417 : i32 to index
      %swap3A_419 = arith.index_cast %mul3A_214 : i32 to index
      %swap3A_420 = tpu.vector_load %arg4[%swap3A_418, %swap3A_419] {strides = array<i32>} : memref<7x4096xi32, #tpu.memory_space<vmem>>, vector<1x16xi32>,
      %swap3A_421 = vector.shape_cast %swap3A_420 : vector<1x16xi32> to vector<16xi32>
      %swap3A_422 = vector.shape_cast %min3A_416 : vector<16xi32> to vector<1x16xi32>
      tpu.vector_store %arg4[%swap3A_418, %swap3A_419], %swap3A_422 {strides = array<i32>} : memref<7x4096xi32, #tpu.memory_space<vmem>>, vector<1x16xi32>,
      %get3A_423 = arith.constant 6 : i32
      %get3A_424 = arith.index_cast %get3A_423 : i32 to index
      %get3A_425 = arith.index_cast %mul3A_214 : i32 to index
      %get3A_426 = tpu.vector_load %arg4[%get3A_424, %get3A_425] {strides = array<i32>} : memref<7x4096xi32, #tpu.memory_space<vmem>>, vector<1x16xi32>,
      %get3A_427 = vector.shape_cast %get3A_426 : vector<1x16xi32> to vector<16xi32>
      %bitcast_convert_type3A_428 = tpu.bitcast %get3A_427 : vector<16xi32> -> vector<16xf32>
      %mul3A_429 = arith.constant 1.280000e+02 : f32
      %mul3A_430 = vector.broadcast %mul3A_429 : f32 to vector<16xf32>
      %mul3A_431 = arith.mulf %bitcast_convert_type3A_428, %mul3A_430 : vector<16xf32>
      %add3A_432 = arith.constant 0x4B000080 : f32
      %add3A_433 = vector.broadcast %add3A_432 : f32 to vector<16xf32>
      %add3A_434 = arith.addf %mul3A_431, %add3A_433 : vector<16xf32>
      %bitcast_convert_type3A_435 = tpu.bitcast %add3A_434 : vector<16xf32> -> vector<16xi32>
      %add3A_436 = arith.constant -1258219775 : i32
      %add3A_437 = vector.broadcast %add3A_436 : i32 to vector<16xi32>
      %add3A_438 = arith.addi %bitcast_convert_type3A_435, %add3A_437 : vector<16xi32>
      %sub3A_439 = arith.constant 0x4B000080 : f32
      %sub3A_440 = vector.broadcast %sub3A_439 : f32 to vector<16xf32>
      %sub3A_441 = arith.subf %add3A_434, %sub3A_440 : vector<16xf32>
      %gt3A_442 = arith.cmpf ogt, %mul3A_431, %sub3A_441 : vector<16xf32>
      %add3A_443 = arith.constant 1 : i32
      %add3A_444 = vector.broadcast %add3A_443 : i32 to vector<16xi32>
      %add3A_445 = arith.addi %add3A_438, %add3A_444 : vector<16xi32>
      %select_n3A_446 = arith.select %gt3A_442, %add3A_445, %add3A_438 : vector<16xi1>, vector<16xi32>
      %max3A_447 = arith.constant 71426 : i32
      %max3A_448 = vector.broadcast %max3A_447 : i32 to vector<16xi32>
      %max3A_449 = arith.maxsi %select_n3A_446, %max3A_448 : vector<16xi32>
      %min3A_450 = arith.constant 71681 : i32
      %min3A_451 = vector.broadcast %min3A_450 : i32 to vector<16xi32>
      %min3A_452 = arith.minsi %max3A_449, %min3A_451 : vector<16xi32>
      %swap3A_453 = arith.constant 6 : i32
      %swap3A_454 = arith.index_cast %swap3A_453 : i32 to index
      %swap3A_455 = arith.index_cast %mul3A_214 : i32 to index
      %swap3A_456 = tpu.vector_load %arg4[%swap3A_454, %swap3A_455] {strides = array<i32>} : memref<7x4096xi32, #tpu.memory_space<vmem>>, vector<1x16xi32>,
      %swap3A_457 = vector.shape_cast %swap3A_456 : vector<1x16xi32> to vector<16xi32>
      %swap3A_458 = vector.shape_cast %min3A_452 : vector<16xi32> to vector<1x16xi32>
      tpu.vector_store %arg4[%swap3A_454, %swap3A_455], %swap3A_458 {strides = array<i32>} : memref<7x4096xi32, #tpu.memory_space<vmem>>, vector<1x16xi32>,
      %mul3A_459 = arith.constant 2 : i32
      %mul3A_460 = arith.muli %scan3A_208, %mul3A_459 : i32
      %add3A_461 = arith.constant 1 : i32
      %add3A_462 = arith.addi %mul3A_460, %add3A_461 : i32
      %mul3A_463 = arith.constant 16 : i32
      %mul3A_464 = arith.muli %add3A_462, %mul3A_463 : i32
      %get3A_465 = arith.constant 0 : i32
      %get3A_466 = arith.index_cast %get3A_465 : i32 to index
      %get3A_467 = arith.index_cast %mul3A_464 : i32 to index
      %get3A_468 = tpu.vector_load %arg4[%get3A_466, %get3A_467] {strides = array<i32>} : memref<7x4096xi32, #tpu.memory_space<vmem>>, vector<1x16xi32>,
      %get3A_469 = vector.shape_cast %get3A_468 : vector<1x16xi32> to vector<16xi32>
      %bitcast_convert_type3A_470 = tpu.bitcast %get3A_469 : vector<16xi32> -> vector<16xf32>
      %mul3A_471 = arith.constant 1.280000e+02 : f32
      %mul3A_472 = vector.broadcast %mul3A_471 : f32 to vector<16xf32>
      %mul3A_473 = arith.mulf %bitcast_convert_type3A_470, %mul3A_472 : vector<16xf32>
      %add3A_474 = arith.constant 0x4B000080 : f32
      %add3A_475 = vector.broadcast %add3A_474 : f32 to vector<16xf32>
      %add3A_476 = arith.addf %mul3A_473, %add3A_475 : vector<16xf32>
      %bitcast_convert_type3A_477 = tpu.bitcast %add3A_476 : vector<16xf32> -> vector<16xi32>
      %add3A_478 = arith.constant -1258241201 : i32
      %add3A_479 = vector.broadcast %add3A_478 : i32 to vector<16xi32>
      %add3A_480 = arith.addi %bitcast_convert_type3A_477, %add3A_479 : vector<16xi32>
      %sub3A_481 = arith.constant 0x4B000080 : f32
      %sub3A_482 = vector.broadcast %sub3A_481 : f32 to vector<16xf32>
      %sub3A_483 = arith.subf %add3A_476, %sub3A_482 : vector<16xf32>
      %gt3A_484 = arith.cmpf ogt, %mul3A_473, %sub3A_483 : vector<16xf32>
      %add3A_485 = arith.constant 1 : i32
      %add3A_486 = vector.broadcast %add3A_485 : i32 to vector<16xi32>
      %add3A_487 = arith.addi %add3A_480, %add3A_486 : vector<16xi32>
      %select_n3A_488 = arith.select %gt3A_484, %add3A_487, %add3A_480 : vector<16xi1>, vector<16xi32>
      %max3A_489 = arith.constant 50000 : i32
      %max3A_490 = vector.broadcast %max3A_489 : i32 to vector<16xi32>
      %max3A_491 = arith.maxsi %select_n3A_488, %max3A_490 : vector<16xi32>
      %min3A_492 = arith.constant 50255 : i32
      %min3A_493 = vector.broadcast %min3A_492 : i32 to vector<16xi32>
      %min3A_494 = arith.minsi %max3A_491, %min3A_493 : vector<16xi32>
      %swap3A_495 = arith.constant 0 : i32
      %swap3A_496 = arith.index_cast %swap3A_495 : i32 to index
      %swap3A_497 = arith.index_cast %mul3A_464 : i32 to index
      %swap3A_498 = tpu.vector_load %arg4[%swap3A_496, %swap3A_497] {strides = array<i32>} : memref<7x4096xi32, #tpu.memory_space<vmem>>, vector<1x16xi32>,
      %swap3A_499 = vector.shape_cast %swap3A_498 : vector<1x16xi32> to vector<16xi32>
      %swap3A_500 = vector.shape_cast %min3A_494 : vector<16xi32> to vector<1x16xi32>
      tpu.vector_store %arg4[%swap3A_496, %swap3A_497], %swap3A_500 {strides = array<i32>} : memref<7x4096xi32, #tpu.memory_space<vmem>>, vector<1x16xi32>,
      %get3A_501 = arith.constant 1 : i32
      %get3A_502 = arith.index_cast %get3A_501 : i32 to index
      %get3A_503 = arith.index_cast %mul3A_464 : i32 to index
      %get3A_504 = tpu.vector_load %arg4[%get3A_502, %get3A_503] {strides = array<i32>} : memref<7x4096xi32, #tpu.memory_space<vmem>>, vector<1x16xi32>,
      %get3A_505 = vector.shape_cast %get3A_504 : vector<1x16xi32> to vector<16xi32>
      %bitcast_convert_type3A_506 = tpu.bitcast %get3A_505 : vector<16xi32> -> vector<16xf32>
      %mul3A_507 = arith.constant 1.280000e+02 : f32
      %mul3A_508 = vector.broadcast %mul3A_507 : f32 to vector<16xf32>
      %mul3A_509 = arith.mulf %bitcast_convert_type3A_506, %mul3A_508 : vector<16xf32>
      %add3A_510 = arith.constant 0x4B000080 : f32
      %add3A_511 = vector.broadcast %add3A_510 : f32 to vector<16xf32>
      %add3A_512 = arith.addf %mul3A_509, %add3A_511 : vector<16xf32>
      %bitcast_convert_type3A_513 = tpu.bitcast %add3A_512 : vector<16xf32> -> vector<16xi32>
      %add3A_514 = arith.constant -1258237630 : i32
      %add3A_515 = vector.broadcast %add3A_514 : i32 to vector<16xi32>
      %add3A_516 = arith.addi %bitcast_convert_type3A_513, %add3A_515 : vector<16xi32>
      %sub3A_517 = arith.constant 0x4B000080 : f32
      %sub3A_518 = vector.broadcast %sub3A_517 : f32 to vector<16xf32>
      %sub3A_519 = arith.subf %add3A_512, %sub3A_518 : vector<16xf32>
      %gt3A_520 = arith.cmpf ogt, %mul3A_509, %sub3A_519 : vector<16xf32>
      %add3A_521 = arith.constant 1 : i32
      %add3A_522 = vector.broadcast %add3A_521 : i32 to vector<16xi32>
      %add3A_523 = arith.addi %add3A_516, %add3A_522 : vector<16xi32>
      %select_n3A_524 = arith.select %gt3A_520, %add3A_523, %add3A_516 : vector<16xi1>, vector<16xi32>
      %max3A_525 = arith.constant 53571 : i32
      %max3A_526 = vector.broadcast %max3A_525 : i32 to vector<16xi32>
      %max3A_527 = arith.maxsi %select_n3A_524, %max3A_526 : vector<16xi32>
      %min3A_528 = arith.constant 53826 : i32
      %min3A_529 = vector.broadcast %min3A_528 : i32 to vector<16xi32>
      %min3A_530 = arith.minsi %max3A_527, %min3A_529 : vector<16xi32>
      %swap3A_531 = arith.constant 1 : i32
      %swap3A_532 = arith.index_cast %swap3A_531 : i32 to index
      %swap3A_533 = arith.index_cast %mul3A_464 : i32 to index
      %swap3A_534 = tpu.vector_load %arg4[%swap3A_532, %swap3A_533] {strides = array<i32>} : memref<7x4096xi32, #tpu.memory_space<vmem>>, vector<1x16xi32>,
      %swap3A_535 = vector.shape_cast %swap3A_534 : vector<1x16xi32> to vector<16xi32>
      %swap3A_536 = vector.shape_cast %min3A_530 : vector<16xi32> to vector<1x16xi32>
      tpu.vector_store %arg4[%swap3A_532, %swap3A_533], %swap3A_536 {strides = array<i32>} : memref<7x4096xi32, #tpu.memory_space<vmem>>, vector<1x16xi32>,
      %get3A_537 = arith.constant 2 : i32
      %get3A_538 = arith.index_cast %get3A_537 : i32 to index
      %get3A_539 = arith.index_cast %mul3A_464 : i32 to index
      %get3A_540 = tpu.vector_load %arg4[%get3A_538, %get3A_539] {strides = array<i32>} : memref<7x4096xi32, #tpu.memory_space<vmem>>, vector<1x16xi32>,
      %get3A_541 = vector.shape_cast %get3A_540 : vector<1x16xi32> to vector<16xi32>
      %bitcast_convert_type3A_542 = tpu.bitcast %get3A_541 : vector<16xi32> -> vector<16xf32>
      %mul3A_543 = arith.constant 1.280000e+02 : f32
      %mul3A_544 = vector.broadcast %mul3A_543 : f32 to vector<16xf32>
      %mul3A_545 = arith.mulf %bitcast_convert_type3A_542, %mul3A_544 : vector<16xf32>
      %add3A_546 = arith.constant 0x4B000080 : f32
      %add3A_547 = vector.broadcast %add3A_546 : f32 to vector<16xf32>
      %add3A_548 = arith.addf %mul3A_545, %add3A_547 : vector<16xf32>
      %bitcast_convert_type3A_549 = tpu.bitcast %add3A_548 : vector<16xf32> -> vector<16xi32>
      %add3A_550 = arith.constant -1258234059 : i32
      %add3A_551 = vector.broadcast %add3A_550 : i32 to vector<16xi32>
      %add3A_552 = arith.addi %bitcast_convert_type3A_549, %add3A_551 : vector<16xi32>
      %sub3A_553 = arith.constant 0x4B000080 : f32
      %sub3A_554 = vector.broadcast %sub3A_553 : f32 to vector<16xf32>
      %sub3A_555 = arith.subf %add3A_548, %sub3A_554 : vector<16xf32>
      %gt3A_556 = arith.cmpf ogt, %mul3A_545, %sub3A_555 : vector<16xf32>
      %add3A_557 = arith.constant 1 : i32
      %add3A_558 = vector.broadcast %add3A_557 : i32 to vector<16xi32>
      %add3A_559 = arith.addi %add3A_552, %add3A_558 : vector<16xi32>
      %select_n3A_560 = arith.select %gt3A_556, %add3A_559, %add3A_552 : vector<16xi1>, vector<16xi32>
      %max3A_561 = arith.constant 57142 : i32
      %max3A_562 = vector.broadcast %max3A_561 : i32 to vector<16xi32>
      %max3A_563 = arith.maxsi %select_n3A_560, %max3A_562 : vector<16xi32>
      %min3A_564 = arith.constant 57397 : i32
      %min3A_565 = vector.broadcast %min3A_564 : i32 to vector<16xi32>
      %min3A_566 = arith.minsi %max3A_563, %min3A_565 : vector<16xi32>
      %swap3A_567 = arith.constant 2 : i32
      %swap3A_568 = arith.index_cast %swap3A_567 : i32 to index
      %swap3A_569 = arith.index_cast %mul3A_464 : i32 to index
      %swap3A_570 = tpu.vector_load %arg4[%swap3A_568, %swap3A_569] {strides = array<i32>} : memref<7x4096xi32, #tpu.memory_space<vmem>>, vector<1x16xi32>,
      %swap3A_571 = vector.shape_cast %swap3A_570 : vector<1x16xi32> to vector<16xi32>
      %swap3A_572 = vector.shape_cast %min3A_566 : vector<16xi32> to vector<1x16xi32>
      tpu.vector_store %arg4[%swap3A_568, %swap3A_569], %swap3A_572 {strides = array<i32>} : memref<7x4096xi32, #tpu.memory_space<vmem>>, vector<1x16xi32>,
      %get3A_573 = arith.constant 3 : i32
      %get3A_574 = arith.index_cast %get3A_573 : i32 to index
      %get3A_575 = arith.index_cast %mul3A_464 : i32 to index
      %get3A_576 = tpu.vector_load %arg4[%get3A_574, %get3A_575] {strides = array<i32>} : memref<7x4096xi32, #tpu.memory_space<vmem>>, vector<1x16xi32>,
      %get3A_577 = vector.shape_cast %get3A_576 : vector<1x16xi32> to vector<16xi32>
      %bitcast_convert_type3A_578 = tpu.bitcast %get3A_577 : vector<16xi32> -> vector<16xf32>
      %mul3A_579 = arith.constant 1.280000e+02 : f32
      %mul3A_580 = vector.broadcast %mul3A_579 : f32 to vector<16xf32>
      %mul3A_581 = arith.mulf %bitcast_convert_type3A_578, %mul3A_580 : vector<16xf32>
      %add3A_582 = arith.constant 0x4B000080 : f32
      %add3A_583 = vector.broadcast %add3A_582 : f32 to vector<16xf32>
      %add3A_584 = arith.addf %mul3A_581, %add3A_583 : vector<16xf32>
      %bitcast_convert_type3A_585 = tpu.bitcast %add3A_584 : vector<16xf32> -> vector<16xi32>
      %add3A_586 = arith.constant -1258230488 : i32
      %add3A_587 = vector.broadcast %add3A_586 : i32 to vector<16xi32>
      %add3A_588 = arith.addi %bitcast_convert_type3A_585, %add3A_587 : vector<16xi32>
      %sub3A_589 = arith.constant 0x4B000080 : f32
      %sub3A_590 = vector.broadcast %sub3A_589 : f32 to vector<16xf32>
      %sub3A_591 = arith.subf %add3A_584, %sub3A_590 : vector<16xf32>
      %gt3A_592 = arith.cmpf ogt, %mul3A_581, %sub3A_591 : vector<16xf32>
      %add3A_593 = arith.constant 1 : i32
      %add3A_594 = vector.broadcast %add3A_593 : i32 to vector<16xi32>
      %add3A_595 = arith.addi %add3A_588, %add3A_594 : vector<16xi32>
      %select_n3A_596 = arith.select %gt3A_592, %add3A_595, %add3A_588 : vector<16xi1>, vector<16xi32>
      %max3A_597 = arith.constant 60713 : i32
      %max3A_598 = vector.broadcast %max3A_597 : i32 to vector<16xi32>
      %max3A_599 = arith.maxsi %select_n3A_596, %max3A_598 : vector<16xi32>
      %min3A_600 = arith.constant 60968 : i32
      %min3A_601 = vector.broadcast %min3A_600 : i32 to vector<16xi32>
      %min3A_602 = arith.minsi %max3A_599, %min3A_601 : vector<16xi32>
      %swap3A_603 = arith.constant 3 : i32
      %swap3A_604 = arith.index_cast %swap3A_603 : i32 to index
      %swap3A_605 = arith.index_cast %mul3A_464 : i32 to index
      %swap3A_606 = tpu.vector_load %arg4[%swap3A_604, %swap3A_605] {strides = array<i32>} : memref<7x4096xi32, #tpu.memory_space<vmem>>, vector<1x16xi32>,
      %swap3A_607 = vector.shape_cast %swap3A_606 : vector<1x16xi32> to vector<16xi32>
      %swap3A_608 = vector.shape_cast %min3A_602 : vector<16xi32> to vector<1x16xi32>
      tpu.vector_store %arg4[%swap3A_604, %swap3A_605], %swap3A_608 {strides = array<i32>} : memref<7x4096xi32, #tpu.memory_space<vmem>>, vector<1x16xi32>,
      %get3A_609 = arith.constant 4 : i32
      %get3A_610 = arith.index_cast %get3A_609 : i32 to index
      %get3A_611 = arith.index_cast %mul3A_464 : i32 to index
      %get3A_612 = tpu.vector_load %arg4[%get3A_610, %get3A_611] {strides = array<i32>} : memref<7x4096xi32, #tpu.memory_space<vmem>>, vector<1x16xi32>,
      %get3A_613 = vector.shape_cast %get3A_612 : vector<1x16xi32> to vector<16xi32>
      %bitcast_convert_type3A_614 = tpu.bitcast %get3A_613 : vector<16xi32> -> vector<16xf32>
      %mul3A_615 = arith.constant 1.280000e+02 : f32
      %mul3A_616 = vector.broadcast %mul3A_615 : f32 to vector<16xf32>
      %mul3A_617 = arith.mulf %bitcast_convert_type3A_614, %mul3A_616 : vector<16xf32>
      %add3A_618 = arith.constant 0x4B000080 : f32
      %add3A_619 = vector.broadcast %add3A_618 : f32 to vector<16xf32>
      %add3A_620 = arith.addf %mul3A_617, %add3A_619 : vector<16xf32>
      %bitcast_convert_type3A_621 = tpu.bitcast %add3A_620 : vector<16xf32> -> vector<16xi32>
      %add3A_622 = arith.constant -1258226917 : i32
      %add3A_623 = vector.broadcast %add3A_622 : i32 to vector<16xi32>
      %add3A_624 = arith.addi %bitcast_convert_type3A_621, %add3A_623 : vector<16xi32>
      %sub3A_625 = arith.constant 0x4B000080 : f32
      %sub3A_626 = vector.broadcast %sub3A_625 : f32 to vector<16xf32>
      %sub3A_627 = arith.subf %add3A_620, %sub3A_626 : vector<16xf32>
      %gt3A_628 = arith.cmpf ogt, %mul3A_617, %sub3A_627 : vector<16xf32>
      %add3A_629 = arith.constant 1 : i32
      %add3A_630 = vector.broadcast %add3A_629 : i32 to vector<16xi32>
      %add3A_631 = arith.addi %add3A_624, %add3A_630 : vector<16xi32>
      %select_n3A_632 = arith.select %gt3A_628, %add3A_631, %add3A_624 : vector<16xi1>, vector<16xi32>
      %max3A_633 = arith.constant 64284 : i32
      %max3A_634 = vector.broadcast %max3A_633 : i32 to vector<16xi32>
      %max3A_635 = arith.maxsi %select_n3A_632, %max3A_634 : vector<16xi32>
      %min3A_636 = arith.constant 64539 : i32
      %min3A_637 = vector.broadcast %min3A_636 : i32 to vector<16xi32>
      %min3A_638 = arith.minsi %max3A_635, %min3A_637 : vector<16xi32>
      %swap3A_639 = arith.constant 4 : i32
      %swap3A_640 = arith.index_cast %swap3A_639 : i32 to index
      %swap3A_641 = arith.index_cast %mul3A_464 : i32 to index
      %swap3A_642 = tpu.vector_load %arg4[%swap3A_640, %swap3A_641] {strides = array<i32>} : memref<7x4096xi32, #tpu.memory_space<vmem>>, vector<1x16xi32>,
      %swap3A_643 = vector.shape_cast %swap3A_642 : vector<1x16xi32> to vector<16xi32>
      %swap3A_644 = vector.shape_cast %min3A_638 : vector<16xi32> to vector<1x16xi32>
      tpu.vector_store %arg4[%swap3A_640, %swap3A_641], %swap3A_644 {strides = array<i32>} : memref<7x4096xi32, #tpu.memory_space<vmem>>, vector<1x16xi32>,
      %get3A_645 = arith.constant 5 : i32
      %get3A_646 = arith.index_cast %get3A_645 : i32 to index
      %get3A_647 = arith.index_cast %mul3A_464 : i32 to index
      %get3A_648 = tpu.vector_load %arg4[%get3A_646, %get3A_647] {strides = array<i32>} : memref<7x4096xi32, #tpu.memory_space<vmem>>, vector<1x16xi32>,
      %get3A_649 = vector.shape_cast %get3A_648 : vector<1x16xi32> to vector<16xi32>
      %bitcast_convert_type3A_650 = tpu.bitcast %get3A_649 : vector<16xi32> -> vector<16xf32>
      %mul3A_651 = arith.constant 1.280000e+02 : f32
      %mul3A_652 = vector.broadcast %mul3A_651 : f32 to vector<16xf32>
      %mul3A_653 = arith.mulf %bitcast_convert_type3A_650, %mul3A_652 : vector<16xf32>
      %add3A_654 = arith.constant 0x4B000080 : f32
      %add3A_655 = vector.broadcast %add3A_654 : f32 to vector<16xf32>
      %add3A_656 = arith.addf %mul3A_653, %add3A_655 : vector<16xf32>
      %bitcast_convert_type3A_657 = tpu.bitcast %add3A_656 : vector<16xf32> -> vector<16xi32>
      %add3A_658 = arith.constant -1258223346 : i32
      %add3A_659 = vector.broadcast %add3A_658 : i32 to vector<16xi32>
      %add3A_660 = arith.addi %bitcast_convert_type3A_657, %add3A_659 : vector<16xi32>
      %sub3A_661 = arith.constant 0x4B000080 : f32
      %sub3A_662 = vector.broadcast %sub3A_661 : f32 to vector<16xf32>
      %sub3A_663 = arith.subf %add3A_656, %sub3A_662 : vector<16xf32>
      %gt3A_664 = arith.cmpf ogt, %mul3A_653, %sub3A_663 : vector<16xf32>
      %add3A_665 = arith.constant 1 : i32
      %add3A_666 = vector.broadcast %add3A_665 : i32 to vector<16xi32>
      %add3A_667 = arith.addi %add3A_660, %add3A_666 : vector<16xi32>
      %select_n3A_668 = arith.select %gt3A_664, %add3A_667, %add3A_660 : vector<16xi1>, vector<16xi32>
      %max3A_669 = arith.constant 67855 : i32
      %max3A_670 = vector.broadcast %max3A_669 : i32 to vector<16xi32>
      %max3A_671 = arith.maxsi %select_n3A_668, %max3A_670 : vector<16xi32>
      %min3A_672 = arith.constant 68110 : i32
      %min3A_673 = vector.broadcast %min3A_672 : i32 to vector<16xi32>
      %min3A_674 = arith.minsi %max3A_671, %min3A_673 : vector<16xi32>
      %swap3A_675 = arith.constant 5 : i32
      %swap3A_676 = arith.index_cast %swap3A_675 : i32 to index
      %swap3A_677 = arith.index_cast %mul3A_464 : i32 to index
      %swap3A_678 = tpu.vector_load %arg4[%swap3A_676, %swap3A_677] {strides = array<i32>} : memref<7x4096xi32, #tpu.memory_space<vmem>>, vector<1x16xi32>,
      %swap3A_679 = vector.shape_cast %swap3A_678 : vector<1x16xi32> to vector<16xi32>
      %swap3A_680 = vector.shape_cast %min3A_674 : vector<16xi32> to vector<1x16xi32>
      tpu.vector_store %arg4[%swap3A_676, %swap3A_677], %swap3A_680 {strides = array<i32>} : memref<7x4096xi32, #tpu.memory_space<vmem>>, vector<1x16xi32>,
      %get3A_681 = arith.constant 6 : i32
      %get3A_682 = arith.index_cast %get3A_681 : i32 to index
      %get3A_683 = arith.index_cast %mul3A_464 : i32 to index
      %get3A_684 = tpu.vector_load %arg4[%get3A_682, %get3A_683] {strides = array<i32>} : memref<7x4096xi32, #tpu.memory_space<vmem>>, vector<1x16xi32>,
      %get3A_685 = vector.shape_cast %get3A_684 : vector<1x16xi32> to vector<16xi32>
      %bitcast_convert_type3A_686 = tpu.bitcast %get3A_685 : vector<16xi32> -> vector<16xf32>
      %mul3A_687 = arith.constant 1.280000e+02 : f32
      %mul3A_688 = vector.broadcast %mul3A_687 : f32 to vector<16xf32>
      %mul3A_689 = arith.mulf %bitcast_convert_type3A_686, %mul3A_688 : vector<16xf32>
      %add3A_690 = arith.constant 0x4B000080 : f32
      %add3A_691 = vector.broadcast %add3A_690 : f32 to vector<16xf32>
      %add3A_692 = arith.addf %mul3A_689, %add3A_691 : vector<16xf32>
      %bitcast_convert_type3A_693 = tpu.bitcast %add3A_692 : vector<16xf32> -> vector<16xi32>
      %add3A_694 = arith.constant -1258219775 : i32
      %add3A_695 = vector.broadcast %add3A_694 : i32 to vector<16xi32>
      %add3A_696 = arith.addi %bitcast_convert_type3A_693, %add3A_695 : vector<16xi32>
      %sub3A_697 = arith.constant 0x4B000080 : f32
      %sub3A_698 = vector.broadcast %sub3A_697 : f32 to vector<16xf32>
      %sub3A_699 = arith.subf %add3A_692, %sub3A_698 : vector<16xf32>
      %gt3A_700 = arith.cmpf ogt, %mul3A_689, %sub3A_699 : vector<16xf32>
      %add3A_701 = arith.constant 1 : i32
      %add3A_702 = vector.broadcast %add3A_701 : i32 to vector<16xi32>
      %add3A_703 = arith.addi %add3A_696, %add3A_702 : vector<16xi32>
      %select_n3A_704 = arith.select %gt3A_700, %add3A_703, %add3A_696 : vector<16xi1>, vector<16xi32>
      %max3A_705 = arith.constant 71426 : i32
      %max3A_706 = vector.broadcast %max3A_705 : i32 to vector<16xi32>
      %max3A_707 = arith.maxsi %select_n3A_704, %max3A_706 : vector<16xi32>
      %min3A_708 = arith.constant 71681 : i32
      %min3A_709 = vector.broadcast %min3A_708 : i32 to vector<16xi32>
      %min3A_710 = arith.minsi %max3A_707, %min3A_709 : vector<16xi32>
      %swap3A_711 = arith.constant 6 : i32
      %swap3A_712 = arith.index_cast %swap3A_711 : i32 to index
      %swap3A_713 = arith.index_cast %mul3A_464 : i32 to index
      %swap3A_714 = tpu.vector_load %arg4[%swap3A_712, %swap3A_713] {strides = array<i32>} : memref<7x4096xi32, #tpu.memory_space<vmem>>, vector<1x16xi32>,
      %swap3A_715 = vector.shape_cast %swap3A_714 : vector<1x16xi32> to vector<16xi32>
      %swap3A_716 = vector.shape_cast %min3A_710 : vector<16xi32> to vector<1x16xi32>
      tpu.vector_store %arg4[%swap3A_712, %swap3A_713], %swap3A_716 {strides = array<i32>} : memref<7x4096xi32, #tpu.memory_space<vmem>>, vector<1x16xi32>,
    }
    %scan3A_21 = arith.constant 128 : i32
    %add3A_22 = arith.constant 0 : i32
    %add3A_23 = arith.addi %mul3A_2, %add3A_22 : i32
    %dma_start3A_24 = arith.constant 0 : i32
    %dma_start3A_25 = tpu.memref_slice %arg3[%dma_start3A_24, %add3A_23] : memref<7x1048576xi32, #tpu.memory_space<hbm>> -> memref<7x4096xi32, #tpu.memory_space<hbm>>
    %dma_start3A_26 = arith.constant 0 : i32
    %dma_start3A_27 = tpu.memref_slice %arg3[%dma_start3A_26, %add3A_23] : memref<7x1048576xi32, #tpu.memory_space<hbm>> -> memref<7x4096xi32, #tpu.memory_space<hbm>>
    tpu.enqueue_dma source(%arg4 : memref<7x4096xi32, #tpu.memory_space<vmem>>) target(%dma_start3A_27 : memref<7x4096xi32, #tpu.memory_space<hbm>>) target_semaphore(%arg8 : memref<!tpu.dma_semaphore, #tpu.memory_space<semaphore_mem>>)
    %dma_wait3A_28 = arith.constant 0 : i32
    %dma_wait3A_29 = tpu.memref_slice %arg2[%dma_wait3A_28, %add3A_12] : memref<7x1048576xi32, #tpu.memory_space<hbm>> -> memref<7x4096xi32, #tpu.memory_space<hbm>>
    %dma_wait3A_30 = arith.constant 0 : i32
    %dma_wait3A_31 = tpu.memref_slice %arg2[%dma_wait3A_30, %add3A_12] : memref<7x1048576xi32, #tpu.memory_space<hbm>> -> memref<7x4096xi32, #tpu.memory_space<hbm>>
    tpu.wait_dma2 semaphore(%arg7 : memref<!tpu.dma_semaphore, #tpu.memory_space<semaphore_mem>>) src(%dma_wait3A_31 : memref<7x4096xi32, #tpu.memory_space<hbm>>) dst(%arg5 : memref<7x4096xi32, #tpu.memory_space<vmem>>)
    %add3A_32 = arith.constant 8192 : i32
    %add3A_33 = arith.addi %mul3A_2, %add3A_32 : i32
    %dma_start3A_34 = arith.constant 0 : i32
    %dma_start3A_35 = tpu.memref_slice %arg2[%dma_start3A_34, %add3A_33] : memref<7x1048576xi32, #tpu.memory_space<hbm>> -> memref<7x4096xi32, #tpu.memory_space<hbm>>
    %dma_start3A_36 = arith.constant 0 : i32
    %dma_start3A_37 = tpu.memref_slice %arg2[%dma_start3A_36, %add3A_33] : memref<7x1048576xi32, #tpu.memory_space<hbm>> -> memref<7x4096xi32, #tpu.memory_space<hbm>>
    tpu.enqueue_dma source(%dma_start3A_37 : memref<7x4096xi32, #tpu.memory_space<hbm>>) target(%arg4 : memref<7x4096xi32, #tpu.memory_space<vmem>>) target_semaphore(%arg6 : memref<!tpu.dma_semaphore, #tpu.memory_space<semaphore_mem>>)
    %scan3A_38 = arith.constant 0 : i32
    %scan3A_39 = arith.constant 0 : i32
    %scan3A_40 = arith.constant 128 : i32
    %scan3A_41 = arith.addi %scan3A_39, %scan3A_40 : i32
    %scan3A_42 = arith.constant 1 : i32
    scf.for %scan3A_208 = %scan3A_39 to %scan3A_41 step %scan3A_42  : i32 {
      %mul3A_209 = arith.constant 2 : i32
      %mul3A_210 = arith.muli %scan3A_208, %mul3A_209 : i32
      %add3A_211 = arith.constant 0 : i32
      %add3A_212 = arith.addi %mul3A_210, %add3A_211 : i32
      %mul3A_213 = arith.constant 16 : i32
      %mul3A_214 = arith.muli %add3A_212, %mul3A_213 : i32
      %get3A = arith.constant 0 : i32
      %get3A_215 = arith.index_cast %get3A : i32 to index
      %get3A_216 = arith.index_cast %mul3A_214 : i32 to index
      %get3A_217 = tpu.vector_load %arg5[%get3A_215, %get3A_216] {strides = array<i32>} : memref<7x4096xi32, #tpu.memory_space<vmem>>, vector<1x16xi32>,
      %get3A_218 = vector.shape_cast %get3A_217 : vector<1x16xi32> to vector<16xi32>
      %bitcast_convert_type3A = tpu.bitcast %get3A_218 : vector<16xi32> -> vector<16xf32>
      %mul3A_219 = arith.constant 1.280000e+02 : f32
      %mul3A_220 = vector.broadcast %mul3A_219 : f32 to vector<16xf32>
      %mul3A_221 = arith.mulf %bitcast_convert_type3A, %mul3A_220 : vector<16xf32>
      %add3A_222 = arith.constant 0x4B000080 : f32
      %add3A_223 = vector.broadcast %add3A_222 : f32 to vector<16xf32>
      %add3A_224 = arith.addf %mul3A_221, %add3A_223 : vector<16xf32>
      %bitcast_convert_type3A_225 = tpu.bitcast %add3A_224 : vector<16xf32> -> vector<16xi32>
      %add3A_226 = arith.constant -1258241201 : i32
      %add3A_227 = vector.broadcast %add3A_226 : i32 to vector<16xi32>
      %add3A_228 = arith.addi %bitcast_convert_type3A_225, %add3A_227 : vector<16xi32>
      %sub3A = arith.constant 0x4B000080 : f32
      %sub3A_229 = vector.broadcast %sub3A : f32 to vector<16xf32>
      %sub3A_230 = arith.subf %add3A_224, %sub3A_229 : vector<16xf32>
      %gt3A = arith.cmpf ogt, %mul3A_221, %sub3A_230 : vector<16xf32>
      %add3A_231 = arith.constant 1 : i32
      %add3A_232 = vector.broadcast %add3A_231 : i32 to vector<16xi32>
      %add3A_233 = arith.addi %add3A_228, %add3A_232 : vector<16xi32>
      %select_n3A = arith.select %gt3A, %add3A_233, %add3A_228 : vector<16xi1>, vector<16xi32>
      %max3A = arith.constant 50000 : i32
      %max3A_234 = vector.broadcast %max3A : i32 to vector<16xi32>
      %max3A_235 = arith.maxsi %select_n3A, %max3A_234 : vector<16xi32>
      %min3A = arith.constant 50255 : i32
      %min3A_236 = vector.broadcast %min3A : i32 to vector<16xi32>
      %min3A_237 = arith.minsi %max3A_235, %min3A_236 : vector<16xi32>
      %swap3A = arith.constant 0 : i32
      %swap3A_238 = arith.index_cast %swap3A : i32 to index
      %swap3A_239 = arith.index_cast %mul3A_214 : i32 to index
      %swap3A_240 = tpu.vector_load %arg5[%swap3A_238, %swap3A_239] {strides = array<i32>} : memref<7x4096xi32, #tpu.memory_space<vmem>>, vector<1x16xi32>,
      %swap3A_241 = vector.shape_cast %swap3A_240 : vector<1x16xi32> to vector<16xi32>
      %swap3A_242 = vector.shape_cast %min3A_237 : vector<16xi32> to vector<1x16xi32>
      tpu.vector_store %arg5[%swap3A_238, %swap3A_239], %swap3A_242 {strides = array<i32>} : memref<7x4096xi32, #tpu.memory_space<vmem>>, vector<1x16xi32>,
      %get3A_243 = arith.constant 1 : i32
      %get3A_244 = arith.index_cast %get3A_243 : i32 to index
      %get3A_245 = arith.index_cast %mul3A_214 : i32 to index
      %get3A_246 = tpu.vector_load %arg5[%get3A_244, %get3A_245] {strides = array<i32>} : memref<7x4096xi32, #tpu.memory_space<vmem>>, vector<1x16xi32>,
      %get3A_247 = vector.shape_cast %get3A_246 : vector<1x16xi32> to vector<16xi32>
      %bitcast_convert_type3A_248 = tpu.bitcast %get3A_247 : vector<16xi32> -> vector<16xf32>
      %mul3A_249 = arith.constant 1.280000e+02 : f32
      %mul3A_250 = vector.broadcast %mul3A_249 : f32 to vector<16xf32>
      %mul3A_251 = arith.mulf %bitcast_convert_type3A_248, %mul3A_250 : vector<16xf32>
      %add3A_252 = arith.constant 0x4B000080 : f32
      %add3A_253 = vector.broadcast %add3A_252 : f32 to vector<16xf32>
      %add3A_254 = arith.addf %mul3A_251, %add3A_253 : vector<16xf32>
      %bitcast_convert_type3A_255 = tpu.bitcast %add3A_254 : vector<16xf32> -> vector<16xi32>
      %add3A_256 = arith.constant -1258237630 : i32
      %add3A_257 = vector.broadcast %add3A_256 : i32 to vector<16xi32>
      %add3A_258 = arith.addi %bitcast_convert_type3A_255, %add3A_257 : vector<16xi32>
      %sub3A_259 = arith.constant 0x4B000080 : f32
      %sub3A_260 = vector.broadcast %sub3A_259 : f32 to vector<16xf32>
      %sub3A_261 = arith.subf %add3A_254, %sub3A_260 : vector<16xf32>
      %gt3A_262 = arith.cmpf ogt, %mul3A_251, %sub3A_261 : vector<16xf32>
      %add3A_263 = arith.constant 1 : i32
      %add3A_264 = vector.broadcast %add3A_263 : i32 to vector<16xi32>
      %add3A_265 = arith.addi %add3A_258, %add3A_264 : vector<16xi32>
      %select_n3A_266 = arith.select %gt3A_262, %add3A_265, %add3A_258 : vector<16xi1>, vector<16xi32>
      %max3A_267 = arith.constant 53571 : i32
      %max3A_268 = vector.broadcast %max3A_267 : i32 to vector<16xi32>
      %max3A_269 = arith.maxsi %select_n3A_266, %max3A_268 : vector<16xi32>
      %min3A_270 = arith.constant 53826 : i32
      %min3A_271 = vector.broadcast %min3A_270 : i32 to vector<16xi32>
      %min3A_272 = arith.minsi %max3A_269, %min3A_271 : vector<16xi32>
      %swap3A_273 = arith.constant 1 : i32
      %swap3A_274 = arith.index_cast %swap3A_273 : i32 to index
      %swap3A_275 = arith.index_cast %mul3A_214 : i32 to index
      %swap3A_276 = tpu.vector_load %arg5[%swap3A_274, %swap3A_275] {strides = array<i32>} : memref<7x4096xi32, #tpu.memory_space<vmem>>, vector<1x16xi32>,
      %swap3A_277 = vector.shape_cast %swap3A_276 : vector<1x16xi32> to vector<16xi32>
      %swap3A_278 = vector.shape_cast %min3A_272 : vector<16xi32> to vector<1x16xi32>
      tpu.vector_store %arg5[%swap3A_274, %swap3A_275], %swap3A_278 {strides = array<i32>} : memref<7x4096xi32, #tpu.memory_space<vmem>>, vector<1x16xi32>,
      %get3A_279 = arith.constant 2 : i32
      %get3A_280 = arith.index_cast %get3A_279 : i32 to index
      %get3A_281 = arith.index_cast %mul3A_214 : i32 to index
      %get3A_282 = tpu.vector_load %arg5[%get3A_280, %get3A_281] {strides = array<i32>} : memref<7x4096xi32, #tpu.memory_space<vmem>>, vector<1x16xi32>,
      %get3A_283 = vector.shape_cast %get3A_282 : vector<1x16xi32> to vector<16xi32>
      %bitcast_convert_type3A_284 = tpu.bitcast %get3A_283 : vector<16xi32> -> vector<16xf32>
      %mul3A_285 = arith.constant 1.280000e+02 : f32
      %mul3A_286 = vector.broadcast %mul3A_285 : f32 to vector<16xf32>
      %mul3A_287 = arith.mulf %bitcast_convert_type3A_284, %mul3A_286 : vector<16xf32>
      %add3A_288 = arith.constant 0x4B000080 : f32
      %add3A_289 = vector.broadcast %add3A_288 : f32 to vector<16xf32>
      %add3A_290 = arith.addf %mul3A_287, %add3A_289 : vector<16xf32>
      %bitcast_convert_type3A_291 = tpu.bitcast %add3A_290 : vector<16xf32> -> vector<16xi32>
      %add3A_292 = arith.constant -1258234059 : i32
      %add3A_293 = vector.broadcast %add3A_292 : i32 to vector<16xi32>
      %add3A_294 = arith.addi %bitcast_convert_type3A_291, %add3A_293 : vector<16xi32>
      %sub3A_295 = arith.constant 0x4B000080 : f32
      %sub3A_296 = vector.broadcast %sub3A_295 : f32 to vector<16xf32>
      %sub3A_297 = arith.subf %add3A_290, %sub3A_296 : vector<16xf32>
      %gt3A_298 = arith.cmpf ogt, %mul3A_287, %sub3A_297 : vector<16xf32>
      %add3A_299 = arith.constant 1 : i32
      %add3A_300 = vector.broadcast %add3A_299 : i32 to vector<16xi32>
      %add3A_301 = arith.addi %add3A_294, %add3A_300 : vector<16xi32>
      %select_n3A_302 = arith.select %gt3A_298, %add3A_301, %add3A_294 : vector<16xi1>, vector<16xi32>
      %max3A_303 = arith.constant 57142 : i32
      %max3A_304 = vector.broadcast %max3A_303 : i32 to vector<16xi32>
      %max3A_305 = arith.maxsi %select_n3A_302, %max3A_304 : vector<16xi32>
      %min3A_306 = arith.constant 57397 : i32
      %min3A_307 = vector.broadcast %min3A_306 : i32 to vector<16xi32>
      %min3A_308 = arith.minsi %max3A_305, %min3A_307 : vector<16xi32>
      %swap3A_309 = arith.constant 2 : i32
      %swap3A_310 = arith.index_cast %swap3A_309 : i32 to index
      %swap3A_311 = arith.index_cast %mul3A_214 : i32 to index
      %swap3A_312 = tpu.vector_load %arg5[%swap3A_310, %swap3A_311] {strides = array<i32>} : memref<7x4096xi32, #tpu.memory_space<vmem>>, vector<1x16xi32>,
      %swap3A_313 = vector.shape_cast %swap3A_312 : vector<1x16xi32> to vector<16xi32>
      %swap3A_314 = vector.shape_cast %min3A_308 : vector<16xi32> to vector<1x16xi32>
      tpu.vector_store %arg5[%swap3A_310, %swap3A_311], %swap3A_314 {strides = array<i32>} : memref<7x4096xi32, #tpu.memory_space<vmem>>, vector<1x16xi32>,
      %get3A_315 = arith.constant 3 : i32
      %get3A_316 = arith.index_cast %get3A_315 : i32 to index
      %get3A_317 = arith.index_cast %mul3A_214 : i32 to index
      %get3A_318 = tpu.vector_load %arg5[%get3A_316, %get3A_317] {strides = array<i32>} : memref<7x4096xi32, #tpu.memory_space<vmem>>, vector<1x16xi32>,
      %get3A_319 = vector.shape_cast %get3A_318 : vector<1x16xi32> to vector<16xi32>
      %bitcast_convert_type3A_320 = tpu.bitcast %get3A_319 : vector<16xi32> -> vector<16xf32>
      %mul3A_321 = arith.constant 1.280000e+02 : f32
      %mul3A_322 = vector.broadcast %mul3A_321 : f32 to vector<16xf32>
      %mul3A_323 = arith.mulf %bitcast_convert_type3A_320, %mul3A_322 : vector<16xf32>
      %add3A_324 = arith.constant 0x4B000080 : f32
      %add3A_325 = vector.broadcast %add3A_324 : f32 to vector<16xf32>
      %add3A_326 = arith.addf %mul3A_323, %add3A_325 : vector<16xf32>
      %bitcast_convert_type3A_327 = tpu.bitcast %add3A_326 : vector<16xf32> -> vector<16xi32>
      %add3A_328 = arith.constant -1258230488 : i32
      %add3A_329 = vector.broadcast %add3A_328 : i32 to vector<16xi32>
      %add3A_330 = arith.addi %bitcast_convert_type3A_327, %add3A_329 : vector<16xi32>
      %sub3A_331 = arith.constant 0x4B000080 : f32
      %sub3A_332 = vector.broadcast %sub3A_331 : f32 to vector<16xf32>
      %sub3A_333 = arith.subf %add3A_326, %sub3A_332 : vector<16xf32>
      %gt3A_334 = arith.cmpf ogt, %mul3A_323, %sub3A_333 : vector<16xf32>
      %add3A_335 = arith.constant 1 : i32
      %add3A_336 = vector.broadcast %add3A_335 : i32 to vector<16xi32>
      %add3A_337 = arith.addi %add3A_330, %add3A_336 : vector<16xi32>
      %select_n3A_338 = arith.select %gt3A_334, %add3A_337, %add3A_330 : vector<16xi1>, vector<16xi32>
      %max3A_339 = arith.constant 60713 : i32
      %max3A_340 = vector.broadcast %max3A_339 : i32 to vector<16xi32>
      %max3A_341 = arith.maxsi %select_n3A_338, %max3A_340 : vector<16xi32>
      %min3A_342 = arith.constant 60968 : i32
      %min3A_343 = vector.broadcast %min3A_342 : i32 to vector<16xi32>
      %min3A_344 = arith.minsi %max3A_341, %min3A_343 : vector<16xi32>
      %swap3A_345 = arith.constant 3 : i32
      %swap3A_346 = arith.index_cast %swap3A_345 : i32 to index
      %swap3A_347 = arith.index_cast %mul3A_214 : i32 to index
      %swap3A_348 = tpu.vector_load %arg5[%swap3A_346, %swap3A_347] {strides = array<i32>} : memref<7x4096xi32, #tpu.memory_space<vmem>>, vector<1x16xi32>,
      %swap3A_349 = vector.shape_cast %swap3A_348 : vector<1x16xi32> to vector<16xi32>
      %swap3A_350 = vector.shape_cast %min3A_344 : vector<16xi32> to vector<1x16xi32>
      tpu.vector_store %arg5[%swap3A_346, %swap3A_347], %swap3A_350 {strides = array<i32>} : memref<7x4096xi32, #tpu.memory_space<vmem>>, vector<1x16xi32>,
      %get3A_351 = arith.constant 4 : i32
      %get3A_352 = arith.index_cast %get3A_351 : i32 to index
      %get3A_353 = arith.index_cast %mul3A_214 : i32 to index
      %get3A_354 = tpu.vector_load %arg5[%get3A_352, %get3A_353] {strides = array<i32>} : memref<7x4096xi32, #tpu.memory_space<vmem>>, vector<1x16xi32>,
      %get3A_355 = vector.shape_cast %get3A_354 : vector<1x16xi32> to vector<16xi32>
      %bitcast_convert_type3A_356 = tpu.bitcast %get3A_355 : vector<16xi32> -> vector<16xf32>
      %mul3A_357 = arith.constant 1.280000e+02 : f32
      %mul3A_358 = vector.broadcast %mul3A_357 : f32 to vector<16xf32>
      %mul3A_359 = arith.mulf %bitcast_convert_type3A_356, %mul3A_358 : vector<16xf32>
      %add3A_360 = arith.constant 0x4B000080 : f32
      %add3A_361 = vector.broadcast %add3A_360 : f32 to vector<16xf32>
      %add3A_362 = arith.addf %mul3A_359, %add3A_361 : vector<16xf32>
      %bitcast_convert_type3A_363 = tpu.bitcast %add3A_362 : vector<16xf32> -> vector<16xi32>
      %add3A_364 = arith.constant -1258226917 : i32
      %add3A_365 = vector.broadcast %add3A_364 : i32 to vector<16xi32>
      %add3A_366 = arith.addi %bitcast_convert_type3A_363, %add3A_365 : vector<16xi32>
      %sub3A_367 = arith.constant 0x4B000080 : f32
      %sub3A_368 = vector.broadcast %sub3A_367 : f32 to vector<16xf32>
      %sub3A_369 = arith.subf %add3A_362, %sub3A_368 : vector<16xf32>
      %gt3A_370 = arith.cmpf ogt, %mul3A_359, %sub3A_369 : vector<16xf32>
      %add3A_371 = arith.constant 1 : i32
      %add3A_372 = vector.broadcast %add3A_371 : i32 to vector<16xi32>
      %add3A_373 = arith.addi %add3A_366, %add3A_372 : vector<16xi32>
      %select_n3A_374 = arith.select %gt3A_370, %add3A_373, %add3A_366 : vector<16xi1>, vector<16xi32>
      %max3A_375 = arith.constant 64284 : i32
      %max3A_376 = vector.broadcast %max3A_375 : i32 to vector<16xi32>
      %max3A_377 = arith.maxsi %select_n3A_374, %max3A_376 : vector<16xi32>
      %min3A_378 = arith.constant 64539 : i32
      %min3A_379 = vector.broadcast %min3A_378 : i32 to vector<16xi32>
      %min3A_380 = arith.minsi %max3A_377, %min3A_379 : vector<16xi32>
      %swap3A_381 = arith.constant 4 : i32
      %swap3A_382 = arith.index_cast %swap3A_381 : i32 to index
      %swap3A_383 = arith.index_cast %mul3A_214 : i32 to index
      %swap3A_384 = tpu.vector_load %arg5[%swap3A_382, %swap3A_383] {strides = array<i32>} : memref<7x4096xi32, #tpu.memory_space<vmem>>, vector<1x16xi32>,
      %swap3A_385 = vector.shape_cast %swap3A_384 : vector<1x16xi32> to vector<16xi32>
      %swap3A_386 = vector.shape_cast %min3A_380 : vector<16xi32> to vector<1x16xi32>
      tpu.vector_store %arg5[%swap3A_382, %swap3A_383], %swap3A_386 {strides = array<i32>} : memref<7x4096xi32, #tpu.memory_space<vmem>>, vector<1x16xi32>,
      %get3A_387 = arith.constant 5 : i32
      %get3A_388 = arith.index_cast %get3A_387 : i32 to index
      %get3A_389 = arith.index_cast %mul3A_214 : i32 to index
      %get3A_390 = tpu.vector_load %arg5[%get3A_388, %get3A_389] {strides = array<i32>} : memref<7x4096xi32, #tpu.memory_space<vmem>>, vector<1x16xi32>,
      %get3A_391 = vector.shape_cast %get3A_390 : vector<1x16xi32> to vector<16xi32>
      %bitcast_convert_type3A_392 = tpu.bitcast %get3A_391 : vector<16xi32> -> vector<16xf32>
      %mul3A_393 = arith.constant 1.280000e+02 : f32
      %mul3A_394 = vector.broadcast %mul3A_393 : f32 to vector<16xf32>
      %mul3A_395 = arith.mulf %bitcast_convert_type3A_392, %mul3A_394 : vector<16xf32>
      %add3A_396 = arith.constant 0x4B000080 : f32
      %add3A_397 = vector.broadcast %add3A_396 : f32 to vector<16xf32>
      %add3A_398 = arith.addf %mul3A_395, %add3A_397 : vector<16xf32>
      %bitcast_convert_type3A_399 = tpu.bitcast %add3A_398 : vector<16xf32> -> vector<16xi32>
      %add3A_400 = arith.constant -1258223346 : i32
      %add3A_401 = vector.broadcast %add3A_400 : i32 to vector<16xi32>
      %add3A_402 = arith.addi %bitcast_convert_type3A_399, %add3A_401 : vector<16xi32>
      %sub3A_403 = arith.constant 0x4B000080 : f32
      %sub3A_404 = vector.broadcast %sub3A_403 : f32 to vector<16xf32>
      %sub3A_405 = arith.subf %add3A_398, %sub3A_404 : vector<16xf32>
      %gt3A_406 = arith.cmpf ogt, %mul3A_395, %sub3A_405 : vector<16xf32>
      %add3A_407 = arith.constant 1 : i32
      %add3A_408 = vector.broadcast %add3A_407 : i32 to vector<16xi32>
      %add3A_409 = arith.addi %add3A_402, %add3A_408 : vector<16xi32>
      %select_n3A_410 = arith.select %gt3A_406, %add3A_409, %add3A_402 : vector<16xi1>, vector<16xi32>
      %max3A_411 = arith.constant 67855 : i32
      %max3A_412 = vector.broadcast %max3A_411 : i32 to vector<16xi32>
      %max3A_413 = arith.maxsi %select_n3A_410, %max3A_412 : vector<16xi32>
      %min3A_414 = arith.constant 68110 : i32
      %min3A_415 = vector.broadcast %min3A_414 : i32 to vector<16xi32>
      %min3A_416 = arith.minsi %max3A_413, %min3A_415 : vector<16xi32>
      %swap3A_417 = arith.constant 5 : i32
      %swap3A_418 = arith.index_cast %swap3A_417 : i32 to index
      %swap3A_419 = arith.index_cast %mul3A_214 : i32 to index
      %swap3A_420 = tpu.vector_load %arg5[%swap3A_418, %swap3A_419] {strides = array<i32>} : memref<7x4096xi32, #tpu.memory_space<vmem>>, vector<1x16xi32>,
      %swap3A_421 = vector.shape_cast %swap3A_420 : vector<1x16xi32> to vector<16xi32>
      %swap3A_422 = vector.shape_cast %min3A_416 : vector<16xi32> to vector<1x16xi32>
      tpu.vector_store %arg5[%swap3A_418, %swap3A_419], %swap3A_422 {strides = array<i32>} : memref<7x4096xi32, #tpu.memory_space<vmem>>, vector<1x16xi32>,
      %get3A_423 = arith.constant 6 : i32
      %get3A_424 = arith.index_cast %get3A_423 : i32 to index
      %get3A_425 = arith.index_cast %mul3A_214 : i32 to index
      %get3A_426 = tpu.vector_load %arg5[%get3A_424, %get3A_425] {strides = array<i32>} : memref<7x4096xi32, #tpu.memory_space<vmem>>, vector<1x16xi32>,
      %get3A_427 = vector.shape_cast %get3A_426 : vector<1x16xi32> to vector<16xi32>
      %bitcast_convert_type3A_428 = tpu.bitcast %get3A_427 : vector<16xi32> -> vector<16xf32>
      %mul3A_429 = arith.constant 1.280000e+02 : f32
      %mul3A_430 = vector.broadcast %mul3A_429 : f32 to vector<16xf32>
      %mul3A_431 = arith.mulf %bitcast_convert_type3A_428, %mul3A_430 : vector<16xf32>
      %add3A_432 = arith.constant 0x4B000080 : f32
      %add3A_433 = vector.broadcast %add3A_432 : f32 to vector<16xf32>
      %add3A_434 = arith.addf %mul3A_431, %add3A_433 : vector<16xf32>
      %bitcast_convert_type3A_435 = tpu.bitcast %add3A_434 : vector<16xf32> -> vector<16xi32>
      %add3A_436 = arith.constant -1258219775 : i32
      %add3A_437 = vector.broadcast %add3A_436 : i32 to vector<16xi32>
      %add3A_438 = arith.addi %bitcast_convert_type3A_435, %add3A_437 : vector<16xi32>
      %sub3A_439 = arith.constant 0x4B000080 : f32
      %sub3A_440 = vector.broadcast %sub3A_439 : f32 to vector<16xf32>
      %sub3A_441 = arith.subf %add3A_434, %sub3A_440 : vector<16xf32>
      %gt3A_442 = arith.cmpf ogt, %mul3A_431, %sub3A_441 : vector<16xf32>
      %add3A_443 = arith.constant 1 : i32
      %add3A_444 = vector.broadcast %add3A_443 : i32 to vector<16xi32>
      %add3A_445 = arith.addi %add3A_438, %add3A_444 : vector<16xi32>
      %select_n3A_446 = arith.select %gt3A_442, %add3A_445, %add3A_438 : vector<16xi1>, vector<16xi32>
      %max3A_447 = arith.constant 71426 : i32
      %max3A_448 = vector.broadcast %max3A_447 : i32 to vector<16xi32>
      %max3A_449 = arith.maxsi %select_n3A_446, %max3A_448 : vector<16xi32>
      %min3A_450 = arith.constant 71681 : i32
      %min3A_451 = vector.broadcast %min3A_450 : i32 to vector<16xi32>
      %min3A_452 = arith.minsi %max3A_449, %min3A_451 : vector<16xi32>
      %swap3A_453 = arith.constant 6 : i32
      %swap3A_454 = arith.index_cast %swap3A_453 : i32 to index
      %swap3A_455 = arith.index_cast %mul3A_214 : i32 to index
      %swap3A_456 = tpu.vector_load %arg5[%swap3A_454, %swap3A_455] {strides = array<i32>} : memref<7x4096xi32, #tpu.memory_space<vmem>>, vector<1x16xi32>,
      %swap3A_457 = vector.shape_cast %swap3A_456 : vector<1x16xi32> to vector<16xi32>
      %swap3A_458 = vector.shape_cast %min3A_452 : vector<16xi32> to vector<1x16xi32>
      tpu.vector_store %arg5[%swap3A_454, %swap3A_455], %swap3A_458 {strides = array<i32>} : memref<7x4096xi32, #tpu.memory_space<vmem>>, vector<1x16xi32>,
      %mul3A_459 = arith.constant 2 : i32
      %mul3A_460 = arith.muli %scan3A_208, %mul3A_459 : i32
      %add3A_461 = arith.constant 1 : i32
      %add3A_462 = arith.addi %mul3A_460, %add3A_461 : i32
      %mul3A_463 = arith.constant 16 : i32
      %mul3A_464 = arith.muli %add3A_462, %mul3A_463 : i32
      %get3A_465 = arith.constant 0 : i32
      %get3A_466 = arith.index_cast %get3A_465 : i32 to index
      %get3A_467 = arith.index_cast %mul3A_464 : i32 to index
      %get3A_468 = tpu.vector_load %arg5[%get3A_466, %get3A_467] {strides = array<i32>} : memref<7x4096xi32, #tpu.memory_space<vmem>>, vector<1x16xi32>,
      %get3A_469 = vector.shape_cast %get3A_468 : vector<1x16xi32> to vector<16xi32>
      %bitcast_convert_type3A_470 = tpu.bitcast %get3A_469 : vector<16xi32> -> vector<16xf32>
      %mul3A_471 = arith.constant 1.280000e+02 : f32
      %mul3A_472 = vector.broadcast %mul3A_471 : f32 to vector<16xf32>
      %mul3A_473 = arith.mulf %bitcast_convert_type3A_470, %mul3A_472 : vector<16xf32>
      %add3A_474 = arith.constant 0x4B000080 : f32
      %add3A_475 = vector.broadcast %add3A_474 : f32 to vector<16xf32>
      %add3A_476 = arith.addf %mul3A_473, %add3A_475 : vector<16xf32>
      %bitcast_convert_type3A_477 = tpu.bitcast %add3A_476 : vector<16xf32> -> vector<16xi32>
      %add3A_478 = arith.constant -1258241201 : i32
      %add3A_479 = vector.broadcast %add3A_478 : i32 to vector<16xi32>
      %add3A_480 = arith.addi %bitcast_convert_type3A_477, %add3A_479 : vector<16xi32>
      %sub3A_481 = arith.constant 0x4B000080 : f32
      %sub3A_482 = vector.broadcast %sub3A_481 : f32 to vector<16xf32>
      %sub3A_483 = arith.subf %add3A_476, %sub3A_482 : vector<16xf32>
      %gt3A_484 = arith.cmpf ogt, %mul3A_473, %sub3A_483 : vector<16xf32>
      %add3A_485 = arith.constant 1 : i32
      %add3A_486 = vector.broadcast %add3A_485 : i32 to vector<16xi32>
      %add3A_487 = arith.addi %add3A_480, %add3A_486 : vector<16xi32>
      %select_n3A_488 = arith.select %gt3A_484, %add3A_487, %add3A_480 : vector<16xi1>, vector<16xi32>
      %max3A_489 = arith.constant 50000 : i32
      %max3A_490 = vector.broadcast %max3A_489 : i32 to vector<16xi32>
      %max3A_491 = arith.maxsi %select_n3A_488, %max3A_490 : vector<16xi32>
      %min3A_492 = arith.constant 50255 : i32
      %min3A_493 = vector.broadcast %min3A_492 : i32 to vector<16xi32>
      %min3A_494 = arith.minsi %max3A_491, %min3A_493 : vector<16xi32>
      %swap3A_495 = arith.constant 0 : i32
      %swap3A_496 = arith.index_cast %swap3A_495 : i32 to index
      %swap3A_497 = arith.index_cast %mul3A_464 : i32 to index
      %swap3A_498 = tpu.vector_load %arg5[%swap3A_496, %swap3A_497] {strides = array<i32>} : memref<7x4096xi32, #tpu.memory_space<vmem>>, vector<1x16xi32>,
      %swap3A_499 = vector.shape_cast %swap3A_498 : vector<1x16xi32> to vector<16xi32>
      %swap3A_500 = vector.shape_cast %min3A_494 : vector<16xi32> to vector<1x16xi32>
      tpu.vector_store %arg5[%swap3A_496, %swap3A_497], %swap3A_500 {strides = array<i32>} : memref<7x4096xi32, #tpu.memory_space<vmem>>, vector<1x16xi32>,
      %get3A_501 = arith.constant 1 : i32
      %get3A_502 = arith.index_cast %get3A_501 : i32 to index
      %get3A_503 = arith.index_cast %mul3A_464 : i32 to index
      %get3A_504 = tpu.vector_load %arg5[%get3A_502, %get3A_503] {strides = array<i32>} : memref<7x4096xi32, #tpu.memory_space<vmem>>, vector<1x16xi32>,
      %get3A_505 = vector.shape_cast %get3A_504 : vector<1x16xi32> to vector<16xi32>
      %bitcast_convert_type3A_506 = tpu.bitcast %get3A_505 : vector<16xi32> -> vector<16xf32>
      %mul3A_507 = arith.constant 1.280000e+02 : f32
      %mul3A_508 = vector.broadcast %mul3A_507 : f32 to vector<16xf32>
      %mul3A_509 = arith.mulf %bitcast_convert_type3A_506, %mul3A_508 : vector<16xf32>
      %add3A_510 = arith.constant 0x4B000080 : f32
      %add3A_511 = vector.broadcast %add3A_510 : f32 to vector<16xf32>
      %add3A_512 = arith.addf %mul3A_509, %add3A_511 : vector<16xf32>
      %bitcast_convert_type3A_513 = tpu.bitcast %add3A_512 : vector<16xf32> -> vector<16xi32>
      %add3A_514 = arith.constant -1258237630 : i32
      %add3A_515 = vector.broadcast %add3A_514 : i32 to vector<16xi32>
      %add3A_516 = arith.addi %bitcast_convert_type3A_513, %add3A_515 : vector<16xi32>
      %sub3A_517 = arith.constant 0x4B000080 : f32
      %sub3A_518 = vector.broadcast %sub3A_517 : f32 to vector<16xf32>
      %sub3A_519 = arith.subf %add3A_512, %sub3A_518 : vector<16xf32>
      %gt3A_520 = arith.cmpf ogt, %mul3A_509, %sub3A_519 : vector<16xf32>
      %add3A_521 = arith.constant 1 : i32
      %add3A_522 = vector.broadcast %add3A_521 : i32 to vector<16xi32>
      %add3A_523 = arith.addi %add3A_516, %add3A_522 : vector<16xi32>
      %select_n3A_524 = arith.select %gt3A_520, %add3A_523, %add3A_516 : vector<16xi1>, vector<16xi32>
      %max3A_525 = arith.constant 53571 : i32
      %max3A_526 = vector.broadcast %max3A_525 : i32 to vector<16xi32>
      %max3A_527 = arith.maxsi %select_n3A_524, %max3A_526 : vector<16xi32>
      %min3A_528 = arith.constant 53826 : i32
      %min3A_529 = vector.broadcast %min3A_528 : i32 to vector<16xi32>
      %min3A_530 = arith.minsi %max3A_527, %min3A_529 : vector<16xi32>
      %swap3A_531 = arith.constant 1 : i32
      %swap3A_532 = arith.index_cast %swap3A_531 : i32 to index
      %swap3A_533 = arith.index_cast %mul3A_464 : i32 to index
      %swap3A_534 = tpu.vector_load %arg5[%swap3A_532, %swap3A_533] {strides = array<i32>} : memref<7x4096xi32, #tpu.memory_space<vmem>>, vector<1x16xi32>,
      %swap3A_535 = vector.shape_cast %swap3A_534 : vector<1x16xi32> to vector<16xi32>
      %swap3A_536 = vector.shape_cast %min3A_530 : vector<16xi32> to vector<1x16xi32>
      tpu.vector_store %arg5[%swap3A_532, %swap3A_533], %swap3A_536 {strides = array<i32>} : memref<7x4096xi32, #tpu.memory_space<vmem>>, vector<1x16xi32>,
      %get3A_537 = arith.constant 2 : i32
      %get3A_538 = arith.index_cast %get3A_537 : i32 to index
      %get3A_539 = arith.index_cast %mul3A_464 : i32 to index
      %get3A_540 = tpu.vector_load %arg5[%get3A_538, %get3A_539] {strides = array<i32>} : memref<7x4096xi32, #tpu.memory_space<vmem>>, vector<1x16xi32>,
      %get3A_541 = vector.shape_cast %get3A_540 : vector<1x16xi32> to vector<16xi32>
      %bitcast_convert_type3A_542 = tpu.bitcast %get3A_541 : vector<16xi32> -> vector<16xf32>
      %mul3A_543 = arith.constant 1.280000e+02 : f32
      %mul3A_544 = vector.broadcast %mul3A_543 : f32 to vector<16xf32>
      %mul3A_545 = arith.mulf %bitcast_convert_type3A_542, %mul3A_544 : vector<16xf32>
      %add3A_546 = arith.constant 0x4B000080 : f32
      %add3A_547 = vector.broadcast %add3A_546 : f32 to vector<16xf32>
      %add3A_548 = arith.addf %mul3A_545, %add3A_547 : vector<16xf32>
      %bitcast_convert_type3A_549 = tpu.bitcast %add3A_548 : vector<16xf32> -> vector<16xi32>
      %add3A_550 = arith.constant -1258234059 : i32
      %add3A_551 = vector.broadcast %add3A_550 : i32 to vector<16xi32>
      %add3A_552 = arith.addi %bitcast_convert_type3A_549, %add3A_551 : vector<16xi32>
      %sub3A_553 = arith.constant 0x4B000080 : f32
      %sub3A_554 = vector.broadcast %sub3A_553 : f32 to vector<16xf32>
      %sub3A_555 = arith.subf %add3A_548, %sub3A_554 : vector<16xf32>
      %gt3A_556 = arith.cmpf ogt, %mul3A_545, %sub3A_555 : vector<16xf32>
      %add3A_557 = arith.constant 1 : i32
      %add3A_558 = vector.broadcast %add3A_557 : i32 to vector<16xi32>
      %add3A_559 = arith.addi %add3A_552, %add3A_558 : vector<16xi32>
      %select_n3A_560 = arith.select %gt3A_556, %add3A_559, %add3A_552 : vector<16xi1>, vector<16xi32>
      %max3A_561 = arith.constant 57142 : i32
      %max3A_562 = vector.broadcast %max3A_561 : i32 to vector<16xi32>
      %max3A_563 = arith.maxsi %select_n3A_560, %max3A_562 : vector<16xi32>
      %min3A_564 = arith.constant 57397 : i32
      %min3A_565 = vector.broadcast %min3A_564 : i32 to vector<16xi32>
      %min3A_566 = arith.minsi %max3A_563, %min3A_565 : vector<16xi32>
      %swap3A_567 = arith.constant 2 : i32
      %swap3A_568 = arith.index_cast %swap3A_567 : i32 to index
      %swap3A_569 = arith.index_cast %mul3A_464 : i32 to index
      %swap3A_570 = tpu.vector_load %arg5[%swap3A_568, %swap3A_569] {strides = array<i32>} : memref<7x4096xi32, #tpu.memory_space<vmem>>, vector<1x16xi32>,
      %swap3A_571 = vector.shape_cast %swap3A_570 : vector<1x16xi32> to vector<16xi32>
      %swap3A_572 = vector.shape_cast %min3A_566 : vector<16xi32> to vector<1x16xi32>
      tpu.vector_store %arg5[%swap3A_568, %swap3A_569], %swap3A_572 {strides = array<i32>} : memref<7x4096xi32, #tpu.memory_space<vmem>>, vector<1x16xi32>,
      %get3A_573 = arith.constant 3 : i32
      %get3A_574 = arith.index_cast %get3A_573 : i32 to index
      %get3A_575 = arith.index_cast %mul3A_464 : i32 to index
      %get3A_576 = tpu.vector_load %arg5[%get3A_574, %get3A_575] {strides = array<i32>} : memref<7x4096xi32, #tpu.memory_space<vmem>>, vector<1x16xi32>,
      %get3A_577 = vector.shape_cast %get3A_576 : vector<1x16xi32> to vector<16xi32>
      %bitcast_convert_type3A_578 = tpu.bitcast %get3A_577 : vector<16xi32> -> vector<16xf32>
      %mul3A_579 = arith.constant 1.280000e+02 : f32
      %mul3A_580 = vector.broadcast %mul3A_579 : f32 to vector<16xf32>
      %mul3A_581 = arith.mulf %bitcast_convert_type3A_578, %mul3A_580 : vector<16xf32>
      %add3A_582 = arith.constant 0x4B000080 : f32
      %add3A_583 = vector.broadcast %add3A_582 : f32 to vector<16xf32>
      %add3A_584 = arith.addf %mul3A_581, %add3A_583 : vector<16xf32>
      %bitcast_convert_type3A_585 = tpu.bitcast %add3A_584 : vector<16xf32> -> vector<16xi32>
      %add3A_586 = arith.constant -1258230488 : i32
      %add3A_587 = vector.broadcast %add3A_586 : i32 to vector<16xi32>
      %add3A_588 = arith.addi %bitcast_convert_type3A_585, %add3A_587 : vector<16xi32>
      %sub3A_589 = arith.constant 0x4B000080 : f32
      %sub3A_590 = vector.broadcast %sub3A_589 : f32 to vector<16xf32>
      %sub3A_591 = arith.subf %add3A_584, %sub3A_590 : vector<16xf32>
      %gt3A_592 = arith.cmpf ogt, %mul3A_581, %sub3A_591 : vector<16xf32>
      %add3A_593 = arith.constant 1 : i32
      %add3A_594 = vector.broadcast %add3A_593 : i32 to vector<16xi32>
      %add3A_595 = arith.addi %add3A_588, %add3A_594 : vector<16xi32>
      %select_n3A_596 = arith.select %gt3A_592, %add3A_595, %add3A_588 : vector<16xi1>, vector<16xi32>
      %max3A_597 = arith.constant 60713 : i32
      %max3A_598 = vector.broadcast %max3A_597 : i32 to vector<16xi32>
      %max3A_599 = arith.maxsi %select_n3A_596, %max3A_598 : vector<16xi32>
      %min3A_600 = arith.constant 60968 : i32
      %min3A_601 = vector.broadcast %min3A_600 : i32 to vector<16xi32>
      %min3A_602 = arith.minsi %max3A_599, %min3A_601 : vector<16xi32>
      %swap3A_603 = arith.constant 3 : i32
      %swap3A_604 = arith.index_cast %swap3A_603 : i32 to index
      %swap3A_605 = arith.index_cast %mul3A_464 : i32 to index
      %swap3A_606 = tpu.vector_load %arg5[%swap3A_604, %swap3A_605] {strides = array<i32>} : memref<7x4096xi32, #tpu.memory_space<vmem>>, vector<1x16xi32>,
      %swap3A_607 = vector.shape_cast %swap3A_606 : vector<1x16xi32> to vector<16xi32>
      %swap3A_608 = vector.shape_cast %min3A_602 : vector<16xi32> to vector<1x16xi32>
      tpu.vector_store %arg5[%swap3A_604, %swap3A_605], %swap3A_608 {strides = array<i32>} : memref<7x4096xi32, #tpu.memory_space<vmem>>, vector<1x16xi32>,
      %get3A_609 = arith.constant 4 : i32
      %get3A_610 = arith.index_cast %get3A_609 : i32 to index
      %get3A_611 = arith.index_cast %mul3A_464 : i32 to index
      %get3A_612 = tpu.vector_load %arg5[%get3A_610, %get3A_611] {strides = array<i32>} : memref<7x4096xi32, #tpu.memory_space<vmem>>, vector<1x16xi32>,
      %get3A_613 = vector.shape_cast %get3A_612 : vector<1x16xi32> to vector<16xi32>
      %bitcast_convert_type3A_614 = tpu.bitcast %get3A_613 : vector<16xi32> -> vector<16xf32>
      %mul3A_615 = arith.constant 1.280000e+02 : f32
      %mul3A_616 = vector.broadcast %mul3A_615 : f32 to vector<16xf32>
      %mul3A_617 = arith.mulf %bitcast_convert_type3A_614, %mul3A_616 : vector<16xf32>
      %add3A_618 = arith.constant 0x4B000080 : f32
      %add3A_619 = vector.broadcast %add3A_618 : f32 to vector<16xf32>
      %add3A_620 = arith.addf %mul3A_617, %add3A_619 : vector<16xf32>
      %bitcast_convert_type3A_621 = tpu.bitcast %add3A_620 : vector<16xf32> -> vector<16xi32>
      %add3A_622 = arith.constant -1258226917 : i32
      %add3A_623 = vector.broadcast %add3A_622 : i32 to vector<16xi32>
      %add3A_624 = arith.addi %bitcast_convert_type3A_621, %add3A_623 : vector<16xi32>
      %sub3A_625 = arith.constant 0x4B000080 : f32
      %sub3A_626 = vector.broadcast %sub3A_625 : f32 to vector<16xf32>
      %sub3A_627 = arith.subf %add3A_620, %sub3A_626 : vector<16xf32>
      %gt3A_628 = arith.cmpf ogt, %mul3A_617, %sub3A_627 : vector<16xf32>
      %add3A_629 = arith.constant 1 : i32
      %add3A_630 = vector.broadcast %add3A_629 : i32 to vector<16xi32>
      %add3A_631 = arith.addi %add3A_624, %add3A_630 : vector<16xi32>
      %select_n3A_632 = arith.select %gt3A_628, %add3A_631, %add3A_624 : vector<16xi1>, vector<16xi32>
      %max3A_633 = arith.constant 64284 : i32
      %max3A_634 = vector.broadcast %max3A_633 : i32 to vector<16xi32>
      %max3A_635 = arith.maxsi %select_n3A_632, %max3A_634 : vector<16xi32>
      %min3A_636 = arith.constant 64539 : i32
      %min3A_637 = vector.broadcast %min3A_636 : i32 to vector<16xi32>
      %min3A_638 = arith.minsi %max3A_635, %min3A_637 : vector<16xi32>
      %swap3A_639 = arith.constant 4 : i32
      %swap3A_640 = arith.index_cast %swap3A_639 : i32 to index
      %swap3A_641 = arith.index_cast %mul3A_464 : i32 to index
      %swap3A_642 = tpu.vector_load %arg5[%swap3A_640, %swap3A_641] {strides = array<i32>} : memref<7x4096xi32, #tpu.memory_space<vmem>>, vector<1x16xi32>,
      %swap3A_643 = vector.shape_cast %swap3A_642 : vector<1x16xi32> to vector<16xi32>
      %swap3A_644 = vector.shape_cast %min3A_638 : vector<16xi32> to vector<1x16xi32>
      tpu.vector_store %arg5[%swap3A_640, %swap3A_641], %swap3A_644 {strides = array<i32>} : memref<7x4096xi32, #tpu.memory_space<vmem>>, vector<1x16xi32>,
      %get3A_645 = arith.constant 5 : i32
      %get3A_646 = arith.index_cast %get3A_645 : i32 to index
      %get3A_647 = arith.index_cast %mul3A_464 : i32 to index
      %get3A_648 = tpu.vector_load %arg5[%get3A_646, %get3A_647] {strides = array<i32>} : memref<7x4096xi32, #tpu.memory_space<vmem>>, vector<1x16xi32>,
      %get3A_649 = vector.shape_cast %get3A_648 : vector<1x16xi32> to vector<16xi32>
      %bitcast_convert_type3A_650 = tpu.bitcast %get3A_649 : vector<16xi32> -> vector<16xf32>
      %mul3A_651 = arith.constant 1.280000e+02 : f32
      %mul3A_652 = vector.broadcast %mul3A_651 : f32 to vector<16xf32>
      %mul3A_653 = arith.mulf %bitcast_convert_type3A_650, %mul3A_652 : vector<16xf32>
      %add3A_654 = arith.constant 0x4B000080 : f32
      %add3A_655 = vector.broadcast %add3A_654 : f32 to vector<16xf32>
      %add3A_656 = arith.addf %mul3A_653, %add3A_655 : vector<16xf32>
      %bitcast_convert_type3A_657 = tpu.bitcast %add3A_656 : vector<16xf32> -> vector<16xi32>
      %add3A_658 = arith.constant -1258223346 : i32
      %add3A_659 = vector.broadcast %add3A_658 : i32 to vector<16xi32>
      %add3A_660 = arith.addi %bitcast_convert_type3A_657, %add3A_659 : vector<16xi32>
      %sub3A_661 = arith.constant 0x4B000080 : f32
      %sub3A_662 = vector.broadcast %sub3A_661 : f32 to vector<16xf32>
      %sub3A_663 = arith.subf %add3A_656, %sub3A_662 : vector<16xf32>
      %gt3A_664 = arith.cmpf ogt, %mul3A_653, %sub3A_663 : vector<16xf32>
      %add3A_665 = arith.constant 1 : i32
      %add3A_666 = vector.broadcast %add3A_665 : i32 to vector<16xi32>
      %add3A_667 = arith.addi %add3A_660, %add3A_666 : vector<16xi32>
      %select_n3A_668 = arith.select %gt3A_664, %add3A_667, %add3A_660 : vector<16xi1>, vector<16xi32>
      %max3A_669 = arith.constant 67855 : i32
      %max3A_670 = vector.broadcast %max3A_669 : i32 to vector<16xi32>
      %max3A_671 = arith.maxsi %select_n3A_668, %max3A_670 : vector<16xi32>
      %min3A_672 = arith.constant 68110 : i32
      %min3A_673 = vector.broadcast %min3A_672 : i32 to vector<16xi32>
      %min3A_674 = arith.minsi %max3A_671, %min3A_673 : vector<16xi32>
      %swap3A_675 = arith.constant 5 : i32
      %swap3A_676 = arith.index_cast %swap3A_675 : i32 to index
      %swap3A_677 = arith.index_cast %mul3A_464 : i32 to index
      %swap3A_678 = tpu.vector_load %arg5[%swap3A_676, %swap3A_677] {strides = array<i32>} : memref<7x4096xi32, #tpu.memory_space<vmem>>, vector<1x16xi32>,
      %swap3A_679 = vector.shape_cast %swap3A_678 : vector<1x16xi32> to vector<16xi32>
      %swap3A_680 = vector.shape_cast %min3A_674 : vector<16xi32> to vector<1x16xi32>
      tpu.vector_store %arg5[%swap3A_676, %swap3A_677], %swap3A_680 {strides = array<i32>} : memref<7x4096xi32, #tpu.memory_space<vmem>>, vector<1x16xi32>,
      %get3A_681 = arith.constant 6 : i32
      %get3A_682 = arith.index_cast %get3A_681 : i32 to index
      %get3A_683 = arith.index_cast %mul3A_464 : i32 to index
      %get3A_684 = tpu.vector_load %arg5[%get3A_682, %get3A_683] {strides = array<i32>} : memref<7x4096xi32, #tpu.memory_space<vmem>>, vector<1x16xi32>,
      %get3A_685 = vector.shape_cast %get3A_684 : vector<1x16xi32> to vector<16xi32>
      %bitcast_convert_type3A_686 = tpu.bitcast %get3A_685 : vector<16xi32> -> vector<16xf32>
      %mul3A_687 = arith.constant 1.280000e+02 : f32
      %mul3A_688 = vector.broadcast %mul3A_687 : f32 to vector<16xf32>
      %mul3A_689 = arith.mulf %bitcast_convert_type3A_686, %mul3A_688 : vector<16xf32>
      %add3A_690 = arith.constant 0x4B000080 : f32
      %add3A_691 = vector.broadcast %add3A_690 : f32 to vector<16xf32>
      %add3A_692 = arith.addf %mul3A_689, %add3A_691 : vector<16xf32>
      %bitcast_convert_type3A_693 = tpu.bitcast %add3A_692 : vector<16xf32> -> vector<16xi32>
      %add3A_694 = arith.constant -1258219775 : i32
      %add3A_695 = vector.broadcast %add3A_694 : i32 to vector<16xi32>
      %add3A_696 = arith.addi %bitcast_convert_type3A_693, %add3A_695 : vector<16xi32>
      %sub3A_697 = arith.constant 0x4B000080 : f32
      %sub3A_698 = vector.broadcast %sub3A_697 : f32 to vector<16xf32>
      %sub3A_699 = arith.subf %add3A_692, %sub3A_698 : vector<16xf32>
      %gt3A_700 = arith.cmpf ogt, %mul3A_689, %sub3A_699 : vector<16xf32>
      %add3A_701 = arith.constant 1 : i32
      %add3A_702 = vector.broadcast %add3A_701 : i32 to vector<16xi32>
      %add3A_703 = arith.addi %add3A_696, %add3A_702 : vector<16xi32>
      %select_n3A_704 = arith.select %gt3A_700, %add3A_703, %add3A_696 : vector<16xi1>, vector<16xi32>
      %max3A_705 = arith.constant 71426 : i32
      %max3A_706 = vector.broadcast %max3A_705 : i32 to vector<16xi32>
      %max3A_707 = arith.maxsi %select_n3A_704, %max3A_706 : vector<16xi32>
      %min3A_708 = arith.constant 71681 : i32
      %min3A_709 = vector.broadcast %min3A_708 : i32 to vector<16xi32>
      %min3A_710 = arith.minsi %max3A_707, %min3A_709 : vector<16xi32>
      %swap3A_711 = arith.constant 6 : i32
      %swap3A_712 = arith.index_cast %swap3A_711 : i32 to index
      %swap3A_713 = arith.index_cast %mul3A_464 : i32 to index
      %swap3A_714 = tpu.vector_load %arg5[%swap3A_712, %swap3A_713] {strides = array<i32>} : memref<7x4096xi32, #tpu.memory_space<vmem>>, vector<1x16xi32>,
      %swap3A_715 = vector.shape_cast %swap3A_714 : vector<1x16xi32> to vector<16xi32>
      %swap3A_716 = vector.shape_cast %min3A_710 : vector<16xi32> to vector<1x16xi32>
      tpu.vector_store %arg5[%swap3A_712, %swap3A_713], %swap3A_716 {strides = array<i32>} : memref<7x4096xi32, #tpu.memory_space<vmem>>, vector<1x16xi32>,
    }
    %scan3A_43 = arith.constant 128 : i32
    %add3A_44 = arith.constant 4096 : i32
    %add3A_45 = arith.addi %mul3A_2, %add3A_44 : i32
    %dma_start3A_46 = arith.constant 0 : i32
    %dma_start3A_47 = tpu.memref_slice %arg3[%dma_start3A_46, %add3A_45] : memref<7x1048576xi32, #tpu.memory_space<hbm>> -> memref<7x4096xi32, #tpu.memory_space<hbm>>
    %dma_start3A_48 = arith.constant 0 : i32
    %dma_start3A_49 = tpu.memref_slice %arg3[%dma_start3A_48, %add3A_45] : memref<7x1048576xi32, #tpu.memory_space<hbm>> -> memref<7x4096xi32, #tpu.memory_space<hbm>>
    tpu.enqueue_dma source(%arg5 : memref<7x4096xi32, #tpu.memory_space<vmem>>) target(%dma_start3A_49 : memref<7x4096xi32, #tpu.memory_space<hbm>>) target_semaphore(%arg9 : memref<!tpu.dma_semaphore, #tpu.memory_space<semaphore_mem>>)
    %dma_wait3A_50 = arith.constant 0 : i32
    %dma_wait3A_51 = tpu.memref_slice %arg3[%dma_wait3A_50, %add3A_23] : memref<7x1048576xi32, #tpu.memory_space<hbm>> -> memref<7x4096xi32, #tpu.memory_space<hbm>>
    %dma_wait3A_52 = arith.constant 0 : i32
    %dma_wait3A_53 = tpu.memref_slice %arg3[%dma_wait3A_52, %add3A_23] : memref<7x1048576xi32, #tpu.memory_space<hbm>> -> memref<7x4096xi32, #tpu.memory_space<hbm>>
    tpu.wait_dma2 semaphore(%arg8 : memref<!tpu.dma_semaphore, #tpu.memory_space<semaphore_mem>>) src(%arg4 : memref<7x4096xi32, #tpu.memory_space<vmem>>) dst(%dma_wait3A_53 : memref<7x4096xi32, #tpu.memory_space<hbm>>)
    %dma_wait3A_54 = arith.constant 0 : i32
    %dma_wait3A_55 = tpu.memref_slice %arg2[%dma_wait3A_54, %add3A_33] : memref<7x1048576xi32, #tpu.memory_space<hbm>> -> memref<7x4096xi32, #tpu.memory_space<hbm>>
    %dma_wait3A_56 = arith.constant 0 : i32
    %dma_wait3A_57 = tpu.memref_slice %arg2[%dma_wait3A_56, %add3A_33] : memref<7x1048576xi32, #tpu.memory_space<hbm>> -> memref<7x4096xi32, #tpu.memory_space<hbm>>
    tpu.wait_dma2 semaphore(%arg6 : memref<!tpu.dma_semaphore, #tpu.memory_space<semaphore_mem>>) src(%dma_wait3A_57 : memref<7x4096xi32, #tpu.memory_space<hbm>>) dst(%arg4 : memref<7x4096xi32, #tpu.memory_space<vmem>>)
    %add3A_58 = arith.constant 12288 : i32
    %add3A_59 = arith.addi %mul3A_2, %add3A_58 : i32
    %dma_start3A_60 = arith.constant 0 : i32
    %dma_start3A_61 = tpu.memref_slice %arg2[%dma_start3A_60, %add3A_59] : memref<7x1048576xi32, #tpu.memory_space<hbm>> -> memref<7x4096xi32, #tpu.memory_space<hbm>>
    %dma_start3A_62 = arith.constant 0 : i32
    %dma_start3A_63 = tpu.memref_slice %arg2[%dma_start3A_62, %add3A_59] : memref<7x1048576xi32, #tpu.memory_space<hbm>> -> memref<7x4096xi32, #tpu.memory_space<hbm>>
    tpu.enqueue_dma source(%dma_start3A_63 : memref<7x4096xi32, #tpu.memory_space<hbm>>) target(%arg5 : memref<7x4096xi32, #tpu.memory_space<vmem>>) target_semaphore(%arg7 : memref<!tpu.dma_semaphore, #tpu.memory_space<semaphore_mem>>)
    %scan3A_64 = arith.constant 0 : i32
    %scan3A_65 = arith.constant 0 : i32
    %scan3A_66 = arith.constant 128 : i32
    %scan3A_67 = arith.addi %scan3A_65, %scan3A_66 : i32
    %scan3A_68 = arith.constant 1 : i32
    scf.for %scan3A_208 = %scan3A_65 to %scan3A_67 step %scan3A_68  : i32 {
      %mul3A_209 = arith.constant 2 : i32
      %mul3A_210 = arith.muli %scan3A_208, %mul3A_209 : i32
      %add3A_211 = arith.constant 0 : i32
      %add3A_212 = arith.addi %mul3A_210, %add3A_211 : i32
      %mul3A_213 = arith.constant 16 : i32
      %mul3A_214 = arith.muli %add3A_212, %mul3A_213 : i32
      %get3A = arith.constant 0 : i32
      %get3A_215 = arith.index_cast %get3A : i32 to index
      %get3A_216 = arith.index_cast %mul3A_214 : i32 to index
      %get3A_217 = tpu.vector_load %arg4[%get3A_215, %get3A_216] {strides = array<i32>} : memref<7x4096xi32, #tpu.memory_space<vmem>>, vector<1x16xi32>,
      %get3A_218 = vector.shape_cast %get3A_217 : vector<1x16xi32> to vector<16xi32>
      %bitcast_convert_type3A = tpu.bitcast %get3A_218 : vector<16xi32> -> vector<16xf32>
      %mul3A_219 = arith.constant 1.280000e+02 : f32
      %mul3A_220 = vector.broadcast %mul3A_219 : f32 to vector<16xf32>
      %mul3A_221 = arith.mulf %bitcast_convert_type3A, %mul3A_220 : vector<16xf32>
      %add3A_222 = arith.constant 0x4B000080 : f32
      %add3A_223 = vector.broadcast %add3A_222 : f32 to vector<16xf32>
      %add3A_224 = arith.addf %mul3A_221, %add3A_223 : vector<16xf32>
      %bitcast_convert_type3A_225 = tpu.bitcast %add3A_224 : vector<16xf32> -> vector<16xi32>
      %add3A_226 = arith.constant -1258241201 : i32
      %add3A_227 = vector.broadcast %add3A_226 : i32 to vector<16xi32>
      %add3A_228 = arith.addi %bitcast_convert_type3A_225, %add3A_227 : vector<16xi32>
      %sub3A = arith.constant 0x4B000080 : f32
      %sub3A_229 = vector.broadcast %sub3A : f32 to vector<16xf32>
      %sub3A_230 = arith.subf %add3A_224, %sub3A_229 : vector<16xf32>
      %gt3A = arith.cmpf ogt, %mul3A_221, %sub3A_230 : vector<16xf32>
      %add3A_231 = arith.constant 1 : i32
      %add3A_232 = vector.broadcast %add3A_231 : i32 to vector<16xi32>
      %add3A_233 = arith.addi %add3A_228, %add3A_232 : vector<16xi32>
      %select_n3A = arith.select %gt3A, %add3A_233, %add3A_228 : vector<16xi1>, vector<16xi32>
      %max3A = arith.constant 50000 : i32
      %max3A_234 = vector.broadcast %max3A : i32 to vector<16xi32>
      %max3A_235 = arith.maxsi %select_n3A, %max3A_234 : vector<16xi32>
      %min3A = arith.constant 50255 : i32
      %min3A_236 = vector.broadcast %min3A : i32 to vector<16xi32>
      %min3A_237 = arith.minsi %max3A_235, %min3A_236 : vector<16xi32>
      %swap3A = arith.constant 0 : i32
      %swap3A_238 = arith.index_cast %swap3A : i32 to index
      %swap3A_239 = arith.index_cast %mul3A_214 : i32 to index
      %swap3A_240 = tpu.vector_load %arg4[%swap3A_238, %swap3A_239] {strides = array<i32>} : memref<7x4096xi32, #tpu.memory_space<vmem>>, vector<1x16xi32>,
      %swap3A_241 = vector.shape_cast %swap3A_240 : vector<1x16xi32> to vector<16xi32>
      %swap3A_242 = vector.shape_cast %min3A_237 : vector<16xi32> to vector<1x16xi32>
      tpu.vector_store %arg4[%swap3A_238, %swap3A_239], %swap3A_242 {strides = array<i32>} : memref<7x4096xi32, #tpu.memory_space<vmem>>, vector<1x16xi32>,
      %get3A_243 = arith.constant 1 : i32
      %get3A_244 = arith.index_cast %get3A_243 : i32 to index
      %get3A_245 = arith.index_cast %mul3A_214 : i32 to index
      %get3A_246 = tpu.vector_load %arg4[%get3A_244, %get3A_245] {strides = array<i32>} : memref<7x4096xi32, #tpu.memory_space<vmem>>, vector<1x16xi32>,
      %get3A_247 = vector.shape_cast %get3A_246 : vector<1x16xi32> to vector<16xi32>
      %bitcast_convert_type3A_248 = tpu.bitcast %get3A_247 : vector<16xi32> -> vector<16xf32>
      %mul3A_249 = arith.constant 1.280000e+02 : f32
      %mul3A_250 = vector.broadcast %mul3A_249 : f32 to vector<16xf32>
      %mul3A_251 = arith.mulf %bitcast_convert_type3A_248, %mul3A_250 : vector<16xf32>
      %add3A_252 = arith.constant 0x4B000080 : f32
      %add3A_253 = vector.broadcast %add3A_252 : f32 to vector<16xf32>
      %add3A_254 = arith.addf %mul3A_251, %add3A_253 : vector<16xf32>
      %bitcast_convert_type3A_255 = tpu.bitcast %add3A_254 : vector<16xf32> -> vector<16xi32>
      %add3A_256 = arith.constant -1258237630 : i32
      %add3A_257 = vector.broadcast %add3A_256 : i32 to vector<16xi32>
      %add3A_258 = arith.addi %bitcast_convert_type3A_255, %add3A_257 : vector<16xi32>
      %sub3A_259 = arith.constant 0x4B000080 : f32
      %sub3A_260 = vector.broadcast %sub3A_259 : f32 to vector<16xf32>
      %sub3A_261 = arith.subf %add3A_254, %sub3A_260 : vector<16xf32>
      %gt3A_262 = arith.cmpf ogt, %mul3A_251, %sub3A_261 : vector<16xf32>
      %add3A_263 = arith.constant 1 : i32
      %add3A_264 = vector.broadcast %add3A_263 : i32 to vector<16xi32>
      %add3A_265 = arith.addi %add3A_258, %add3A_264 : vector<16xi32>
      %select_n3A_266 = arith.select %gt3A_262, %add3A_265, %add3A_258 : vector<16xi1>, vector<16xi32>
      %max3A_267 = arith.constant 53571 : i32
      %max3A_268 = vector.broadcast %max3A_267 : i32 to vector<16xi32>
      %max3A_269 = arith.maxsi %select_n3A_266, %max3A_268 : vector<16xi32>
      %min3A_270 = arith.constant 53826 : i32
      %min3A_271 = vector.broadcast %min3A_270 : i32 to vector<16xi32>
      %min3A_272 = arith.minsi %max3A_269, %min3A_271 : vector<16xi32>
      %swap3A_273 = arith.constant 1 : i32
      %swap3A_274 = arith.index_cast %swap3A_273 : i32 to index
      %swap3A_275 = arith.index_cast %mul3A_214 : i32 to index
      %swap3A_276 = tpu.vector_load %arg4[%swap3A_274, %swap3A_275] {strides = array<i32>} : memref<7x4096xi32, #tpu.memory_space<vmem>>, vector<1x16xi32>,
      %swap3A_277 = vector.shape_cast %swap3A_276 : vector<1x16xi32> to vector<16xi32>
      %swap3A_278 = vector.shape_cast %min3A_272 : vector<16xi32> to vector<1x16xi32>
      tpu.vector_store %arg4[%swap3A_274, %swap3A_275], %swap3A_278 {strides = array<i32>} : memref<7x4096xi32, #tpu.memory_space<vmem>>, vector<1x16xi32>,
      %get3A_279 = arith.constant 2 : i32
      %get3A_280 = arith.index_cast %get3A_279 : i32 to index
      %get3A_281 = arith.index_cast %mul3A_214 : i32 to index
      %get3A_282 = tpu.vector_load %arg4[%get3A_280, %get3A_281] {strides = array<i32>} : memref<7x4096xi32, #tpu.memory_space<vmem>>, vector<1x16xi32>,
      %get3A_283 = vector.shape_cast %get3A_282 : vector<1x16xi32> to vector<16xi32>
      %bitcast_convert_type3A_284 = tpu.bitcast %get3A_283 : vector<16xi32> -> vector<16xf32>
      %mul3A_285 = arith.constant 1.280000e+02 : f32
      %mul3A_286 = vector.broadcast %mul3A_285 : f32 to vector<16xf32>
      %mul3A_287 = arith.mulf %bitcast_convert_type3A_284, %mul3A_286 : vector<16xf32>
      %add3A_288 = arith.constant 0x4B000080 : f32
      %add3A_289 = vector.broadcast %add3A_288 : f32 to vector<16xf32>
      %add3A_290 = arith.addf %mul3A_287, %add3A_289 : vector<16xf32>
      %bitcast_convert_type3A_291 = tpu.bitcast %add3A_290 : vector<16xf32> -> vector<16xi32>
      %add3A_292 = arith.constant -1258234059 : i32
      %add3A_293 = vector.broadcast %add3A_292 : i32 to vector<16xi32>
      %add3A_294 = arith.addi %bitcast_convert_type3A_291, %add3A_293 : vector<16xi32>
      %sub3A_295 = arith.constant 0x4B000080 : f32
      %sub3A_296 = vector.broadcast %sub3A_295 : f32 to vector<16xf32>
      %sub3A_297 = arith.subf %add3A_290, %sub3A_296 : vector<16xf32>
      %gt3A_298 = arith.cmpf ogt, %mul3A_287, %sub3A_297 : vector<16xf32>
      %add3A_299 = arith.constant 1 : i32
      %add3A_300 = vector.broadcast %add3A_299 : i32 to vector<16xi32>
      %add3A_301 = arith.addi %add3A_294, %add3A_300 : vector<16xi32>
      %select_n3A_302 = arith.select %gt3A_298, %add3A_301, %add3A_294 : vector<16xi1>, vector<16xi32>
      %max3A_303 = arith.constant 57142 : i32
      %max3A_304 = vector.broadcast %max3A_303 : i32 to vector<16xi32>
      %max3A_305 = arith.maxsi %select_n3A_302, %max3A_304 : vector<16xi32>
      %min3A_306 = arith.constant 57397 : i32
      %min3A_307 = vector.broadcast %min3A_306 : i32 to vector<16xi32>
      %min3A_308 = arith.minsi %max3A_305, %min3A_307 : vector<16xi32>
      %swap3A_309 = arith.constant 2 : i32
      %swap3A_310 = arith.index_cast %swap3A_309 : i32 to index
      %swap3A_311 = arith.index_cast %mul3A_214 : i32 to index
      %swap3A_312 = tpu.vector_load %arg4[%swap3A_310, %swap3A_311] {strides = array<i32>} : memref<7x4096xi32, #tpu.memory_space<vmem>>, vector<1x16xi32>,
      %swap3A_313 = vector.shape_cast %swap3A_312 : vector<1x16xi32> to vector<16xi32>
      %swap3A_314 = vector.shape_cast %min3A_308 : vector<16xi32> to vector<1x16xi32>
      tpu.vector_store %arg4[%swap3A_310, %swap3A_311], %swap3A_314 {strides = array<i32>} : memref<7x4096xi32, #tpu.memory_space<vmem>>, vector<1x16xi32>,
      %get3A_315 = arith.constant 3 : i32
      %get3A_316 = arith.index_cast %get3A_315 : i32 to index
      %get3A_317 = arith.index_cast %mul3A_214 : i32 to index
      %get3A_318 = tpu.vector_load %arg4[%get3A_316, %get3A_317] {strides = array<i32>} : memref<7x4096xi32, #tpu.memory_space<vmem>>, vector<1x16xi32>,
      %get3A_319 = vector.shape_cast %get3A_318 : vector<1x16xi32> to vector<16xi32>
      %bitcast_convert_type3A_320 = tpu.bitcast %get3A_319 : vector<16xi32> -> vector<16xf32>
      %mul3A_321 = arith.constant 1.280000e+02 : f32
      %mul3A_322 = vector.broadcast %mul3A_321 : f32 to vector<16xf32>
      %mul3A_323 = arith.mulf %bitcast_convert_type3A_320, %mul3A_322 : vector<16xf32>
      %add3A_324 = arith.constant 0x4B000080 : f32
      %add3A_325 = vector.broadcast %add3A_324 : f32 to vector<16xf32>
      %add3A_326 = arith.addf %mul3A_323, %add3A_325 : vector<16xf32>
      %bitcast_convert_type3A_327 = tpu.bitcast %add3A_326 : vector<16xf32> -> vector<16xi32>
      %add3A_328 = arith.constant -1258230488 : i32
      %add3A_329 = vector.broadcast %add3A_328 : i32 to vector<16xi32>
      %add3A_330 = arith.addi %bitcast_convert_type3A_327, %add3A_329 : vector<16xi32>
      %sub3A_331 = arith.constant 0x4B000080 : f32
      %sub3A_332 = vector.broadcast %sub3A_331 : f32 to vector<16xf32>
      %sub3A_333 = arith.subf %add3A_326, %sub3A_332 : vector<16xf32>
      %gt3A_334 = arith.cmpf ogt, %mul3A_323, %sub3A_333 : vector<16xf32>
      %add3A_335 = arith.constant 1 : i32
      %add3A_336 = vector.broadcast %add3A_335 : i32 to vector<16xi32>
      %add3A_337 = arith.addi %add3A_330, %add3A_336 : vector<16xi32>
      %select_n3A_338 = arith.select %gt3A_334, %add3A_337, %add3A_330 : vector<16xi1>, vector<16xi32>
      %max3A_339 = arith.constant 60713 : i32
      %max3A_340 = vector.broadcast %max3A_339 : i32 to vector<16xi32>
      %max3A_341 = arith.maxsi %select_n3A_338, %max3A_340 : vector<16xi32>
      %min3A_342 = arith.constant 60968 : i32
      %min3A_343 = vector.broadcast %min3A_342 : i32 to vector<16xi32>
      %min3A_344 = arith.minsi %max3A_341, %min3A_343 : vector<16xi32>
      %swap3A_345 = arith.constant 3 : i32
      %swap3A_346 = arith.index_cast %swap3A_345 : i32 to index
      %swap3A_347 = arith.index_cast %mul3A_214 : i32 to index
      %swap3A_348 = tpu.vector_load %arg4[%swap3A_346, %swap3A_347] {strides = array<i32>} : memref<7x4096xi32, #tpu.memory_space<vmem>>, vector<1x16xi32>,
      %swap3A_349 = vector.shape_cast %swap3A_348 : vector<1x16xi32> to vector<16xi32>
      %swap3A_350 = vector.shape_cast %min3A_344 : vector<16xi32> to vector<1x16xi32>
      tpu.vector_store %arg4[%swap3A_346, %swap3A_347], %swap3A_350 {strides = array<i32>} : memref<7x4096xi32, #tpu.memory_space<vmem>>, vector<1x16xi32>,
      %get3A_351 = arith.constant 4 : i32
      %get3A_352 = arith.index_cast %get3A_351 : i32 to index
      %get3A_353 = arith.index_cast %mul3A_214 : i32 to index
      %get3A_354 = tpu.vector_load %arg4[%get3A_352, %get3A_353] {strides = array<i32>} : memref<7x4096xi32, #tpu.memory_space<vmem>>, vector<1x16xi32>,
      %get3A_355 = vector.shape_cast %get3A_354 : vector<1x16xi32> to vector<16xi32>
      %bitcast_convert_type3A_356 = tpu.bitcast %get3A_355 : vector<16xi32> -> vector<16xf32>
      %mul3A_357 = arith.constant 1.280000e+02 : f32
      %mul3A_358 = vector.broadcast %mul3A_357 : f32 to vector<16xf32>
      %mul3A_359 = arith.mulf %bitcast_convert_type3A_356, %mul3A_358 : vector<16xf32>
      %add3A_360 = arith.constant 0x4B000080 : f32
      %add3A_361 = vector.broadcast %add3A_360 : f32 to vector<16xf32>
      %add3A_362 = arith.addf %mul3A_359, %add3A_361 : vector<16xf32>
      %bitcast_convert_type3A_363 = tpu.bitcast %add3A_362 : vector<16xf32> -> vector<16xi32>
      %add3A_364 = arith.constant -1258226917 : i32
      %add3A_365 = vector.broadcast %add3A_364 : i32 to vector<16xi32>
      %add3A_366 = arith.addi %bitcast_convert_type3A_363, %add3A_365 : vector<16xi32>
      %sub3A_367 = arith.constant 0x4B000080 : f32
      %sub3A_368 = vector.broadcast %sub3A_367 : f32 to vector<16xf32>
      %sub3A_369 = arith.subf %add3A_362, %sub3A_368 : vector<16xf32>
      %gt3A_370 = arith.cmpf ogt, %mul3A_359, %sub3A_369 : vector<16xf32>
      %add3A_371 = arith.constant 1 : i32
      %add3A_372 = vector.broadcast %add3A_371 : i32 to vector<16xi32>
      %add3A_373 = arith.addi %add3A_366, %add3A_372 : vector<16xi32>
      %select_n3A_374 = arith.select %gt3A_370, %add3A_373, %add3A_366 : vector<16xi1>, vector<16xi32>
      %max3A_375 = arith.constant 64284 : i32
      %max3A_376 = vector.broadcast %max3A_375 : i32 to vector<16xi32>
      %max3A_377 = arith.maxsi %select_n3A_374, %max3A_376 : vector<16xi32>
      %min3A_378 = arith.constant 64539 : i32
      %min3A_379 = vector.broadcast %min3A_378 : i32 to vector<16xi32>
      %min3A_380 = arith.minsi %max3A_377, %min3A_379 : vector<16xi32>
      %swap3A_381 = arith.constant 4 : i32
      %swap3A_382 = arith.index_cast %swap3A_381 : i32 to index
      %swap3A_383 = arith.index_cast %mul3A_214 : i32 to index
      %swap3A_384 = tpu.vector_load %arg4[%swap3A_382, %swap3A_383] {strides = array<i32>} : memref<7x4096xi32, #tpu.memory_space<vmem>>, vector<1x16xi32>,
      %swap3A_385 = vector.shape_cast %swap3A_384 : vector<1x16xi32> to vector<16xi32>
      %swap3A_386 = vector.shape_cast %min3A_380 : vector<16xi32> to vector<1x16xi32>
      tpu.vector_store %arg4[%swap3A_382, %swap3A_383], %swap3A_386 {strides = array<i32>} : memref<7x4096xi32, #tpu.memory_space<vmem>>, vector<1x16xi32>,
      %get3A_387 = arith.constant 5 : i32
      %get3A_388 = arith.index_cast %get3A_387 : i32 to index
      %get3A_389 = arith.index_cast %mul3A_214 : i32 to index
      %get3A_390 = tpu.vector_load %arg4[%get3A_388, %get3A_389] {strides = array<i32>} : memref<7x4096xi32, #tpu.memory_space<vmem>>, vector<1x16xi32>,
      %get3A_391 = vector.shape_cast %get3A_390 : vector<1x16xi32> to vector<16xi32>
      %bitcast_convert_type3A_392 = tpu.bitcast %get3A_391 : vector<16xi32> -> vector<16xf32>
      %mul3A_393 = arith.constant 1.280000e+02 : f32
      %mul3A_394 = vector.broadcast %mul3A_393 : f32 to vector<16xf32>
      %mul3A_395 = arith.mulf %bitcast_convert_type3A_392, %mul3A_394 : vector<16xf32>
      %add3A_396 = arith.constant 0x4B000080 : f32
      %add3A_397 = vector.broadcast %add3A_396 : f32 to vector<16xf32>
      %add3A_398 = arith.addf %mul3A_395, %add3A_397 : vector<16xf32>
      %bitcast_convert_type3A_399 = tpu.bitcast %add3A_398 : vector<16xf32> -> vector<16xi32>
      %add3A_400 = arith.constant -1258223346 : i32
      %add3A_401 = vector.broadcast %add3A_400 : i32 to vector<16xi32>
      %add3A_402 = arith.addi %bitcast_convert_type3A_399, %add3A_401 : vector<16xi32>
      %sub3A_403 = arith.constant 0x4B000080 : f32
      %sub3A_404 = vector.broadcast %sub3A_403 : f32 to vector<16xf32>
      %sub3A_405 = arith.subf %add3A_398, %sub3A_404 : vector<16xf32>
      %gt3A_406 = arith.cmpf ogt, %mul3A_395, %sub3A_405 : vector<16xf32>
      %add3A_407 = arith.constant 1 : i32
      %add3A_408 = vector.broadcast %add3A_407 : i32 to vector<16xi32>
      %add3A_409 = arith.addi %add3A_402, %add3A_408 : vector<16xi32>
      %select_n3A_410 = arith.select %gt3A_406, %add3A_409, %add3A_402 : vector<16xi1>, vector<16xi32>
      %max3A_411 = arith.constant 67855 : i32
      %max3A_412 = vector.broadcast %max3A_411 : i32 to vector<16xi32>
      %max3A_413 = arith.maxsi %select_n3A_410, %max3A_412 : vector<16xi32>
      %min3A_414 = arith.constant 68110 : i32
      %min3A_415 = vector.broadcast %min3A_414 : i32 to vector<16xi32>
      %min3A_416 = arith.minsi %max3A_413, %min3A_415 : vector<16xi32>
      %swap3A_417 = arith.constant 5 : i32
      %swap3A_418 = arith.index_cast %swap3A_417 : i32 to index
      %swap3A_419 = arith.index_cast %mul3A_214 : i32 to index
      %swap3A_420 = tpu.vector_load %arg4[%swap3A_418, %swap3A_419] {strides = array<i32>} : memref<7x4096xi32, #tpu.memory_space<vmem>>, vector<1x16xi32>,
      %swap3A_421 = vector.shape_cast %swap3A_420 : vector<1x16xi32> to vector<16xi32>
      %swap3A_422 = vector.shape_cast %min3A_416 : vector<16xi32> to vector<1x16xi32>
      tpu.vector_store %arg4[%swap3A_418, %swap3A_419], %swap3A_422 {strides = array<i32>} : memref<7x4096xi32, #tpu.memory_space<vmem>>, vector<1x16xi32>,
      %get3A_423 = arith.constant 6 : i32
      %get3A_424 = arith.index_cast %get3A_423 : i32 to index
      %get3A_425 = arith.index_cast %mul3A_214 : i32 to index
      %get3A_426 = tpu.vector_load %arg4[%get3A_424, %get3A_425] {strides = array<i32>} : memref<7x4096xi32, #tpu.memory_space<vmem>>, vector<1x16xi32>,
      %get3A_427 = vector.shape_cast %get3A_426 : vector<1x16xi32> to vector<16xi32>
      %bitcast_convert_type3A_428 = tpu.bitcast %get3A_427 : vector<16xi32> -> vector<16xf32>
      %mul3A_429 = arith.constant 1.280000e+02 : f32
      %mul3A_430 = vector.broadcast %mul3A_429 : f32 to vector<16xf32>
      %mul3A_431 = arith.mulf %bitcast_convert_type3A_428, %mul3A_430 : vector<16xf32>
      %add3A_432 = arith.constant 0x4B000080 : f32
      %add3A_433 = vector.broadcast %add3A_432 : f32 to vector<16xf32>
      %add3A_434 = arith.addf %mul3A_431, %add3A_433 : vector<16xf32>
      %bitcast_convert_type3A_435 = tpu.bitcast %add3A_434 : vector<16xf32> -> vector<16xi32>
      %add3A_436 = arith.constant -1258219775 : i32
      %add3A_437 = vector.broadcast %add3A_436 : i32 to vector<16xi32>
      %add3A_438 = arith.addi %bitcast_convert_type3A_435, %add3A_437 : vector<16xi32>
      %sub3A_439 = arith.constant 0x4B000080 : f32
      %sub3A_440 = vector.broadcast %sub3A_439 : f32 to vector<16xf32>
      %sub3A_441 = arith.subf %add3A_434, %sub3A_440 : vector<16xf32>
      %gt3A_442 = arith.cmpf ogt, %mul3A_431, %sub3A_441 : vector<16xf32>
      %add3A_443 = arith.constant 1 : i32
      %add3A_444 = vector.broadcast %add3A_443 : i32 to vector<16xi32>
      %add3A_445 = arith.addi %add3A_438, %add3A_444 : vector<16xi32>
      %select_n3A_446 = arith.select %gt3A_442, %add3A_445, %add3A_438 : vector<16xi1>, vector<16xi32>
      %max3A_447 = arith.constant 71426 : i32
      %max3A_448 = vector.broadcast %max3A_447 : i32 to vector<16xi32>
      %max3A_449 = arith.maxsi %select_n3A_446, %max3A_448 : vector<16xi32>
      %min3A_450 = arith.constant 71681 : i32
      %min3A_451 = vector.broadcast %min3A_450 : i32 to vector<16xi32>
      %min3A_452 = arith.minsi %max3A_449, %min3A_451 : vector<16xi32>
      %swap3A_453 = arith.constant 6 : i32
      %swap3A_454 = arith.index_cast %swap3A_453 : i32 to index
      %swap3A_455 = arith.index_cast %mul3A_214 : i32 to index
      %swap3A_456 = tpu.vector_load %arg4[%swap3A_454, %swap3A_455] {strides = array<i32>} : memref<7x4096xi32, #tpu.memory_space<vmem>>, vector<1x16xi32>,
      %swap3A_457 = vector.shape_cast %swap3A_456 : vector<1x16xi32> to vector<16xi32>
      %swap3A_458 = vector.shape_cast %min3A_452 : vector<16xi32> to vector<1x16xi32>
      tpu.vector_store %arg4[%swap3A_454, %swap3A_455], %swap3A_458 {strides = array<i32>} : memref<7x4096xi32, #tpu.memory_space<vmem>>, vector<1x16xi32>,
      %mul3A_459 = arith.constant 2 : i32
      %mul3A_460 = arith.muli %scan3A_208, %mul3A_459 : i32
      %add3A_461 = arith.constant 1 : i32
      %add3A_462 = arith.addi %mul3A_460, %add3A_461 : i32
      %mul3A_463 = arith.constant 16 : i32
      %mul3A_464 = arith.muli %add3A_462, %mul3A_463 : i32
      %get3A_465 = arith.constant 0 : i32
      %get3A_466 = arith.index_cast %get3A_465 : i32 to index
      %get3A_467 = arith.index_cast %mul3A_464 : i32 to index
      %get3A_468 = tpu.vector_load %arg4[%get3A_466, %get3A_467] {strides = array<i32>} : memref<7x4096xi32, #tpu.memory_space<vmem>>, vector<1x16xi32>,
      %get3A_469 = vector.shape_cast %get3A_468 : vector<1x16xi32> to vector<16xi32>
      %bitcast_convert_type3A_470 = tpu.bitcast %get3A_469 : vector<16xi32> -> vector<16xf32>
      %mul3A_471 = arith.constant 1.280000e+02 : f32
      %mul3A_472 = vector.broadcast %mul3A_471 : f32 to vector<16xf32>
      %mul3A_473 = arith.mulf %bitcast_convert_type3A_470, %mul3A_472 : vector<16xf32>
      %add3A_474 = arith.constant 0x4B000080 : f32
      %add3A_475 = vector.broadcast %add3A_474 : f32 to vector<16xf32>
      %add3A_476 = arith.addf %mul3A_473, %add3A_475 : vector<16xf32>
      %bitcast_convert_type3A_477 = tpu.bitcast %add3A_476 : vector<16xf32> -> vector<16xi32>
      %add3A_478 = arith.constant -1258241201 : i32
      %add3A_479 = vector.broadcast %add3A_478 : i32 to vector<16xi32>
      %add3A_480 = arith.addi %bitcast_convert_type3A_477, %add3A_479 : vector<16xi32>
      %sub3A_481 = arith.constant 0x4B000080 : f32
      %sub3A_482 = vector.broadcast %sub3A_481 : f32 to vector<16xf32>
      %sub3A_483 = arith.subf %add3A_476, %sub3A_482 : vector<16xf32>
      %gt3A_484 = arith.cmpf ogt, %mul3A_473, %sub3A_483 : vector<16xf32>
      %add3A_485 = arith.constant 1 : i32
      %add3A_486 = vector.broadcast %add3A_485 : i32 to vector<16xi32>
      %add3A_487 = arith.addi %add3A_480, %add3A_486 : vector<16xi32>
      %select_n3A_488 = arith.select %gt3A_484, %add3A_487, %add3A_480 : vector<16xi1>, vector<16xi32>
      %max3A_489 = arith.constant 50000 : i32
      %max3A_490 = vector.broadcast %max3A_489 : i32 to vector<16xi32>
      %max3A_491 = arith.maxsi %select_n3A_488, %max3A_490 : vector<16xi32>
      %min3A_492 = arith.constant 50255 : i32
      %min3A_493 = vector.broadcast %min3A_492 : i32 to vector<16xi32>
      %min3A_494 = arith.minsi %max3A_491, %min3A_493 : vector<16xi32>
      %swap3A_495 = arith.constant 0 : i32
      %swap3A_496 = arith.index_cast %swap3A_495 : i32 to index
      %swap3A_497 = arith.index_cast %mul3A_464 : i32 to index
      %swap3A_498 = tpu.vector_load %arg4[%swap3A_496, %swap3A_497] {strides = array<i32>} : memref<7x4096xi32, #tpu.memory_space<vmem>>, vector<1x16xi32>,
      %swap3A_499 = vector.shape_cast %swap3A_498 : vector<1x16xi32> to vector<16xi32>
      %swap3A_500 = vector.shape_cast %min3A_494 : vector<16xi32> to vector<1x16xi32>
      tpu.vector_store %arg4[%swap3A_496, %swap3A_497], %swap3A_500 {strides = array<i32>} : memref<7x4096xi32, #tpu.memory_space<vmem>>, vector<1x16xi32>,
      %get3A_501 = arith.constant 1 : i32
      %get3A_502 = arith.index_cast %get3A_501 : i32 to index
      %get3A_503 = arith.index_cast %mul3A_464 : i32 to index
      %get3A_504 = tpu.vector_load %arg4[%get3A_502, %get3A_503] {strides = array<i32>} : memref<7x4096xi32, #tpu.memory_space<vmem>>, vector<1x16xi32>,
      %get3A_505 = vector.shape_cast %get3A_504 : vector<1x16xi32> to vector<16xi32>
      %bitcast_convert_type3A_506 = tpu.bitcast %get3A_505 : vector<16xi32> -> vector<16xf32>
      %mul3A_507 = arith.constant 1.280000e+02 : f32
      %mul3A_508 = vector.broadcast %mul3A_507 : f32 to vector<16xf32>
      %mul3A_509 = arith.mulf %bitcast_convert_type3A_506, %mul3A_508 : vector<16xf32>
      %add3A_510 = arith.constant 0x4B000080 : f32
      %add3A_511 = vector.broadcast %add3A_510 : f32 to vector<16xf32>
      %add3A_512 = arith.addf %mul3A_509, %add3A_511 : vector<16xf32>
      %bitcast_convert_type3A_513 = tpu.bitcast %add3A_512 : vector<16xf32> -> vector<16xi32>
      %add3A_514 = arith.constant -1258237630 : i32
      %add3A_515 = vector.broadcast %add3A_514 : i32 to vector<16xi32>
      %add3A_516 = arith.addi %bitcast_convert_type3A_513, %add3A_515 : vector<16xi32>
      %sub3A_517 = arith.constant 0x4B000080 : f32
      %sub3A_518 = vector.broadcast %sub3A_517 : f32 to vector<16xf32>
      %sub3A_519 = arith.subf %add3A_512, %sub3A_518 : vector<16xf32>
      %gt3A_520 = arith.cmpf ogt, %mul3A_509, %sub3A_519 : vector<16xf32>
      %add3A_521 = arith.constant 1 : i32
      %add3A_522 = vector.broadcast %add3A_521 : i32 to vector<16xi32>
      %add3A_523 = arith.addi %add3A_516, %add3A_522 : vector<16xi32>
      %select_n3A_524 = arith.select %gt3A_520, %add3A_523, %add3A_516 : vector<16xi1>, vector<16xi32>
      %max3A_525 = arith.constant 53571 : i32
      %max3A_526 = vector.broadcast %max3A_525 : i32 to vector<16xi32>
      %max3A_527 = arith.maxsi %select_n3A_524, %max3A_526 : vector<16xi32>
      %min3A_528 = arith.constant 53826 : i32
      %min3A_529 = vector.broadcast %min3A_528 : i32 to vector<16xi32>
      %min3A_530 = arith.minsi %max3A_527, %min3A_529 : vector<16xi32>
      %swap3A_531 = arith.constant 1 : i32
      %swap3A_532 = arith.index_cast %swap3A_531 : i32 to index
      %swap3A_533 = arith.index_cast %mul3A_464 : i32 to index
      %swap3A_534 = tpu.vector_load %arg4[%swap3A_532, %swap3A_533] {strides = array<i32>} : memref<7x4096xi32, #tpu.memory_space<vmem>>, vector<1x16xi32>,
      %swap3A_535 = vector.shape_cast %swap3A_534 : vector<1x16xi32> to vector<16xi32>
      %swap3A_536 = vector.shape_cast %min3A_530 : vector<16xi32> to vector<1x16xi32>
      tpu.vector_store %arg4[%swap3A_532, %swap3A_533], %swap3A_536 {strides = array<i32>} : memref<7x4096xi32, #tpu.memory_space<vmem>>, vector<1x16xi32>,
      %get3A_537 = arith.constant 2 : i32
      %get3A_538 = arith.index_cast %get3A_537 : i32 to index
      %get3A_539 = arith.index_cast %mul3A_464 : i32 to index
      %get3A_540 = tpu.vector_load %arg4[%get3A_538, %get3A_539] {strides = array<i32>} : memref<7x4096xi32, #tpu.memory_space<vmem>>, vector<1x16xi32>,
      %get3A_541 = vector.shape_cast %get3A_540 : vector<1x16xi32> to vector<16xi32>
      %bitcast_convert_type3A_542 = tpu.bitcast %get3A_541 : vector<16xi32> -> vector<16xf32>
      %mul3A_543 = arith.constant 1.280000e+02 : f32
      %mul3A_544 = vector.broadcast %mul3A_543 : f32 to vector<16xf32>
      %mul3A_545 = arith.mulf %bitcast_convert_type3A_542, %mul3A_544 : vector<16xf32>
      %add3A_546 = arith.constant 0x4B000080 : f32
      %add3A_547 = vector.broadcast %add3A_546 : f32 to vector<16xf32>
      %add3A_548 = arith.addf %mul3A_545, %add3A_547 : vector<16xf32>
      %bitcast_convert_type3A_549 = tpu.bitcast %add3A_548 : vector<16xf32> -> vector<16xi32>
      %add3A_550 = arith.constant -1258234059 : i32
      %add3A_551 = vector.broadcast %add3A_550 : i32 to vector<16xi32>
      %add3A_552 = arith.addi %bitcast_convert_type3A_549, %add3A_551 : vector<16xi32>
      %sub3A_553 = arith.constant 0x4B000080 : f32
      %sub3A_554 = vector.broadcast %sub3A_553 : f32 to vector<16xf32>
      %sub3A_555 = arith.subf %add3A_548, %sub3A_554 : vector<16xf32>
      %gt3A_556 = arith.cmpf ogt, %mul3A_545, %sub3A_555 : vector<16xf32>
      %add3A_557 = arith.constant 1 : i32
      %add3A_558 = vector.broadcast %add3A_557 : i32 to vector<16xi32>
      %add3A_559 = arith.addi %add3A_552, %add3A_558 : vector<16xi32>
      %select_n3A_560 = arith.select %gt3A_556, %add3A_559, %add3A_552 : vector<16xi1>, vector<16xi32>
      %max3A_561 = arith.constant 57142 : i32
      %max3A_562 = vector.broadcast %max3A_561 : i32 to vector<16xi32>
      %max3A_563 = arith.maxsi %select_n3A_560, %max3A_562 : vector<16xi32>
      %min3A_564 = arith.constant 57397 : i32
      %min3A_565 = vector.broadcast %min3A_564 : i32 to vector<16xi32>
      %min3A_566 = arith.minsi %max3A_563, %min3A_565 : vector<16xi32>
      %swap3A_567 = arith.constant 2 : i32
      %swap3A_568 = arith.index_cast %swap3A_567 : i32 to index
      %swap3A_569 = arith.index_cast %mul3A_464 : i32 to index
      %swap3A_570 = tpu.vector_load %arg4[%swap3A_568, %swap3A_569] {strides = array<i32>} : memref<7x4096xi32, #tpu.memory_space<vmem>>, vector<1x16xi32>,
      %swap3A_571 = vector.shape_cast %swap3A_570 : vector<1x16xi32> to vector<16xi32>
      %swap3A_572 = vector.shape_cast %min3A_566 : vector<16xi32> to vector<1x16xi32>
      tpu.vector_store %arg4[%swap3A_568, %swap3A_569], %swap3A_572 {strides = array<i32>} : memref<7x4096xi32, #tpu.memory_space<vmem>>, vector<1x16xi32>,
      %get3A_573 = arith.constant 3 : i32
      %get3A_574 = arith.index_cast %get3A_573 : i32 to index
      %get3A_575 = arith.index_cast %mul3A_464 : i32 to index
      %get3A_576 = tpu.vector_load %arg4[%get3A_574, %get3A_575] {strides = array<i32>} : memref<7x4096xi32, #tpu.memory_space<vmem>>, vector<1x16xi32>,
      %get3A_577 = vector.shape_cast %get3A_576 : vector<1x16xi32> to vector<16xi32>
      %bitcast_convert_type3A_578 = tpu.bitcast %get3A_577 : vector<16xi32> -> vector<16xf32>
      %mul3A_579 = arith.constant 1.280000e+02 : f32
      %mul3A_580 = vector.broadcast %mul3A_579 : f32 to vector<16xf32>
      %mul3A_581 = arith.mulf %bitcast_convert_type3A_578, %mul3A_580 : vector<16xf32>
      %add3A_582 = arith.constant 0x4B000080 : f32
      %add3A_583 = vector.broadcast %add3A_582 : f32 to vector<16xf32>
      %add3A_584 = arith.addf %mul3A_581, %add3A_583 : vector<16xf32>
      %bitcast_convert_type3A_585 = tpu.bitcast %add3A_584 : vector<16xf32> -> vector<16xi32>
      %add3A_586 = arith.constant -1258230488 : i32
      %add3A_587 = vector.broadcast %add3A_586 : i32 to vector<16xi32>
      %add3A_588 = arith.addi %bitcast_convert_type3A_585, %add3A_587 : vector<16xi32>
      %sub3A_589 = arith.constant 0x4B000080 : f32
      %sub3A_590 = vector.broadcast %sub3A_589 : f32 to vector<16xf32>
      %sub3A_591 = arith.subf %add3A_584, %sub3A_590 : vector<16xf32>
      %gt3A_592 = arith.cmpf ogt, %mul3A_581, %sub3A_591 : vector<16xf32>
      %add3A_593 = arith.constant 1 : i32
      %add3A_594 = vector.broadcast %add3A_593 : i32 to vector<16xi32>
      %add3A_595 = arith.addi %add3A_588, %add3A_594 : vector<16xi32>
      %select_n3A_596 = arith.select %gt3A_592, %add3A_595, %add3A_588 : vector<16xi1>, vector<16xi32>
      %max3A_597 = arith.constant 60713 : i32
      %max3A_598 = vector.broadcast %max3A_597 : i32 to vector<16xi32>
      %max3A_599 = arith.maxsi %select_n3A_596, %max3A_598 : vector<16xi32>
      %min3A_600 = arith.constant 60968 : i32
      %min3A_601 = vector.broadcast %min3A_600 : i32 to vector<16xi32>
      %min3A_602 = arith.minsi %max3A_599, %min3A_601 : vector<16xi32>
      %swap3A_603 = arith.constant 3 : i32
      %swap3A_604 = arith.index_cast %swap3A_603 : i32 to index
      %swap3A_605 = arith.index_cast %mul3A_464 : i32 to index
      %swap3A_606 = tpu.vector_load %arg4[%swap3A_604, %swap3A_605] {strides = array<i32>} : memref<7x4096xi32, #tpu.memory_space<vmem>>, vector<1x16xi32>,
      %swap3A_607 = vector.shape_cast %swap3A_606 : vector<1x16xi32> to vector<16xi32>
      %swap3A_608 = vector.shape_cast %min3A_602 : vector<16xi32> to vector<1x16xi32>
      tpu.vector_store %arg4[%swap3A_604, %swap3A_605], %swap3A_608 {strides = array<i32>} : memref<7x4096xi32, #tpu.memory_space<vmem>>, vector<1x16xi32>,
      %get3A_609 = arith.constant 4 : i32
      %get3A_610 = arith.index_cast %get3A_609 : i32 to index
      %get3A_611 = arith.index_cast %mul3A_464 : i32 to index
      %get3A_612 = tpu.vector_load %arg4[%get3A_610, %get3A_611] {strides = array<i32>} : memref<7x4096xi32, #tpu.memory_space<vmem>>, vector<1x16xi32>,
      %get3A_613 = vector.shape_cast %get3A_612 : vector<1x16xi32> to vector<16xi32>
      %bitcast_convert_type3A_614 = tpu.bitcast %get3A_613 : vector<16xi32> -> vector<16xf32>
      %mul3A_615 = arith.constant 1.280000e+02 : f32
      %mul3A_616 = vector.broadcast %mul3A_615 : f32 to vector<16xf32>
      %mul3A_617 = arith.mulf %bitcast_convert_type3A_614, %mul3A_616 : vector<16xf32>
      %add3A_618 = arith.constant 0x4B000080 : f32
      %add3A_619 = vector.broadcast %add3A_618 : f32 to vector<16xf32>
      %add3A_620 = arith.addf %mul3A_617, %add3A_619 : vector<16xf32>
      %bitcast_convert_type3A_621 = tpu.bitcast %add3A_620 : vector<16xf32> -> vector<16xi32>
      %add3A_622 = arith.constant -1258226917 : i32
      %add3A_623 = vector.broadcast %add3A_622 : i32 to vector<16xi32>
      %add3A_624 = arith.addi %bitcast_convert_type3A_621, %add3A_623 : vector<16xi32>
      %sub3A_625 = arith.constant 0x4B000080 : f32
      %sub3A_626 = vector.broadcast %sub3A_625 : f32 to vector<16xf32>
      %sub3A_627 = arith.subf %add3A_620, %sub3A_626 : vector<16xf32>
      %gt3A_628 = arith.cmpf ogt, %mul3A_617, %sub3A_627 : vector<16xf32>
      %add3A_629 = arith.constant 1 : i32
      %add3A_630 = vector.broadcast %add3A_629 : i32 to vector<16xi32>
      %add3A_631 = arith.addi %add3A_624, %add3A_630 : vector<16xi32>
      %select_n3A_632 = arith.select %gt3A_628, %add3A_631, %add3A_624 : vector<16xi1>, vector<16xi32>
      %max3A_633 = arith.constant 64284 : i32
      %max3A_634 = vector.broadcast %max3A_633 : i32 to vector<16xi32>
      %max3A_635 = arith.maxsi %select_n3A_632, %max3A_634 : vector<16xi32>
      %min3A_636 = arith.constant 64539 : i32
      %min3A_637 = vector.broadcast %min3A_636 : i32 to vector<16xi32>
      %min3A_638 = arith.minsi %max3A_635, %min3A_637 : vector<16xi32>
      %swap3A_639 = arith.constant 4 : i32
      %swap3A_640 = arith.index_cast %swap3A_639 : i32 to index
      %swap3A_641 = arith.index_cast %mul3A_464 : i32 to index
      %swap3A_642 = tpu.vector_load %arg4[%swap3A_640, %swap3A_641] {strides = array<i32>} : memref<7x4096xi32, #tpu.memory_space<vmem>>, vector<1x16xi32>,
      %swap3A_643 = vector.shape_cast %swap3A_642 : vector<1x16xi32> to vector<16xi32>
      %swap3A_644 = vector.shape_cast %min3A_638 : vector<16xi32> to vector<1x16xi32>
      tpu.vector_store %arg4[%swap3A_640, %swap3A_641], %swap3A_644 {strides = array<i32>} : memref<7x4096xi32, #tpu.memory_space<vmem>>, vector<1x16xi32>,
      %get3A_645 = arith.constant 5 : i32
      %get3A_646 = arith.index_cast %get3A_645 : i32 to index
      %get3A_647 = arith.index_cast %mul3A_464 : i32 to index
      %get3A_648 = tpu.vector_load %arg4[%get3A_646, %get3A_647] {strides = array<i32>} : memref<7x4096xi32, #tpu.memory_space<vmem>>, vector<1x16xi32>,
      %get3A_649 = vector.shape_cast %get3A_648 : vector<1x16xi32> to vector<16xi32>
      %bitcast_convert_type3A_650 = tpu.bitcast %get3A_649 : vector<16xi32> -> vector<16xf32>
      %mul3A_651 = arith.constant 1.280000e+02 : f32
      %mul3A_652 = vector.broadcast %mul3A_651 : f32 to vector<16xf32>
      %mul3A_653 = arith.mulf %bitcast_convert_type3A_650, %mul3A_652 : vector<16xf32>
      %add3A_654 = arith.constant 0x4B000080 : f32
      %add3A_655 = vector.broadcast %add3A_654 : f32 to vector<16xf32>
      %add3A_656 = arith.addf %mul3A_653, %add3A_655 : vector<16xf32>
      %bitcast_convert_type3A_657 = tpu.bitcast %add3A_656 : vector<16xf32> -> vector<16xi32>
      %add3A_658 = arith.constant -1258223346 : i32
      %add3A_659 = vector.broadcast %add3A_658 : i32 to vector<16xi32>
      %add3A_660 = arith.addi %bitcast_convert_type3A_657, %add3A_659 : vector<16xi32>
      %sub3A_661 = arith.constant 0x4B000080 : f32
      %sub3A_662 = vector.broadcast %sub3A_661 : f32 to vector<16xf32>
      %sub3A_663 = arith.subf %add3A_656, %sub3A_662 : vector<16xf32>
      %gt3A_664 = arith.cmpf ogt, %mul3A_653, %sub3A_663 : vector<16xf32>
      %add3A_665 = arith.constant 1 : i32
      %add3A_666 = vector.broadcast %add3A_665 : i32 to vector<16xi32>
      %add3A_667 = arith.addi %add3A_660, %add3A_666 : vector<16xi32>
      %select_n3A_668 = arith.select %gt3A_664, %add3A_667, %add3A_660 : vector<16xi1>, vector<16xi32>
      %max3A_669 = arith.constant 67855 : i32
      %max3A_670 = vector.broadcast %max3A_669 : i32 to vector<16xi32>
      %max3A_671 = arith.maxsi %select_n3A_668, %max3A_670 : vector<16xi32>
      %min3A_672 = arith.constant 68110 : i32
      %min3A_673 = vector.broadcast %min3A_672 : i32 to vector<16xi32>
      %min3A_674 = arith.minsi %max3A_671, %min3A_673 : vector<16xi32>
      %swap3A_675 = arith.constant 5 : i32
      %swap3A_676 = arith.index_cast %swap3A_675 : i32 to index
      %swap3A_677 = arith.index_cast %mul3A_464 : i32 to index
      %swap3A_678 = tpu.vector_load %arg4[%swap3A_676, %swap3A_677] {strides = array<i32>} : memref<7x4096xi32, #tpu.memory_space<vmem>>, vector<1x16xi32>,
      %swap3A_679 = vector.shape_cast %swap3A_678 : vector<1x16xi32> to vector<16xi32>
      %swap3A_680 = vector.shape_cast %min3A_674 : vector<16xi32> to vector<1x16xi32>
      tpu.vector_store %arg4[%swap3A_676, %swap3A_677], %swap3A_680 {strides = array<i32>} : memref<7x4096xi32, #tpu.memory_space<vmem>>, vector<1x16xi32>,
      %get3A_681 = arith.constant 6 : i32
      %get3A_682 = arith.index_cast %get3A_681 : i32 to index
      %get3A_683 = arith.index_cast %mul3A_464 : i32 to index
      %get3A_684 = tpu.vector_load %arg4[%get3A_682, %get3A_683] {strides = array<i32>} : memref<7x4096xi32, #tpu.memory_space<vmem>>, vector<1x16xi32>,
      %get3A_685 = vector.shape_cast %get3A_684 : vector<1x16xi32> to vector<16xi32>
      %bitcast_convert_type3A_686 = tpu.bitcast %get3A_685 : vector<16xi32> -> vector<16xf32>
      %mul3A_687 = arith.constant 1.280000e+02 : f32
      %mul3A_688 = vector.broadcast %mul3A_687 : f32 to vector<16xf32>
      %mul3A_689 = arith.mulf %bitcast_convert_type3A_686, %mul3A_688 : vector<16xf32>
      %add3A_690 = arith.constant 0x4B000080 : f32
      %add3A_691 = vector.broadcast %add3A_690 : f32 to vector<16xf32>
      %add3A_692 = arith.addf %mul3A_689, %add3A_691 : vector<16xf32>
      %bitcast_convert_type3A_693 = tpu.bitcast %add3A_692 : vector<16xf32> -> vector<16xi32>
      %add3A_694 = arith.constant -1258219775 : i32
      %add3A_695 = vector.broadcast %add3A_694 : i32 to vector<16xi32>
      %add3A_696 = arith.addi %bitcast_convert_type3A_693, %add3A_695 : vector<16xi32>
      %sub3A_697 = arith.constant 0x4B000080 : f32
      %sub3A_698 = vector.broadcast %sub3A_697 : f32 to vector<16xf32>
      %sub3A_699 = arith.subf %add3A_692, %sub3A_698 : vector<16xf32>
      %gt3A_700 = arith.cmpf ogt, %mul3A_689, %sub3A_699 : vector<16xf32>
      %add3A_701 = arith.constant 1 : i32
      %add3A_702 = vector.broadcast %add3A_701 : i32 to vector<16xi32>
      %add3A_703 = arith.addi %add3A_696, %add3A_702 : vector<16xi32>
      %select_n3A_704 = arith.select %gt3A_700, %add3A_703, %add3A_696 : vector<16xi1>, vector<16xi32>
      %max3A_705 = arith.constant 71426 : i32
      %max3A_706 = vector.broadcast %max3A_705 : i32 to vector<16xi32>
      %max3A_707 = arith.maxsi %select_n3A_704, %max3A_706 : vector<16xi32>
      %min3A_708 = arith.constant 71681 : i32
      %min3A_709 = vector.broadcast %min3A_708 : i32 to vector<16xi32>
      %min3A_710 = arith.minsi %max3A_707, %min3A_709 : vector<16xi32>
      %swap3A_711 = arith.constant 6 : i32
      %swap3A_712 = arith.index_cast %swap3A_711 : i32 to index
      %swap3A_713 = arith.index_cast %mul3A_464 : i32 to index
      %swap3A_714 = tpu.vector_load %arg4[%swap3A_712, %swap3A_713] {strides = array<i32>} : memref<7x4096xi32, #tpu.memory_space<vmem>>, vector<1x16xi32>,
      %swap3A_715 = vector.shape_cast %swap3A_714 : vector<1x16xi32> to vector<16xi32>
      %swap3A_716 = vector.shape_cast %min3A_710 : vector<16xi32> to vector<1x16xi32>
      tpu.vector_store %arg4[%swap3A_712, %swap3A_713], %swap3A_716 {strides = array<i32>} : memref<7x4096xi32, #tpu.memory_space<vmem>>, vector<1x16xi32>,
    }
    %scan3A_69 = arith.constant 128 : i32
    %add3A_70 = arith.constant 8192 : i32
    %add3A_71 = arith.addi %mul3A_2, %add3A_70 : i32
    %dma_start3A_72 = arith.constant 0 : i32
    %dma_start3A_73 = tpu.memref_slice %arg3[%dma_start3A_72, %add3A_71] : memref<7x1048576xi32, #tpu.memory_space<hbm>> -> memref<7x4096xi32, #tpu.memory_space<hbm>>
    %dma_start3A_74 = arith.constant 0 : i32
    %dma_start3A_75 = tpu.memref_slice %arg3[%dma_start3A_74, %add3A_71] : memref<7x1048576xi32, #tpu.memory_space<hbm>> -> memref<7x4096xi32, #tpu.memory_space<hbm>>
    tpu.enqueue_dma source(%arg4 : memref<7x4096xi32, #tpu.memory_space<vmem>>) target(%dma_start3A_75 : memref<7x4096xi32, #tpu.memory_space<hbm>>) target_semaphore(%arg8 : memref<!tpu.dma_semaphore, #tpu.memory_space<semaphore_mem>>)
    %dma_wait3A_76 = arith.constant 0 : i32
    %dma_wait3A_77 = tpu.memref_slice %arg3[%dma_wait3A_76, %add3A_45] : memref<7x1048576xi32, #tpu.memory_space<hbm>> -> memref<7x4096xi32, #tpu.memory_space<hbm>>
    %dma_wait3A_78 = arith.constant 0 : i32
    %dma_wait3A_79 = tpu.memref_slice %arg3[%dma_wait3A_78, %add3A_45] : memref<7x1048576xi32, #tpu.memory_space<hbm>> -> memref<7x4096xi32, #tpu.memory_space<hbm>>
    tpu.wait_dma2 semaphore(%arg9 : memref<!tpu.dma_semaphore, #tpu.memory_space<semaphore_mem>>) src(%arg5 : memref<7x4096xi32, #tpu.memory_space<vmem>>) dst(%dma_wait3A_79 : memref<7x4096xi32, #tpu.memory_space<hbm>>)
    %dma_wait3A_80 = arith.constant 0 : i32
    %dma_wait3A_81 = tpu.memref_slice %arg2[%dma_wait3A_80, %add3A_59] : memref<7x1048576xi32, #tpu.memory_space<hbm>> -> memref<7x4096xi32, #tpu.memory_space<hbm>>
    %dma_wait3A_82 = arith.constant 0 : i32
    %dma_wait3A_83 = tpu.memref_slice %arg2[%dma_wait3A_82, %add3A_59] : memref<7x1048576xi32, #tpu.memory_space<hbm>> -> memref<7x4096xi32, #tpu.memory_space<hbm>>
    tpu.wait_dma2 semaphore(%arg7 : memref<!tpu.dma_semaphore, #tpu.memory_space<semaphore_mem>>) src(%dma_wait3A_83 : memref<7x4096xi32, #tpu.memory_space<hbm>>) dst(%arg5 : memref<7x4096xi32, #tpu.memory_space<vmem>>)
    %add3A_84 = arith.constant 16384 : i32
    %add3A_85 = arith.addi %mul3A_2, %add3A_84 : i32
    %dma_start3A_86 = arith.constant 0 : i32
    %dma_start3A_87 = tpu.memref_slice %arg2[%dma_start3A_86, %add3A_85] : memref<7x1048576xi32, #tpu.memory_space<hbm>> -> memref<7x4096xi32, #tpu.memory_space<hbm>>
    %dma_start3A_88 = arith.constant 0 : i32
    %dma_start3A_89 = tpu.memref_slice %arg2[%dma_start3A_88, %add3A_85] : memref<7x1048576xi32, #tpu.memory_space<hbm>> -> memref<7x4096xi32, #tpu.memory_space<hbm>>
    tpu.enqueue_dma source(%dma_start3A_89 : memref<7x4096xi32, #tpu.memory_space<hbm>>) target(%arg4 : memref<7x4096xi32, #tpu.memory_space<vmem>>) target_semaphore(%arg6 : memref<!tpu.dma_semaphore, #tpu.memory_space<semaphore_mem>>)
    %scan3A_90 = arith.constant 0 : i32
    %scan3A_91 = arith.constant 0 : i32
    %scan3A_92 = arith.constant 128 : i32
    %scan3A_93 = arith.addi %scan3A_91, %scan3A_92 : i32
    %scan3A_94 = arith.constant 1 : i32
    scf.for %scan3A_208 = %scan3A_91 to %scan3A_93 step %scan3A_94  : i32 {
      %mul3A_209 = arith.constant 2 : i32
      %mul3A_210 = arith.muli %scan3A_208, %mul3A_209 : i32
      %add3A_211 = arith.constant 0 : i32
      %add3A_212 = arith.addi %mul3A_210, %add3A_211 : i32
      %mul3A_213 = arith.constant 16 : i32
      %mul3A_214 = arith.muli %add3A_212, %mul3A_213 : i32
      %get3A = arith.constant 0 : i32
      %get3A_215 = arith.index_cast %get3A : i32 to index
      %get3A_216 = arith.index_cast %mul3A_214 : i32 to index
      %get3A_217 = tpu.vector_load %arg5[%get3A_215, %get3A_216] {strides = array<i32>} : memref<7x4096xi32, #tpu.memory_space<vmem>>, vector<1x16xi32>,
      %get3A_218 = vector.shape_cast %get3A_217 : vector<1x16xi32> to vector<16xi32>
      %bitcast_convert_type3A = tpu.bitcast %get3A_218 : vector<16xi32> -> vector<16xf32>
      %mul3A_219 = arith.constant 1.280000e+02 : f32
      %mul3A_220 = vector.broadcast %mul3A_219 : f32 to vector<16xf32>
      %mul3A_221 = arith.mulf %bitcast_convert_type3A, %mul3A_220 : vector<16xf32>
      %add3A_222 = arith.constant 0x4B000080 : f32
      %add3A_223 = vector.broadcast %add3A_222 : f32 to vector<16xf32>
      %add3A_224 = arith.addf %mul3A_221, %add3A_223 : vector<16xf32>
      %bitcast_convert_type3A_225 = tpu.bitcast %add3A_224 : vector<16xf32> -> vector<16xi32>
      %add3A_226 = arith.constant -1258241201 : i32
      %add3A_227 = vector.broadcast %add3A_226 : i32 to vector<16xi32>
      %add3A_228 = arith.addi %bitcast_convert_type3A_225, %add3A_227 : vector<16xi32>
      %sub3A = arith.constant 0x4B000080 : f32
      %sub3A_229 = vector.broadcast %sub3A : f32 to vector<16xf32>
      %sub3A_230 = arith.subf %add3A_224, %sub3A_229 : vector<16xf32>
      %gt3A = arith.cmpf ogt, %mul3A_221, %sub3A_230 : vector<16xf32>
      %add3A_231 = arith.constant 1 : i32
      %add3A_232 = vector.broadcast %add3A_231 : i32 to vector<16xi32>
      %add3A_233 = arith.addi %add3A_228, %add3A_232 : vector<16xi32>
      %select_n3A = arith.select %gt3A, %add3A_233, %add3A_228 : vector<16xi1>, vector<16xi32>
      %max3A = arith.constant 50000 : i32
      %max3A_234 = vector.broadcast %max3A : i32 to vector<16xi32>
      %max3A_235 = arith.maxsi %select_n3A, %max3A_234 : vector<16xi32>
      %min3A = arith.constant 50255 : i32
      %min3A_236 = vector.broadcast %min3A : i32 to vector<16xi32>
      %min3A_237 = arith.minsi %max3A_235, %min3A_236 : vector<16xi32>
      %swap3A = arith.constant 0 : i32
      %swap3A_238 = arith.index_cast %swap3A : i32 to index
      %swap3A_239 = arith.index_cast %mul3A_214 : i32 to index
      %swap3A_240 = tpu.vector_load %arg5[%swap3A_238, %swap3A_239] {strides = array<i32>} : memref<7x4096xi32, #tpu.memory_space<vmem>>, vector<1x16xi32>,
      %swap3A_241 = vector.shape_cast %swap3A_240 : vector<1x16xi32> to vector<16xi32>
      %swap3A_242 = vector.shape_cast %min3A_237 : vector<16xi32> to vector<1x16xi32>
      tpu.vector_store %arg5[%swap3A_238, %swap3A_239], %swap3A_242 {strides = array<i32>} : memref<7x4096xi32, #tpu.memory_space<vmem>>, vector<1x16xi32>,
      %get3A_243 = arith.constant 1 : i32
      %get3A_244 = arith.index_cast %get3A_243 : i32 to index
      %get3A_245 = arith.index_cast %mul3A_214 : i32 to index
      %get3A_246 = tpu.vector_load %arg5[%get3A_244, %get3A_245] {strides = array<i32>} : memref<7x4096xi32, #tpu.memory_space<vmem>>, vector<1x16xi32>,
      %get3A_247 = vector.shape_cast %get3A_246 : vector<1x16xi32> to vector<16xi32>
      %bitcast_convert_type3A_248 = tpu.bitcast %get3A_247 : vector<16xi32> -> vector<16xf32>
      %mul3A_249 = arith.constant 1.280000e+02 : f32
      %mul3A_250 = vector.broadcast %mul3A_249 : f32 to vector<16xf32>
      %mul3A_251 = arith.mulf %bitcast_convert_type3A_248, %mul3A_250 : vector<16xf32>
      %add3A_252 = arith.constant 0x4B000080 : f32
      %add3A_253 = vector.broadcast %add3A_252 : f32 to vector<16xf32>
      %add3A_254 = arith.addf %mul3A_251, %add3A_253 : vector<16xf32>
      %bitcast_convert_type3A_255 = tpu.bitcast %add3A_254 : vector<16xf32> -> vector<16xi32>
      %add3A_256 = arith.constant -1258237630 : i32
      %add3A_257 = vector.broadcast %add3A_256 : i32 to vector<16xi32>
      %add3A_258 = arith.addi %bitcast_convert_type3A_255, %add3A_257 : vector<16xi32>
      %sub3A_259 = arith.constant 0x4B000080 : f32
      %sub3A_260 = vector.broadcast %sub3A_259 : f32 to vector<16xf32>
      %sub3A_261 = arith.subf %add3A_254, %sub3A_260 : vector<16xf32>
      %gt3A_262 = arith.cmpf ogt, %mul3A_251, %sub3A_261 : vector<16xf32>
      %add3A_263 = arith.constant 1 : i32
      %add3A_264 = vector.broadcast %add3A_263 : i32 to vector<16xi32>
      %add3A_265 = arith.addi %add3A_258, %add3A_264 : vector<16xi32>
      %select_n3A_266 = arith.select %gt3A_262, %add3A_265, %add3A_258 : vector<16xi1>, vector<16xi32>
      %max3A_267 = arith.constant 53571 : i32
      %max3A_268 = vector.broadcast %max3A_267 : i32 to vector<16xi32>
      %max3A_269 = arith.maxsi %select_n3A_266, %max3A_268 : vector<16xi32>
      %min3A_270 = arith.constant 53826 : i32
      %min3A_271 = vector.broadcast %min3A_270 : i32 to vector<16xi32>
      %min3A_272 = arith.minsi %max3A_269, %min3A_271 : vector<16xi32>
      %swap3A_273 = arith.constant 1 : i32
      %swap3A_274 = arith.index_cast %swap3A_273 : i32 to index
      %swap3A_275 = arith.index_cast %mul3A_214 : i32 to index
      %swap3A_276 = tpu.vector_load %arg5[%swap3A_274, %swap3A_275] {strides = array<i32>} : memref<7x4096xi32, #tpu.memory_space<vmem>>, vector<1x16xi32>,
      %swap3A_277 = vector.shape_cast %swap3A_276 : vector<1x16xi32> to vector<16xi32>
      %swap3A_278 = vector.shape_cast %min3A_272 : vector<16xi32> to vector<1x16xi32>
      tpu.vector_store %arg5[%swap3A_274, %swap3A_275], %swap3A_278 {strides = array<i32>} : memref<7x4096xi32, #tpu.memory_space<vmem>>, vector<1x16xi32>,
      %get3A_279 = arith.constant 2 : i32
      %get3A_280 = arith.index_cast %get3A_279 : i32 to index
      %get3A_281 = arith.index_cast %mul3A_214 : i32 to index
      %get3A_282 = tpu.vector_load %arg5[%get3A_280, %get3A_281] {strides = array<i32>} : memref<7x4096xi32, #tpu.memory_space<vmem>>, vector<1x16xi32>,
      %get3A_283 = vector.shape_cast %get3A_282 : vector<1x16xi32> to vector<16xi32>
      %bitcast_convert_type3A_284 = tpu.bitcast %get3A_283 : vector<16xi32> -> vector<16xf32>
      %mul3A_285 = arith.constant 1.280000e+02 : f32
      %mul3A_286 = vector.broadcast %mul3A_285 : f32 to vector<16xf32>
      %mul3A_287 = arith.mulf %bitcast_convert_type3A_284, %mul3A_286 : vector<16xf32>
      %add3A_288 = arith.constant 0x4B000080 : f32
      %add3A_289 = vector.broadcast %add3A_288 : f32 to vector<16xf32>
      %add3A_290 = arith.addf %mul3A_287, %add3A_289 : vector<16xf32>
      %bitcast_convert_type3A_291 = tpu.bitcast %add3A_290 : vector<16xf32> -> vector<16xi32>
      %add3A_292 = arith.constant -1258234059 : i32
      %add3A_293 = vector.broadcast %add3A_292 : i32 to vector<16xi32>
      %add3A_294 = arith.addi %bitcast_convert_type3A_291, %add3A_293 : vector<16xi32>
      %sub3A_295 = arith.constant 0x4B000080 : f32
      %sub3A_296 = vector.broadcast %sub3A_295 : f32 to vector<16xf32>
      %sub3A_297 = arith.subf %add3A_290, %sub3A_296 : vector<16xf32>
      %gt3A_298 = arith.cmpf ogt, %mul3A_287, %sub3A_297 : vector<16xf32>
      %add3A_299 = arith.constant 1 : i32
      %add3A_300 = vector.broadcast %add3A_299 : i32 to vector<16xi32>
      %add3A_301 = arith.addi %add3A_294, %add3A_300 : vector<16xi32>
      %select_n3A_302 = arith.select %gt3A_298, %add3A_301, %add3A_294 : vector<16xi1>, vector<16xi32>
      %max3A_303 = arith.constant 57142 : i32
      %max3A_304 = vector.broadcast %max3A_303 : i32 to vector<16xi32>
      %max3A_305 = arith.maxsi %select_n3A_302, %max3A_304 : vector<16xi32>
      %min3A_306 = arith.constant 57397 : i32
      %min3A_307 = vector.broadcast %min3A_306 : i32 to vector<16xi32>
      %min3A_308 = arith.minsi %max3A_305, %min3A_307 : vector<16xi32>
      %swap3A_309 = arith.constant 2 : i32
      %swap3A_310 = arith.index_cast %swap3A_309 : i32 to index
      %swap3A_311 = arith.index_cast %mul3A_214 : i32 to index
      %swap3A_312 = tpu.vector_load %arg5[%swap3A_310, %swap3A_311] {strides = array<i32>} : memref<7x4096xi32, #tpu.memory_space<vmem>>, vector<1x16xi32>,
      %swap3A_313 = vector.shape_cast %swap3A_312 : vector<1x16xi32> to vector<16xi32>
      %swap3A_314 = vector.shape_cast %min3A_308 : vector<16xi32> to vector<1x16xi32>
      tpu.vector_store %arg5[%swap3A_310, %swap3A_311], %swap3A_314 {strides = array<i32>} : memref<7x4096xi32, #tpu.memory_space<vmem>>, vector<1x16xi32>,
      %get3A_315 = arith.constant 3 : i32
      %get3A_316 = arith.index_cast %get3A_315 : i32 to index
      %get3A_317 = arith.index_cast %mul3A_214 : i32 to index
      %get3A_318 = tpu.vector_load %arg5[%get3A_316, %get3A_317] {strides = array<i32>} : memref<7x4096xi32, #tpu.memory_space<vmem>>, vector<1x16xi32>,
      %get3A_319 = vector.shape_cast %get3A_318 : vector<1x16xi32> to vector<16xi32>
      %bitcast_convert_type3A_320 = tpu.bitcast %get3A_319 : vector<16xi32> -> vector<16xf32>
      %mul3A_321 = arith.constant 1.280000e+02 : f32
      %mul3A_322 = vector.broadcast %mul3A_321 : f32 to vector<16xf32>
      %mul3A_323 = arith.mulf %bitcast_convert_type3A_320, %mul3A_322 : vector<16xf32>
      %add3A_324 = arith.constant 0x4B000080 : f32
      %add3A_325 = vector.broadcast %add3A_324 : f32 to vector<16xf32>
      %add3A_326 = arith.addf %mul3A_323, %add3A_325 : vector<16xf32>
      %bitcast_convert_type3A_327 = tpu.bitcast %add3A_326 : vector<16xf32> -> vector<16xi32>
      %add3A_328 = arith.constant -1258230488 : i32
      %add3A_329 = vector.broadcast %add3A_328 : i32 to vector<16xi32>
      %add3A_330 = arith.addi %bitcast_convert_type3A_327, %add3A_329 : vector<16xi32>
      %sub3A_331 = arith.constant 0x4B000080 : f32
      %sub3A_332 = vector.broadcast %sub3A_331 : f32 to vector<16xf32>
      %sub3A_333 = arith.subf %add3A_326, %sub3A_332 : vector<16xf32>
      %gt3A_334 = arith.cmpf ogt, %mul3A_323, %sub3A_333 : vector<16xf32>
      %add3A_335 = arith.constant 1 : i32
      %add3A_336 = vector.broadcast %add3A_335 : i32 to vector<16xi32>
      %add3A_337 = arith.addi %add3A_330, %add3A_336 : vector<16xi32>
      %select_n3A_338 = arith.select %gt3A_334, %add3A_337, %add3A_330 : vector<16xi1>, vector<16xi32>
      %max3A_339 = arith.constant 60713 : i32
      %max3A_340 = vector.broadcast %max3A_339 : i32 to vector<16xi32>
      %max3A_341 = arith.maxsi %select_n3A_338, %max3A_340 : vector<16xi32>
      %min3A_342 = arith.constant 60968 : i32
      %min3A_343 = vector.broadcast %min3A_342 : i32 to vector<16xi32>
      %min3A_344 = arith.minsi %max3A_341, %min3A_343 : vector<16xi32>
      %swap3A_345 = arith.constant 3 : i32
      %swap3A_346 = arith.index_cast %swap3A_345 : i32 to index
      %swap3A_347 = arith.index_cast %mul3A_214 : i32 to index
      %swap3A_348 = tpu.vector_load %arg5[%swap3A_346, %swap3A_347] {strides = array<i32>} : memref<7x4096xi32, #tpu.memory_space<vmem>>, vector<1x16xi32>,
      %swap3A_349 = vector.shape_cast %swap3A_348 : vector<1x16xi32> to vector<16xi32>
      %swap3A_350 = vector.shape_cast %min3A_344 : vector<16xi32> to vector<1x16xi32>
      tpu.vector_store %arg5[%swap3A_346, %swap3A_347], %swap3A_350 {strides = array<i32>} : memref<7x4096xi32, #tpu.memory_space<vmem>>, vector<1x16xi32>,
      %get3A_351 = arith.constant 4 : i32
      %get3A_352 = arith.index_cast %get3A_351 : i32 to index
      %get3A_353 = arith.index_cast %mul3A_214 : i32 to index
      %get3A_354 = tpu.vector_load %arg5[%get3A_352, %get3A_353] {strides = array<i32>} : memref<7x4096xi32, #tpu.memory_space<vmem>>, vector<1x16xi32>,
      %get3A_355 = vector.shape_cast %get3A_354 : vector<1x16xi32> to vector<16xi32>
      %bitcast_convert_type3A_356 = tpu.bitcast %get3A_355 : vector<16xi32> -> vector<16xf32>
      %mul3A_357 = arith.constant 1.280000e+02 : f32
      %mul3A_358 = vector.broadcast %mul3A_357 : f32 to vector<16xf32>
      %mul3A_359 = arith.mulf %bitcast_convert_type3A_356, %mul3A_358 : vector<16xf32>
      %add3A_360 = arith.constant 0x4B000080 : f32
      %add3A_361 = vector.broadcast %add3A_360 : f32 to vector<16xf32>
      %add3A_362 = arith.addf %mul3A_359, %add3A_361 : vector<16xf32>
      %bitcast_convert_type3A_363 = tpu.bitcast %add3A_362 : vector<16xf32> -> vector<16xi32>
      %add3A_364 = arith.constant -1258226917 : i32
      %add3A_365 = vector.broadcast %add3A_364 : i32 to vector<16xi32>
      %add3A_366 = arith.addi %bitcast_convert_type3A_363, %add3A_365 : vector<16xi32>
      %sub3A_367 = arith.constant 0x4B000080 : f32
      %sub3A_368 = vector.broadcast %sub3A_367 : f32 to vector<16xf32>
      %sub3A_369 = arith.subf %add3A_362, %sub3A_368 : vector<16xf32>
      %gt3A_370 = arith.cmpf ogt, %mul3A_359, %sub3A_369 : vector<16xf32>
      %add3A_371 = arith.constant 1 : i32
      %add3A_372 = vector.broadcast %add3A_371 : i32 to vector<16xi32>
      %add3A_373 = arith.addi %add3A_366, %add3A_372 : vector<16xi32>
      %select_n3A_374 = arith.select %gt3A_370, %add3A_373, %add3A_366 : vector<16xi1>, vector<16xi32>
      %max3A_375 = arith.constant 64284 : i32
      %max3A_376 = vector.broadcast %max3A_375 : i32 to vector<16xi32>
      %max3A_377 = arith.maxsi %select_n3A_374, %max3A_376 : vector<16xi32>
      %min3A_378 = arith.constant 64539 : i32
      %min3A_379 = vector.broadcast %min3A_378 : i32 to vector<16xi32>
      %min3A_380 = arith.minsi %max3A_377, %min3A_379 : vector<16xi32>
      %swap3A_381 = arith.constant 4 : i32
      %swap3A_382 = arith.index_cast %swap3A_381 : i32 to index
      %swap3A_383 = arith.index_cast %mul3A_214 : i32 to index
      %swap3A_384 = tpu.vector_load %arg5[%swap3A_382, %swap3A_383] {strides = array<i32>} : memref<7x4096xi32, #tpu.memory_space<vmem>>, vector<1x16xi32>,
      %swap3A_385 = vector.shape_cast %swap3A_384 : vector<1x16xi32> to vector<16xi32>
      %swap3A_386 = vector.shape_cast %min3A_380 : vector<16xi32> to vector<1x16xi32>
      tpu.vector_store %arg5[%swap3A_382, %swap3A_383], %swap3A_386 {strides = array<i32>} : memref<7x4096xi32, #tpu.memory_space<vmem>>, vector<1x16xi32>,
      %get3A_387 = arith.constant 5 : i32
      %get3A_388 = arith.index_cast %get3A_387 : i32 to index
      %get3A_389 = arith.index_cast %mul3A_214 : i32 to index
      %get3A_390 = tpu.vector_load %arg5[%get3A_388, %get3A_389] {strides = array<i32>} : memref<7x4096xi32, #tpu.memory_space<vmem>>, vector<1x16xi32>,
      %get3A_391 = vector.shape_cast %get3A_390 : vector<1x16xi32> to vector<16xi32>
      %bitcast_convert_type3A_392 = tpu.bitcast %get3A_391 : vector<16xi32> -> vector<16xf32>
      %mul3A_393 = arith.constant 1.280000e+02 : f32
      %mul3A_394 = vector.broadcast %mul3A_393 : f32 to vector<16xf32>
      %mul3A_395 = arith.mulf %bitcast_convert_type3A_392, %mul3A_394 : vector<16xf32>
      %add3A_396 = arith.constant 0x4B000080 : f32
      %add3A_397 = vector.broadcast %add3A_396 : f32 to vector<16xf32>
      %add3A_398 = arith.addf %mul3A_395, %add3A_397 : vector<16xf32>
      %bitcast_convert_type3A_399 = tpu.bitcast %add3A_398 : vector<16xf32> -> vector<16xi32>
      %add3A_400 = arith.constant -1258223346 : i32
      %add3A_401 = vector.broadcast %add3A_400 : i32 to vector<16xi32>
      %add3A_402 = arith.addi %bitcast_convert_type3A_399, %add3A_401 : vector<16xi32>
      %sub3A_403 = arith.constant 0x4B000080 : f32
      %sub3A_404 = vector.broadcast %sub3A_403 : f32 to vector<16xf32>
      %sub3A_405 = arith.subf %add3A_398, %sub3A_404 : vector<16xf32>
      %gt3A_406 = arith.cmpf ogt, %mul3A_395, %sub3A_405 : vector<16xf32>
      %add3A_407 = arith.constant 1 : i32
      %add3A_408 = vector.broadcast %add3A_407 : i32 to vector<16xi32>
      %add3A_409 = arith.addi %add3A_402, %add3A_408 : vector<16xi32>
      %select_n3A_410 = arith.select %gt3A_406, %add3A_409, %add3A_402 : vector<16xi1>, vector<16xi32>
      %max3A_411 = arith.constant 67855 : i32
      %max3A_412 = vector.broadcast %max3A_411 : i32 to vector<16xi32>
      %max3A_413 = arith.maxsi %select_n3A_410, %max3A_412 : vector<16xi32>
      %min3A_414 = arith.constant 68110 : i32
      %min3A_415 = vector.broadcast %min3A_414 : i32 to vector<16xi32>
      %min3A_416 = arith.minsi %max3A_413, %min3A_415 : vector<16xi32>
      %swap3A_417 = arith.constant 5 : i32
      %swap3A_418 = arith.index_cast %swap3A_417 : i32 to index
      %swap3A_419 = arith.index_cast %mul3A_214 : i32 to index
      %swap3A_420 = tpu.vector_load %arg5[%swap3A_418, %swap3A_419] {strides = array<i32>} : memref<7x4096xi32, #tpu.memory_space<vmem>>, vector<1x16xi32>,
      %swap3A_421 = vector.shape_cast %swap3A_420 : vector<1x16xi32> to vector<16xi32>
      %swap3A_422 = vector.shape_cast %min3A_416 : vector<16xi32> to vector<1x16xi32>
      tpu.vector_store %arg5[%swap3A_418, %swap3A_419], %swap3A_422 {strides = array<i32>} : memref<7x4096xi32, #tpu.memory_space<vmem>>, vector<1x16xi32>,
      %get3A_423 = arith.constant 6 : i32
      %get3A_424 = arith.index_cast %get3A_423 : i32 to index
      %get3A_425 = arith.index_cast %mul3A_214 : i32 to index
      %get3A_426 = tpu.vector_load %arg5[%get3A_424, %get3A_425] {strides = array<i32>} : memref<7x4096xi32, #tpu.memory_space<vmem>>, vector<1x16xi32>,
      %get3A_427 = vector.shape_cast %get3A_426 : vector<1x16xi32> to vector<16xi32>
      %bitcast_convert_type3A_428 = tpu.bitcast %get3A_427 : vector<16xi32> -> vector<16xf32>
      %mul3A_429 = arith.constant 1.280000e+02 : f32
      %mul3A_430 = vector.broadcast %mul3A_429 : f32 to vector<16xf32>
      %mul3A_431 = arith.mulf %bitcast_convert_type3A_428, %mul3A_430 : vector<16xf32>
      %add3A_432 = arith.constant 0x4B000080 : f32
      %add3A_433 = vector.broadcast %add3A_432 : f32 to vector<16xf32>
      %add3A_434 = arith.addf %mul3A_431, %add3A_433 : vector<16xf32>
      %bitcast_convert_type3A_435 = tpu.bitcast %add3A_434 : vector<16xf32> -> vector<16xi32>
      %add3A_436 = arith.constant -1258219775 : i32
      %add3A_437 = vector.broadcast %add3A_436 : i32 to vector<16xi32>
      %add3A_438 = arith.addi %bitcast_convert_type3A_435, %add3A_437 : vector<16xi32>
      %sub3A_439 = arith.constant 0x4B000080 : f32
      %sub3A_440 = vector.broadcast %sub3A_439 : f32 to vector<16xf32>
      %sub3A_441 = arith.subf %add3A_434, %sub3A_440 : vector<16xf32>
      %gt3A_442 = arith.cmpf ogt, %mul3A_431, %sub3A_441 : vector<16xf32>
      %add3A_443 = arith.constant 1 : i32
      %add3A_444 = vector.broadcast %add3A_443 : i32 to vector<16xi32>
      %add3A_445 = arith.addi %add3A_438, %add3A_444 : vector<16xi32>
      %select_n3A_446 = arith.select %gt3A_442, %add3A_445, %add3A_438 : vector<16xi1>, vector<16xi32>
      %max3A_447 = arith.constant 71426 : i32
      %max3A_448 = vector.broadcast %max3A_447 : i32 to vector<16xi32>
      %max3A_449 = arith.maxsi %select_n3A_446, %max3A_448 : vector<16xi32>
      %min3A_450 = arith.constant 71681 : i32
      %min3A_451 = vector.broadcast %min3A_450 : i32 to vector<16xi32>
      %min3A_452 = arith.minsi %max3A_449, %min3A_451 : vector<16xi32>
      %swap3A_453 = arith.constant 6 : i32
      %swap3A_454 = arith.index_cast %swap3A_453 : i32 to index
      %swap3A_455 = arith.index_cast %mul3A_214 : i32 to index
      %swap3A_456 = tpu.vector_load %arg5[%swap3A_454, %swap3A_455] {strides = array<i32>} : memref<7x4096xi32, #tpu.memory_space<vmem>>, vector<1x16xi32>,
      %swap3A_457 = vector.shape_cast %swap3A_456 : vector<1x16xi32> to vector<16xi32>
      %swap3A_458 = vector.shape_cast %min3A_452 : vector<16xi32> to vector<1x16xi32>
      tpu.vector_store %arg5[%swap3A_454, %swap3A_455], %swap3A_458 {strides = array<i32>} : memref<7x4096xi32, #tpu.memory_space<vmem>>, vector<1x16xi32>,
      %mul3A_459 = arith.constant 2 : i32
      %mul3A_460 = arith.muli %scan3A_208, %mul3A_459 : i32
      %add3A_461 = arith.constant 1 : i32
      %add3A_462 = arith.addi %mul3A_460, %add3A_461 : i32
      %mul3A_463 = arith.constant 16 : i32
      %mul3A_464 = arith.muli %add3A_462, %mul3A_463 : i32
      %get3A_465 = arith.constant 0 : i32
      %get3A_466 = arith.index_cast %get3A_465 : i32 to index
      %get3A_467 = arith.index_cast %mul3A_464 : i32 to index
      %get3A_468 = tpu.vector_load %arg5[%get3A_466, %get3A_467] {strides = array<i32>} : memref<7x4096xi32, #tpu.memory_space<vmem>>, vector<1x16xi32>,
      %get3A_469 = vector.shape_cast %get3A_468 : vector<1x16xi32> to vector<16xi32>
      %bitcast_convert_type3A_470 = tpu.bitcast %get3A_469 : vector<16xi32> -> vector<16xf32>
      %mul3A_471 = arith.constant 1.280000e+02 : f32
      %mul3A_472 = vector.broadcast %mul3A_471 : f32 to vector<16xf32>
      %mul3A_473 = arith.mulf %bitcast_convert_type3A_470, %mul3A_472 : vector<16xf32>
      %add3A_474 = arith.constant 0x4B000080 : f32
      %add3A_475 = vector.broadcast %add3A_474 : f32 to vector<16xf32>
      %add3A_476 = arith.addf %mul3A_473, %add3A_475 : vector<16xf32>
      %bitcast_convert_type3A_477 = tpu.bitcast %add3A_476 : vector<16xf32> -> vector<16xi32>
      %add3A_478 = arith.constant -1258241201 : i32
      %add3A_479 = vector.broadcast %add3A_478 : i32 to vector<16xi32>
      %add3A_480 = arith.addi %bitcast_convert_type3A_477, %add3A_479 : vector<16xi32>
      %sub3A_481 = arith.constant 0x4B000080 : f32
      %sub3A_482 = vector.broadcast %sub3A_481 : f32 to vector<16xf32>
      %sub3A_483 = arith.subf %add3A_476, %sub3A_482 : vector<16xf32>
      %gt3A_484 = arith.cmpf ogt, %mul3A_473, %sub3A_483 : vector<16xf32>
      %add3A_485 = arith.constant 1 : i32
      %add3A_486 = vector.broadcast %add3A_485 : i32 to vector<16xi32>
      %add3A_487 = arith.addi %add3A_480, %add3A_486 : vector<16xi32>
      %select_n3A_488 = arith.select %gt3A_484, %add3A_487, %add3A_480 : vector<16xi1>, vector<16xi32>
      %max3A_489 = arith.constant 50000 : i32
      %max3A_490 = vector.broadcast %max3A_489 : i32 to vector<16xi32>
      %max3A_491 = arith.maxsi %select_n3A_488, %max3A_490 : vector<16xi32>
      %min3A_492 = arith.constant 50255 : i32
      %min3A_493 = vector.broadcast %min3A_492 : i32 to vector<16xi32>
      %min3A_494 = arith.minsi %max3A_491, %min3A_493 : vector<16xi32>
      %swap3A_495 = arith.constant 0 : i32
      %swap3A_496 = arith.index_cast %swap3A_495 : i32 to index
      %swap3A_497 = arith.index_cast %mul3A_464 : i32 to index
      %swap3A_498 = tpu.vector_load %arg5[%swap3A_496, %swap3A_497] {strides = array<i32>} : memref<7x4096xi32, #tpu.memory_space<vmem>>, vector<1x16xi32>,
      %swap3A_499 = vector.shape_cast %swap3A_498 : vector<1x16xi32> to vector<16xi32>
      %swap3A_500 = vector.shape_cast %min3A_494 : vector<16xi32> to vector<1x16xi32>
      tpu.vector_store %arg5[%swap3A_496, %swap3A_497], %swap3A_500 {strides = array<i32>} : memref<7x4096xi32, #tpu.memory_space<vmem>>, vector<1x16xi32>,
      %get3A_501 = arith.constant 1 : i32
      %get3A_502 = arith.index_cast %get3A_501 : i32 to index
      %get3A_503 = arith.index_cast %mul3A_464 : i32 to index
      %get3A_504 = tpu.vector_load %arg5[%get3A_502, %get3A_503] {strides = array<i32>} : memref<7x4096xi32, #tpu.memory_space<vmem>>, vector<1x16xi32>,
      %get3A_505 = vector.shape_cast %get3A_504 : vector<1x16xi32> to vector<16xi32>
      %bitcast_convert_type3A_506 = tpu.bitcast %get3A_505 : vector<16xi32> -> vector<16xf32>
      %mul3A_507 = arith.constant 1.280000e+02 : f32
      %mul3A_508 = vector.broadcast %mul3A_507 : f32 to vector<16xf32>
      %mul3A_509 = arith.mulf %bitcast_convert_type3A_506, %mul3A_508 : vector<16xf32>
      %add3A_510 = arith.constant 0x4B000080 : f32
      %add3A_511 = vector.broadcast %add3A_510 : f32 to vector<16xf32>
      %add3A_512 = arith.addf %mul3A_509, %add3A_511 : vector<16xf32>
      %bitcast_convert_type3A_513 = tpu.bitcast %add3A_512 : vector<16xf32> -> vector<16xi32>
      %add3A_514 = arith.constant -1258237630 : i32
      %add3A_515 = vector.broadcast %add3A_514 : i32 to vector<16xi32>
      %add3A_516 = arith.addi %bitcast_convert_type3A_513, %add3A_515 : vector<16xi32>
      %sub3A_517 = arith.constant 0x4B000080 : f32
      %sub3A_518 = vector.broadcast %sub3A_517 : f32 to vector<16xf32>
      %sub3A_519 = arith.subf %add3A_512, %sub3A_518 : vector<16xf32>
      %gt3A_520 = arith.cmpf ogt, %mul3A_509, %sub3A_519 : vector<16xf32>
      %add3A_521 = arith.constant 1 : i32
      %add3A_522 = vector.broadcast %add3A_521 : i32 to vector<16xi32>
      %add3A_523 = arith.addi %add3A_516, %add3A_522 : vector<16xi32>
      %select_n3A_524 = arith.select %gt3A_520, %add3A_523, %add3A_516 : vector<16xi1>, vector<16xi32>
      %max3A_525 = arith.constant 53571 : i32
      %max3A_526 = vector.broadcast %max3A_525 : i32 to vector<16xi32>
      %max3A_527 = arith.maxsi %select_n3A_524, %max3A_526 : vector<16xi32>
      %min3A_528 = arith.constant 53826 : i32
      %min3A_529 = vector.broadcast %min3A_528 : i32 to vector<16xi32>
      %min3A_530 = arith.minsi %max3A_527, %min3A_529 : vector<16xi32>
      %swap3A_531 = arith.constant 1 : i32
      %swap3A_532 = arith.index_cast %swap3A_531 : i32 to index
      %swap3A_533 = arith.index_cast %mul3A_464 : i32 to index
      %swap3A_534 = tpu.vector_load %arg5[%swap3A_532, %swap3A_533] {strides = array<i32>} : memref<7x4096xi32, #tpu.memory_space<vmem>>, vector<1x16xi32>,
      %swap3A_535 = vector.shape_cast %swap3A_534 : vector<1x16xi32> to vector<16xi32>
      %swap3A_536 = vector.shape_cast %min3A_530 : vector<16xi32> to vector<1x16xi32>
      tpu.vector_store %arg5[%swap3A_532, %swap3A_533], %swap3A_536 {strides = array<i32>} : memref<7x4096xi32, #tpu.memory_space<vmem>>, vector<1x16xi32>,
      %get3A_537 = arith.constant 2 : i32
      %get3A_538 = arith.index_cast %get3A_537 : i32 to index
      %get3A_539 = arith.index_cast %mul3A_464 : i32 to index
      %get3A_540 = tpu.vector_load %arg5[%get3A_538, %get3A_539] {strides = array<i32>} : memref<7x4096xi32, #tpu.memory_space<vmem>>, vector<1x16xi32>,
      %get3A_541 = vector.shape_cast %get3A_540 : vector<1x16xi32> to vector<16xi32>
      %bitcast_convert_type3A_542 = tpu.bitcast %get3A_541 : vector<16xi32> -> vector<16xf32>
      %mul3A_543 = arith.constant 1.280000e+02 : f32
      %mul3A_544 = vector.broadcast %mul3A_543 : f32 to vector<16xf32>
      %mul3A_545 = arith.mulf %bitcast_convert_type3A_542, %mul3A_544 : vector<16xf32>
      %add3A_546 = arith.constant 0x4B000080 : f32
      %add3A_547 = vector.broadcast %add3A_546 : f32 to vector<16xf32>
      %add3A_548 = arith.addf %mul3A_545, %add3A_547 : vector<16xf32>
      %bitcast_convert_type3A_549 = tpu.bitcast %add3A_548 : vector<16xf32> -> vector<16xi32>
      %add3A_550 = arith.constant -1258234059 : i32
      %add3A_551 = vector.broadcast %add3A_550 : i32 to vector<16xi32>
      %add3A_552 = arith.addi %bitcast_convert_type3A_549, %add3A_551 : vector<16xi32>
      %sub3A_553 = arith.constant 0x4B000080 : f32
      %sub3A_554 = vector.broadcast %sub3A_553 : f32 to vector<16xf32>
      %sub3A_555 = arith.subf %add3A_548, %sub3A_554 : vector<16xf32>
      %gt3A_556 = arith.cmpf ogt, %mul3A_545, %sub3A_555 : vector<16xf32>
      %add3A_557 = arith.constant 1 : i32
      %add3A_558 = vector.broadcast %add3A_557 : i32 to vector<16xi32>
      %add3A_559 = arith.addi %add3A_552, %add3A_558 : vector<16xi32>
      %select_n3A_560 = arith.select %gt3A_556, %add3A_559, %add3A_552 : vector<16xi1>, vector<16xi32>
      %max3A_561 = arith.constant 57142 : i32
      %max3A_562 = vector.broadcast %max3A_561 : i32 to vector<16xi32>
      %max3A_563 = arith.maxsi %select_n3A_560, %max3A_562 : vector<16xi32>
      %min3A_564 = arith.constant 57397 : i32
      %min3A_565 = vector.broadcast %min3A_564 : i32 to vector<16xi32>
      %min3A_566 = arith.minsi %max3A_563, %min3A_565 : vector<16xi32>
      %swap3A_567 = arith.constant 2 : i32
      %swap3A_568 = arith.index_cast %swap3A_567 : i32 to index
      %swap3A_569 = arith.index_cast %mul3A_464 : i32 to index
      %swap3A_570 = tpu.vector_load %arg5[%swap3A_568, %swap3A_569] {strides = array<i32>} : memref<7x4096xi32, #tpu.memory_space<vmem>>, vector<1x16xi32>,
      %swap3A_571 = vector.shape_cast %swap3A_570 : vector<1x16xi32> to vector<16xi32>
      %swap3A_572 = vector.shape_cast %min3A_566 : vector<16xi32> to vector<1x16xi32>
      tpu.vector_store %arg5[%swap3A_568, %swap3A_569], %swap3A_572 {strides = array<i32>} : memref<7x4096xi32, #tpu.memory_space<vmem>>, vector<1x16xi32>,
      %get3A_573 = arith.constant 3 : i32
      %get3A_574 = arith.index_cast %get3A_573 : i32 to index
      %get3A_575 = arith.index_cast %mul3A_464 : i32 to index
      %get3A_576 = tpu.vector_load %arg5[%get3A_574, %get3A_575] {strides = array<i32>} : memref<7x4096xi32, #tpu.memory_space<vmem>>, vector<1x16xi32>,
      %get3A_577 = vector.shape_cast %get3A_576 : vector<1x16xi32> to vector<16xi32>
      %bitcast_convert_type3A_578 = tpu.bitcast %get3A_577 : vector<16xi32> -> vector<16xf32>
      %mul3A_579 = arith.constant 1.280000e+02 : f32
      %mul3A_580 = vector.broadcast %mul3A_579 : f32 to vector<16xf32>
      %mul3A_581 = arith.mulf %bitcast_convert_type3A_578, %mul3A_580 : vector<16xf32>
      %add3A_582 = arith.constant 0x4B000080 : f32
      %add3A_583 = vector.broadcast %add3A_582 : f32 to vector<16xf32>
      %add3A_584 = arith.addf %mul3A_581, %add3A_583 : vector<16xf32>
      %bitcast_convert_type3A_585 = tpu.bitcast %add3A_584 : vector<16xf32> -> vector<16xi32>
      %add3A_586 = arith.constant -1258230488 : i32
      %add3A_587 = vector.broadcast %add3A_586 : i32 to vector<16xi32>
      %add3A_588 = arith.addi %bitcast_convert_type3A_585, %add3A_587 : vector<16xi32>
      %sub3A_589 = arith.constant 0x4B000080 : f32
      %sub3A_590 = vector.broadcast %sub3A_589 : f32 to vector<16xf32>
      %sub3A_591 = arith.subf %add3A_584, %sub3A_590 : vector<16xf32>
      %gt3A_592 = arith.cmpf ogt, %mul3A_581, %sub3A_591 : vector<16xf32>
      %add3A_593 = arith.constant 1 : i32
      %add3A_594 = vector.broadcast %add3A_593 : i32 to vector<16xi32>
      %add3A_595 = arith.addi %add3A_588, %add3A_594 : vector<16xi32>
      %select_n3A_596 = arith.select %gt3A_592, %add3A_595, %add3A_588 : vector<16xi1>, vector<16xi32>
      %max3A_597 = arith.constant 60713 : i32
      %max3A_598 = vector.broadcast %max3A_597 : i32 to vector<16xi32>
      %max3A_599 = arith.maxsi %select_n3A_596, %max3A_598 : vector<16xi32>
      %min3A_600 = arith.constant 60968 : i32
      %min3A_601 = vector.broadcast %min3A_600 : i32 to vector<16xi32>
      %min3A_602 = arith.minsi %max3A_599, %min3A_601 : vector<16xi32>
      %swap3A_603 = arith.constant 3 : i32
      %swap3A_604 = arith.index_cast %swap3A_603 : i32 to index
      %swap3A_605 = arith.index_cast %mul3A_464 : i32 to index
      %swap3A_606 = tpu.vector_load %arg5[%swap3A_604, %swap3A_605] {strides = array<i32>} : memref<7x4096xi32, #tpu.memory_space<vmem>>, vector<1x16xi32>,
      %swap3A_607 = vector.shape_cast %swap3A_606 : vector<1x16xi32> to vector<16xi32>
      %swap3A_608 = vector.shape_cast %min3A_602 : vector<16xi32> to vector<1x16xi32>
      tpu.vector_store %arg5[%swap3A_604, %swap3A_605], %swap3A_608 {strides = array<i32>} : memref<7x4096xi32, #tpu.memory_space<vmem>>, vector<1x16xi32>,
      %get3A_609 = arith.constant 4 : i32
      %get3A_610 = arith.index_cast %get3A_609 : i32 to index
      %get3A_611 = arith.index_cast %mul3A_464 : i32 to index
      %get3A_612 = tpu.vector_load %arg5[%get3A_610, %get3A_611] {strides = array<i32>} : memref<7x4096xi32, #tpu.memory_space<vmem>>, vector<1x16xi32>,
      %get3A_613 = vector.shape_cast %get3A_612 : vector<1x16xi32> to vector<16xi32>
      %bitcast_convert_type3A_614 = tpu.bitcast %get3A_613 : vector<16xi32> -> vector<16xf32>
      %mul3A_615 = arith.constant 1.280000e+02 : f32
      %mul3A_616 = vector.broadcast %mul3A_615 : f32 to vector<16xf32>
      %mul3A_617 = arith.mulf %bitcast_convert_type3A_614, %mul3A_616 : vector<16xf32>
      %add3A_618 = arith.constant 0x4B000080 : f32
      %add3A_619 = vector.broadcast %add3A_618 : f32 to vector<16xf32>
      %add3A_620 = arith.addf %mul3A_617, %add3A_619 : vector<16xf32>
      %bitcast_convert_type3A_621 = tpu.bitcast %add3A_620 : vector<16xf32> -> vector<16xi32>
      %add3A_622 = arith.constant -1258226917 : i32
      %add3A_623 = vector.broadcast %add3A_622 : i32 to vector<16xi32>
      %add3A_624 = arith.addi %bitcast_convert_type3A_621, %add3A_623 : vector<16xi32>
      %sub3A_625 = arith.constant 0x4B000080 : f32
      %sub3A_626 = vector.broadcast %sub3A_625 : f32 to vector<16xf32>
      %sub3A_627 = arith.subf %add3A_620, %sub3A_626 : vector<16xf32>
      %gt3A_628 = arith.cmpf ogt, %mul3A_617, %sub3A_627 : vector<16xf32>
      %add3A_629 = arith.constant 1 : i32
      %add3A_630 = vector.broadcast %add3A_629 : i32 to vector<16xi32>
      %add3A_631 = arith.addi %add3A_624, %add3A_630 : vector<16xi32>
      %select_n3A_632 = arith.select %gt3A_628, %add3A_631, %add3A_624 : vector<16xi1>, vector<16xi32>
      %max3A_633 = arith.constant 64284 : i32
      %max3A_634 = vector.broadcast %max3A_633 : i32 to vector<16xi32>
      %max3A_635 = arith.maxsi %select_n3A_632, %max3A_634 : vector<16xi32>
      %min3A_636 = arith.constant 64539 : i32
      %min3A_637 = vector.broadcast %min3A_636 : i32 to vector<16xi32>
      %min3A_638 = arith.minsi %max3A_635, %min3A_637 : vector<16xi32>
      %swap3A_639 = arith.constant 4 : i32
      %swap3A_640 = arith.index_cast %swap3A_639 : i32 to index
      %swap3A_641 = arith.index_cast %mul3A_464 : i32 to index
      %swap3A_642 = tpu.vector_load %arg5[%swap3A_640, %swap3A_641] {strides = array<i32>} : memref<7x4096xi32, #tpu.memory_space<vmem>>, vector<1x16xi32>,
      %swap3A_643 = vector.shape_cast %swap3A_642 : vector<1x16xi32> to vector<16xi32>
      %swap3A_644 = vector.shape_cast %min3A_638 : vector<16xi32> to vector<1x16xi32>
      tpu.vector_store %arg5[%swap3A_640, %swap3A_641], %swap3A_644 {strides = array<i32>} : memref<7x4096xi32, #tpu.memory_space<vmem>>, vector<1x16xi32>,
      %get3A_645 = arith.constant 5 : i32
      %get3A_646 = arith.index_cast %get3A_645 : i32 to index
      %get3A_647 = arith.index_cast %mul3A_464 : i32 to index
      %get3A_648 = tpu.vector_load %arg5[%get3A_646, %get3A_647] {strides = array<i32>} : memref<7x4096xi32, #tpu.memory_space<vmem>>, vector<1x16xi32>,
      %get3A_649 = vector.shape_cast %get3A_648 : vector<1x16xi32> to vector<16xi32>
      %bitcast_convert_type3A_650 = tpu.bitcast %get3A_649 : vector<16xi32> -> vector<16xf32>
      %mul3A_651 = arith.constant 1.280000e+02 : f32
      %mul3A_652 = vector.broadcast %mul3A_651 : f32 to vector<16xf32>
      %mul3A_653 = arith.mulf %bitcast_convert_type3A_650, %mul3A_652 : vector<16xf32>
      %add3A_654 = arith.constant 0x4B000080 : f32
      %add3A_655 = vector.broadcast %add3A_654 : f32 to vector<16xf32>
      %add3A_656 = arith.addf %mul3A_653, %add3A_655 : vector<16xf32>
      %bitcast_convert_type3A_657 = tpu.bitcast %add3A_656 : vector<16xf32> -> vector<16xi32>
      %add3A_658 = arith.constant -1258223346 : i32
      %add3A_659 = vector.broadcast %add3A_658 : i32 to vector<16xi32>
      %add3A_660 = arith.addi %bitcast_convert_type3A_657, %add3A_659 : vector<16xi32>
      %sub3A_661 = arith.constant 0x4B000080 : f32
      %sub3A_662 = vector.broadcast %sub3A_661 : f32 to vector<16xf32>
      %sub3A_663 = arith.subf %add3A_656, %sub3A_662 : vector<16xf32>
      %gt3A_664 = arith.cmpf ogt, %mul3A_653, %sub3A_663 : vector<16xf32>
      %add3A_665 = arith.constant 1 : i32
      %add3A_666 = vector.broadcast %add3A_665 : i32 to vector<16xi32>
      %add3A_667 = arith.addi %add3A_660, %add3A_666 : vector<16xi32>
      %select_n3A_668 = arith.select %gt3A_664, %add3A_667, %add3A_660 : vector<16xi1>, vector<16xi32>
      %max3A_669 = arith.constant 67855 : i32
      %max3A_670 = vector.broadcast %max3A_669 : i32 to vector<16xi32>
      %max3A_671 = arith.maxsi %select_n3A_668, %max3A_670 : vector<16xi32>
      %min3A_672 = arith.constant 68110 : i32
      %min3A_673 = vector.broadcast %min3A_672 : i32 to vector<16xi32>
      %min3A_674 = arith.minsi %max3A_671, %min3A_673 : vector<16xi32>
      %swap3A_675 = arith.constant 5 : i32
      %swap3A_676 = arith.index_cast %swap3A_675 : i32 to index
      %swap3A_677 = arith.index_cast %mul3A_464 : i32 to index
      %swap3A_678 = tpu.vector_load %arg5[%swap3A_676, %swap3A_677] {strides = array<i32>} : memref<7x4096xi32, #tpu.memory_space<vmem>>, vector<1x16xi32>,
      %swap3A_679 = vector.shape_cast %swap3A_678 : vector<1x16xi32> to vector<16xi32>
      %swap3A_680 = vector.shape_cast %min3A_674 : vector<16xi32> to vector<1x16xi32>
      tpu.vector_store %arg5[%swap3A_676, %swap3A_677], %swap3A_680 {strides = array<i32>} : memref<7x4096xi32, #tpu.memory_space<vmem>>, vector<1x16xi32>,
      %get3A_681 = arith.constant 6 : i32
      %get3A_682 = arith.index_cast %get3A_681 : i32 to index
      %get3A_683 = arith.index_cast %mul3A_464 : i32 to index
      %get3A_684 = tpu.vector_load %arg5[%get3A_682, %get3A_683] {strides = array<i32>} : memref<7x4096xi32, #tpu.memory_space<vmem>>, vector<1x16xi32>,
      %get3A_685 = vector.shape_cast %get3A_684 : vector<1x16xi32> to vector<16xi32>
      %bitcast_convert_type3A_686 = tpu.bitcast %get3A_685 : vector<16xi32> -> vector<16xf32>
      %mul3A_687 = arith.constant 1.280000e+02 : f32
      %mul3A_688 = vector.broadcast %mul3A_687 : f32 to vector<16xf32>
      %mul3A_689 = arith.mulf %bitcast_convert_type3A_686, %mul3A_688 : vector<16xf32>
      %add3A_690 = arith.constant 0x4B000080 : f32
      %add3A_691 = vector.broadcast %add3A_690 : f32 to vector<16xf32>
      %add3A_692 = arith.addf %mul3A_689, %add3A_691 : vector<16xf32>
      %bitcast_convert_type3A_693 = tpu.bitcast %add3A_692 : vector<16xf32> -> vector<16xi32>
      %add3A_694 = arith.constant -1258219775 : i32
      %add3A_695 = vector.broadcast %add3A_694 : i32 to vector<16xi32>
      %add3A_696 = arith.addi %bitcast_convert_type3A_693, %add3A_695 : vector<16xi32>
      %sub3A_697 = arith.constant 0x4B000080 : f32
      %sub3A_698 = vector.broadcast %sub3A_697 : f32 to vector<16xf32>
      %sub3A_699 = arith.subf %add3A_692, %sub3A_698 : vector<16xf32>
      %gt3A_700 = arith.cmpf ogt, %mul3A_689, %sub3A_699 : vector<16xf32>
      %add3A_701 = arith.constant 1 : i32
      %add3A_702 = vector.broadcast %add3A_701 : i32 to vector<16xi32>
      %add3A_703 = arith.addi %add3A_696, %add3A_702 : vector<16xi32>
      %select_n3A_704 = arith.select %gt3A_700, %add3A_703, %add3A_696 : vector<16xi1>, vector<16xi32>
      %max3A_705 = arith.constant 71426 : i32
      %max3A_706 = vector.broadcast %max3A_705 : i32 to vector<16xi32>
      %max3A_707 = arith.maxsi %select_n3A_704, %max3A_706 : vector<16xi32>
      %min3A_708 = arith.constant 71681 : i32
      %min3A_709 = vector.broadcast %min3A_708 : i32 to vector<16xi32>
      %min3A_710 = arith.minsi %max3A_707, %min3A_709 : vector<16xi32>
      %swap3A_711 = arith.constant 6 : i32
      %swap3A_712 = arith.index_cast %swap3A_711 : i32 to index
      %swap3A_713 = arith.index_cast %mul3A_464 : i32 to index
      %swap3A_714 = tpu.vector_load %arg5[%swap3A_712, %swap3A_713] {strides = array<i32>} : memref<7x4096xi32, #tpu.memory_space<vmem>>, vector<1x16xi32>,
      %swap3A_715 = vector.shape_cast %swap3A_714 : vector<1x16xi32> to vector<16xi32>
      %swap3A_716 = vector.shape_cast %min3A_710 : vector<16xi32> to vector<1x16xi32>
      tpu.vector_store %arg5[%swap3A_712, %swap3A_713], %swap3A_716 {strides = array<i32>} : memref<7x4096xi32, #tpu.memory_space<vmem>>, vector<1x16xi32>,
    }
    %scan3A_95 = arith.constant 128 : i32
    %add3A_96 = arith.constant 12288 : i32
    %add3A_97 = arith.addi %mul3A_2, %add3A_96 : i32
    %dma_start3A_98 = arith.constant 0 : i32
    %dma_start3A_99 = tpu.memref_slice %arg3[%dma_start3A_98, %add3A_97] : memref<7x1048576xi32, #tpu.memory_space<hbm>> -> memref<7x4096xi32, #tpu.memory_space<hbm>>
    %dma_start3A_100 = arith.constant 0 : i32
    %dma_start3A_101 = tpu.memref_slice %arg3[%dma_start3A_100, %add3A_97] : memref<7x1048576xi32, #tpu.memory_space<hbm>> -> memref<7x4096xi32, #tpu.memory_space<hbm>>
    tpu.enqueue_dma source(%arg5 : memref<7x4096xi32, #tpu.memory_space<vmem>>) target(%dma_start3A_101 : memref<7x4096xi32, #tpu.memory_space<hbm>>) target_semaphore(%arg9 : memref<!tpu.dma_semaphore, #tpu.memory_space<semaphore_mem>>)
    %dma_wait3A_102 = arith.constant 0 : i32
    %dma_wait3A_103 = tpu.memref_slice %arg3[%dma_wait3A_102, %add3A_71] : memref<7x1048576xi32, #tpu.memory_space<hbm>> -> memref<7x4096xi32, #tpu.memory_space<hbm>>
    %dma_wait3A_104 = arith.constant 0 : i32
    %dma_wait3A_105 = tpu.memref_slice %arg3[%dma_wait3A_104, %add3A_71] : memref<7x1048576xi32, #tpu.memory_space<hbm>> -> memref<7x4096xi32, #tpu.memory_space<hbm>>
    tpu.wait_dma2 semaphore(%arg8 : memref<!tpu.dma_semaphore, #tpu.memory_space<semaphore_mem>>) src(%arg4 : memref<7x4096xi32, #tpu.memory_space<vmem>>) dst(%dma_wait3A_105 : memref<7x4096xi32, #tpu.memory_space<hbm>>)
    %dma_wait3A_106 = arith.constant 0 : i32
    %dma_wait3A_107 = tpu.memref_slice %arg2[%dma_wait3A_106, %add3A_85] : memref<7x1048576xi32, #tpu.memory_space<hbm>> -> memref<7x4096xi32, #tpu.memory_space<hbm>>
    %dma_wait3A_108 = arith.constant 0 : i32
    %dma_wait3A_109 = tpu.memref_slice %arg2[%dma_wait3A_108, %add3A_85] : memref<7x1048576xi32, #tpu.memory_space<hbm>> -> memref<7x4096xi32, #tpu.memory_space<hbm>>
    tpu.wait_dma2 semaphore(%arg6 : memref<!tpu.dma_semaphore, #tpu.memory_space<semaphore_mem>>) src(%dma_wait3A_109 : memref<7x4096xi32, #tpu.memory_space<hbm>>) dst(%arg4 : memref<7x4096xi32, #tpu.memory_space<vmem>>)
    %add3A_110 = arith.constant 20480 : i32
    %add3A_111 = arith.addi %mul3A_2, %add3A_110 : i32
    %dma_start3A_112 = arith.constant 0 : i32
    %dma_start3A_113 = tpu.memref_slice %arg2[%dma_start3A_112, %add3A_111] : memref<7x1048576xi32, #tpu.memory_space<hbm>> -> memref<7x4096xi32, #tpu.memory_space<hbm>>
    %dma_start3A_114 = arith.constant 0 : i32
    %dma_start3A_115 = tpu.memref_slice %arg2[%dma_start3A_114, %add3A_111] : memref<7x1048576xi32, #tpu.memory_space<hbm>> -> memref<7x4096xi32, #tpu.memory_space<hbm>>
    tpu.enqueue_dma source(%dma_start3A_115 : memref<7x4096xi32, #tpu.memory_space<hbm>>) target(%arg5 : memref<7x4096xi32, #tpu.memory_space<vmem>>) target_semaphore(%arg7 : memref<!tpu.dma_semaphore, #tpu.memory_space<semaphore_mem>>)
    %scan3A_116 = arith.constant 0 : i32
    %scan3A_117 = arith.constant 0 : i32
    %scan3A_118 = arith.constant 128 : i32
    %scan3A_119 = arith.addi %scan3A_117, %scan3A_118 : i32
    %scan3A_120 = arith.constant 1 : i32
    scf.for %scan3A_208 = %scan3A_117 to %scan3A_119 step %scan3A_120  : i32 {
      %mul3A_209 = arith.constant 2 : i32
      %mul3A_210 = arith.muli %scan3A_208, %mul3A_209 : i32
      %add3A_211 = arith.constant 0 : i32
      %add3A_212 = arith.addi %mul3A_210, %add3A_211 : i32
      %mul3A_213 = arith.constant 16 : i32
      %mul3A_214 = arith.muli %add3A_212, %mul3A_213 : i32
      %get3A = arith.constant 0 : i32
      %get3A_215 = arith.index_cast %get3A : i32 to index
      %get3A_216 = arith.index_cast %mul3A_214 : i32 to index
      %get3A_217 = tpu.vector_load %arg4[%get3A_215, %get3A_216] {strides = array<i32>} : memref<7x4096xi32, #tpu.memory_space<vmem>>, vector<1x16xi32>,
      %get3A_218 = vector.shape_cast %get3A_217 : vector<1x16xi32> to vector<16xi32>
      %bitcast_convert_type3A = tpu.bitcast %get3A_218 : vector<16xi32> -> vector<16xf32>
      %mul3A_219 = arith.constant 1.280000e+02 : f32
      %mul3A_220 = vector.broadcast %mul3A_219 : f32 to vector<16xf32>
      %mul3A_221 = arith.mulf %bitcast_convert_type3A, %mul3A_220 : vector<16xf32>
      %add3A_222 = arith.constant 0x4B000080 : f32
      %add3A_223 = vector.broadcast %add3A_222 : f32 to vector<16xf32>
      %add3A_224 = arith.addf %mul3A_221, %add3A_223 : vector<16xf32>
      %bitcast_convert_type3A_225 = tpu.bitcast %add3A_224 : vector<16xf32> -> vector<16xi32>
      %add3A_226 = arith.constant -1258241201 : i32
      %add3A_227 = vector.broadcast %add3A_226 : i32 to vector<16xi32>
      %add3A_228 = arith.addi %bitcast_convert_type3A_225, %add3A_227 : vector<16xi32>
      %sub3A = arith.constant 0x4B000080 : f32
      %sub3A_229 = vector.broadcast %sub3A : f32 to vector<16xf32>
      %sub3A_230 = arith.subf %add3A_224, %sub3A_229 : vector<16xf32>
      %gt3A = arith.cmpf ogt, %mul3A_221, %sub3A_230 : vector<16xf32>
      %add3A_231 = arith.constant 1 : i32
      %add3A_232 = vector.broadcast %add3A_231 : i32 to vector<16xi32>
      %add3A_233 = arith.addi %add3A_228, %add3A_232 : vector<16xi32>
      %select_n3A = arith.select %gt3A, %add3A_233, %add3A_228 : vector<16xi1>, vector<16xi32>
      %max3A = arith.constant 50000 : i32
      %max3A_234 = vector.broadcast %max3A : i32 to vector<16xi32>
      %max3A_235 = arith.maxsi %select_n3A, %max3A_234 : vector<16xi32>
      %min3A = arith.constant 50255 : i32
      %min3A_236 = vector.broadcast %min3A : i32 to vector<16xi32>
      %min3A_237 = arith.minsi %max3A_235, %min3A_236 : vector<16xi32>
      %swap3A = arith.constant 0 : i32
      %swap3A_238 = arith.index_cast %swap3A : i32 to index
      %swap3A_239 = arith.index_cast %mul3A_214 : i32 to index
      %swap3A_240 = tpu.vector_load %arg4[%swap3A_238, %swap3A_239] {strides = array<i32>} : memref<7x4096xi32, #tpu.memory_space<vmem>>, vector<1x16xi32>,
      %swap3A_241 = vector.shape_cast %swap3A_240 : vector<1x16xi32> to vector<16xi32>
      %swap3A_242 = vector.shape_cast %min3A_237 : vector<16xi32> to vector<1x16xi32>
      tpu.vector_store %arg4[%swap3A_238, %swap3A_239], %swap3A_242 {strides = array<i32>} : memref<7x4096xi32, #tpu.memory_space<vmem>>, vector<1x16xi32>,
      %get3A_243 = arith.constant 1 : i32
      %get3A_244 = arith.index_cast %get3A_243 : i32 to index
      %get3A_245 = arith.index_cast %mul3A_214 : i32 to index
      %get3A_246 = tpu.vector_load %arg4[%get3A_244, %get3A_245] {strides = array<i32>} : memref<7x4096xi32, #tpu.memory_space<vmem>>, vector<1x16xi32>,
      %get3A_247 = vector.shape_cast %get3A_246 : vector<1x16xi32> to vector<16xi32>
      %bitcast_convert_type3A_248 = tpu.bitcast %get3A_247 : vector<16xi32> -> vector<16xf32>
      %mul3A_249 = arith.constant 1.280000e+02 : f32
      %mul3A_250 = vector.broadcast %mul3A_249 : f32 to vector<16xf32>
      %mul3A_251 = arith.mulf %bitcast_convert_type3A_248, %mul3A_250 : vector<16xf32>
      %add3A_252 = arith.constant 0x4B000080 : f32
      %add3A_253 = vector.broadcast %add3A_252 : f32 to vector<16xf32>
      %add3A_254 = arith.addf %mul3A_251, %add3A_253 : vector<16xf32>
      %bitcast_convert_type3A_255 = tpu.bitcast %add3A_254 : vector<16xf32> -> vector<16xi32>
      %add3A_256 = arith.constant -1258237630 : i32
      %add3A_257 = vector.broadcast %add3A_256 : i32 to vector<16xi32>
      %add3A_258 = arith.addi %bitcast_convert_type3A_255, %add3A_257 : vector<16xi32>
      %sub3A_259 = arith.constant 0x4B000080 : f32
      %sub3A_260 = vector.broadcast %sub3A_259 : f32 to vector<16xf32>
      %sub3A_261 = arith.subf %add3A_254, %sub3A_260 : vector<16xf32>
      %gt3A_262 = arith.cmpf ogt, %mul3A_251, %sub3A_261 : vector<16xf32>
      %add3A_263 = arith.constant 1 : i32
      %add3A_264 = vector.broadcast %add3A_263 : i32 to vector<16xi32>
      %add3A_265 = arith.addi %add3A_258, %add3A_264 : vector<16xi32>
      %select_n3A_266 = arith.select %gt3A_262, %add3A_265, %add3A_258 : vector<16xi1>, vector<16xi32>
      %max3A_267 = arith.constant 53571 : i32
      %max3A_268 = vector.broadcast %max3A_267 : i32 to vector<16xi32>
      %max3A_269 = arith.maxsi %select_n3A_266, %max3A_268 : vector<16xi32>
      %min3A_270 = arith.constant 53826 : i32
      %min3A_271 = vector.broadcast %min3A_270 : i32 to vector<16xi32>
      %min3A_272 = arith.minsi %max3A_269, %min3A_271 : vector<16xi32>
      %swap3A_273 = arith.constant 1 : i32
      %swap3A_274 = arith.index_cast %swap3A_273 : i32 to index
      %swap3A_275 = arith.index_cast %mul3A_214 : i32 to index
      %swap3A_276 = tpu.vector_load %arg4[%swap3A_274, %swap3A_275] {strides = array<i32>} : memref<7x4096xi32, #tpu.memory_space<vmem>>, vector<1x16xi32>,
      %swap3A_277 = vector.shape_cast %swap3A_276 : vector<1x16xi32> to vector<16xi32>
      %swap3A_278 = vector.shape_cast %min3A_272 : vector<16xi32> to vector<1x16xi32>
      tpu.vector_store %arg4[%swap3A_274, %swap3A_275], %swap3A_278 {strides = array<i32>} : memref<7x4096xi32, #tpu.memory_space<vmem>>, vector<1x16xi32>,
      %get3A_279 = arith.constant 2 : i32
      %get3A_280 = arith.index_cast %get3A_279 : i32 to index
      %get3A_281 = arith.index_cast %mul3A_214 : i32 to index
      %get3A_282 = tpu.vector_load %arg4[%get3A_280, %get3A_281] {strides = array<i32>} : memref<7x4096xi32, #tpu.memory_space<vmem>>, vector<1x16xi32>,
      %get3A_283 = vector.shape_cast %get3A_282 : vector<1x16xi32> to vector<16xi32>
      %bitcast_convert_type3A_284 = tpu.bitcast %get3A_283 : vector<16xi32> -> vector<16xf32>
      %mul3A_285 = arith.constant 1.280000e+02 : f32
      %mul3A_286 = vector.broadcast %mul3A_285 : f32 to vector<16xf32>
      %mul3A_287 = arith.mulf %bitcast_convert_type3A_284, %mul3A_286 : vector<16xf32>
      %add3A_288 = arith.constant 0x4B000080 : f32
      %add3A_289 = vector.broadcast %add3A_288 : f32 to vector<16xf32>
      %add3A_290 = arith.addf %mul3A_287, %add3A_289 : vector<16xf32>
      %bitcast_convert_type3A_291 = tpu.bitcast %add3A_290 : vector<16xf32> -> vector<16xi32>
      %add3A_292 = arith.constant -1258234059 : i32
      %add3A_293 = vector.broadcast %add3A_292 : i32 to vector<16xi32>
      %add3A_294 = arith.addi %bitcast_convert_type3A_291, %add3A_293 : vector<16xi32>
      %sub3A_295 = arith.constant 0x4B000080 : f32
      %sub3A_296 = vector.broadcast %sub3A_295 : f32 to vector<16xf32>
      %sub3A_297 = arith.subf %add3A_290, %sub3A_296 : vector<16xf32>
      %gt3A_298 = arith.cmpf ogt, %mul3A_287, %sub3A_297 : vector<16xf32>
      %add3A_299 = arith.constant 1 : i32
      %add3A_300 = vector.broadcast %add3A_299 : i32 to vector<16xi32>
      %add3A_301 = arith.addi %add3A_294, %add3A_300 : vector<16xi32>
      %select_n3A_302 = arith.select %gt3A_298, %add3A_301, %add3A_294 : vector<16xi1>, vector<16xi32>
      %max3A_303 = arith.constant 57142 : i32
      %max3A_304 = vector.broadcast %max3A_303 : i32 to vector<16xi32>
      %max3A_305 = arith.maxsi %select_n3A_302, %max3A_304 : vector<16xi32>
      %min3A_306 = arith.constant 57397 : i32
      %min3A_307 = vector.broadcast %min3A_306 : i32 to vector<16xi32>
      %min3A_308 = arith.minsi %max3A_305, %min3A_307 : vector<16xi32>
      %swap3A_309 = arith.constant 2 : i32
      %swap3A_310 = arith.index_cast %swap3A_309 : i32 to index
      %swap3A_311 = arith.index_cast %mul3A_214 : i32 to index
      %swap3A_312 = tpu.vector_load %arg4[%swap3A_310, %swap3A_311] {strides = array<i32>} : memref<7x4096xi32, #tpu.memory_space<vmem>>, vector<1x16xi32>,
      %swap3A_313 = vector.shape_cast %swap3A_312 : vector<1x16xi32> to vector<16xi32>
      %swap3A_314 = vector.shape_cast %min3A_308 : vector<16xi32> to vector<1x16xi32>
      tpu.vector_store %arg4[%swap3A_310, %swap3A_311], %swap3A_314 {strides = array<i32>} : memref<7x4096xi32, #tpu.memory_space<vmem>>, vector<1x16xi32>,
      %get3A_315 = arith.constant 3 : i32
      %get3A_316 = arith.index_cast %get3A_315 : i32 to index
      %get3A_317 = arith.index_cast %mul3A_214 : i32 to index
      %get3A_318 = tpu.vector_load %arg4[%get3A_316, %get3A_317] {strides = array<i32>} : memref<7x4096xi32, #tpu.memory_space<vmem>>, vector<1x16xi32>,
      %get3A_319 = vector.shape_cast %get3A_318 : vector<1x16xi32> to vector<16xi32>
      %bitcast_convert_type3A_320 = tpu.bitcast %get3A_319 : vector<16xi32> -> vector<16xf32>
      %mul3A_321 = arith.constant 1.280000e+02 : f32
      %mul3A_322 = vector.broadcast %mul3A_321 : f32 to vector<16xf32>
      %mul3A_323 = arith.mulf %bitcast_convert_type3A_320, %mul3A_322 : vector<16xf32>
      %add3A_324 = arith.constant 0x4B000080 : f32
      %add3A_325 = vector.broadcast %add3A_324 : f32 to vector<16xf32>
      %add3A_326 = arith.addf %mul3A_323, %add3A_325 : vector<16xf32>
      %bitcast_convert_type3A_327 = tpu.bitcast %add3A_326 : vector<16xf32> -> vector<16xi32>
      %add3A_328 = arith.constant -1258230488 : i32
      %add3A_329 = vector.broadcast %add3A_328 : i32 to vector<16xi32>
      %add3A_330 = arith.addi %bitcast_convert_type3A_327, %add3A_329 : vector<16xi32>
      %sub3A_331 = arith.constant 0x4B000080 : f32
      %sub3A_332 = vector.broadcast %sub3A_331 : f32 to vector<16xf32>
      %sub3A_333 = arith.subf %add3A_326, %sub3A_332 : vector<16xf32>
      %gt3A_334 = arith.cmpf ogt, %mul3A_323, %sub3A_333 : vector<16xf32>
      %add3A_335 = arith.constant 1 : i32
      %add3A_336 = vector.broadcast %add3A_335 : i32 to vector<16xi32>
      %add3A_337 = arith.addi %add3A_330, %add3A_336 : vector<16xi32>
      %select_n3A_338 = arith.select %gt3A_334, %add3A_337, %add3A_330 : vector<16xi1>, vector<16xi32>
      %max3A_339 = arith.constant 60713 : i32
      %max3A_340 = vector.broadcast %max3A_339 : i32 to vector<16xi32>
      %max3A_341 = arith.maxsi %select_n3A_338, %max3A_340 : vector<16xi32>
      %min3A_342 = arith.constant 60968 : i32
      %min3A_343 = vector.broadcast %min3A_342 : i32 to vector<16xi32>
      %min3A_344 = arith.minsi %max3A_341, %min3A_343 : vector<16xi32>
      %swap3A_345 = arith.constant 3 : i32
      %swap3A_346 = arith.index_cast %swap3A_345 : i32 to index
      %swap3A_347 = arith.index_cast %mul3A_214 : i32 to index
      %swap3A_348 = tpu.vector_load %arg4[%swap3A_346, %swap3A_347] {strides = array<i32>} : memref<7x4096xi32, #tpu.memory_space<vmem>>, vector<1x16xi32>,
      %swap3A_349 = vector.shape_cast %swap3A_348 : vector<1x16xi32> to vector<16xi32>
      %swap3A_350 = vector.shape_cast %min3A_344 : vector<16xi32> to vector<1x16xi32>
      tpu.vector_store %arg4[%swap3A_346, %swap3A_347], %swap3A_350 {strides = array<i32>} : memref<7x4096xi32, #tpu.memory_space<vmem>>, vector<1x16xi32>,
      %get3A_351 = arith.constant 4 : i32
      %get3A_352 = arith.index_cast %get3A_351 : i32 to index
      %get3A_353 = arith.index_cast %mul3A_214 : i32 to index
      %get3A_354 = tpu.vector_load %arg4[%get3A_352, %get3A_353] {strides = array<i32>} : memref<7x4096xi32, #tpu.memory_space<vmem>>, vector<1x16xi32>,
      %get3A_355 = vector.shape_cast %get3A_354 : vector<1x16xi32> to vector<16xi32>
      %bitcast_convert_type3A_356 = tpu.bitcast %get3A_355 : vector<16xi32> -> vector<16xf32>
      %mul3A_357 = arith.constant 1.280000e+02 : f32
      %mul3A_358 = vector.broadcast %mul3A_357 : f32 to vector<16xf32>
      %mul3A_359 = arith.mulf %bitcast_convert_type3A_356, %mul3A_358 : vector<16xf32>
      %add3A_360 = arith.constant 0x4B000080 : f32
      %add3A_361 = vector.broadcast %add3A_360 : f32 to vector<16xf32>
      %add3A_362 = arith.addf %mul3A_359, %add3A_361 : vector<16xf32>
      %bitcast_convert_type3A_363 = tpu.bitcast %add3A_362 : vector<16xf32> -> vector<16xi32>
      %add3A_364 = arith.constant -1258226917 : i32
      %add3A_365 = vector.broadcast %add3A_364 : i32 to vector<16xi32>
      %add3A_366 = arith.addi %bitcast_convert_type3A_363, %add3A_365 : vector<16xi32>
      %sub3A_367 = arith.constant 0x4B000080 : f32
      %sub3A_368 = vector.broadcast %sub3A_367 : f32 to vector<16xf32>
      %sub3A_369 = arith.subf %add3A_362, %sub3A_368 : vector<16xf32>
      %gt3A_370 = arith.cmpf ogt, %mul3A_359, %sub3A_369 : vector<16xf32>
      %add3A_371 = arith.constant 1 : i32
      %add3A_372 = vector.broadcast %add3A_371 : i32 to vector<16xi32>
      %add3A_373 = arith.addi %add3A_366, %add3A_372 : vector<16xi32>
      %select_n3A_374 = arith.select %gt3A_370, %add3A_373, %add3A_366 : vector<16xi1>, vector<16xi32>
      %max3A_375 = arith.constant 64284 : i32
      %max3A_376 = vector.broadcast %max3A_375 : i32 to vector<16xi32>
      %max3A_377 = arith.maxsi %select_n3A_374, %max3A_376 : vector<16xi32>
      %min3A_378 = arith.constant 64539 : i32
      %min3A_379 = vector.broadcast %min3A_378 : i32 to vector<16xi32>
      %min3A_380 = arith.minsi %max3A_377, %min3A_379 : vector<16xi32>
      %swap3A_381 = arith.constant 4 : i32
      %swap3A_382 = arith.index_cast %swap3A_381 : i32 to index
      %swap3A_383 = arith.index_cast %mul3A_214 : i32 to index
      %swap3A_384 = tpu.vector_load %arg4[%swap3A_382, %swap3A_383] {strides = array<i32>} : memref<7x4096xi32, #tpu.memory_space<vmem>>, vector<1x16xi32>,
      %swap3A_385 = vector.shape_cast %swap3A_384 : vector<1x16xi32> to vector<16xi32>
      %swap3A_386 = vector.shape_cast %min3A_380 : vector<16xi32> to vector<1x16xi32>
      tpu.vector_store %arg4[%swap3A_382, %swap3A_383], %swap3A_386 {strides = array<i32>} : memref<7x4096xi32, #tpu.memory_space<vmem>>, vector<1x16xi32>,
      %get3A_387 = arith.constant 5 : i32
      %get3A_388 = arith.index_cast %get3A_387 : i32 to index
      %get3A_389 = arith.index_cast %mul3A_214 : i32 to index
      %get3A_390 = tpu.vector_load %arg4[%get3A_388, %get3A_389] {strides = array<i32>} : memref<7x4096xi32, #tpu.memory_space<vmem>>, vector<1x16xi32>,
      %get3A_391 = vector.shape_cast %get3A_390 : vector<1x16xi32> to vector<16xi32>
      %bitcast_convert_type3A_392 = tpu.bitcast %get3A_391 : vector<16xi32> -> vector<16xf32>
      %mul3A_393 = arith.constant 1.280000e+02 : f32
      %mul3A_394 = vector.broadcast %mul3A_393 : f32 to vector<16xf32>
      %mul3A_395 = arith.mulf %bitcast_convert_type3A_392, %mul3A_394 : vector<16xf32>
      %add3A_396 = arith.constant 0x4B000080 : f32
      %add3A_397 = vector.broadcast %add3A_396 : f32 to vector<16xf32>
      %add3A_398 = arith.addf %mul3A_395, %add3A_397 : vector<16xf32>
      %bitcast_convert_type3A_399 = tpu.bitcast %add3A_398 : vector<16xf32> -> vector<16xi32>
      %add3A_400 = arith.constant -1258223346 : i32
      %add3A_401 = vector.broadcast %add3A_400 : i32 to vector<16xi32>
      %add3A_402 = arith.addi %bitcast_convert_type3A_399, %add3A_401 : vector<16xi32>
      %sub3A_403 = arith.constant 0x4B000080 : f32
      %sub3A_404 = vector.broadcast %sub3A_403 : f32 to vector<16xf32>
      %sub3A_405 = arith.subf %add3A_398, %sub3A_404 : vector<16xf32>
      %gt3A_406 = arith.cmpf ogt, %mul3A_395, %sub3A_405 : vector<16xf32>
      %add3A_407 = arith.constant 1 : i32
      %add3A_408 = vector.broadcast %add3A_407 : i32 to vector<16xi32>
      %add3A_409 = arith.addi %add3A_402, %add3A_408 : vector<16xi32>
      %select_n3A_410 = arith.select %gt3A_406, %add3A_409, %add3A_402 : vector<16xi1>, vector<16xi32>
      %max3A_411 = arith.constant 67855 : i32
      %max3A_412 = vector.broadcast %max3A_411 : i32 to vector<16xi32>
      %max3A_413 = arith.maxsi %select_n3A_410, %max3A_412 : vector<16xi32>
      %min3A_414 = arith.constant 68110 : i32
      %min3A_415 = vector.broadcast %min3A_414 : i32 to vector<16xi32>
      %min3A_416 = arith.minsi %max3A_413, %min3A_415 : vector<16xi32>
      %swap3A_417 = arith.constant 5 : i32
      %swap3A_418 = arith.index_cast %swap3A_417 : i32 to index
      %swap3A_419 = arith.index_cast %mul3A_214 : i32 to index
      %swap3A_420 = tpu.vector_load %arg4[%swap3A_418, %swap3A_419] {strides = array<i32>} : memref<7x4096xi32, #tpu.memory_space<vmem>>, vector<1x16xi32>,
      %swap3A_421 = vector.shape_cast %swap3A_420 : vector<1x16xi32> to vector<16xi32>
      %swap3A_422 = vector.shape_cast %min3A_416 : vector<16xi32> to vector<1x16xi32>
      tpu.vector_store %arg4[%swap3A_418, %swap3A_419], %swap3A_422 {strides = array<i32>} : memref<7x4096xi32, #tpu.memory_space<vmem>>, vector<1x16xi32>,
      %get3A_423 = arith.constant 6 : i32
      %get3A_424 = arith.index_cast %get3A_423 : i32 to index
      %get3A_425 = arith.index_cast %mul3A_214 : i32 to index
      %get3A_426 = tpu.vector_load %arg4[%get3A_424, %get3A_425] {strides = array<i32>} : memref<7x4096xi32, #tpu.memory_space<vmem>>, vector<1x16xi32>,
      %get3A_427 = vector.shape_cast %get3A_426 : vector<1x16xi32> to vector<16xi32>
      %bitcast_convert_type3A_428 = tpu.bitcast %get3A_427 : vector<16xi32> -> vector<16xf32>
      %mul3A_429 = arith.constant 1.280000e+02 : f32
      %mul3A_430 = vector.broadcast %mul3A_429 : f32 to vector<16xf32>
      %mul3A_431 = arith.mulf %bitcast_convert_type3A_428, %mul3A_430 : vector<16xf32>
      %add3A_432 = arith.constant 0x4B000080 : f32
      %add3A_433 = vector.broadcast %add3A_432 : f32 to vector<16xf32>
      %add3A_434 = arith.addf %mul3A_431, %add3A_433 : vector<16xf32>
      %bitcast_convert_type3A_435 = tpu.bitcast %add3A_434 : vector<16xf32> -> vector<16xi32>
      %add3A_436 = arith.constant -1258219775 : i32
      %add3A_437 = vector.broadcast %add3A_436 : i32 to vector<16xi32>
      %add3A_438 = arith.addi %bitcast_convert_type3A_435, %add3A_437 : vector<16xi32>
      %sub3A_439 = arith.constant 0x4B000080 : f32
      %sub3A_440 = vector.broadcast %sub3A_439 : f32 to vector<16xf32>
      %sub3A_441 = arith.subf %add3A_434, %sub3A_440 : vector<16xf32>
      %gt3A_442 = arith.cmpf ogt, %mul3A_431, %sub3A_441 : vector<16xf32>
      %add3A_443 = arith.constant 1 : i32
      %add3A_444 = vector.broadcast %add3A_443 : i32 to vector<16xi32>
      %add3A_445 = arith.addi %add3A_438, %add3A_444 : vector<16xi32>
      %select_n3A_446 = arith.select %gt3A_442, %add3A_445, %add3A_438 : vector<16xi1>, vector<16xi32>
      %max3A_447 = arith.constant 71426 : i32
      %max3A_448 = vector.broadcast %max3A_447 : i32 to vector<16xi32>
      %max3A_449 = arith.maxsi %select_n3A_446, %max3A_448 : vector<16xi32>
      %min3A_450 = arith.constant 71681 : i32
      %min3A_451 = vector.broadcast %min3A_450 : i32 to vector<16xi32>
      %min3A_452 = arith.minsi %max3A_449, %min3A_451 : vector<16xi32>
      %swap3A_453 = arith.constant 6 : i32
      %swap3A_454 = arith.index_cast %swap3A_453 : i32 to index
      %swap3A_455 = arith.index_cast %mul3A_214 : i32 to index
      %swap3A_456 = tpu.vector_load %arg4[%swap3A_454, %swap3A_455] {strides = array<i32>} : memref<7x4096xi32, #tpu.memory_space<vmem>>, vector<1x16xi32>,
      %swap3A_457 = vector.shape_cast %swap3A_456 : vector<1x16xi32> to vector<16xi32>
      %swap3A_458 = vector.shape_cast %min3A_452 : vector<16xi32> to vector<1x16xi32>
      tpu.vector_store %arg4[%swap3A_454, %swap3A_455], %swap3A_458 {strides = array<i32>} : memref<7x4096xi32, #tpu.memory_space<vmem>>, vector<1x16xi32>,
      %mul3A_459 = arith.constant 2 : i32
      %mul3A_460 = arith.muli %scan3A_208, %mul3A_459 : i32
      %add3A_461 = arith.constant 1 : i32
      %add3A_462 = arith.addi %mul3A_460, %add3A_461 : i32
      %mul3A_463 = arith.constant 16 : i32
      %mul3A_464 = arith.muli %add3A_462, %mul3A_463 : i32
      %get3A_465 = arith.constant 0 : i32
      %get3A_466 = arith.index_cast %get3A_465 : i32 to index
      %get3A_467 = arith.index_cast %mul3A_464 : i32 to index
      %get3A_468 = tpu.vector_load %arg4[%get3A_466, %get3A_467] {strides = array<i32>} : memref<7x4096xi32, #tpu.memory_space<vmem>>, vector<1x16xi32>,
      %get3A_469 = vector.shape_cast %get3A_468 : vector<1x16xi32> to vector<16xi32>
      %bitcast_convert_type3A_470 = tpu.bitcast %get3A_469 : vector<16xi32> -> vector<16xf32>
      %mul3A_471 = arith.constant 1.280000e+02 : f32
      %mul3A_472 = vector.broadcast %mul3A_471 : f32 to vector<16xf32>
      %mul3A_473 = arith.mulf %bitcast_convert_type3A_470, %mul3A_472 : vector<16xf32>
      %add3A_474 = arith.constant 0x4B000080 : f32
      %add3A_475 = vector.broadcast %add3A_474 : f32 to vector<16xf32>
      %add3A_476 = arith.addf %mul3A_473, %add3A_475 : vector<16xf32>
      %bitcast_convert_type3A_477 = tpu.bitcast %add3A_476 : vector<16xf32> -> vector<16xi32>
      %add3A_478 = arith.constant -1258241201 : i32
      %add3A_479 = vector.broadcast %add3A_478 : i32 to vector<16xi32>
      %add3A_480 = arith.addi %bitcast_convert_type3A_477, %add3A_479 : vector<16xi32>
      %sub3A_481 = arith.constant 0x4B000080 : f32
      %sub3A_482 = vector.broadcast %sub3A_481 : f32 to vector<16xf32>
      %sub3A_483 = arith.subf %add3A_476, %sub3A_482 : vector<16xf32>
      %gt3A_484 = arith.cmpf ogt, %mul3A_473, %sub3A_483 : vector<16xf32>
      %add3A_485 = arith.constant 1 : i32
      %add3A_486 = vector.broadcast %add3A_485 : i32 to vector<16xi32>
      %add3A_487 = arith.addi %add3A_480, %add3A_486 : vector<16xi32>
      %select_n3A_488 = arith.select %gt3A_484, %add3A_487, %add3A_480 : vector<16xi1>, vector<16xi32>
      %max3A_489 = arith.constant 50000 : i32
      %max3A_490 = vector.broadcast %max3A_489 : i32 to vector<16xi32>
      %max3A_491 = arith.maxsi %select_n3A_488, %max3A_490 : vector<16xi32>
      %min3A_492 = arith.constant 50255 : i32
      %min3A_493 = vector.broadcast %min3A_492 : i32 to vector<16xi32>
      %min3A_494 = arith.minsi %max3A_491, %min3A_493 : vector<16xi32>
      %swap3A_495 = arith.constant 0 : i32
      %swap3A_496 = arith.index_cast %swap3A_495 : i32 to index
      %swap3A_497 = arith.index_cast %mul3A_464 : i32 to index
      %swap3A_498 = tpu.vector_load %arg4[%swap3A_496, %swap3A_497] {strides = array<i32>} : memref<7x4096xi32, #tpu.memory_space<vmem>>, vector<1x16xi32>,
      %swap3A_499 = vector.shape_cast %swap3A_498 : vector<1x16xi32> to vector<16xi32>
      %swap3A_500 = vector.shape_cast %min3A_494 : vector<16xi32> to vector<1x16xi32>
      tpu.vector_store %arg4[%swap3A_496, %swap3A_497], %swap3A_500 {strides = array<i32>} : memref<7x4096xi32, #tpu.memory_space<vmem>>, vector<1x16xi32>,
      %get3A_501 = arith.constant 1 : i32
      %get3A_502 = arith.index_cast %get3A_501 : i32 to index
      %get3A_503 = arith.index_cast %mul3A_464 : i32 to index
      %get3A_504 = tpu.vector_load %arg4[%get3A_502, %get3A_503] {strides = array<i32>} : memref<7x4096xi32, #tpu.memory_space<vmem>>, vector<1x16xi32>,
      %get3A_505 = vector.shape_cast %get3A_504 : vector<1x16xi32> to vector<16xi32>
      %bitcast_convert_type3A_506 = tpu.bitcast %get3A_505 : vector<16xi32> -> vector<16xf32>
      %mul3A_507 = arith.constant 1.280000e+02 : f32
      %mul3A_508 = vector.broadcast %mul3A_507 : f32 to vector<16xf32>
      %mul3A_509 = arith.mulf %bitcast_convert_type3A_506, %mul3A_508 : vector<16xf32>
      %add3A_510 = arith.constant 0x4B000080 : f32
      %add3A_511 = vector.broadcast %add3A_510 : f32 to vector<16xf32>
      %add3A_512 = arith.addf %mul3A_509, %add3A_511 : vector<16xf32>
      %bitcast_convert_type3A_513 = tpu.bitcast %add3A_512 : vector<16xf32> -> vector<16xi32>
      %add3A_514 = arith.constant -1258237630 : i32
      %add3A_515 = vector.broadcast %add3A_514 : i32 to vector<16xi32>
      %add3A_516 = arith.addi %bitcast_convert_type3A_513, %add3A_515 : vector<16xi32>
      %sub3A_517 = arith.constant 0x4B000080 : f32
      %sub3A_518 = vector.broadcast %sub3A_517 : f32 to vector<16xf32>
      %sub3A_519 = arith.subf %add3A_512, %sub3A_518 : vector<16xf32>
      %gt3A_520 = arith.cmpf ogt, %mul3A_509, %sub3A_519 : vector<16xf32>
      %add3A_521 = arith.constant 1 : i32
      %add3A_522 = vector.broadcast %add3A_521 : i32 to vector<16xi32>
      %add3A_523 = arith.addi %add3A_516, %add3A_522 : vector<16xi32>
      %select_n3A_524 = arith.select %gt3A_520, %add3A_523, %add3A_516 : vector<16xi1>, vector<16xi32>
      %max3A_525 = arith.constant 53571 : i32
      %max3A_526 = vector.broadcast %max3A_525 : i32 to vector<16xi32>
      %max3A_527 = arith.maxsi %select_n3A_524, %max3A_526 : vector<16xi32>
      %min3A_528 = arith.constant 53826 : i32
      %min3A_529 = vector.broadcast %min3A_528 : i32 to vector<16xi32>
      %min3A_530 = arith.minsi %max3A_527, %min3A_529 : vector<16xi32>
      %swap3A_531 = arith.constant 1 : i32
      %swap3A_532 = arith.index_cast %swap3A_531 : i32 to index
      %swap3A_533 = arith.index_cast %mul3A_464 : i32 to index
      %swap3A_534 = tpu.vector_load %arg4[%swap3A_532, %swap3A_533] {strides = array<i32>} : memref<7x4096xi32, #tpu.memory_space<vmem>>, vector<1x16xi32>,
      %swap3A_535 = vector.shape_cast %swap3A_534 : vector<1x16xi32> to vector<16xi32>
      %swap3A_536 = vector.shape_cast %min3A_530 : vector<16xi32> to vector<1x16xi32>
      tpu.vector_store %arg4[%swap3A_532, %swap3A_533], %swap3A_536 {strides = array<i32>} : memref<7x4096xi32, #tpu.memory_space<vmem>>, vector<1x16xi32>,
      %get3A_537 = arith.constant 2 : i32
      %get3A_538 = arith.index_cast %get3A_537 : i32 to index
      %get3A_539 = arith.index_cast %mul3A_464 : i32 to index
      %get3A_540 = tpu.vector_load %arg4[%get3A_538, %get3A_539] {strides = array<i32>} : memref<7x4096xi32, #tpu.memory_space<vmem>>, vector<1x16xi32>,
      %get3A_541 = vector.shape_cast %get3A_540 : vector<1x16xi32> to vector<16xi32>
      %bitcast_convert_type3A_542 = tpu.bitcast %get3A_541 : vector<16xi32> -> vector<16xf32>
      %mul3A_543 = arith.constant 1.280000e+02 : f32
      %mul3A_544 = vector.broadcast %mul3A_543 : f32 to vector<16xf32>
      %mul3A_545 = arith.mulf %bitcast_convert_type3A_542, %mul3A_544 : vector<16xf32>
      %add3A_546 = arith.constant 0x4B000080 : f32
      %add3A_547 = vector.broadcast %add3A_546 : f32 to vector<16xf32>
      %add3A_548 = arith.addf %mul3A_545, %add3A_547 : vector<16xf32>
      %bitcast_convert_type3A_549 = tpu.bitcast %add3A_548 : vector<16xf32> -> vector<16xi32>
      %add3A_550 = arith.constant -1258234059 : i32
      %add3A_551 = vector.broadcast %add3A_550 : i32 to vector<16xi32>
      %add3A_552 = arith.addi %bitcast_convert_type3A_549, %add3A_551 : vector<16xi32>
      %sub3A_553 = arith.constant 0x4B000080 : f32
      %sub3A_554 = vector.broadcast %sub3A_553 : f32 to vector<16xf32>
      %sub3A_555 = arith.subf %add3A_548, %sub3A_554 : vector<16xf32>
      %gt3A_556 = arith.cmpf ogt, %mul3A_545, %sub3A_555 : vector<16xf32>
      %add3A_557 = arith.constant 1 : i32
      %add3A_558 = vector.broadcast %add3A_557 : i32 to vector<16xi32>
      %add3A_559 = arith.addi %add3A_552, %add3A_558 : vector<16xi32>
      %select_n3A_560 = arith.select %gt3A_556, %add3A_559, %add3A_552 : vector<16xi1>, vector<16xi32>
      %max3A_561 = arith.constant 57142 : i32
      %max3A_562 = vector.broadcast %max3A_561 : i32 to vector<16xi32>
      %max3A_563 = arith.maxsi %select_n3A_560, %max3A_562 : vector<16xi32>
      %min3A_564 = arith.constant 57397 : i32
      %min3A_565 = vector.broadcast %min3A_564 : i32 to vector<16xi32>
      %min3A_566 = arith.minsi %max3A_563, %min3A_565 : vector<16xi32>
      %swap3A_567 = arith.constant 2 : i32
      %swap3A_568 = arith.index_cast %swap3A_567 : i32 to index
      %swap3A_569 = arith.index_cast %mul3A_464 : i32 to index
      %swap3A_570 = tpu.vector_load %arg4[%swap3A_568, %swap3A_569] {strides = array<i32>} : memref<7x4096xi32, #tpu.memory_space<vmem>>, vector<1x16xi32>,
      %swap3A_571 = vector.shape_cast %swap3A_570 : vector<1x16xi32> to vector<16xi32>
      %swap3A_572 = vector.shape_cast %min3A_566 : vector<16xi32> to vector<1x16xi32>
      tpu.vector_store %arg4[%swap3A_568, %swap3A_569], %swap3A_572 {strides = array<i32>} : memref<7x4096xi32, #tpu.memory_space<vmem>>, vector<1x16xi32>,
      %get3A_573 = arith.constant 3 : i32
      %get3A_574 = arith.index_cast %get3A_573 : i32 to index
      %get3A_575 = arith.index_cast %mul3A_464 : i32 to index
      %get3A_576 = tpu.vector_load %arg4[%get3A_574, %get3A_575] {strides = array<i32>} : memref<7x4096xi32, #tpu.memory_space<vmem>>, vector<1x16xi32>,
      %get3A_577 = vector.shape_cast %get3A_576 : vector<1x16xi32> to vector<16xi32>
      %bitcast_convert_type3A_578 = tpu.bitcast %get3A_577 : vector<16xi32> -> vector<16xf32>
      %mul3A_579 = arith.constant 1.280000e+02 : f32
      %mul3A_580 = vector.broadcast %mul3A_579 : f32 to vector<16xf32>
      %mul3A_581 = arith.mulf %bitcast_convert_type3A_578, %mul3A_580 : vector<16xf32>
      %add3A_582 = arith.constant 0x4B000080 : f32
      %add3A_583 = vector.broadcast %add3A_582 : f32 to vector<16xf32>
      %add3A_584 = arith.addf %mul3A_581, %add3A_583 : vector<16xf32>
      %bitcast_convert_type3A_585 = tpu.bitcast %add3A_584 : vector<16xf32> -> vector<16xi32>
      %add3A_586 = arith.constant -1258230488 : i32
      %add3A_587 = vector.broadcast %add3A_586 : i32 to vector<16xi32>
      %add3A_588 = arith.addi %bitcast_convert_type3A_585, %add3A_587 : vector<16xi32>
      %sub3A_589 = arith.constant 0x4B000080 : f32
      %sub3A_590 = vector.broadcast %sub3A_589 : f32 to vector<16xf32>
      %sub3A_591 = arith.subf %add3A_584, %sub3A_590 : vector<16xf32>
      %gt3A_592 = arith.cmpf ogt, %mul3A_581, %sub3A_591 : vector<16xf32>
      %add3A_593 = arith.constant 1 : i32
      %add3A_594 = vector.broadcast %add3A_593 : i32 to vector<16xi32>
      %add3A_595 = arith.addi %add3A_588, %add3A_594 : vector<16xi32>
      %select_n3A_596 = arith.select %gt3A_592, %add3A_595, %add3A_588 : vector<16xi1>, vector<16xi32>
      %max3A_597 = arith.constant 60713 : i32
      %max3A_598 = vector.broadcast %max3A_597 : i32 to vector<16xi32>
      %max3A_599 = arith.maxsi %select_n3A_596, %max3A_598 : vector<16xi32>
      %min3A_600 = arith.constant 60968 : i32
      %min3A_601 = vector.broadcast %min3A_600 : i32 to vector<16xi32>
      %min3A_602 = arith.minsi %max3A_599, %min3A_601 : vector<16xi32>
      %swap3A_603 = arith.constant 3 : i32
      %swap3A_604 = arith.index_cast %swap3A_603 : i32 to index
      %swap3A_605 = arith.index_cast %mul3A_464 : i32 to index
      %swap3A_606 = tpu.vector_load %arg4[%swap3A_604, %swap3A_605] {strides = array<i32>} : memref<7x4096xi32, #tpu.memory_space<vmem>>, vector<1x16xi32>,
      %swap3A_607 = vector.shape_cast %swap3A_606 : vector<1x16xi32> to vector<16xi32>
      %swap3A_608 = vector.shape_cast %min3A_602 : vector<16xi32> to vector<1x16xi32>
      tpu.vector_store %arg4[%swap3A_604, %swap3A_605], %swap3A_608 {strides = array<i32>} : memref<7x4096xi32, #tpu.memory_space<vmem>>, vector<1x16xi32>,
      %get3A_609 = arith.constant 4 : i32
      %get3A_610 = arith.index_cast %get3A_609 : i32 to index
      %get3A_611 = arith.index_cast %mul3A_464 : i32 to index
      %get3A_612 = tpu.vector_load %arg4[%get3A_610, %get3A_611] {strides = array<i32>} : memref<7x4096xi32, #tpu.memory_space<vmem>>, vector<1x16xi32>,
      %get3A_613 = vector.shape_cast %get3A_612 : vector<1x16xi32> to vector<16xi32>
      %bitcast_convert_type3A_614 = tpu.bitcast %get3A_613 : vector<16xi32> -> vector<16xf32>
      %mul3A_615 = arith.constant 1.280000e+02 : f32
      %mul3A_616 = vector.broadcast %mul3A_615 : f32 to vector<16xf32>
      %mul3A_617 = arith.mulf %bitcast_convert_type3A_614, %mul3A_616 : vector<16xf32>
      %add3A_618 = arith.constant 0x4B000080 : f32
      %add3A_619 = vector.broadcast %add3A_618 : f32 to vector<16xf32>
      %add3A_620 = arith.addf %mul3A_617, %add3A_619 : vector<16xf32>
      %bitcast_convert_type3A_621 = tpu.bitcast %add3A_620 : vector<16xf32> -> vector<16xi32>
      %add3A_622 = arith.constant -1258226917 : i32
      %add3A_623 = vector.broadcast %add3A_622 : i32 to vector<16xi32>
      %add3A_624 = arith.addi %bitcast_convert_type3A_621, %add3A_623 : vector<16xi32>
      %sub3A_625 = arith.constant 0x4B000080 : f32
      %sub3A_626 = vector.broadcast %sub3A_625 : f32 to vector<16xf32>
      %sub3A_627 = arith.subf %add3A_620, %sub3A_626 : vector<16xf32>
      %gt3A_628 = arith.cmpf ogt, %mul3A_617, %sub3A_627 : vector<16xf32>
      %add3A_629 = arith.constant 1 : i32
      %add3A_630 = vector.broadcast %add3A_629 : i32 to vector<16xi32>
      %add3A_631 = arith.addi %add3A_624, %add3A_630 : vector<16xi32>
      %select_n3A_632 = arith.select %gt3A_628, %add3A_631, %add3A_624 : vector<16xi1>, vector<16xi32>
      %max3A_633 = arith.constant 64284 : i32
      %max3A_634 = vector.broadcast %max3A_633 : i32 to vector<16xi32>
      %max3A_635 = arith.maxsi %select_n3A_632, %max3A_634 : vector<16xi32>
      %min3A_636 = arith.constant 64539 : i32
      %min3A_637 = vector.broadcast %min3A_636 : i32 to vector<16xi32>
      %min3A_638 = arith.minsi %max3A_635, %min3A_637 : vector<16xi32>
      %swap3A_639 = arith.constant 4 : i32
      %swap3A_640 = arith.index_cast %swap3A_639 : i32 to index
      %swap3A_641 = arith.index_cast %mul3A_464 : i32 to index
      %swap3A_642 = tpu.vector_load %arg4[%swap3A_640, %swap3A_641] {strides = array<i32>} : memref<7x4096xi32, #tpu.memory_space<vmem>>, vector<1x16xi32>,
      %swap3A_643 = vector.shape_cast %swap3A_642 : vector<1x16xi32> to vector<16xi32>
      %swap3A_644 = vector.shape_cast %min3A_638 : vector<16xi32> to vector<1x16xi32>
      tpu.vector_store %arg4[%swap3A_640, %swap3A_641], %swap3A_644 {strides = array<i32>} : memref<7x4096xi32, #tpu.memory_space<vmem>>, vector<1x16xi32>,
      %get3A_645 = arith.constant 5 : i32
      %get3A_646 = arith.index_cast %get3A_645 : i32 to index
      %get3A_647 = arith.index_cast %mul3A_464 : i32 to index
      %get3A_648 = tpu.vector_load %arg4[%get3A_646, %get3A_647] {strides = array<i32>} : memref<7x4096xi32, #tpu.memory_space<vmem>>, vector<1x16xi32>,
      %get3A_649 = vector.shape_cast %get3A_648 : vector<1x16xi32> to vector<16xi32>
      %bitcast_convert_type3A_650 = tpu.bitcast %get3A_649 : vector<16xi32> -> vector<16xf32>
      %mul3A_651 = arith.constant 1.280000e+02 : f32
      %mul3A_652 = vector.broadcast %mul3A_651 : f32 to vector<16xf32>
      %mul3A_653 = arith.mulf %bitcast_convert_type3A_650, %mul3A_652 : vector<16xf32>
      %add3A_654 = arith.constant 0x4B000080 : f32
      %add3A_655 = vector.broadcast %add3A_654 : f32 to vector<16xf32>
      %add3A_656 = arith.addf %mul3A_653, %add3A_655 : vector<16xf32>
      %bitcast_convert_type3A_657 = tpu.bitcast %add3A_656 : vector<16xf32> -> vector<16xi32>
      %add3A_658 = arith.constant -1258223346 : i32
      %add3A_659 = vector.broadcast %add3A_658 : i32 to vector<16xi32>
      %add3A_660 = arith.addi %bitcast_convert_type3A_657, %add3A_659 : vector<16xi32>
      %sub3A_661 = arith.constant 0x4B000080 : f32
      %sub3A_662 = vector.broadcast %sub3A_661 : f32 to vector<16xf32>
      %sub3A_663 = arith.subf %add3A_656, %sub3A_662 : vector<16xf32>
      %gt3A_664 = arith.cmpf ogt, %mul3A_653, %sub3A_663 : vector<16xf32>
      %add3A_665 = arith.constant 1 : i32
      %add3A_666 = vector.broadcast %add3A_665 : i32 to vector<16xi32>
      %add3A_667 = arith.addi %add3A_660, %add3A_666 : vector<16xi32>
      %select_n3A_668 = arith.select %gt3A_664, %add3A_667, %add3A_660 : vector<16xi1>, vector<16xi32>
      %max3A_669 = arith.constant 67855 : i32
      %max3A_670 = vector.broadcast %max3A_669 : i32 to vector<16xi32>
      %max3A_671 = arith.maxsi %select_n3A_668, %max3A_670 : vector<16xi32>
      %min3A_672 = arith.constant 68110 : i32
      %min3A_673 = vector.broadcast %min3A_672 : i32 to vector<16xi32>
      %min3A_674 = arith.minsi %max3A_671, %min3A_673 : vector<16xi32>
      %swap3A_675 = arith.constant 5 : i32
      %swap3A_676 = arith.index_cast %swap3A_675 : i32 to index
      %swap3A_677 = arith.index_cast %mul3A_464 : i32 to index
      %swap3A_678 = tpu.vector_load %arg4[%swap3A_676, %swap3A_677] {strides = array<i32>} : memref<7x4096xi32, #tpu.memory_space<vmem>>, vector<1x16xi32>,
      %swap3A_679 = vector.shape_cast %swap3A_678 : vector<1x16xi32> to vector<16xi32>
      %swap3A_680 = vector.shape_cast %min3A_674 : vector<16xi32> to vector<1x16xi32>
      tpu.vector_store %arg4[%swap3A_676, %swap3A_677], %swap3A_680 {strides = array<i32>} : memref<7x4096xi32, #tpu.memory_space<vmem>>, vector<1x16xi32>,
      %get3A_681 = arith.constant 6 : i32
      %get3A_682 = arith.index_cast %get3A_681 : i32 to index
      %get3A_683 = arith.index_cast %mul3A_464 : i32 to index
      %get3A_684 = tpu.vector_load %arg4[%get3A_682, %get3A_683] {strides = array<i32>} : memref<7x4096xi32, #tpu.memory_space<vmem>>, vector<1x16xi32>,
      %get3A_685 = vector.shape_cast %get3A_684 : vector<1x16xi32> to vector<16xi32>
      %bitcast_convert_type3A_686 = tpu.bitcast %get3A_685 : vector<16xi32> -> vector<16xf32>
      %mul3A_687 = arith.constant 1.280000e+02 : f32
      %mul3A_688 = vector.broadcast %mul3A_687 : f32 to vector<16xf32>
      %mul3A_689 = arith.mulf %bitcast_convert_type3A_686, %mul3A_688 : vector<16xf32>
      %add3A_690 = arith.constant 0x4B000080 : f32
      %add3A_691 = vector.broadcast %add3A_690 : f32 to vector<16xf32>
      %add3A_692 = arith.addf %mul3A_689, %add3A_691 : vector<16xf32>
      %bitcast_convert_type3A_693 = tpu.bitcast %add3A_692 : vector<16xf32> -> vector<16xi32>
      %add3A_694 = arith.constant -1258219775 : i32
      %add3A_695 = vector.broadcast %add3A_694 : i32 to vector<16xi32>
      %add3A_696 = arith.addi %bitcast_convert_type3A_693, %add3A_695 : vector<16xi32>
      %sub3A_697 = arith.constant 0x4B000080 : f32
      %sub3A_698 = vector.broadcast %sub3A_697 : f32 to vector<16xf32>
      %sub3A_699 = arith.subf %add3A_692, %sub3A_698 : vector<16xf32>
      %gt3A_700 = arith.cmpf ogt, %mul3A_689, %sub3A_699 : vector<16xf32>
      %add3A_701 = arith.constant 1 : i32
      %add3A_702 = vector.broadcast %add3A_701 : i32 to vector<16xi32>
      %add3A_703 = arith.addi %add3A_696, %add3A_702 : vector<16xi32>
      %select_n3A_704 = arith.select %gt3A_700, %add3A_703, %add3A_696 : vector<16xi1>, vector<16xi32>
      %max3A_705 = arith.constant 71426 : i32
      %max3A_706 = vector.broadcast %max3A_705 : i32 to vector<16xi32>
      %max3A_707 = arith.maxsi %select_n3A_704, %max3A_706 : vector<16xi32>
      %min3A_708 = arith.constant 71681 : i32
      %min3A_709 = vector.broadcast %min3A_708 : i32 to vector<16xi32>
      %min3A_710 = arith.minsi %max3A_707, %min3A_709 : vector<16xi32>
      %swap3A_711 = arith.constant 6 : i32
      %swap3A_712 = arith.index_cast %swap3A_711 : i32 to index
      %swap3A_713 = arith.index_cast %mul3A_464 : i32 to index
      %swap3A_714 = tpu.vector_load %arg4[%swap3A_712, %swap3A_713] {strides = array<i32>} : memref<7x4096xi32, #tpu.memory_space<vmem>>, vector<1x16xi32>,
      %swap3A_715 = vector.shape_cast %swap3A_714 : vector<1x16xi32> to vector<16xi32>
      %swap3A_716 = vector.shape_cast %min3A_710 : vector<16xi32> to vector<1x16xi32>
      tpu.vector_store %arg4[%swap3A_712, %swap3A_713], %swap3A_716 {strides = array<i32>} : memref<7x4096xi32, #tpu.memory_space<vmem>>, vector<1x16xi32>,
    }
    %scan3A_121 = arith.constant 128 : i32
    %add3A_122 = arith.constant 16384 : i32
    %add3A_123 = arith.addi %mul3A_2, %add3A_122 : i32
    %dma_start3A_124 = arith.constant 0 : i32
    %dma_start3A_125 = tpu.memref_slice %arg3[%dma_start3A_124, %add3A_123] : memref<7x1048576xi32, #tpu.memory_space<hbm>> -> memref<7x4096xi32, #tpu.memory_space<hbm>>
    %dma_start3A_126 = arith.constant 0 : i32
    %dma_start3A_127 = tpu.memref_slice %arg3[%dma_start3A_126, %add3A_123] : memref<7x1048576xi32, #tpu.memory_space<hbm>> -> memref<7x4096xi32, #tpu.memory_space<hbm>>
    tpu.enqueue_dma source(%arg4 : memref<7x4096xi32, #tpu.memory_space<vmem>>) target(%dma_start3A_127 : memref<7x4096xi32, #tpu.memory_space<hbm>>) target_semaphore(%arg8 : memref<!tpu.dma_semaphore, #tpu.memory_space<semaphore_mem>>)
    %dma_wait3A_128 = arith.constant 0 : i32
    %dma_wait3A_129 = tpu.memref_slice %arg3[%dma_wait3A_128, %add3A_97] : memref<7x1048576xi32, #tpu.memory_space<hbm>> -> memref<7x4096xi32, #tpu.memory_space<hbm>>
    %dma_wait3A_130 = arith.constant 0 : i32
    %dma_wait3A_131 = tpu.memref_slice %arg3[%dma_wait3A_130, %add3A_97] : memref<7x1048576xi32, #tpu.memory_space<hbm>> -> memref<7x4096xi32, #tpu.memory_space<hbm>>
    tpu.wait_dma2 semaphore(%arg9 : memref<!tpu.dma_semaphore, #tpu.memory_space<semaphore_mem>>) src(%arg5 : memref<7x4096xi32, #tpu.memory_space<vmem>>) dst(%dma_wait3A_131 : memref<7x4096xi32, #tpu.memory_space<hbm>>)
    %dma_wait3A_132 = arith.constant 0 : i32
    %dma_wait3A_133 = tpu.memref_slice %arg2[%dma_wait3A_132, %add3A_111] : memref<7x1048576xi32, #tpu.memory_space<hbm>> -> memref<7x4096xi32, #tpu.memory_space<hbm>>
    %dma_wait3A_134 = arith.constant 0 : i32
    %dma_wait3A_135 = tpu.memref_slice %arg2[%dma_wait3A_134, %add3A_111] : memref<7x1048576xi32, #tpu.memory_space<hbm>> -> memref<7x4096xi32, #tpu.memory_space<hbm>>
    tpu.wait_dma2 semaphore(%arg7 : memref<!tpu.dma_semaphore, #tpu.memory_space<semaphore_mem>>) src(%dma_wait3A_135 : memref<7x4096xi32, #tpu.memory_space<hbm>>) dst(%arg5 : memref<7x4096xi32, #tpu.memory_space<vmem>>)
    %add3A_136 = arith.constant 24576 : i32
    %add3A_137 = arith.addi %mul3A_2, %add3A_136 : i32
    %dma_start3A_138 = arith.constant 0 : i32
    %dma_start3A_139 = tpu.memref_slice %arg2[%dma_start3A_138, %add3A_137] : memref<7x1048576xi32, #tpu.memory_space<hbm>> -> memref<7x4096xi32, #tpu.memory_space<hbm>>
    %dma_start3A_140 = arith.constant 0 : i32
    %dma_start3A_141 = tpu.memref_slice %arg2[%dma_start3A_140, %add3A_137] : memref<7x1048576xi32, #tpu.memory_space<hbm>> -> memref<7x4096xi32, #tpu.memory_space<hbm>>
    tpu.enqueue_dma source(%dma_start3A_141 : memref<7x4096xi32, #tpu.memory_space<hbm>>) target(%arg4 : memref<7x4096xi32, #tpu.memory_space<vmem>>) target_semaphore(%arg6 : memref<!tpu.dma_semaphore, #tpu.memory_space<semaphore_mem>>)
    %scan3A_142 = arith.constant 0 : i32
    %scan3A_143 = arith.constant 0 : i32
    %scan3A_144 = arith.constant 128 : i32
    %scan3A_145 = arith.addi %scan3A_143, %scan3A_144 : i32
    %scan3A_146 = arith.constant 1 : i32
    scf.for %scan3A_208 = %scan3A_143 to %scan3A_145 step %scan3A_146  : i32 {
      %mul3A_209 = arith.constant 2 : i32
      %mul3A_210 = arith.muli %scan3A_208, %mul3A_209 : i32
      %add3A_211 = arith.constant 0 : i32
      %add3A_212 = arith.addi %mul3A_210, %add3A_211 : i32
      %mul3A_213 = arith.constant 16 : i32
      %mul3A_214 = arith.muli %add3A_212, %mul3A_213 : i32
      %get3A = arith.constant 0 : i32
      %get3A_215 = arith.index_cast %get3A : i32 to index
      %get3A_216 = arith.index_cast %mul3A_214 : i32 to index
      %get3A_217 = tpu.vector_load %arg5[%get3A_215, %get3A_216] {strides = array<i32>} : memref<7x4096xi32, #tpu.memory_space<vmem>>, vector<1x16xi32>,
      %get3A_218 = vector.shape_cast %get3A_217 : vector<1x16xi32> to vector<16xi32>
      %bitcast_convert_type3A = tpu.bitcast %get3A_218 : vector<16xi32> -> vector<16xf32>
      %mul3A_219 = arith.constant 1.280000e+02 : f32
      %mul3A_220 = vector.broadcast %mul3A_219 : f32 to vector<16xf32>
      %mul3A_221 = arith.mulf %bitcast_convert_type3A, %mul3A_220 : vector<16xf32>
      %add3A_222 = arith.constant 0x4B000080 : f32
      %add3A_223 = vector.broadcast %add3A_222 : f32 to vector<16xf32>
      %add3A_224 = arith.addf %mul3A_221, %add3A_223 : vector<16xf32>
      %bitcast_convert_type3A_225 = tpu.bitcast %add3A_224 : vector<16xf32> -> vector<16xi32>
      %add3A_226 = arith.constant -1258241201 : i32
      %add3A_227 = vector.broadcast %add3A_226 : i32 to vector<16xi32>
      %add3A_228 = arith.addi %bitcast_convert_type3A_225, %add3A_227 : vector<16xi32>
      %sub3A = arith.constant 0x4B000080 : f32
      %sub3A_229 = vector.broadcast %sub3A : f32 to vector<16xf32>
      %sub3A_230 = arith.subf %add3A_224, %sub3A_229 : vector<16xf32>
      %gt3A = arith.cmpf ogt, %mul3A_221, %sub3A_230 : vector<16xf32>
      %add3A_231 = arith.constant 1 : i32
      %add3A_232 = vector.broadcast %add3A_231 : i32 to vector<16xi32>
      %add3A_233 = arith.addi %add3A_228, %add3A_232 : vector<16xi32>
      %select_n3A = arith.select %gt3A, %add3A_233, %add3A_228 : vector<16xi1>, vector<16xi32>
      %max3A = arith.constant 50000 : i32
      %max3A_234 = vector.broadcast %max3A : i32 to vector<16xi32>
      %max3A_235 = arith.maxsi %select_n3A, %max3A_234 : vector<16xi32>
      %min3A = arith.constant 50255 : i32
      %min3A_236 = vector.broadcast %min3A : i32 to vector<16xi32>
      %min3A_237 = arith.minsi %max3A_235, %min3A_236 : vector<16xi32>
      %swap3A = arith.constant 0 : i32
      %swap3A_238 = arith.index_cast %swap3A : i32 to index
      %swap3A_239 = arith.index_cast %mul3A_214 : i32 to index
      %swap3A_240 = tpu.vector_load %arg5[%swap3A_238, %swap3A_239] {strides = array<i32>} : memref<7x4096xi32, #tpu.memory_space<vmem>>, vector<1x16xi32>,
      %swap3A_241 = vector.shape_cast %swap3A_240 : vector<1x16xi32> to vector<16xi32>
      %swap3A_242 = vector.shape_cast %min3A_237 : vector<16xi32> to vector<1x16xi32>
      tpu.vector_store %arg5[%swap3A_238, %swap3A_239], %swap3A_242 {strides = array<i32>} : memref<7x4096xi32, #tpu.memory_space<vmem>>, vector<1x16xi32>,
      %get3A_243 = arith.constant 1 : i32
      %get3A_244 = arith.index_cast %get3A_243 : i32 to index
      %get3A_245 = arith.index_cast %mul3A_214 : i32 to index
      %get3A_246 = tpu.vector_load %arg5[%get3A_244, %get3A_245] {strides = array<i32>} : memref<7x4096xi32, #tpu.memory_space<vmem>>, vector<1x16xi32>,
      %get3A_247 = vector.shape_cast %get3A_246 : vector<1x16xi32> to vector<16xi32>
      %bitcast_convert_type3A_248 = tpu.bitcast %get3A_247 : vector<16xi32> -> vector<16xf32>
      %mul3A_249 = arith.constant 1.280000e+02 : f32
      %mul3A_250 = vector.broadcast %mul3A_249 : f32 to vector<16xf32>
      %mul3A_251 = arith.mulf %bitcast_convert_type3A_248, %mul3A_250 : vector<16xf32>
      %add3A_252 = arith.constant 0x4B000080 : f32
      %add3A_253 = vector.broadcast %add3A_252 : f32 to vector<16xf32>
      %add3A_254 = arith.addf %mul3A_251, %add3A_253 : vector<16xf32>
      %bitcast_convert_type3A_255 = tpu.bitcast %add3A_254 : vector<16xf32> -> vector<16xi32>
      %add3A_256 = arith.constant -1258237630 : i32
      %add3A_257 = vector.broadcast %add3A_256 : i32 to vector<16xi32>
      %add3A_258 = arith.addi %bitcast_convert_type3A_255, %add3A_257 : vector<16xi32>
      %sub3A_259 = arith.constant 0x4B000080 : f32
      %sub3A_260 = vector.broadcast %sub3A_259 : f32 to vector<16xf32>
      %sub3A_261 = arith.subf %add3A_254, %sub3A_260 : vector<16xf32>
      %gt3A_262 = arith.cmpf ogt, %mul3A_251, %sub3A_261 : vector<16xf32>
      %add3A_263 = arith.constant 1 : i32
      %add3A_264 = vector.broadcast %add3A_263 : i32 to vector<16xi32>
      %add3A_265 = arith.addi %add3A_258, %add3A_264 : vector<16xi32>
      %select_n3A_266 = arith.select %gt3A_262, %add3A_265, %add3A_258 : vector<16xi1>, vector<16xi32>
      %max3A_267 = arith.constant 53571 : i32
      %max3A_268 = vector.broadcast %max3A_267 : i32 to vector<16xi32>
      %max3A_269 = arith.maxsi %select_n3A_266, %max3A_268 : vector<16xi32>
      %min3A_270 = arith.constant 53826 : i32
      %min3A_271 = vector.broadcast %min3A_270 : i32 to vector<16xi32>
      %min3A_272 = arith.minsi %max3A_269, %min3A_271 : vector<16xi32>
      %swap3A_273 = arith.constant 1 : i32
      %swap3A_274 = arith.index_cast %swap3A_273 : i32 to index
      %swap3A_275 = arith.index_cast %mul3A_214 : i32 to index
      %swap3A_276 = tpu.vector_load %arg5[%swap3A_274, %swap3A_275] {strides = array<i32>} : memref<7x4096xi32, #tpu.memory_space<vmem>>, vector<1x16xi32>,
      %swap3A_277 = vector.shape_cast %swap3A_276 : vector<1x16xi32> to vector<16xi32>
      %swap3A_278 = vector.shape_cast %min3A_272 : vector<16xi32> to vector<1x16xi32>
      tpu.vector_store %arg5[%swap3A_274, %swap3A_275], %swap3A_278 {strides = array<i32>} : memref<7x4096xi32, #tpu.memory_space<vmem>>, vector<1x16xi32>,
      %get3A_279 = arith.constant 2 : i32
      %get3A_280 = arith.index_cast %get3A_279 : i32 to index
      %get3A_281 = arith.index_cast %mul3A_214 : i32 to index
      %get3A_282 = tpu.vector_load %arg5[%get3A_280, %get3A_281] {strides = array<i32>} : memref<7x4096xi32, #tpu.memory_space<vmem>>, vector<1x16xi32>,
      %get3A_283 = vector.shape_cast %get3A_282 : vector<1x16xi32> to vector<16xi32>
      %bitcast_convert_type3A_284 = tpu.bitcast %get3A_283 : vector<16xi32> -> vector<16xf32>
      %mul3A_285 = arith.constant 1.280000e+02 : f32
      %mul3A_286 = vector.broadcast %mul3A_285 : f32 to vector<16xf32>
      %mul3A_287 = arith.mulf %bitcast_convert_type3A_284, %mul3A_286 : vector<16xf32>
      %add3A_288 = arith.constant 0x4B000080 : f32
      %add3A_289 = vector.broadcast %add3A_288 : f32 to vector<16xf32>
      %add3A_290 = arith.addf %mul3A_287, %add3A_289 : vector<16xf32>
      %bitcast_convert_type3A_291 = tpu.bitcast %add3A_290 : vector<16xf32> -> vector<16xi32>
      %add3A_292 = arith.constant -1258234059 : i32
      %add3A_293 = vector.broadcast %add3A_292 : i32 to vector<16xi32>
      %add3A_294 = arith.addi %bitcast_convert_type3A_291, %add3A_293 : vector<16xi32>
      %sub3A_295 = arith.constant 0x4B000080 : f32
      %sub3A_296 = vector.broadcast %sub3A_295 : f32 to vector<16xf32>
      %sub3A_297 = arith.subf %add3A_290, %sub3A_296 : vector<16xf32>
      %gt3A_298 = arith.cmpf ogt, %mul3A_287, %sub3A_297 : vector<16xf32>
      %add3A_299 = arith.constant 1 : i32
      %add3A_300 = vector.broadcast %add3A_299 : i32 to vector<16xi32>
      %add3A_301 = arith.addi %add3A_294, %add3A_300 : vector<16xi32>
      %select_n3A_302 = arith.select %gt3A_298, %add3A_301, %add3A_294 : vector<16xi1>, vector<16xi32>
      %max3A_303 = arith.constant 57142 : i32
      %max3A_304 = vector.broadcast %max3A_303 : i32 to vector<16xi32>
      %max3A_305 = arith.maxsi %select_n3A_302, %max3A_304 : vector<16xi32>
      %min3A_306 = arith.constant 57397 : i32
      %min3A_307 = vector.broadcast %min3A_306 : i32 to vector<16xi32>
      %min3A_308 = arith.minsi %max3A_305, %min3A_307 : vector<16xi32>
      %swap3A_309 = arith.constant 2 : i32
      %swap3A_310 = arith.index_cast %swap3A_309 : i32 to index
      %swap3A_311 = arith.index_cast %mul3A_214 : i32 to index
      %swap3A_312 = tpu.vector_load %arg5[%swap3A_310, %swap3A_311] {strides = array<i32>} : memref<7x4096xi32, #tpu.memory_space<vmem>>, vector<1x16xi32>,
      %swap3A_313 = vector.shape_cast %swap3A_312 : vector<1x16xi32> to vector<16xi32>
      %swap3A_314 = vector.shape_cast %min3A_308 : vector<16xi32> to vector<1x16xi32>
      tpu.vector_store %arg5[%swap3A_310, %swap3A_311], %swap3A_314 {strides = array<i32>} : memref<7x4096xi32, #tpu.memory_space<vmem>>, vector<1x16xi32>,
      %get3A_315 = arith.constant 3 : i32
      %get3A_316 = arith.index_cast %get3A_315 : i32 to index
      %get3A_317 = arith.index_cast %mul3A_214 : i32 to index
      %get3A_318 = tpu.vector_load %arg5[%get3A_316, %get3A_317] {strides = array<i32>} : memref<7x4096xi32, #tpu.memory_space<vmem>>, vector<1x16xi32>,
      %get3A_319 = vector.shape_cast %get3A_318 : vector<1x16xi32> to vector<16xi32>
      %bitcast_convert_type3A_320 = tpu.bitcast %get3A_319 : vector<16xi32> -> vector<16xf32>
      %mul3A_321 = arith.constant 1.280000e+02 : f32
      %mul3A_322 = vector.broadcast %mul3A_321 : f32 to vector<16xf32>
      %mul3A_323 = arith.mulf %bitcast_convert_type3A_320, %mul3A_322 : vector<16xf32>
      %add3A_324 = arith.constant 0x4B000080 : f32
      %add3A_325 = vector.broadcast %add3A_324 : f32 to vector<16xf32>
      %add3A_326 = arith.addf %mul3A_323, %add3A_325 : vector<16xf32>
      %bitcast_convert_type3A_327 = tpu.bitcast %add3A_326 : vector<16xf32> -> vector<16xi32>
      %add3A_328 = arith.constant -1258230488 : i32
      %add3A_329 = vector.broadcast %add3A_328 : i32 to vector<16xi32>
      %add3A_330 = arith.addi %bitcast_convert_type3A_327, %add3A_329 : vector<16xi32>
      %sub3A_331 = arith.constant 0x4B000080 : f32
      %sub3A_332 = vector.broadcast %sub3A_331 : f32 to vector<16xf32>
      %sub3A_333 = arith.subf %add3A_326, %sub3A_332 : vector<16xf32>
      %gt3A_334 = arith.cmpf ogt, %mul3A_323, %sub3A_333 : vector<16xf32>
      %add3A_335 = arith.constant 1 : i32
      %add3A_336 = vector.broadcast %add3A_335 : i32 to vector<16xi32>
      %add3A_337 = arith.addi %add3A_330, %add3A_336 : vector<16xi32>
      %select_n3A_338 = arith.select %gt3A_334, %add3A_337, %add3A_330 : vector<16xi1>, vector<16xi32>
      %max3A_339 = arith.constant 60713 : i32
      %max3A_340 = vector.broadcast %max3A_339 : i32 to vector<16xi32>
      %max3A_341 = arith.maxsi %select_n3A_338, %max3A_340 : vector<16xi32>
      %min3A_342 = arith.constant 60968 : i32
      %min3A_343 = vector.broadcast %min3A_342 : i32 to vector<16xi32>
      %min3A_344 = arith.minsi %max3A_341, %min3A_343 : vector<16xi32>
      %swap3A_345 = arith.constant 3 : i32
      %swap3A_346 = arith.index_cast %swap3A_345 : i32 to index
      %swap3A_347 = arith.index_cast %mul3A_214 : i32 to index
      %swap3A_348 = tpu.vector_load %arg5[%swap3A_346, %swap3A_347] {strides = array<i32>} : memref<7x4096xi32, #tpu.memory_space<vmem>>, vector<1x16xi32>,
      %swap3A_349 = vector.shape_cast %swap3A_348 : vector<1x16xi32> to vector<16xi32>
      %swap3A_350 = vector.shape_cast %min3A_344 : vector<16xi32> to vector<1x16xi32>
      tpu.vector_store %arg5[%swap3A_346, %swap3A_347], %swap3A_350 {strides = array<i32>} : memref<7x4096xi32, #tpu.memory_space<vmem>>, vector<1x16xi32>,
      %get3A_351 = arith.constant 4 : i32
      %get3A_352 = arith.index_cast %get3A_351 : i32 to index
      %get3A_353 = arith.index_cast %mul3A_214 : i32 to index
      %get3A_354 = tpu.vector_load %arg5[%get3A_352, %get3A_353] {strides = array<i32>} : memref<7x4096xi32, #tpu.memory_space<vmem>>, vector<1x16xi32>,
      %get3A_355 = vector.shape_cast %get3A_354 : vector<1x16xi32> to vector<16xi32>
      %bitcast_convert_type3A_356 = tpu.bitcast %get3A_355 : vector<16xi32> -> vector<16xf32>
      %mul3A_357 = arith.constant 1.280000e+02 : f32
      %mul3A_358 = vector.broadcast %mul3A_357 : f32 to vector<16xf32>
      %mul3A_359 = arith.mulf %bitcast_convert_type3A_356, %mul3A_358 : vector<16xf32>
      %add3A_360 = arith.constant 0x4B000080 : f32
      %add3A_361 = vector.broadcast %add3A_360 : f32 to vector<16xf32>
      %add3A_362 = arith.addf %mul3A_359, %add3A_361 : vector<16xf32>
      %bitcast_convert_type3A_363 = tpu.bitcast %add3A_362 : vector<16xf32> -> vector<16xi32>
      %add3A_364 = arith.constant -1258226917 : i32
      %add3A_365 = vector.broadcast %add3A_364 : i32 to vector<16xi32>
      %add3A_366 = arith.addi %bitcast_convert_type3A_363, %add3A_365 : vector<16xi32>
      %sub3A_367 = arith.constant 0x4B000080 : f32
      %sub3A_368 = vector.broadcast %sub3A_367 : f32 to vector<16xf32>
      %sub3A_369 = arith.subf %add3A_362, %sub3A_368 : vector<16xf32>
      %gt3A_370 = arith.cmpf ogt, %mul3A_359, %sub3A_369 : vector<16xf32>
      %add3A_371 = arith.constant 1 : i32
      %add3A_372 = vector.broadcast %add3A_371 : i32 to vector<16xi32>
      %add3A_373 = arith.addi %add3A_366, %add3A_372 : vector<16xi32>
      %select_n3A_374 = arith.select %gt3A_370, %add3A_373, %add3A_366 : vector<16xi1>, vector<16xi32>
      %max3A_375 = arith.constant 64284 : i32
      %max3A_376 = vector.broadcast %max3A_375 : i32 to vector<16xi32>
      %max3A_377 = arith.maxsi %select_n3A_374, %max3A_376 : vector<16xi32>
      %min3A_378 = arith.constant 64539 : i32
      %min3A_379 = vector.broadcast %min3A_378 : i32 to vector<16xi32>
      %min3A_380 = arith.minsi %max3A_377, %min3A_379 : vector<16xi32>
      %swap3A_381 = arith.constant 4 : i32
      %swap3A_382 = arith.index_cast %swap3A_381 : i32 to index
      %swap3A_383 = arith.index_cast %mul3A_214 : i32 to index
      %swap3A_384 = tpu.vector_load %arg5[%swap3A_382, %swap3A_383] {strides = array<i32>} : memref<7x4096xi32, #tpu.memory_space<vmem>>, vector<1x16xi32>,
      %swap3A_385 = vector.shape_cast %swap3A_384 : vector<1x16xi32> to vector<16xi32>
      %swap3A_386 = vector.shape_cast %min3A_380 : vector<16xi32> to vector<1x16xi32>
      tpu.vector_store %arg5[%swap3A_382, %swap3A_383], %swap3A_386 {strides = array<i32>} : memref<7x4096xi32, #tpu.memory_space<vmem>>, vector<1x16xi32>,
      %get3A_387 = arith.constant 5 : i32
      %get3A_388 = arith.index_cast %get3A_387 : i32 to index
      %get3A_389 = arith.index_cast %mul3A_214 : i32 to index
      %get3A_390 = tpu.vector_load %arg5[%get3A_388, %get3A_389] {strides = array<i32>} : memref<7x4096xi32, #tpu.memory_space<vmem>>, vector<1x16xi32>,
      %get3A_391 = vector.shape_cast %get3A_390 : vector<1x16xi32> to vector<16xi32>
      %bitcast_convert_type3A_392 = tpu.bitcast %get3A_391 : vector<16xi32> -> vector<16xf32>
      %mul3A_393 = arith.constant 1.280000e+02 : f32
      %mul3A_394 = vector.broadcast %mul3A_393 : f32 to vector<16xf32>
      %mul3A_395 = arith.mulf %bitcast_convert_type3A_392, %mul3A_394 : vector<16xf32>
      %add3A_396 = arith.constant 0x4B000080 : f32
      %add3A_397 = vector.broadcast %add3A_396 : f32 to vector<16xf32>
      %add3A_398 = arith.addf %mul3A_395, %add3A_397 : vector<16xf32>
      %bitcast_convert_type3A_399 = tpu.bitcast %add3A_398 : vector<16xf32> -> vector<16xi32>
      %add3A_400 = arith.constant -1258223346 : i32
      %add3A_401 = vector.broadcast %add3A_400 : i32 to vector<16xi32>
      %add3A_402 = arith.addi %bitcast_convert_type3A_399, %add3A_401 : vector<16xi32>
      %sub3A_403 = arith.constant 0x4B000080 : f32
      %sub3A_404 = vector.broadcast %sub3A_403 : f32 to vector<16xf32>
      %sub3A_405 = arith.subf %add3A_398, %sub3A_404 : vector<16xf32>
      %gt3A_406 = arith.cmpf ogt, %mul3A_395, %sub3A_405 : vector<16xf32>
      %add3A_407 = arith.constant 1 : i32
      %add3A_408 = vector.broadcast %add3A_407 : i32 to vector<16xi32>
      %add3A_409 = arith.addi %add3A_402, %add3A_408 : vector<16xi32>
      %select_n3A_410 = arith.select %gt3A_406, %add3A_409, %add3A_402 : vector<16xi1>, vector<16xi32>
      %max3A_411 = arith.constant 67855 : i32
      %max3A_412 = vector.broadcast %max3A_411 : i32 to vector<16xi32>
      %max3A_413 = arith.maxsi %select_n3A_410, %max3A_412 : vector<16xi32>
      %min3A_414 = arith.constant 68110 : i32
      %min3A_415 = vector.broadcast %min3A_414 : i32 to vector<16xi32>
      %min3A_416 = arith.minsi %max3A_413, %min3A_415 : vector<16xi32>
      %swap3A_417 = arith.constant 5 : i32
      %swap3A_418 = arith.index_cast %swap3A_417 : i32 to index
      %swap3A_419 = arith.index_cast %mul3A_214 : i32 to index
      %swap3A_420 = tpu.vector_load %arg5[%swap3A_418, %swap3A_419] {strides = array<i32>} : memref<7x4096xi32, #tpu.memory_space<vmem>>, vector<1x16xi32>,
      %swap3A_421 = vector.shape_cast %swap3A_420 : vector<1x16xi32> to vector<16xi32>
      %swap3A_422 = vector.shape_cast %min3A_416 : vector<16xi32> to vector<1x16xi32>
      tpu.vector_store %arg5[%swap3A_418, %swap3A_419], %swap3A_422 {strides = array<i32>} : memref<7x4096xi32, #tpu.memory_space<vmem>>, vector<1x16xi32>,
      %get3A_423 = arith.constant 6 : i32
      %get3A_424 = arith.index_cast %get3A_423 : i32 to index
      %get3A_425 = arith.index_cast %mul3A_214 : i32 to index
      %get3A_426 = tpu.vector_load %arg5[%get3A_424, %get3A_425] {strides = array<i32>} : memref<7x4096xi32, #tpu.memory_space<vmem>>, vector<1x16xi32>,
      %get3A_427 = vector.shape_cast %get3A_426 : vector<1x16xi32> to vector<16xi32>
      %bitcast_convert_type3A_428 = tpu.bitcast %get3A_427 : vector<16xi32> -> vector<16xf32>
      %mul3A_429 = arith.constant 1.280000e+02 : f32
      %mul3A_430 = vector.broadcast %mul3A_429 : f32 to vector<16xf32>
      %mul3A_431 = arith.mulf %bitcast_convert_type3A_428, %mul3A_430 : vector<16xf32>
      %add3A_432 = arith.constant 0x4B000080 : f32
      %add3A_433 = vector.broadcast %add3A_432 : f32 to vector<16xf32>
      %add3A_434 = arith.addf %mul3A_431, %add3A_433 : vector<16xf32>
      %bitcast_convert_type3A_435 = tpu.bitcast %add3A_434 : vector<16xf32> -> vector<16xi32>
      %add3A_436 = arith.constant -1258219775 : i32
      %add3A_437 = vector.broadcast %add3A_436 : i32 to vector<16xi32>
      %add3A_438 = arith.addi %bitcast_convert_type3A_435, %add3A_437 : vector<16xi32>
      %sub3A_439 = arith.constant 0x4B000080 : f32
      %sub3A_440 = vector.broadcast %sub3A_439 : f32 to vector<16xf32>
      %sub3A_441 = arith.subf %add3A_434, %sub3A_440 : vector<16xf32>
      %gt3A_442 = arith.cmpf ogt, %mul3A_431, %sub3A_441 : vector<16xf32>
      %add3A_443 = arith.constant 1 : i32
      %add3A_444 = vector.broadcast %add3A_443 : i32 to vector<16xi32>
      %add3A_445 = arith.addi %add3A_438, %add3A_444 : vector<16xi32>
      %select_n3A_446 = arith.select %gt3A_442, %add3A_445, %add3A_438 : vector<16xi1>, vector<16xi32>
      %max3A_447 = arith.constant 71426 : i32
      %max3A_448 = vector.broadcast %max3A_447 : i32 to vector<16xi32>
      %max3A_449 = arith.maxsi %select_n3A_446, %max3A_448 : vector<16xi32>
      %min3A_450 = arith.constant 71681 : i32
      %min3A_451 = vector.broadcast %min3A_450 : i32 to vector<16xi32>
      %min3A_452 = arith.minsi %max3A_449, %min3A_451 : vector<16xi32>
      %swap3A_453 = arith.constant 6 : i32
      %swap3A_454 = arith.index_cast %swap3A_453 : i32 to index
      %swap3A_455 = arith.index_cast %mul3A_214 : i32 to index
      %swap3A_456 = tpu.vector_load %arg5[%swap3A_454, %swap3A_455] {strides = array<i32>} : memref<7x4096xi32, #tpu.memory_space<vmem>>, vector<1x16xi32>,
      %swap3A_457 = vector.shape_cast %swap3A_456 : vector<1x16xi32> to vector<16xi32>
      %swap3A_458 = vector.shape_cast %min3A_452 : vector<16xi32> to vector<1x16xi32>
      tpu.vector_store %arg5[%swap3A_454, %swap3A_455], %swap3A_458 {strides = array<i32>} : memref<7x4096xi32, #tpu.memory_space<vmem>>, vector<1x16xi32>,
      %mul3A_459 = arith.constant 2 : i32
      %mul3A_460 = arith.muli %scan3A_208, %mul3A_459 : i32
      %add3A_461 = arith.constant 1 : i32
      %add3A_462 = arith.addi %mul3A_460, %add3A_461 : i32
      %mul3A_463 = arith.constant 16 : i32
      %mul3A_464 = arith.muli %add3A_462, %mul3A_463 : i32
      %get3A_465 = arith.constant 0 : i32
      %get3A_466 = arith.index_cast %get3A_465 : i32 to index
      %get3A_467 = arith.index_cast %mul3A_464 : i32 to index
      %get3A_468 = tpu.vector_load %arg5[%get3A_466, %get3A_467] {strides = array<i32>} : memref<7x4096xi32, #tpu.memory_space<vmem>>, vector<1x16xi32>,
      %get3A_469 = vector.shape_cast %get3A_468 : vector<1x16xi32> to vector<16xi32>
      %bitcast_convert_type3A_470 = tpu.bitcast %get3A_469 : vector<16xi32> -> vector<16xf32>
      %mul3A_471 = arith.constant 1.280000e+02 : f32
      %mul3A_472 = vector.broadcast %mul3A_471 : f32 to vector<16xf32>
      %mul3A_473 = arith.mulf %bitcast_convert_type3A_470, %mul3A_472 : vector<16xf32>
      %add3A_474 = arith.constant 0x4B000080 : f32
      %add3A_475 = vector.broadcast %add3A_474 : f32 to vector<16xf32>
      %add3A_476 = arith.addf %mul3A_473, %add3A_475 : vector<16xf32>
      %bitcast_convert_type3A_477 = tpu.bitcast %add3A_476 : vector<16xf32> -> vector<16xi32>
      %add3A_478 = arith.constant -1258241201 : i32
      %add3A_479 = vector.broadcast %add3A_478 : i32 to vector<16xi32>
      %add3A_480 = arith.addi %bitcast_convert_type3A_477, %add3A_479 : vector<16xi32>
      %sub3A_481 = arith.constant 0x4B000080 : f32
      %sub3A_482 = vector.broadcast %sub3A_481 : f32 to vector<16xf32>
      %sub3A_483 = arith.subf %add3A_476, %sub3A_482 : vector<16xf32>
      %gt3A_484 = arith.cmpf ogt, %mul3A_473, %sub3A_483 : vector<16xf32>
      %add3A_485 = arith.constant 1 : i32
      %add3A_486 = vector.broadcast %add3A_485 : i32 to vector<16xi32>
      %add3A_487 = arith.addi %add3A_480, %add3A_486 : vector<16xi32>
      %select_n3A_488 = arith.select %gt3A_484, %add3A_487, %add3A_480 : vector<16xi1>, vector<16xi32>
      %max3A_489 = arith.constant 50000 : i32
      %max3A_490 = vector.broadcast %max3A_489 : i32 to vector<16xi32>
      %max3A_491 = arith.maxsi %select_n3A_488, %max3A_490 : vector<16xi32>
      %min3A_492 = arith.constant 50255 : i32
      %min3A_493 = vector.broadcast %min3A_492 : i32 to vector<16xi32>
      %min3A_494 = arith.minsi %max3A_491, %min3A_493 : vector<16xi32>
      %swap3A_495 = arith.constant 0 : i32
      %swap3A_496 = arith.index_cast %swap3A_495 : i32 to index
      %swap3A_497 = arith.index_cast %mul3A_464 : i32 to index
      %swap3A_498 = tpu.vector_load %arg5[%swap3A_496, %swap3A_497] {strides = array<i32>} : memref<7x4096xi32, #tpu.memory_space<vmem>>, vector<1x16xi32>,
      %swap3A_499 = vector.shape_cast %swap3A_498 : vector<1x16xi32> to vector<16xi32>
      %swap3A_500 = vector.shape_cast %min3A_494 : vector<16xi32> to vector<1x16xi32>
      tpu.vector_store %arg5[%swap3A_496, %swap3A_497], %swap3A_500 {strides = array<i32>} : memref<7x4096xi32, #tpu.memory_space<vmem>>, vector<1x16xi32>,
      %get3A_501 = arith.constant 1 : i32
      %get3A_502 = arith.index_cast %get3A_501 : i32 to index
      %get3A_503 = arith.index_cast %mul3A_464 : i32 to index
      %get3A_504 = tpu.vector_load %arg5[%get3A_502, %get3A_503] {strides = array<i32>} : memref<7x4096xi32, #tpu.memory_space<vmem>>, vector<1x16xi32>,
      %get3A_505 = vector.shape_cast %get3A_504 : vector<1x16xi32> to vector<16xi32>
      %bitcast_convert_type3A_506 = tpu.bitcast %get3A_505 : vector<16xi32> -> vector<16xf32>
      %mul3A_507 = arith.constant 1.280000e+02 : f32
      %mul3A_508 = vector.broadcast %mul3A_507 : f32 to vector<16xf32>
      %mul3A_509 = arith.mulf %bitcast_convert_type3A_506, %mul3A_508 : vector<16xf32>
      %add3A_510 = arith.constant 0x4B000080 : f32
      %add3A_511 = vector.broadcast %add3A_510 : f32 to vector<16xf32>
      %add3A_512 = arith.addf %mul3A_509, %add3A_511 : vector<16xf32>
      %bitcast_convert_type3A_513 = tpu.bitcast %add3A_512 : vector<16xf32> -> vector<16xi32>
      %add3A_514 = arith.constant -1258237630 : i32
      %add3A_515 = vector.broadcast %add3A_514 : i32 to vector<16xi32>
      %add3A_516 = arith.addi %bitcast_convert_type3A_513, %add3A_515 : vector<16xi32>
      %sub3A_517 = arith.constant 0x4B000080 : f32
      %sub3A_518 = vector.broadcast %sub3A_517 : f32 to vector<16xf32>
      %sub3A_519 = arith.subf %add3A_512, %sub3A_518 : vector<16xf32>
      %gt3A_520 = arith.cmpf ogt, %mul3A_509, %sub3A_519 : vector<16xf32>
      %add3A_521 = arith.constant 1 : i32
      %add3A_522 = vector.broadcast %add3A_521 : i32 to vector<16xi32>
      %add3A_523 = arith.addi %add3A_516, %add3A_522 : vector<16xi32>
      %select_n3A_524 = arith.select %gt3A_520, %add3A_523, %add3A_516 : vector<16xi1>, vector<16xi32>
      %max3A_525 = arith.constant 53571 : i32
      %max3A_526 = vector.broadcast %max3A_525 : i32 to vector<16xi32>
      %max3A_527 = arith.maxsi %select_n3A_524, %max3A_526 : vector<16xi32>
      %min3A_528 = arith.constant 53826 : i32
      %min3A_529 = vector.broadcast %min3A_528 : i32 to vector<16xi32>
      %min3A_530 = arith.minsi %max3A_527, %min3A_529 : vector<16xi32>
      %swap3A_531 = arith.constant 1 : i32
      %swap3A_532 = arith.index_cast %swap3A_531 : i32 to index
      %swap3A_533 = arith.index_cast %mul3A_464 : i32 to index
      %swap3A_534 = tpu.vector_load %arg5[%swap3A_532, %swap3A_533] {strides = array<i32>} : memref<7x4096xi32, #tpu.memory_space<vmem>>, vector<1x16xi32>,
      %swap3A_535 = vector.shape_cast %swap3A_534 : vector<1x16xi32> to vector<16xi32>
      %swap3A_536 = vector.shape_cast %min3A_530 : vector<16xi32> to vector<1x16xi32>
      tpu.vector_store %arg5[%swap3A_532, %swap3A_533], %swap3A_536 {strides = array<i32>} : memref<7x4096xi32, #tpu.memory_space<vmem>>, vector<1x16xi32>,
      %get3A_537 = arith.constant 2 : i32
      %get3A_538 = arith.index_cast %get3A_537 : i32 to index
      %get3A_539 = arith.index_cast %mul3A_464 : i32 to index
      %get3A_540 = tpu.vector_load %arg5[%get3A_538, %get3A_539] {strides = array<i32>} : memref<7x4096xi32, #tpu.memory_space<vmem>>, vector<1x16xi32>,
      %get3A_541 = vector.shape_cast %get3A_540 : vector<1x16xi32> to vector<16xi32>
      %bitcast_convert_type3A_542 = tpu.bitcast %get3A_541 : vector<16xi32> -> vector<16xf32>
      %mul3A_543 = arith.constant 1.280000e+02 : f32
      %mul3A_544 = vector.broadcast %mul3A_543 : f32 to vector<16xf32>
      %mul3A_545 = arith.mulf %bitcast_convert_type3A_542, %mul3A_544 : vector<16xf32>
      %add3A_546 = arith.constant 0x4B000080 : f32
      %add3A_547 = vector.broadcast %add3A_546 : f32 to vector<16xf32>
      %add3A_548 = arith.addf %mul3A_545, %add3A_547 : vector<16xf32>
      %bitcast_convert_type3A_549 = tpu.bitcast %add3A_548 : vector<16xf32> -> vector<16xi32>
      %add3A_550 = arith.constant -1258234059 : i32
      %add3A_551 = vector.broadcast %add3A_550 : i32 to vector<16xi32>
      %add3A_552 = arith.addi %bitcast_convert_type3A_549, %add3A_551 : vector<16xi32>
      %sub3A_553 = arith.constant 0x4B000080 : f32
      %sub3A_554 = vector.broadcast %sub3A_553 : f32 to vector<16xf32>
      %sub3A_555 = arith.subf %add3A_548, %sub3A_554 : vector<16xf32>
      %gt3A_556 = arith.cmpf ogt, %mul3A_545, %sub3A_555 : vector<16xf32>
      %add3A_557 = arith.constant 1 : i32
      %add3A_558 = vector.broadcast %add3A_557 : i32 to vector<16xi32>
      %add3A_559 = arith.addi %add3A_552, %add3A_558 : vector<16xi32>
      %select_n3A_560 = arith.select %gt3A_556, %add3A_559, %add3A_552 : vector<16xi1>, vector<16xi32>
      %max3A_561 = arith.constant 57142 : i32
      %max3A_562 = vector.broadcast %max3A_561 : i32 to vector<16xi32>
      %max3A_563 = arith.maxsi %select_n3A_560, %max3A_562 : vector<16xi32>
      %min3A_564 = arith.constant 57397 : i32
      %min3A_565 = vector.broadcast %min3A_564 : i32 to vector<16xi32>
      %min3A_566 = arith.minsi %max3A_563, %min3A_565 : vector<16xi32>
      %swap3A_567 = arith.constant 2 : i32
      %swap3A_568 = arith.index_cast %swap3A_567 : i32 to index
      %swap3A_569 = arith.index_cast %mul3A_464 : i32 to index
      %swap3A_570 = tpu.vector_load %arg5[%swap3A_568, %swap3A_569] {strides = array<i32>} : memref<7x4096xi32, #tpu.memory_space<vmem>>, vector<1x16xi32>,
      %swap3A_571 = vector.shape_cast %swap3A_570 : vector<1x16xi32> to vector<16xi32>
      %swap3A_572 = vector.shape_cast %min3A_566 : vector<16xi32> to vector<1x16xi32>
      tpu.vector_store %arg5[%swap3A_568, %swap3A_569], %swap3A_572 {strides = array<i32>} : memref<7x4096xi32, #tpu.memory_space<vmem>>, vector<1x16xi32>,
      %get3A_573 = arith.constant 3 : i32
      %get3A_574 = arith.index_cast %get3A_573 : i32 to index
      %get3A_575 = arith.index_cast %mul3A_464 : i32 to index
      %get3A_576 = tpu.vector_load %arg5[%get3A_574, %get3A_575] {strides = array<i32>} : memref<7x4096xi32, #tpu.memory_space<vmem>>, vector<1x16xi32>,
      %get3A_577 = vector.shape_cast %get3A_576 : vector<1x16xi32> to vector<16xi32>
      %bitcast_convert_type3A_578 = tpu.bitcast %get3A_577 : vector<16xi32> -> vector<16xf32>
      %mul3A_579 = arith.constant 1.280000e+02 : f32
      %mul3A_580 = vector.broadcast %mul3A_579 : f32 to vector<16xf32>
      %mul3A_581 = arith.mulf %bitcast_convert_type3A_578, %mul3A_580 : vector<16xf32>
      %add3A_582 = arith.constant 0x4B000080 : f32
      %add3A_583 = vector.broadcast %add3A_582 : f32 to vector<16xf32>
      %add3A_584 = arith.addf %mul3A_581, %add3A_583 : vector<16xf32>
      %bitcast_convert_type3A_585 = tpu.bitcast %add3A_584 : vector<16xf32> -> vector<16xi32>
      %add3A_586 = arith.constant -1258230488 : i32
      %add3A_587 = vector.broadcast %add3A_586 : i32 to vector<16xi32>
      %add3A_588 = arith.addi %bitcast_convert_type3A_585, %add3A_587 : vector<16xi32>
      %sub3A_589 = arith.constant 0x4B000080 : f32
      %sub3A_590 = vector.broadcast %sub3A_589 : f32 to vector<16xf32>
      %sub3A_591 = arith.subf %add3A_584, %sub3A_590 : vector<16xf32>
      %gt3A_592 = arith.cmpf ogt, %mul3A_581, %sub3A_591 : vector<16xf32>
      %add3A_593 = arith.constant 1 : i32
      %add3A_594 = vector.broadcast %add3A_593 : i32 to vector<16xi32>
      %add3A_595 = arith.addi %add3A_588, %add3A_594 : vector<16xi32>
      %select_n3A_596 = arith.select %gt3A_592, %add3A_595, %add3A_588 : vector<16xi1>, vector<16xi32>
      %max3A_597 = arith.constant 60713 : i32
      %max3A_598 = vector.broadcast %max3A_597 : i32 to vector<16xi32>
      %max3A_599 = arith.maxsi %select_n3A_596, %max3A_598 : vector<16xi32>
      %min3A_600 = arith.constant 60968 : i32
      %min3A_601 = vector.broadcast %min3A_600 : i32 to vector<16xi32>
      %min3A_602 = arith.minsi %max3A_599, %min3A_601 : vector<16xi32>
      %swap3A_603 = arith.constant 3 : i32
      %swap3A_604 = arith.index_cast %swap3A_603 : i32 to index
      %swap3A_605 = arith.index_cast %mul3A_464 : i32 to index
      %swap3A_606 = tpu.vector_load %arg5[%swap3A_604, %swap3A_605] {strides = array<i32>} : memref<7x4096xi32, #tpu.memory_space<vmem>>, vector<1x16xi32>,
      %swap3A_607 = vector.shape_cast %swap3A_606 : vector<1x16xi32> to vector<16xi32>
      %swap3A_608 = vector.shape_cast %min3A_602 : vector<16xi32> to vector<1x16xi32>
      tpu.vector_store %arg5[%swap3A_604, %swap3A_605], %swap3A_608 {strides = array<i32>} : memref<7x4096xi32, #tpu.memory_space<vmem>>, vector<1x16xi32>,
      %get3A_609 = arith.constant 4 : i32
      %get3A_610 = arith.index_cast %get3A_609 : i32 to index
      %get3A_611 = arith.index_cast %mul3A_464 : i32 to index
      %get3A_612 = tpu.vector_load %arg5[%get3A_610, %get3A_611] {strides = array<i32>} : memref<7x4096xi32, #tpu.memory_space<vmem>>, vector<1x16xi32>,
      %get3A_613 = vector.shape_cast %get3A_612 : vector<1x16xi32> to vector<16xi32>
      %bitcast_convert_type3A_614 = tpu.bitcast %get3A_613 : vector<16xi32> -> vector<16xf32>
      %mul3A_615 = arith.constant 1.280000e+02 : f32
      %mul3A_616 = vector.broadcast %mul3A_615 : f32 to vector<16xf32>
      %mul3A_617 = arith.mulf %bitcast_convert_type3A_614, %mul3A_616 : vector<16xf32>
      %add3A_618 = arith.constant 0x4B000080 : f32
      %add3A_619 = vector.broadcast %add3A_618 : f32 to vector<16xf32>
      %add3A_620 = arith.addf %mul3A_617, %add3A_619 : vector<16xf32>
      %bitcast_convert_type3A_621 = tpu.bitcast %add3A_620 : vector<16xf32> -> vector<16xi32>
      %add3A_622 = arith.constant -1258226917 : i32
      %add3A_623 = vector.broadcast %add3A_622 : i32 to vector<16xi32>
      %add3A_624 = arith.addi %bitcast_convert_type3A_621, %add3A_623 : vector<16xi32>
      %sub3A_625 = arith.constant 0x4B000080 : f32
      %sub3A_626 = vector.broadcast %sub3A_625 : f32 to vector<16xf32>
      %sub3A_627 = arith.subf %add3A_620, %sub3A_626 : vector<16xf32>
      %gt3A_628 = arith.cmpf ogt, %mul3A_617, %sub3A_627 : vector<16xf32>
      %add3A_629 = arith.constant 1 : i32
      %add3A_630 = vector.broadcast %add3A_629 : i32 to vector<16xi32>
      %add3A_631 = arith.addi %add3A_624, %add3A_630 : vector<16xi32>
      %select_n3A_632 = arith.select %gt3A_628, %add3A_631, %add3A_624 : vector<16xi1>, vector<16xi32>
      %max3A_633 = arith.constant 64284 : i32
      %max3A_634 = vector.broadcast %max3A_633 : i32 to vector<16xi32>
      %max3A_635 = arith.maxsi %select_n3A_632, %max3A_634 : vector<16xi32>
      %min3A_636 = arith.constant 64539 : i32
      %min3A_637 = vector.broadcast %min3A_636 : i32 to vector<16xi32>
      %min3A_638 = arith.minsi %max3A_635, %min3A_637 : vector<16xi32>
      %swap3A_639 = arith.constant 4 : i32
      %swap3A_640 = arith.index_cast %swap3A_639 : i32 to index
      %swap3A_641 = arith.index_cast %mul3A_464 : i32 to index
      %swap3A_642 = tpu.vector_load %arg5[%swap3A_640, %swap3A_641] {strides = array<i32>} : memref<7x4096xi32, #tpu.memory_space<vmem>>, vector<1x16xi32>,
      %swap3A_643 = vector.shape_cast %swap3A_642 : vector<1x16xi32> to vector<16xi32>
      %swap3A_644 = vector.shape_cast %min3A_638 : vector<16xi32> to vector<1x16xi32>
      tpu.vector_store %arg5[%swap3A_640, %swap3A_641], %swap3A_644 {strides = array<i32>} : memref<7x4096xi32, #tpu.memory_space<vmem>>, vector<1x16xi32>,
      %get3A_645 = arith.constant 5 : i32
      %get3A_646 = arith.index_cast %get3A_645 : i32 to index
      %get3A_647 = arith.index_cast %mul3A_464 : i32 to index
      %get3A_648 = tpu.vector_load %arg5[%get3A_646, %get3A_647] {strides = array<i32>} : memref<7x4096xi32, #tpu.memory_space<vmem>>, vector<1x16xi32>,
      %get3A_649 = vector.shape_cast %get3A_648 : vector<1x16xi32> to vector<16xi32>
      %bitcast_convert_type3A_650 = tpu.bitcast %get3A_649 : vector<16xi32> -> vector<16xf32>
      %mul3A_651 = arith.constant 1.280000e+02 : f32
      %mul3A_652 = vector.broadcast %mul3A_651 : f32 to vector<16xf32>
      %mul3A_653 = arith.mulf %bitcast_convert_type3A_650, %mul3A_652 : vector<16xf32>
      %add3A_654 = arith.constant 0x4B000080 : f32
      %add3A_655 = vector.broadcast %add3A_654 : f32 to vector<16xf32>
      %add3A_656 = arith.addf %mul3A_653, %add3A_655 : vector<16xf32>
      %bitcast_convert_type3A_657 = tpu.bitcast %add3A_656 : vector<16xf32> -> vector<16xi32>
      %add3A_658 = arith.constant -1258223346 : i32
      %add3A_659 = vector.broadcast %add3A_658 : i32 to vector<16xi32>
      %add3A_660 = arith.addi %bitcast_convert_type3A_657, %add3A_659 : vector<16xi32>
      %sub3A_661 = arith.constant 0x4B000080 : f32
      %sub3A_662 = vector.broadcast %sub3A_661 : f32 to vector<16xf32>
      %sub3A_663 = arith.subf %add3A_656, %sub3A_662 : vector<16xf32>
      %gt3A_664 = arith.cmpf ogt, %mul3A_653, %sub3A_663 : vector<16xf32>
      %add3A_665 = arith.constant 1 : i32
      %add3A_666 = vector.broadcast %add3A_665 : i32 to vector<16xi32>
      %add3A_667 = arith.addi %add3A_660, %add3A_666 : vector<16xi32>
      %select_n3A_668 = arith.select %gt3A_664, %add3A_667, %add3A_660 : vector<16xi1>, vector<16xi32>
      %max3A_669 = arith.constant 67855 : i32
      %max3A_670 = vector.broadcast %max3A_669 : i32 to vector<16xi32>
      %max3A_671 = arith.maxsi %select_n3A_668, %max3A_670 : vector<16xi32>
      %min3A_672 = arith.constant 68110 : i32
      %min3A_673 = vector.broadcast %min3A_672 : i32 to vector<16xi32>
      %min3A_674 = arith.minsi %max3A_671, %min3A_673 : vector<16xi32>
      %swap3A_675 = arith.constant 5 : i32
      %swap3A_676 = arith.index_cast %swap3A_675 : i32 to index
      %swap3A_677 = arith.index_cast %mul3A_464 : i32 to index
      %swap3A_678 = tpu.vector_load %arg5[%swap3A_676, %swap3A_677] {strides = array<i32>} : memref<7x4096xi32, #tpu.memory_space<vmem>>, vector<1x16xi32>,
      %swap3A_679 = vector.shape_cast %swap3A_678 : vector<1x16xi32> to vector<16xi32>
      %swap3A_680 = vector.shape_cast %min3A_674 : vector<16xi32> to vector<1x16xi32>
      tpu.vector_store %arg5[%swap3A_676, %swap3A_677], %swap3A_680 {strides = array<i32>} : memref<7x4096xi32, #tpu.memory_space<vmem>>, vector<1x16xi32>,
      %get3A_681 = arith.constant 6 : i32
      %get3A_682 = arith.index_cast %get3A_681 : i32 to index
      %get3A_683 = arith.index_cast %mul3A_464 : i32 to index
      %get3A_684 = tpu.vector_load %arg5[%get3A_682, %get3A_683] {strides = array<i32>} : memref<7x4096xi32, #tpu.memory_space<vmem>>, vector<1x16xi32>,
      %get3A_685 = vector.shape_cast %get3A_684 : vector<1x16xi32> to vector<16xi32>
      %bitcast_convert_type3A_686 = tpu.bitcast %get3A_685 : vector<16xi32> -> vector<16xf32>
      %mul3A_687 = arith.constant 1.280000e+02 : f32
      %mul3A_688 = vector.broadcast %mul3A_687 : f32 to vector<16xf32>
      %mul3A_689 = arith.mulf %bitcast_convert_type3A_686, %mul3A_688 : vector<16xf32>
      %add3A_690 = arith.constant 0x4B000080 : f32
      %add3A_691 = vector.broadcast %add3A_690 : f32 to vector<16xf32>
      %add3A_692 = arith.addf %mul3A_689, %add3A_691 : vector<16xf32>
      %bitcast_convert_type3A_693 = tpu.bitcast %add3A_692 : vector<16xf32> -> vector<16xi32>
      %add3A_694 = arith.constant -1258219775 : i32
      %add3A_695 = vector.broadcast %add3A_694 : i32 to vector<16xi32>
      %add3A_696 = arith.addi %bitcast_convert_type3A_693, %add3A_695 : vector<16xi32>
      %sub3A_697 = arith.constant 0x4B000080 : f32
      %sub3A_698 = vector.broadcast %sub3A_697 : f32 to vector<16xf32>
      %sub3A_699 = arith.subf %add3A_692, %sub3A_698 : vector<16xf32>
      %gt3A_700 = arith.cmpf ogt, %mul3A_689, %sub3A_699 : vector<16xf32>
      %add3A_701 = arith.constant 1 : i32
      %add3A_702 = vector.broadcast %add3A_701 : i32 to vector<16xi32>
      %add3A_703 = arith.addi %add3A_696, %add3A_702 : vector<16xi32>
      %select_n3A_704 = arith.select %gt3A_700, %add3A_703, %add3A_696 : vector<16xi1>, vector<16xi32>
      %max3A_705 = arith.constant 71426 : i32
      %max3A_706 = vector.broadcast %max3A_705 : i32 to vector<16xi32>
      %max3A_707 = arith.maxsi %select_n3A_704, %max3A_706 : vector<16xi32>
      %min3A_708 = arith.constant 71681 : i32
      %min3A_709 = vector.broadcast %min3A_708 : i32 to vector<16xi32>
      %min3A_710 = arith.minsi %max3A_707, %min3A_709 : vector<16xi32>
      %swap3A_711 = arith.constant 6 : i32
      %swap3A_712 = arith.index_cast %swap3A_711 : i32 to index
      %swap3A_713 = arith.index_cast %mul3A_464 : i32 to index
      %swap3A_714 = tpu.vector_load %arg5[%swap3A_712, %swap3A_713] {strides = array<i32>} : memref<7x4096xi32, #tpu.memory_space<vmem>>, vector<1x16xi32>,
      %swap3A_715 = vector.shape_cast %swap3A_714 : vector<1x16xi32> to vector<16xi32>
      %swap3A_716 = vector.shape_cast %min3A_710 : vector<16xi32> to vector<1x16xi32>
      tpu.vector_store %arg5[%swap3A_712, %swap3A_713], %swap3A_716 {strides = array<i32>} : memref<7x4096xi32, #tpu.memory_space<vmem>>, vector<1x16xi32>,
    }
    %scan3A_147 = arith.constant 128 : i32
    %add3A_148 = arith.constant 20480 : i32
    %add3A_149 = arith.addi %mul3A_2, %add3A_148 : i32
    %dma_start3A_150 = arith.constant 0 : i32
    %dma_start3A_151 = tpu.memref_slice %arg3[%dma_start3A_150, %add3A_149] : memref<7x1048576xi32, #tpu.memory_space<hbm>> -> memref<7x4096xi32, #tpu.memory_space<hbm>>
    %dma_start3A_152 = arith.constant 0 : i32
    %dma_start3A_153 = tpu.memref_slice %arg3[%dma_start3A_152, %add3A_149] : memref<7x1048576xi32, #tpu.memory_space<hbm>> -> memref<7x4096xi32, #tpu.memory_space<hbm>>
    tpu.enqueue_dma source(%arg5 : memref<7x4096xi32, #tpu.memory_space<vmem>>) target(%dma_start3A_153 : memref<7x4096xi32, #tpu.memory_space<hbm>>) target_semaphore(%arg9 : memref<!tpu.dma_semaphore, #tpu.memory_space<semaphore_mem>>)
    %dma_wait3A_154 = arith.constant 0 : i32
    %dma_wait3A_155 = tpu.memref_slice %arg3[%dma_wait3A_154, %add3A_123] : memref<7x1048576xi32, #tpu.memory_space<hbm>> -> memref<7x4096xi32, #tpu.memory_space<hbm>>
    %dma_wait3A_156 = arith.constant 0 : i32
    %dma_wait3A_157 = tpu.memref_slice %arg3[%dma_wait3A_156, %add3A_123] : memref<7x1048576xi32, #tpu.memory_space<hbm>> -> memref<7x4096xi32, #tpu.memory_space<hbm>>
    tpu.wait_dma2 semaphore(%arg8 : memref<!tpu.dma_semaphore, #tpu.memory_space<semaphore_mem>>) src(%arg4 : memref<7x4096xi32, #tpu.memory_space<vmem>>) dst(%dma_wait3A_157 : memref<7x4096xi32, #tpu.memory_space<hbm>>)
    %dma_wait3A_158 = arith.constant 0 : i32
    %dma_wait3A_159 = tpu.memref_slice %arg2[%dma_wait3A_158, %add3A_137] : memref<7x1048576xi32, #tpu.memory_space<hbm>> -> memref<7x4096xi32, #tpu.memory_space<hbm>>
    %dma_wait3A_160 = arith.constant 0 : i32
    %dma_wait3A_161 = tpu.memref_slice %arg2[%dma_wait3A_160, %add3A_137] : memref<7x1048576xi32, #tpu.memory_space<hbm>> -> memref<7x4096xi32, #tpu.memory_space<hbm>>
    tpu.wait_dma2 semaphore(%arg6 : memref<!tpu.dma_semaphore, #tpu.memory_space<semaphore_mem>>) src(%dma_wait3A_161 : memref<7x4096xi32, #tpu.memory_space<hbm>>) dst(%arg4 : memref<7x4096xi32, #tpu.memory_space<vmem>>)
    %add3A_162 = arith.constant 28672 : i32
    %add3A_163 = arith.addi %mul3A_2, %add3A_162 : i32
    %dma_start3A_164 = arith.constant 0 : i32
    %dma_start3A_165 = tpu.memref_slice %arg2[%dma_start3A_164, %add3A_163] : memref<7x1048576xi32, #tpu.memory_space<hbm>> -> memref<7x4096xi32, #tpu.memory_space<hbm>>
    %dma_start3A_166 = arith.constant 0 : i32
    %dma_start3A_167 = tpu.memref_slice %arg2[%dma_start3A_166, %add3A_163] : memref<7x1048576xi32, #tpu.memory_space<hbm>> -> memref<7x4096xi32, #tpu.memory_space<hbm>>
    tpu.enqueue_dma source(%dma_start3A_167 : memref<7x4096xi32, #tpu.memory_space<hbm>>) target(%arg5 : memref<7x4096xi32, #tpu.memory_space<vmem>>) target_semaphore(%arg7 : memref<!tpu.dma_semaphore, #tpu.memory_space<semaphore_mem>>)
    %scan3A_168 = arith.constant 0 : i32
    %scan3A_169 = arith.constant 0 : i32
    %scan3A_170 = arith.constant 128 : i32
    %scan3A_171 = arith.addi %scan3A_169, %scan3A_170 : i32
    %scan3A_172 = arith.constant 1 : i32
    scf.for %scan3A_208 = %scan3A_169 to %scan3A_171 step %scan3A_172  : i32 {
      %mul3A_209 = arith.constant 2 : i32
      %mul3A_210 = arith.muli %scan3A_208, %mul3A_209 : i32
      %add3A_211 = arith.constant 0 : i32
      %add3A_212 = arith.addi %mul3A_210, %add3A_211 : i32
      %mul3A_213 = arith.constant 16 : i32
      %mul3A_214 = arith.muli %add3A_212, %mul3A_213 : i32
      %get3A = arith.constant 0 : i32
      %get3A_215 = arith.index_cast %get3A : i32 to index
      %get3A_216 = arith.index_cast %mul3A_214 : i32 to index
      %get3A_217 = tpu.vector_load %arg4[%get3A_215, %get3A_216] {strides = array<i32>} : memref<7x4096xi32, #tpu.memory_space<vmem>>, vector<1x16xi32>,
      %get3A_218 = vector.shape_cast %get3A_217 : vector<1x16xi32> to vector<16xi32>
      %bitcast_convert_type3A = tpu.bitcast %get3A_218 : vector<16xi32> -> vector<16xf32>
      %mul3A_219 = arith.constant 1.280000e+02 : f32
      %mul3A_220 = vector.broadcast %mul3A_219 : f32 to vector<16xf32>
      %mul3A_221 = arith.mulf %bitcast_convert_type3A, %mul3A_220 : vector<16xf32>
      %add3A_222 = arith.constant 0x4B000080 : f32
      %add3A_223 = vector.broadcast %add3A_222 : f32 to vector<16xf32>
      %add3A_224 = arith.addf %mul3A_221, %add3A_223 : vector<16xf32>
      %bitcast_convert_type3A_225 = tpu.bitcast %add3A_224 : vector<16xf32> -> vector<16xi32>
      %add3A_226 = arith.constant -1258241201 : i32
      %add3A_227 = vector.broadcast %add3A_226 : i32 to vector<16xi32>
      %add3A_228 = arith.addi %bitcast_convert_type3A_225, %add3A_227 : vector<16xi32>
      %sub3A = arith.constant 0x4B000080 : f32
      %sub3A_229 = vector.broadcast %sub3A : f32 to vector<16xf32>
      %sub3A_230 = arith.subf %add3A_224, %sub3A_229 : vector<16xf32>
      %gt3A = arith.cmpf ogt, %mul3A_221, %sub3A_230 : vector<16xf32>
      %add3A_231 = arith.constant 1 : i32
      %add3A_232 = vector.broadcast %add3A_231 : i32 to vector<16xi32>
      %add3A_233 = arith.addi %add3A_228, %add3A_232 : vector<16xi32>
      %select_n3A = arith.select %gt3A, %add3A_233, %add3A_228 : vector<16xi1>, vector<16xi32>
      %max3A = arith.constant 50000 : i32
      %max3A_234 = vector.broadcast %max3A : i32 to vector<16xi32>
      %max3A_235 = arith.maxsi %select_n3A, %max3A_234 : vector<16xi32>
      %min3A = arith.constant 50255 : i32
      %min3A_236 = vector.broadcast %min3A : i32 to vector<16xi32>
      %min3A_237 = arith.minsi %max3A_235, %min3A_236 : vector<16xi32>
      %swap3A = arith.constant 0 : i32
      %swap3A_238 = arith.index_cast %swap3A : i32 to index
      %swap3A_239 = arith.index_cast %mul3A_214 : i32 to index
      %swap3A_240 = tpu.vector_load %arg4[%swap3A_238, %swap3A_239] {strides = array<i32>} : memref<7x4096xi32, #tpu.memory_space<vmem>>, vector<1x16xi32>,
      %swap3A_241 = vector.shape_cast %swap3A_240 : vector<1x16xi32> to vector<16xi32>
      %swap3A_242 = vector.shape_cast %min3A_237 : vector<16xi32> to vector<1x16xi32>
      tpu.vector_store %arg4[%swap3A_238, %swap3A_239], %swap3A_242 {strides = array<i32>} : memref<7x4096xi32, #tpu.memory_space<vmem>>, vector<1x16xi32>,
      %get3A_243 = arith.constant 1 : i32
      %get3A_244 = arith.index_cast %get3A_243 : i32 to index
      %get3A_245 = arith.index_cast %mul3A_214 : i32 to index
      %get3A_246 = tpu.vector_load %arg4[%get3A_244, %get3A_245] {strides = array<i32>} : memref<7x4096xi32, #tpu.memory_space<vmem>>, vector<1x16xi32>,
      %get3A_247 = vector.shape_cast %get3A_246 : vector<1x16xi32> to vector<16xi32>
      %bitcast_convert_type3A_248 = tpu.bitcast %get3A_247 : vector<16xi32> -> vector<16xf32>
      %mul3A_249 = arith.constant 1.280000e+02 : f32
      %mul3A_250 = vector.broadcast %mul3A_249 : f32 to vector<16xf32>
      %mul3A_251 = arith.mulf %bitcast_convert_type3A_248, %mul3A_250 : vector<16xf32>
      %add3A_252 = arith.constant 0x4B000080 : f32
      %add3A_253 = vector.broadcast %add3A_252 : f32 to vector<16xf32>
      %add3A_254 = arith.addf %mul3A_251, %add3A_253 : vector<16xf32>
      %bitcast_convert_type3A_255 = tpu.bitcast %add3A_254 : vector<16xf32> -> vector<16xi32>
      %add3A_256 = arith.constant -1258237630 : i32
      %add3A_257 = vector.broadcast %add3A_256 : i32 to vector<16xi32>
      %add3A_258 = arith.addi %bitcast_convert_type3A_255, %add3A_257 : vector<16xi32>
      %sub3A_259 = arith.constant 0x4B000080 : f32
      %sub3A_260 = vector.broadcast %sub3A_259 : f32 to vector<16xf32>
      %sub3A_261 = arith.subf %add3A_254, %sub3A_260 : vector<16xf32>
      %gt3A_262 = arith.cmpf ogt, %mul3A_251, %sub3A_261 : vector<16xf32>
      %add3A_263 = arith.constant 1 : i32
      %add3A_264 = vector.broadcast %add3A_263 : i32 to vector<16xi32>
      %add3A_265 = arith.addi %add3A_258, %add3A_264 : vector<16xi32>
      %select_n3A_266 = arith.select %gt3A_262, %add3A_265, %add3A_258 : vector<16xi1>, vector<16xi32>
      %max3A_267 = arith.constant 53571 : i32
      %max3A_268 = vector.broadcast %max3A_267 : i32 to vector<16xi32>
      %max3A_269 = arith.maxsi %select_n3A_266, %max3A_268 : vector<16xi32>
      %min3A_270 = arith.constant 53826 : i32
      %min3A_271 = vector.broadcast %min3A_270 : i32 to vector<16xi32>
      %min3A_272 = arith.minsi %max3A_269, %min3A_271 : vector<16xi32>
      %swap3A_273 = arith.constant 1 : i32
      %swap3A_274 = arith.index_cast %swap3A_273 : i32 to index
      %swap3A_275 = arith.index_cast %mul3A_214 : i32 to index
      %swap3A_276 = tpu.vector_load %arg4[%swap3A_274, %swap3A_275] {strides = array<i32>} : memref<7x4096xi32, #tpu.memory_space<vmem>>, vector<1x16xi32>,
      %swap3A_277 = vector.shape_cast %swap3A_276 : vector<1x16xi32> to vector<16xi32>
      %swap3A_278 = vector.shape_cast %min3A_272 : vector<16xi32> to vector<1x16xi32>
      tpu.vector_store %arg4[%swap3A_274, %swap3A_275], %swap3A_278 {strides = array<i32>} : memref<7x4096xi32, #tpu.memory_space<vmem>>, vector<1x16xi32>,
      %get3A_279 = arith.constant 2 : i32
      %get3A_280 = arith.index_cast %get3A_279 : i32 to index
      %get3A_281 = arith.index_cast %mul3A_214 : i32 to index
      %get3A_282 = tpu.vector_load %arg4[%get3A_280, %get3A_281] {strides = array<i32>} : memref<7x4096xi32, #tpu.memory_space<vmem>>, vector<1x16xi32>,
      %get3A_283 = vector.shape_cast %get3A_282 : vector<1x16xi32> to vector<16xi32>
      %bitcast_convert_type3A_284 = tpu.bitcast %get3A_283 : vector<16xi32> -> vector<16xf32>
      %mul3A_285 = arith.constant 1.280000e+02 : f32
      %mul3A_286 = vector.broadcast %mul3A_285 : f32 to vector<16xf32>
      %mul3A_287 = arith.mulf %bitcast_convert_type3A_284, %mul3A_286 : vector<16xf32>
      %add3A_288 = arith.constant 0x4B000080 : f32
      %add3A_289 = vector.broadcast %add3A_288 : f32 to vector<16xf32>
      %add3A_290 = arith.addf %mul3A_287, %add3A_289 : vector<16xf32>
      %bitcast_convert_type3A_291 = tpu.bitcast %add3A_290 : vector<16xf32> -> vector<16xi32>
      %add3A_292 = arith.constant -1258234059 : i32
      %add3A_293 = vector.broadcast %add3A_292 : i32 to vector<16xi32>
      %add3A_294 = arith.addi %bitcast_convert_type3A_291, %add3A_293 : vector<16xi32>
      %sub3A_295 = arith.constant 0x4B000080 : f32
      %sub3A_296 = vector.broadcast %sub3A_295 : f32 to vector<16xf32>
      %sub3A_297 = arith.subf %add3A_290, %sub3A_296 : vector<16xf32>
      %gt3A_298 = arith.cmpf ogt, %mul3A_287, %sub3A_297 : vector<16xf32>
      %add3A_299 = arith.constant 1 : i32
      %add3A_300 = vector.broadcast %add3A_299 : i32 to vector<16xi32>
      %add3A_301 = arith.addi %add3A_294, %add3A_300 : vector<16xi32>
      %select_n3A_302 = arith.select %gt3A_298, %add3A_301, %add3A_294 : vector<16xi1>, vector<16xi32>
      %max3A_303 = arith.constant 57142 : i32
      %max3A_304 = vector.broadcast %max3A_303 : i32 to vector<16xi32>
      %max3A_305 = arith.maxsi %select_n3A_302, %max3A_304 : vector<16xi32>
      %min3A_306 = arith.constant 57397 : i32
      %min3A_307 = vector.broadcast %min3A_306 : i32 to vector<16xi32>
      %min3A_308 = arith.minsi %max3A_305, %min3A_307 : vector<16xi32>
      %swap3A_309 = arith.constant 2 : i32
      %swap3A_310 = arith.index_cast %swap3A_309 : i32 to index
      %swap3A_311 = arith.index_cast %mul3A_214 : i32 to index
      %swap3A_312 = tpu.vector_load %arg4[%swap3A_310, %swap3A_311] {strides = array<i32>} : memref<7x4096xi32, #tpu.memory_space<vmem>>, vector<1x16xi32>,
      %swap3A_313 = vector.shape_cast %swap3A_312 : vector<1x16xi32> to vector<16xi32>
      %swap3A_314 = vector.shape_cast %min3A_308 : vector<16xi32> to vector<1x16xi32>
      tpu.vector_store %arg4[%swap3A_310, %swap3A_311], %swap3A_314 {strides = array<i32>} : memref<7x4096xi32, #tpu.memory_space<vmem>>, vector<1x16xi32>,
      %get3A_315 = arith.constant 3 : i32
      %get3A_316 = arith.index_cast %get3A_315 : i32 to index
      %get3A_317 = arith.index_cast %mul3A_214 : i32 to index
      %get3A_318 = tpu.vector_load %arg4[%get3A_316, %get3A_317] {strides = array<i32>} : memref<7x4096xi32, #tpu.memory_space<vmem>>, vector<1x16xi32>,
      %get3A_319 = vector.shape_cast %get3A_318 : vector<1x16xi32> to vector<16xi32>
      %bitcast_convert_type3A_320 = tpu.bitcast %get3A_319 : vector<16xi32> -> vector<16xf32>
      %mul3A_321 = arith.constant 1.280000e+02 : f32
      %mul3A_322 = vector.broadcast %mul3A_321 : f32 to vector<16xf32>
      %mul3A_323 = arith.mulf %bitcast_convert_type3A_320, %mul3A_322 : vector<16xf32>
      %add3A_324 = arith.constant 0x4B000080 : f32
      %add3A_325 = vector.broadcast %add3A_324 : f32 to vector<16xf32>
      %add3A_326 = arith.addf %mul3A_323, %add3A_325 : vector<16xf32>
      %bitcast_convert_type3A_327 = tpu.bitcast %add3A_326 : vector<16xf32> -> vector<16xi32>
      %add3A_328 = arith.constant -1258230488 : i32
      %add3A_329 = vector.broadcast %add3A_328 : i32 to vector<16xi32>
      %add3A_330 = arith.addi %bitcast_convert_type3A_327, %add3A_329 : vector<16xi32>
      %sub3A_331 = arith.constant 0x4B000080 : f32
      %sub3A_332 = vector.broadcast %sub3A_331 : f32 to vector<16xf32>
      %sub3A_333 = arith.subf %add3A_326, %sub3A_332 : vector<16xf32>
      %gt3A_334 = arith.cmpf ogt, %mul3A_323, %sub3A_333 : vector<16xf32>
      %add3A_335 = arith.constant 1 : i32
      %add3A_336 = vector.broadcast %add3A_335 : i32 to vector<16xi32>
      %add3A_337 = arith.addi %add3A_330, %add3A_336 : vector<16xi32>
      %select_n3A_338 = arith.select %gt3A_334, %add3A_337, %add3A_330 : vector<16xi1>, vector<16xi32>
      %max3A_339 = arith.constant 60713 : i32
      %max3A_340 = vector.broadcast %max3A_339 : i32 to vector<16xi32>
      %max3A_341 = arith.maxsi %select_n3A_338, %max3A_340 : vector<16xi32>
      %min3A_342 = arith.constant 60968 : i32
      %min3A_343 = vector.broadcast %min3A_342 : i32 to vector<16xi32>
      %min3A_344 = arith.minsi %max3A_341, %min3A_343 : vector<16xi32>
      %swap3A_345 = arith.constant 3 : i32
      %swap3A_346 = arith.index_cast %swap3A_345 : i32 to index
      %swap3A_347 = arith.index_cast %mul3A_214 : i32 to index
      %swap3A_348 = tpu.vector_load %arg4[%swap3A_346, %swap3A_347] {strides = array<i32>} : memref<7x4096xi32, #tpu.memory_space<vmem>>, vector<1x16xi32>,
      %swap3A_349 = vector.shape_cast %swap3A_348 : vector<1x16xi32> to vector<16xi32>
      %swap3A_350 = vector.shape_cast %min3A_344 : vector<16xi32> to vector<1x16xi32>
      tpu.vector_store %arg4[%swap3A_346, %swap3A_347], %swap3A_350 {strides = array<i32>} : memref<7x4096xi32, #tpu.memory_space<vmem>>, vector<1x16xi32>,
      %get3A_351 = arith.constant 4 : i32
      %get3A_352 = arith.index_cast %get3A_351 : i32 to index
      %get3A_353 = arith.index_cast %mul3A_214 : i32 to index
      %get3A_354 = tpu.vector_load %arg4[%get3A_352, %get3A_353] {strides = array<i32>} : memref<7x4096xi32, #tpu.memory_space<vmem>>, vector<1x16xi32>,
      %get3A_355 = vector.shape_cast %get3A_354 : vector<1x16xi32> to vector<16xi32>
      %bitcast_convert_type3A_356 = tpu.bitcast %get3A_355 : vector<16xi32> -> vector<16xf32>
      %mul3A_357 = arith.constant 1.280000e+02 : f32
      %mul3A_358 = vector.broadcast %mul3A_357 : f32 to vector<16xf32>
      %mul3A_359 = arith.mulf %bitcast_convert_type3A_356, %mul3A_358 : vector<16xf32>
      %add3A_360 = arith.constant 0x4B000080 : f32
      %add3A_361 = vector.broadcast %add3A_360 : f32 to vector<16xf32>
      %add3A_362 = arith.addf %mul3A_359, %add3A_361 : vector<16xf32>
      %bitcast_convert_type3A_363 = tpu.bitcast %add3A_362 : vector<16xf32> -> vector<16xi32>
      %add3A_364 = arith.constant -1258226917 : i32
      %add3A_365 = vector.broadcast %add3A_364 : i32 to vector<16xi32>
      %add3A_366 = arith.addi %bitcast_convert_type3A_363, %add3A_365 : vector<16xi32>
      %sub3A_367 = arith.constant 0x4B000080 : f32
      %sub3A_368 = vector.broadcast %sub3A_367 : f32 to vector<16xf32>
      %sub3A_369 = arith.subf %add3A_362, %sub3A_368 : vector<16xf32>
      %gt3A_370 = arith.cmpf ogt, %mul3A_359, %sub3A_369 : vector<16xf32>
      %add3A_371 = arith.constant 1 : i32
      %add3A_372 = vector.broadcast %add3A_371 : i32 to vector<16xi32>
      %add3A_373 = arith.addi %add3A_366, %add3A_372 : vector<16xi32>
      %select_n3A_374 = arith.select %gt3A_370, %add3A_373, %add3A_366 : vector<16xi1>, vector<16xi32>
      %max3A_375 = arith.constant 64284 : i32
      %max3A_376 = vector.broadcast %max3A_375 : i32 to vector<16xi32>
      %max3A_377 = arith.maxsi %select_n3A_374, %max3A_376 : vector<16xi32>
      %min3A_378 = arith.constant 64539 : i32
      %min3A_379 = vector.broadcast %min3A_378 : i32 to vector<16xi32>
      %min3A_380 = arith.minsi %max3A_377, %min3A_379 : vector<16xi32>
      %swap3A_381 = arith.constant 4 : i32
      %swap3A_382 = arith.index_cast %swap3A_381 : i32 to index
      %swap3A_383 = arith.index_cast %mul3A_214 : i32 to index
      %swap3A_384 = tpu.vector_load %arg4[%swap3A_382, %swap3A_383] {strides = array<i32>} : memref<7x4096xi32, #tpu.memory_space<vmem>>, vector<1x16xi32>,
      %swap3A_385 = vector.shape_cast %swap3A_384 : vector<1x16xi32> to vector<16xi32>
      %swap3A_386 = vector.shape_cast %min3A_380 : vector<16xi32> to vector<1x16xi32>
      tpu.vector_store %arg4[%swap3A_382, %swap3A_383], %swap3A_386 {strides = array<i32>} : memref<7x4096xi32, #tpu.memory_space<vmem>>, vector<1x16xi32>,
      %get3A_387 = arith.constant 5 : i32
      %get3A_388 = arith.index_cast %get3A_387 : i32 to index
      %get3A_389 = arith.index_cast %mul3A_214 : i32 to index
      %get3A_390 = tpu.vector_load %arg4[%get3A_388, %get3A_389] {strides = array<i32>} : memref<7x4096xi32, #tpu.memory_space<vmem>>, vector<1x16xi32>,
      %get3A_391 = vector.shape_cast %get3A_390 : vector<1x16xi32> to vector<16xi32>
      %bitcast_convert_type3A_392 = tpu.bitcast %get3A_391 : vector<16xi32> -> vector<16xf32>
      %mul3A_393 = arith.constant 1.280000e+02 : f32
      %mul3A_394 = vector.broadcast %mul3A_393 : f32 to vector<16xf32>
      %mul3A_395 = arith.mulf %bitcast_convert_type3A_392, %mul3A_394 : vector<16xf32>
      %add3A_396 = arith.constant 0x4B000080 : f32
      %add3A_397 = vector.broadcast %add3A_396 : f32 to vector<16xf32>
      %add3A_398 = arith.addf %mul3A_395, %add3A_397 : vector<16xf32>
      %bitcast_convert_type3A_399 = tpu.bitcast %add3A_398 : vector<16xf32> -> vector<16xi32>
      %add3A_400 = arith.constant -1258223346 : i32
      %add3A_401 = vector.broadcast %add3A_400 : i32 to vector<16xi32>
      %add3A_402 = arith.addi %bitcast_convert_type3A_399, %add3A_401 : vector<16xi32>
      %sub3A_403 = arith.constant 0x4B000080 : f32
      %sub3A_404 = vector.broadcast %sub3A_403 : f32 to vector<16xf32>
      %sub3A_405 = arith.subf %add3A_398, %sub3A_404 : vector<16xf32>
      %gt3A_406 = arith.cmpf ogt, %mul3A_395, %sub3A_405 : vector<16xf32>
      %add3A_407 = arith.constant 1 : i32
      %add3A_408 = vector.broadcast %add3A_407 : i32 to vector<16xi32>
      %add3A_409 = arith.addi %add3A_402, %add3A_408 : vector<16xi32>
      %select_n3A_410 = arith.select %gt3A_406, %add3A_409, %add3A_402 : vector<16xi1>, vector<16xi32>
      %max3A_411 = arith.constant 67855 : i32
      %max3A_412 = vector.broadcast %max3A_411 : i32 to vector<16xi32>
      %max3A_413 = arith.maxsi %select_n3A_410, %max3A_412 : vector<16xi32>
      %min3A_414 = arith.constant 68110 : i32
      %min3A_415 = vector.broadcast %min3A_414 : i32 to vector<16xi32>
      %min3A_416 = arith.minsi %max3A_413, %min3A_415 : vector<16xi32>
      %swap3A_417 = arith.constant 5 : i32
      %swap3A_418 = arith.index_cast %swap3A_417 : i32 to index
      %swap3A_419 = arith.index_cast %mul3A_214 : i32 to index
      %swap3A_420 = tpu.vector_load %arg4[%swap3A_418, %swap3A_419] {strides = array<i32>} : memref<7x4096xi32, #tpu.memory_space<vmem>>, vector<1x16xi32>,
      %swap3A_421 = vector.shape_cast %swap3A_420 : vector<1x16xi32> to vector<16xi32>
      %swap3A_422 = vector.shape_cast %min3A_416 : vector<16xi32> to vector<1x16xi32>
      tpu.vector_store %arg4[%swap3A_418, %swap3A_419], %swap3A_422 {strides = array<i32>} : memref<7x4096xi32, #tpu.memory_space<vmem>>, vector<1x16xi32>,
      %get3A_423 = arith.constant 6 : i32
      %get3A_424 = arith.index_cast %get3A_423 : i32 to index
      %get3A_425 = arith.index_cast %mul3A_214 : i32 to index
      %get3A_426 = tpu.vector_load %arg4[%get3A_424, %get3A_425] {strides = array<i32>} : memref<7x4096xi32, #tpu.memory_space<vmem>>, vector<1x16xi32>,
      %get3A_427 = vector.shape_cast %get3A_426 : vector<1x16xi32> to vector<16xi32>
      %bitcast_convert_type3A_428 = tpu.bitcast %get3A_427 : vector<16xi32> -> vector<16xf32>
      %mul3A_429 = arith.constant 1.280000e+02 : f32
      %mul3A_430 = vector.broadcast %mul3A_429 : f32 to vector<16xf32>
      %mul3A_431 = arith.mulf %bitcast_convert_type3A_428, %mul3A_430 : vector<16xf32>
      %add3A_432 = arith.constant 0x4B000080 : f32
      %add3A_433 = vector.broadcast %add3A_432 : f32 to vector<16xf32>
      %add3A_434 = arith.addf %mul3A_431, %add3A_433 : vector<16xf32>
      %bitcast_convert_type3A_435 = tpu.bitcast %add3A_434 : vector<16xf32> -> vector<16xi32>
      %add3A_436 = arith.constant -1258219775 : i32
      %add3A_437 = vector.broadcast %add3A_436 : i32 to vector<16xi32>
      %add3A_438 = arith.addi %bitcast_convert_type3A_435, %add3A_437 : vector<16xi32>
      %sub3A_439 = arith.constant 0x4B000080 : f32
      %sub3A_440 = vector.broadcast %sub3A_439 : f32 to vector<16xf32>
      %sub3A_441 = arith.subf %add3A_434, %sub3A_440 : vector<16xf32>
      %gt3A_442 = arith.cmpf ogt, %mul3A_431, %sub3A_441 : vector<16xf32>
      %add3A_443 = arith.constant 1 : i32
      %add3A_444 = vector.broadcast %add3A_443 : i32 to vector<16xi32>
      %add3A_445 = arith.addi %add3A_438, %add3A_444 : vector<16xi32>
      %select_n3A_446 = arith.select %gt3A_442, %add3A_445, %add3A_438 : vector<16xi1>, vector<16xi32>
      %max3A_447 = arith.constant 71426 : i32
      %max3A_448 = vector.broadcast %max3A_447 : i32 to vector<16xi32>
      %max3A_449 = arith.maxsi %select_n3A_446, %max3A_448 : vector<16xi32>
      %min3A_450 = arith.constant 71681 : i32
      %min3A_451 = vector.broadcast %min3A_450 : i32 to vector<16xi32>
      %min3A_452 = arith.minsi %max3A_449, %min3A_451 : vector<16xi32>
      %swap3A_453 = arith.constant 6 : i32
      %swap3A_454 = arith.index_cast %swap3A_453 : i32 to index
      %swap3A_455 = arith.index_cast %mul3A_214 : i32 to index
      %swap3A_456 = tpu.vector_load %arg4[%swap3A_454, %swap3A_455] {strides = array<i32>} : memref<7x4096xi32, #tpu.memory_space<vmem>>, vector<1x16xi32>,
      %swap3A_457 = vector.shape_cast %swap3A_456 : vector<1x16xi32> to vector<16xi32>
      %swap3A_458 = vector.shape_cast %min3A_452 : vector<16xi32> to vector<1x16xi32>
      tpu.vector_store %arg4[%swap3A_454, %swap3A_455], %swap3A_458 {strides = array<i32>} : memref<7x4096xi32, #tpu.memory_space<vmem>>, vector<1x16xi32>,
      %mul3A_459 = arith.constant 2 : i32
      %mul3A_460 = arith.muli %scan3A_208, %mul3A_459 : i32
      %add3A_461 = arith.constant 1 : i32
      %add3A_462 = arith.addi %mul3A_460, %add3A_461 : i32
      %mul3A_463 = arith.constant 16 : i32
      %mul3A_464 = arith.muli %add3A_462, %mul3A_463 : i32
      %get3A_465 = arith.constant 0 : i32
      %get3A_466 = arith.index_cast %get3A_465 : i32 to index
      %get3A_467 = arith.index_cast %mul3A_464 : i32 to index
      %get3A_468 = tpu.vector_load %arg4[%get3A_466, %get3A_467] {strides = array<i32>} : memref<7x4096xi32, #tpu.memory_space<vmem>>, vector<1x16xi32>,
      %get3A_469 = vector.shape_cast %get3A_468 : vector<1x16xi32> to vector<16xi32>
      %bitcast_convert_type3A_470 = tpu.bitcast %get3A_469 : vector<16xi32> -> vector<16xf32>
      %mul3A_471 = arith.constant 1.280000e+02 : f32
      %mul3A_472 = vector.broadcast %mul3A_471 : f32 to vector<16xf32>
      %mul3A_473 = arith.mulf %bitcast_convert_type3A_470, %mul3A_472 : vector<16xf32>
      %add3A_474 = arith.constant 0x4B000080 : f32
      %add3A_475 = vector.broadcast %add3A_474 : f32 to vector<16xf32>
      %add3A_476 = arith.addf %mul3A_473, %add3A_475 : vector<16xf32>
      %bitcast_convert_type3A_477 = tpu.bitcast %add3A_476 : vector<16xf32> -> vector<16xi32>
      %add3A_478 = arith.constant -1258241201 : i32
      %add3A_479 = vector.broadcast %add3A_478 : i32 to vector<16xi32>
      %add3A_480 = arith.addi %bitcast_convert_type3A_477, %add3A_479 : vector<16xi32>
      %sub3A_481 = arith.constant 0x4B000080 : f32
      %sub3A_482 = vector.broadcast %sub3A_481 : f32 to vector<16xf32>
      %sub3A_483 = arith.subf %add3A_476, %sub3A_482 : vector<16xf32>
      %gt3A_484 = arith.cmpf ogt, %mul3A_473, %sub3A_483 : vector<16xf32>
      %add3A_485 = arith.constant 1 : i32
      %add3A_486 = vector.broadcast %add3A_485 : i32 to vector<16xi32>
      %add3A_487 = arith.addi %add3A_480, %add3A_486 : vector<16xi32>
      %select_n3A_488 = arith.select %gt3A_484, %add3A_487, %add3A_480 : vector<16xi1>, vector<16xi32>
      %max3A_489 = arith.constant 50000 : i32
      %max3A_490 = vector.broadcast %max3A_489 : i32 to vector<16xi32>
      %max3A_491 = arith.maxsi %select_n3A_488, %max3A_490 : vector<16xi32>
      %min3A_492 = arith.constant 50255 : i32
      %min3A_493 = vector.broadcast %min3A_492 : i32 to vector<16xi32>
      %min3A_494 = arith.minsi %max3A_491, %min3A_493 : vector<16xi32>
      %swap3A_495 = arith.constant 0 : i32
      %swap3A_496 = arith.index_cast %swap3A_495 : i32 to index
      %swap3A_497 = arith.index_cast %mul3A_464 : i32 to index
      %swap3A_498 = tpu.vector_load %arg4[%swap3A_496, %swap3A_497] {strides = array<i32>} : memref<7x4096xi32, #tpu.memory_space<vmem>>, vector<1x16xi32>,
      %swap3A_499 = vector.shape_cast %swap3A_498 : vector<1x16xi32> to vector<16xi32>
      %swap3A_500 = vector.shape_cast %min3A_494 : vector<16xi32> to vector<1x16xi32>
      tpu.vector_store %arg4[%swap3A_496, %swap3A_497], %swap3A_500 {strides = array<i32>} : memref<7x4096xi32, #tpu.memory_space<vmem>>, vector<1x16xi32>,
      %get3A_501 = arith.constant 1 : i32
      %get3A_502 = arith.index_cast %get3A_501 : i32 to index
      %get3A_503 = arith.index_cast %mul3A_464 : i32 to index
      %get3A_504 = tpu.vector_load %arg4[%get3A_502, %get3A_503] {strides = array<i32>} : memref<7x4096xi32, #tpu.memory_space<vmem>>, vector<1x16xi32>,
      %get3A_505 = vector.shape_cast %get3A_504 : vector<1x16xi32> to vector<16xi32>
      %bitcast_convert_type3A_506 = tpu.bitcast %get3A_505 : vector<16xi32> -> vector<16xf32>
      %mul3A_507 = arith.constant 1.280000e+02 : f32
      %mul3A_508 = vector.broadcast %mul3A_507 : f32 to vector<16xf32>
      %mul3A_509 = arith.mulf %bitcast_convert_type3A_506, %mul3A_508 : vector<16xf32>
      %add3A_510 = arith.constant 0x4B000080 : f32
      %add3A_511 = vector.broadcast %add3A_510 : f32 to vector<16xf32>
      %add3A_512 = arith.addf %mul3A_509, %add3A_511 : vector<16xf32>
      %bitcast_convert_type3A_513 = tpu.bitcast %add3A_512 : vector<16xf32> -> vector<16xi32>
      %add3A_514 = arith.constant -1258237630 : i32
      %add3A_515 = vector.broadcast %add3A_514 : i32 to vector<16xi32>
      %add3A_516 = arith.addi %bitcast_convert_type3A_513, %add3A_515 : vector<16xi32>
      %sub3A_517 = arith.constant 0x4B000080 : f32
      %sub3A_518 = vector.broadcast %sub3A_517 : f32 to vector<16xf32>
      %sub3A_519 = arith.subf %add3A_512, %sub3A_518 : vector<16xf32>
      %gt3A_520 = arith.cmpf ogt, %mul3A_509, %sub3A_519 : vector<16xf32>
      %add3A_521 = arith.constant 1 : i32
      %add3A_522 = vector.broadcast %add3A_521 : i32 to vector<16xi32>
      %add3A_523 = arith.addi %add3A_516, %add3A_522 : vector<16xi32>
      %select_n3A_524 = arith.select %gt3A_520, %add3A_523, %add3A_516 : vector<16xi1>, vector<16xi32>
      %max3A_525 = arith.constant 53571 : i32
      %max3A_526 = vector.broadcast %max3A_525 : i32 to vector<16xi32>
      %max3A_527 = arith.maxsi %select_n3A_524, %max3A_526 : vector<16xi32>
      %min3A_528 = arith.constant 53826 : i32
      %min3A_529 = vector.broadcast %min3A_528 : i32 to vector<16xi32>
      %min3A_530 = arith.minsi %max3A_527, %min3A_529 : vector<16xi32>
      %swap3A_531 = arith.constant 1 : i32
      %swap3A_532 = arith.index_cast %swap3A_531 : i32 to index
      %swap3A_533 = arith.index_cast %mul3A_464 : i32 to index
      %swap3A_534 = tpu.vector_load %arg4[%swap3A_532, %swap3A_533] {strides = array<i32>} : memref<7x4096xi32, #tpu.memory_space<vmem>>, vector<1x16xi32>,
      %swap3A_535 = vector.shape_cast %swap3A_534 : vector<1x16xi32> to vector<16xi32>
      %swap3A_536 = vector.shape_cast %min3A_530 : vector<16xi32> to vector<1x16xi32>
      tpu.vector_store %arg4[%swap3A_532, %swap3A_533], %swap3A_536 {strides = array<i32>} : memref<7x4096xi32, #tpu.memory_space<vmem>>, vector<1x16xi32>,
      %get3A_537 = arith.constant 2 : i32
      %get3A_538 = arith.index_cast %get3A_537 : i32 to index
      %get3A_539 = arith.index_cast %mul3A_464 : i32 to index
      %get3A_540 = tpu.vector_load %arg4[%get3A_538, %get3A_539] {strides = array<i32>} : memref<7x4096xi32, #tpu.memory_space<vmem>>, vector<1x16xi32>,
      %get3A_541 = vector.shape_cast %get3A_540 : vector<1x16xi32> to vector<16xi32>
      %bitcast_convert_type3A_542 = tpu.bitcast %get3A_541 : vector<16xi32> -> vector<16xf32>
      %mul3A_543 = arith.constant 1.280000e+02 : f32
      %mul3A_544 = vector.broadcast %mul3A_543 : f32 to vector<16xf32>
      %mul3A_545 = arith.mulf %bitcast_convert_type3A_542, %mul3A_544 : vector<16xf32>
      %add3A_546 = arith.constant 0x4B000080 : f32
      %add3A_547 = vector.broadcast %add3A_546 : f32 to vector<16xf32>
      %add3A_548 = arith.addf %mul3A_545, %add3A_547 : vector<16xf32>
      %bitcast_convert_type3A_549 = tpu.bitcast %add3A_548 : vector<16xf32> -> vector<16xi32>
      %add3A_550 = arith.constant -1258234059 : i32
      %add3A_551 = vector.broadcast %add3A_550 : i32 to vector<16xi32>
      %add3A_552 = arith.addi %bitcast_convert_type3A_549, %add3A_551 : vector<16xi32>
      %sub3A_553 = arith.constant 0x4B000080 : f32
      %sub3A_554 = vector.broadcast %sub3A_553 : f32 to vector<16xf32>
      %sub3A_555 = arith.subf %add3A_548, %sub3A_554 : vector<16xf32>
      %gt3A_556 = arith.cmpf ogt, %mul3A_545, %sub3A_555 : vector<16xf32>
      %add3A_557 = arith.constant 1 : i32
      %add3A_558 = vector.broadcast %add3A_557 : i32 to vector<16xi32>
      %add3A_559 = arith.addi %add3A_552, %add3A_558 : vector<16xi32>
      %select_n3A_560 = arith.select %gt3A_556, %add3A_559, %add3A_552 : vector<16xi1>, vector<16xi32>
      %max3A_561 = arith.constant 57142 : i32
      %max3A_562 = vector.broadcast %max3A_561 : i32 to vector<16xi32>
      %max3A_563 = arith.maxsi %select_n3A_560, %max3A_562 : vector<16xi32>
      %min3A_564 = arith.constant 57397 : i32
      %min3A_565 = vector.broadcast %min3A_564 : i32 to vector<16xi32>
      %min3A_566 = arith.minsi %max3A_563, %min3A_565 : vector<16xi32>
      %swap3A_567 = arith.constant 2 : i32
      %swap3A_568 = arith.index_cast %swap3A_567 : i32 to index
      %swap3A_569 = arith.index_cast %mul3A_464 : i32 to index
      %swap3A_570 = tpu.vector_load %arg4[%swap3A_568, %swap3A_569] {strides = array<i32>} : memref<7x4096xi32, #tpu.memory_space<vmem>>, vector<1x16xi32>,
      %swap3A_571 = vector.shape_cast %swap3A_570 : vector<1x16xi32> to vector<16xi32>
      %swap3A_572 = vector.shape_cast %min3A_566 : vector<16xi32> to vector<1x16xi32>
      tpu.vector_store %arg4[%swap3A_568, %swap3A_569], %swap3A_572 {strides = array<i32>} : memref<7x4096xi32, #tpu.memory_space<vmem>>, vector<1x16xi32>,
      %get3A_573 = arith.constant 3 : i32
      %get3A_574 = arith.index_cast %get3A_573 : i32 to index
      %get3A_575 = arith.index_cast %mul3A_464 : i32 to index
      %get3A_576 = tpu.vector_load %arg4[%get3A_574, %get3A_575] {strides = array<i32>} : memref<7x4096xi32, #tpu.memory_space<vmem>>, vector<1x16xi32>,
      %get3A_577 = vector.shape_cast %get3A_576 : vector<1x16xi32> to vector<16xi32>
      %bitcast_convert_type3A_578 = tpu.bitcast %get3A_577 : vector<16xi32> -> vector<16xf32>
      %mul3A_579 = arith.constant 1.280000e+02 : f32
      %mul3A_580 = vector.broadcast %mul3A_579 : f32 to vector<16xf32>
      %mul3A_581 = arith.mulf %bitcast_convert_type3A_578, %mul3A_580 : vector<16xf32>
      %add3A_582 = arith.constant 0x4B000080 : f32
      %add3A_583 = vector.broadcast %add3A_582 : f32 to vector<16xf32>
      %add3A_584 = arith.addf %mul3A_581, %add3A_583 : vector<16xf32>
      %bitcast_convert_type3A_585 = tpu.bitcast %add3A_584 : vector<16xf32> -> vector<16xi32>
      %add3A_586 = arith.constant -1258230488 : i32
      %add3A_587 = vector.broadcast %add3A_586 : i32 to vector<16xi32>
      %add3A_588 = arith.addi %bitcast_convert_type3A_585, %add3A_587 : vector<16xi32>
      %sub3A_589 = arith.constant 0x4B000080 : f32
      %sub3A_590 = vector.broadcast %sub3A_589 : f32 to vector<16xf32>
      %sub3A_591 = arith.subf %add3A_584, %sub3A_590 : vector<16xf32>
      %gt3A_592 = arith.cmpf ogt, %mul3A_581, %sub3A_591 : vector<16xf32>
      %add3A_593 = arith.constant 1 : i32
      %add3A_594 = vector.broadcast %add3A_593 : i32 to vector<16xi32>
      %add3A_595 = arith.addi %add3A_588, %add3A_594 : vector<16xi32>
      %select_n3A_596 = arith.select %gt3A_592, %add3A_595, %add3A_588 : vector<16xi1>, vector<16xi32>
      %max3A_597 = arith.constant 60713 : i32
      %max3A_598 = vector.broadcast %max3A_597 : i32 to vector<16xi32>
      %max3A_599 = arith.maxsi %select_n3A_596, %max3A_598 : vector<16xi32>
      %min3A_600 = arith.constant 60968 : i32
      %min3A_601 = vector.broadcast %min3A_600 : i32 to vector<16xi32>
      %min3A_602 = arith.minsi %max3A_599, %min3A_601 : vector<16xi32>
      %swap3A_603 = arith.constant 3 : i32
      %swap3A_604 = arith.index_cast %swap3A_603 : i32 to index
      %swap3A_605 = arith.index_cast %mul3A_464 : i32 to index
      %swap3A_606 = tpu.vector_load %arg4[%swap3A_604, %swap3A_605] {strides = array<i32>} : memref<7x4096xi32, #tpu.memory_space<vmem>>, vector<1x16xi32>,
      %swap3A_607 = vector.shape_cast %swap3A_606 : vector<1x16xi32> to vector<16xi32>
      %swap3A_608 = vector.shape_cast %min3A_602 : vector<16xi32> to vector<1x16xi32>
      tpu.vector_store %arg4[%swap3A_604, %swap3A_605], %swap3A_608 {strides = array<i32>} : memref<7x4096xi32, #tpu.memory_space<vmem>>, vector<1x16xi32>,
      %get3A_609 = arith.constant 4 : i32
      %get3A_610 = arith.index_cast %get3A_609 : i32 to index
      %get3A_611 = arith.index_cast %mul3A_464 : i32 to index
      %get3A_612 = tpu.vector_load %arg4[%get3A_610, %get3A_611] {strides = array<i32>} : memref<7x4096xi32, #tpu.memory_space<vmem>>, vector<1x16xi32>,
      %get3A_613 = vector.shape_cast %get3A_612 : vector<1x16xi32> to vector<16xi32>
      %bitcast_convert_type3A_614 = tpu.bitcast %get3A_613 : vector<16xi32> -> vector<16xf32>
      %mul3A_615 = arith.constant 1.280000e+02 : f32
      %mul3A_616 = vector.broadcast %mul3A_615 : f32 to vector<16xf32>
      %mul3A_617 = arith.mulf %bitcast_convert_type3A_614, %mul3A_616 : vector<16xf32>
      %add3A_618 = arith.constant 0x4B000080 : f32
      %add3A_619 = vector.broadcast %add3A_618 : f32 to vector<16xf32>
      %add3A_620 = arith.addf %mul3A_617, %add3A_619 : vector<16xf32>
      %bitcast_convert_type3A_621 = tpu.bitcast %add3A_620 : vector<16xf32> -> vector<16xi32>
      %add3A_622 = arith.constant -1258226917 : i32
      %add3A_623 = vector.broadcast %add3A_622 : i32 to vector<16xi32>
      %add3A_624 = arith.addi %bitcast_convert_type3A_621, %add3A_623 : vector<16xi32>
      %sub3A_625 = arith.constant 0x4B000080 : f32
      %sub3A_626 = vector.broadcast %sub3A_625 : f32 to vector<16xf32>
      %sub3A_627 = arith.subf %add3A_620, %sub3A_626 : vector<16xf32>
      %gt3A_628 = arith.cmpf ogt, %mul3A_617, %sub3A_627 : vector<16xf32>
      %add3A_629 = arith.constant 1 : i32
      %add3A_630 = vector.broadcast %add3A_629 : i32 to vector<16xi32>
      %add3A_631 = arith.addi %add3A_624, %add3A_630 : vector<16xi32>
      %select_n3A_632 = arith.select %gt3A_628, %add3A_631, %add3A_624 : vector<16xi1>, vector<16xi32>
      %max3A_633 = arith.constant 64284 : i32
      %max3A_634 = vector.broadcast %max3A_633 : i32 to vector<16xi32>
      %max3A_635 = arith.maxsi %select_n3A_632, %max3A_634 : vector<16xi32>
      %min3A_636 = arith.constant 64539 : i32
      %min3A_637 = vector.broadcast %min3A_636 : i32 to vector<16xi32>
      %min3A_638 = arith.minsi %max3A_635, %min3A_637 : vector<16xi32>
      %swap3A_639 = arith.constant 4 : i32
      %swap3A_640 = arith.index_cast %swap3A_639 : i32 to index
      %swap3A_641 = arith.index_cast %mul3A_464 : i32 to index
      %swap3A_642 = tpu.vector_load %arg4[%swap3A_640, %swap3A_641] {strides = array<i32>} : memref<7x4096xi32, #tpu.memory_space<vmem>>, vector<1x16xi32>,
      %swap3A_643 = vector.shape_cast %swap3A_642 : vector<1x16xi32> to vector<16xi32>
      %swap3A_644 = vector.shape_cast %min3A_638 : vector<16xi32> to vector<1x16xi32>
      tpu.vector_store %arg4[%swap3A_640, %swap3A_641], %swap3A_644 {strides = array<i32>} : memref<7x4096xi32, #tpu.memory_space<vmem>>, vector<1x16xi32>,
      %get3A_645 = arith.constant 5 : i32
      %get3A_646 = arith.index_cast %get3A_645 : i32 to index
      %get3A_647 = arith.index_cast %mul3A_464 : i32 to index
      %get3A_648 = tpu.vector_load %arg4[%get3A_646, %get3A_647] {strides = array<i32>} : memref<7x4096xi32, #tpu.memory_space<vmem>>, vector<1x16xi32>,
      %get3A_649 = vector.shape_cast %get3A_648 : vector<1x16xi32> to vector<16xi32>
      %bitcast_convert_type3A_650 = tpu.bitcast %get3A_649 : vector<16xi32> -> vector<16xf32>
      %mul3A_651 = arith.constant 1.280000e+02 : f32
      %mul3A_652 = vector.broadcast %mul3A_651 : f32 to vector<16xf32>
      %mul3A_653 = arith.mulf %bitcast_convert_type3A_650, %mul3A_652 : vector<16xf32>
      %add3A_654 = arith.constant 0x4B000080 : f32
      %add3A_655 = vector.broadcast %add3A_654 : f32 to vector<16xf32>
      %add3A_656 = arith.addf %mul3A_653, %add3A_655 : vector<16xf32>
      %bitcast_convert_type3A_657 = tpu.bitcast %add3A_656 : vector<16xf32> -> vector<16xi32>
      %add3A_658 = arith.constant -1258223346 : i32
      %add3A_659 = vector.broadcast %add3A_658 : i32 to vector<16xi32>
      %add3A_660 = arith.addi %bitcast_convert_type3A_657, %add3A_659 : vector<16xi32>
      %sub3A_661 = arith.constant 0x4B000080 : f32
      %sub3A_662 = vector.broadcast %sub3A_661 : f32 to vector<16xf32>
      %sub3A_663 = arith.subf %add3A_656, %sub3A_662 : vector<16xf32>
      %gt3A_664 = arith.cmpf ogt, %mul3A_653, %sub3A_663 : vector<16xf32>
      %add3A_665 = arith.constant 1 : i32
      %add3A_666 = vector.broadcast %add3A_665 : i32 to vector<16xi32>
      %add3A_667 = arith.addi %add3A_660, %add3A_666 : vector<16xi32>
      %select_n3A_668 = arith.select %gt3A_664, %add3A_667, %add3A_660 : vector<16xi1>, vector<16xi32>
      %max3A_669 = arith.constant 67855 : i32
      %max3A_670 = vector.broadcast %max3A_669 : i32 to vector<16xi32>
      %max3A_671 = arith.maxsi %select_n3A_668, %max3A_670 : vector<16xi32>
      %min3A_672 = arith.constant 68110 : i32
      %min3A_673 = vector.broadcast %min3A_672 : i32 to vector<16xi32>
      %min3A_674 = arith.minsi %max3A_671, %min3A_673 : vector<16xi32>
      %swap3A_675 = arith.constant 5 : i32
      %swap3A_676 = arith.index_cast %swap3A_675 : i32 to index
      %swap3A_677 = arith.index_cast %mul3A_464 : i32 to index
      %swap3A_678 = tpu.vector_load %arg4[%swap3A_676, %swap3A_677] {strides = array<i32>} : memref<7x4096xi32, #tpu.memory_space<vmem>>, vector<1x16xi32>,
      %swap3A_679 = vector.shape_cast %swap3A_678 : vector<1x16xi32> to vector<16xi32>
      %swap3A_680 = vector.shape_cast %min3A_674 : vector<16xi32> to vector<1x16xi32>
      tpu.vector_store %arg4[%swap3A_676, %swap3A_677], %swap3A_680 {strides = array<i32>} : memref<7x4096xi32, #tpu.memory_space<vmem>>, vector<1x16xi32>,
      %get3A_681 = arith.constant 6 : i32
      %get3A_682 = arith.index_cast %get3A_681 : i32 to index
      %get3A_683 = arith.index_cast %mul3A_464 : i32 to index
      %get3A_684 = tpu.vector_load %arg4[%get3A_682, %get3A_683] {strides = array<i32>} : memref<7x4096xi32, #tpu.memory_space<vmem>>, vector<1x16xi32>,
      %get3A_685 = vector.shape_cast %get3A_684 : vector<1x16xi32> to vector<16xi32>
      %bitcast_convert_type3A_686 = tpu.bitcast %get3A_685 : vector<16xi32> -> vector<16xf32>
      %mul3A_687 = arith.constant 1.280000e+02 : f32
      %mul3A_688 = vector.broadcast %mul3A_687 : f32 to vector<16xf32>
      %mul3A_689 = arith.mulf %bitcast_convert_type3A_686, %mul3A_688 : vector<16xf32>
      %add3A_690 = arith.constant 0x4B000080 : f32
      %add3A_691 = vector.broadcast %add3A_690 : f32 to vector<16xf32>
      %add3A_692 = arith.addf %mul3A_689, %add3A_691 : vector<16xf32>
      %bitcast_convert_type3A_693 = tpu.bitcast %add3A_692 : vector<16xf32> -> vector<16xi32>
      %add3A_694 = arith.constant -1258219775 : i32
      %add3A_695 = vector.broadcast %add3A_694 : i32 to vector<16xi32>
      %add3A_696 = arith.addi %bitcast_convert_type3A_693, %add3A_695 : vector<16xi32>
      %sub3A_697 = arith.constant 0x4B000080 : f32
      %sub3A_698 = vector.broadcast %sub3A_697 : f32 to vector<16xf32>
      %sub3A_699 = arith.subf %add3A_692, %sub3A_698 : vector<16xf32>
      %gt3A_700 = arith.cmpf ogt, %mul3A_689, %sub3A_699 : vector<16xf32>
      %add3A_701 = arith.constant 1 : i32
      %add3A_702 = vector.broadcast %add3A_701 : i32 to vector<16xi32>
      %add3A_703 = arith.addi %add3A_696, %add3A_702 : vector<16xi32>
      %select_n3A_704 = arith.select %gt3A_700, %add3A_703, %add3A_696 : vector<16xi1>, vector<16xi32>
      %max3A_705 = arith.constant 71426 : i32
      %max3A_706 = vector.broadcast %max3A_705 : i32 to vector<16xi32>
      %max3A_707 = arith.maxsi %select_n3A_704, %max3A_706 : vector<16xi32>
      %min3A_708 = arith.constant 71681 : i32
      %min3A_709 = vector.broadcast %min3A_708 : i32 to vector<16xi32>
      %min3A_710 = arith.minsi %max3A_707, %min3A_709 : vector<16xi32>
      %swap3A_711 = arith.constant 6 : i32
      %swap3A_712 = arith.index_cast %swap3A_711 : i32 to index
      %swap3A_713 = arith.index_cast %mul3A_464 : i32 to index
      %swap3A_714 = tpu.vector_load %arg4[%swap3A_712, %swap3A_713] {strides = array<i32>} : memref<7x4096xi32, #tpu.memory_space<vmem>>, vector<1x16xi32>,
      %swap3A_715 = vector.shape_cast %swap3A_714 : vector<1x16xi32> to vector<16xi32>
      %swap3A_716 = vector.shape_cast %min3A_710 : vector<16xi32> to vector<1x16xi32>
      tpu.vector_store %arg4[%swap3A_712, %swap3A_713], %swap3A_716 {strides = array<i32>} : memref<7x4096xi32, #tpu.memory_space<vmem>>, vector<1x16xi32>,
    }
    %scan3A_173 = arith.constant 128 : i32
    %add3A_174 = arith.constant 24576 : i32
    %add3A_175 = arith.addi %mul3A_2, %add3A_174 : i32
    %dma_start3A_176 = arith.constant 0 : i32
    %dma_start3A_177 = tpu.memref_slice %arg3[%dma_start3A_176, %add3A_175] : memref<7x1048576xi32, #tpu.memory_space<hbm>> -> memref<7x4096xi32, #tpu.memory_space<hbm>>
    %dma_start3A_178 = arith.constant 0 : i32
    %dma_start3A_179 = tpu.memref_slice %arg3[%dma_start3A_178, %add3A_175] : memref<7x1048576xi32, #tpu.memory_space<hbm>> -> memref<7x4096xi32, #tpu.memory_space<hbm>>
    tpu.enqueue_dma source(%arg4 : memref<7x4096xi32, #tpu.memory_space<vmem>>) target(%dma_start3A_179 : memref<7x4096xi32, #tpu.memory_space<hbm>>) target_semaphore(%arg8 : memref<!tpu.dma_semaphore, #tpu.memory_space<semaphore_mem>>)
    %dma_wait3A_180 = arith.constant 0 : i32
    %dma_wait3A_181 = tpu.memref_slice %arg3[%dma_wait3A_180, %add3A_149] : memref<7x1048576xi32, #tpu.memory_space<hbm>> -> memref<7x4096xi32, #tpu.memory_space<hbm>>
    %dma_wait3A_182 = arith.constant 0 : i32
    %dma_wait3A_183 = tpu.memref_slice %arg3[%dma_wait3A_182, %add3A_149] : memref<7x1048576xi32, #tpu.memory_space<hbm>> -> memref<7x4096xi32, #tpu.memory_space<hbm>>
    tpu.wait_dma2 semaphore(%arg9 : memref<!tpu.dma_semaphore, #tpu.memory_space<semaphore_mem>>) src(%arg5 : memref<7x4096xi32, #tpu.memory_space<vmem>>) dst(%dma_wait3A_183 : memref<7x4096xi32, #tpu.memory_space<hbm>>)
    %dma_wait3A_184 = arith.constant 0 : i32
    %dma_wait3A_185 = tpu.memref_slice %arg2[%dma_wait3A_184, %add3A_163] : memref<7x1048576xi32, #tpu.memory_space<hbm>> -> memref<7x4096xi32, #tpu.memory_space<hbm>>
    %dma_wait3A_186 = arith.constant 0 : i32
    %dma_wait3A_187 = tpu.memref_slice %arg2[%dma_wait3A_186, %add3A_163] : memref<7x1048576xi32, #tpu.memory_space<hbm>> -> memref<7x4096xi32, #tpu.memory_space<hbm>>
    tpu.wait_dma2 semaphore(%arg7 : memref<!tpu.dma_semaphore, #tpu.memory_space<semaphore_mem>>) src(%dma_wait3A_187 : memref<7x4096xi32, #tpu.memory_space<hbm>>) dst(%arg5 : memref<7x4096xi32, #tpu.memory_space<vmem>>)
    %scan3A_188 = arith.constant 0 : i32
    %scan3A_189 = arith.constant 0 : i32
    %scan3A_190 = arith.constant 128 : i32
    %scan3A_191 = arith.addi %scan3A_189, %scan3A_190 : i32
    %scan3A_192 = arith.constant 1 : i32
    scf.for %scan3A_208 = %scan3A_189 to %scan3A_191 step %scan3A_192  : i32 {
      %mul3A_209 = arith.constant 2 : i32
      %mul3A_210 = arith.muli %scan3A_208, %mul3A_209 : i32
      %add3A_211 = arith.constant 0 : i32
      %add3A_212 = arith.addi %mul3A_210, %add3A_211 : i32
      %mul3A_213 = arith.constant 16 : i32
      %mul3A_214 = arith.muli %add3A_212, %mul3A_213 : i32
      %get3A = arith.constant 0 : i32
      %get3A_215 = arith.index_cast %get3A : i32 to index
      %get3A_216 = arith.index_cast %mul3A_214 : i32 to index
      %get3A_217 = tpu.vector_load %arg5[%get3A_215, %get3A_216] {strides = array<i32>} : memref<7x4096xi32, #tpu.memory_space<vmem>>, vector<1x16xi32>,
      %get3A_218 = vector.shape_cast %get3A_217 : vector<1x16xi32> to vector<16xi32>
      %bitcast_convert_type3A = tpu.bitcast %get3A_218 : vector<16xi32> -> vector<16xf32>
      %mul3A_219 = arith.constant 1.280000e+02 : f32
      %mul3A_220 = vector.broadcast %mul3A_219 : f32 to vector<16xf32>
      %mul3A_221 = arith.mulf %bitcast_convert_type3A, %mul3A_220 : vector<16xf32>
      %add3A_222 = arith.constant 0x4B000080 : f32
      %add3A_223 = vector.broadcast %add3A_222 : f32 to vector<16xf32>
      %add3A_224 = arith.addf %mul3A_221, %add3A_223 : vector<16xf32>
      %bitcast_convert_type3A_225 = tpu.bitcast %add3A_224 : vector<16xf32> -> vector<16xi32>
      %add3A_226 = arith.constant -1258241201 : i32
      %add3A_227 = vector.broadcast %add3A_226 : i32 to vector<16xi32>
      %add3A_228 = arith.addi %bitcast_convert_type3A_225, %add3A_227 : vector<16xi32>
      %sub3A = arith.constant 0x4B000080 : f32
      %sub3A_229 = vector.broadcast %sub3A : f32 to vector<16xf32>
      %sub3A_230 = arith.subf %add3A_224, %sub3A_229 : vector<16xf32>
      %gt3A = arith.cmpf ogt, %mul3A_221, %sub3A_230 : vector<16xf32>
      %add3A_231 = arith.constant 1 : i32
      %add3A_232 = vector.broadcast %add3A_231 : i32 to vector<16xi32>
      %add3A_233 = arith.addi %add3A_228, %add3A_232 : vector<16xi32>
      %select_n3A = arith.select %gt3A, %add3A_233, %add3A_228 : vector<16xi1>, vector<16xi32>
      %max3A = arith.constant 50000 : i32
      %max3A_234 = vector.broadcast %max3A : i32 to vector<16xi32>
      %max3A_235 = arith.maxsi %select_n3A, %max3A_234 : vector<16xi32>
      %min3A = arith.constant 50255 : i32
      %min3A_236 = vector.broadcast %min3A : i32 to vector<16xi32>
      %min3A_237 = arith.minsi %max3A_235, %min3A_236 : vector<16xi32>
      %swap3A = arith.constant 0 : i32
      %swap3A_238 = arith.index_cast %swap3A : i32 to index
      %swap3A_239 = arith.index_cast %mul3A_214 : i32 to index
      %swap3A_240 = tpu.vector_load %arg5[%swap3A_238, %swap3A_239] {strides = array<i32>} : memref<7x4096xi32, #tpu.memory_space<vmem>>, vector<1x16xi32>,
      %swap3A_241 = vector.shape_cast %swap3A_240 : vector<1x16xi32> to vector<16xi32>
      %swap3A_242 = vector.shape_cast %min3A_237 : vector<16xi32> to vector<1x16xi32>
      tpu.vector_store %arg5[%swap3A_238, %swap3A_239], %swap3A_242 {strides = array<i32>} : memref<7x4096xi32, #tpu.memory_space<vmem>>, vector<1x16xi32>,
      %get3A_243 = arith.constant 1 : i32
      %get3A_244 = arith.index_cast %get3A_243 : i32 to index
      %get3A_245 = arith.index_cast %mul3A_214 : i32 to index
      %get3A_246 = tpu.vector_load %arg5[%get3A_244, %get3A_245] {strides = array<i32>} : memref<7x4096xi32, #tpu.memory_space<vmem>>, vector<1x16xi32>,
      %get3A_247 = vector.shape_cast %get3A_246 : vector<1x16xi32> to vector<16xi32>
      %bitcast_convert_type3A_248 = tpu.bitcast %get3A_247 : vector<16xi32> -> vector<16xf32>
      %mul3A_249 = arith.constant 1.280000e+02 : f32
      %mul3A_250 = vector.broadcast %mul3A_249 : f32 to vector<16xf32>
      %mul3A_251 = arith.mulf %bitcast_convert_type3A_248, %mul3A_250 : vector<16xf32>
      %add3A_252 = arith.constant 0x4B000080 : f32
      %add3A_253 = vector.broadcast %add3A_252 : f32 to vector<16xf32>
      %add3A_254 = arith.addf %mul3A_251, %add3A_253 : vector<16xf32>
      %bitcast_convert_type3A_255 = tpu.bitcast %add3A_254 : vector<16xf32> -> vector<16xi32>
      %add3A_256 = arith.constant -1258237630 : i32
      %add3A_257 = vector.broadcast %add3A_256 : i32 to vector<16xi32>
      %add3A_258 = arith.addi %bitcast_convert_type3A_255, %add3A_257 : vector<16xi32>
      %sub3A_259 = arith.constant 0x4B000080 : f32
      %sub3A_260 = vector.broadcast %sub3A_259 : f32 to vector<16xf32>
      %sub3A_261 = arith.subf %add3A_254, %sub3A_260 : vector<16xf32>
      %gt3A_262 = arith.cmpf ogt, %mul3A_251, %sub3A_261 : vector<16xf32>
      %add3A_263 = arith.constant 1 : i32
      %add3A_264 = vector.broadcast %add3A_263 : i32 to vector<16xi32>
      %add3A_265 = arith.addi %add3A_258, %add3A_264 : vector<16xi32>
      %select_n3A_266 = arith.select %gt3A_262, %add3A_265, %add3A_258 : vector<16xi1>, vector<16xi32>
      %max3A_267 = arith.constant 53571 : i32
      %max3A_268 = vector.broadcast %max3A_267 : i32 to vector<16xi32>
      %max3A_269 = arith.maxsi %select_n3A_266, %max3A_268 : vector<16xi32>
      %min3A_270 = arith.constant 53826 : i32
      %min3A_271 = vector.broadcast %min3A_270 : i32 to vector<16xi32>
      %min3A_272 = arith.minsi %max3A_269, %min3A_271 : vector<16xi32>
      %swap3A_273 = arith.constant 1 : i32
      %swap3A_274 = arith.index_cast %swap3A_273 : i32 to index
      %swap3A_275 = arith.index_cast %mul3A_214 : i32 to index
      %swap3A_276 = tpu.vector_load %arg5[%swap3A_274, %swap3A_275] {strides = array<i32>} : memref<7x4096xi32, #tpu.memory_space<vmem>>, vector<1x16xi32>,
      %swap3A_277 = vector.shape_cast %swap3A_276 : vector<1x16xi32> to vector<16xi32>
      %swap3A_278 = vector.shape_cast %min3A_272 : vector<16xi32> to vector<1x16xi32>
      tpu.vector_store %arg5[%swap3A_274, %swap3A_275], %swap3A_278 {strides = array<i32>} : memref<7x4096xi32, #tpu.memory_space<vmem>>, vector<1x16xi32>,
      %get3A_279 = arith.constant 2 : i32
      %get3A_280 = arith.index_cast %get3A_279 : i32 to index
      %get3A_281 = arith.index_cast %mul3A_214 : i32 to index
      %get3A_282 = tpu.vector_load %arg5[%get3A_280, %get3A_281] {strides = array<i32>} : memref<7x4096xi32, #tpu.memory_space<vmem>>, vector<1x16xi32>,
      %get3A_283 = vector.shape_cast %get3A_282 : vector<1x16xi32> to vector<16xi32>
      %bitcast_convert_type3A_284 = tpu.bitcast %get3A_283 : vector<16xi32> -> vector<16xf32>
      %mul3A_285 = arith.constant 1.280000e+02 : f32
      %mul3A_286 = vector.broadcast %mul3A_285 : f32 to vector<16xf32>
      %mul3A_287 = arith.mulf %bitcast_convert_type3A_284, %mul3A_286 : vector<16xf32>
      %add3A_288 = arith.constant 0x4B000080 : f32
      %add3A_289 = vector.broadcast %add3A_288 : f32 to vector<16xf32>
      %add3A_290 = arith.addf %mul3A_287, %add3A_289 : vector<16xf32>
      %bitcast_convert_type3A_291 = tpu.bitcast %add3A_290 : vector<16xf32> -> vector<16xi32>
      %add3A_292 = arith.constant -1258234059 : i32
      %add3A_293 = vector.broadcast %add3A_292 : i32 to vector<16xi32>
      %add3A_294 = arith.addi %bitcast_convert_type3A_291, %add3A_293 : vector<16xi32>
      %sub3A_295 = arith.constant 0x4B000080 : f32
      %sub3A_296 = vector.broadcast %sub3A_295 : f32 to vector<16xf32>
      %sub3A_297 = arith.subf %add3A_290, %sub3A_296 : vector<16xf32>
      %gt3A_298 = arith.cmpf ogt, %mul3A_287, %sub3A_297 : vector<16xf32>
      %add3A_299 = arith.constant 1 : i32
      %add3A_300 = vector.broadcast %add3A_299 : i32 to vector<16xi32>
      %add3A_301 = arith.addi %add3A_294, %add3A_300 : vector<16xi32>
      %select_n3A_302 = arith.select %gt3A_298, %add3A_301, %add3A_294 : vector<16xi1>, vector<16xi32>
      %max3A_303 = arith.constant 57142 : i32
      %max3A_304 = vector.broadcast %max3A_303 : i32 to vector<16xi32>
      %max3A_305 = arith.maxsi %select_n3A_302, %max3A_304 : vector<16xi32>
      %min3A_306 = arith.constant 57397 : i32
      %min3A_307 = vector.broadcast %min3A_306 : i32 to vector<16xi32>
      %min3A_308 = arith.minsi %max3A_305, %min3A_307 : vector<16xi32>
      %swap3A_309 = arith.constant 2 : i32
      %swap3A_310 = arith.index_cast %swap3A_309 : i32 to index
      %swap3A_311 = arith.index_cast %mul3A_214 : i32 to index
      %swap3A_312 = tpu.vector_load %arg5[%swap3A_310, %swap3A_311] {strides = array<i32>} : memref<7x4096xi32, #tpu.memory_space<vmem>>, vector<1x16xi32>,
      %swap3A_313 = vector.shape_cast %swap3A_312 : vector<1x16xi32> to vector<16xi32>
      %swap3A_314 = vector.shape_cast %min3A_308 : vector<16xi32> to vector<1x16xi32>
      tpu.vector_store %arg5[%swap3A_310, %swap3A_311], %swap3A_314 {strides = array<i32>} : memref<7x4096xi32, #tpu.memory_space<vmem>>, vector<1x16xi32>,
      %get3A_315 = arith.constant 3 : i32
      %get3A_316 = arith.index_cast %get3A_315 : i32 to index
      %get3A_317 = arith.index_cast %mul3A_214 : i32 to index
      %get3A_318 = tpu.vector_load %arg5[%get3A_316, %get3A_317] {strides = array<i32>} : memref<7x4096xi32, #tpu.memory_space<vmem>>, vector<1x16xi32>,
      %get3A_319 = vector.shape_cast %get3A_318 : vector<1x16xi32> to vector<16xi32>
      %bitcast_convert_type3A_320 = tpu.bitcast %get3A_319 : vector<16xi32> -> vector<16xf32>
      %mul3A_321 = arith.constant 1.280000e+02 : f32
      %mul3A_322 = vector.broadcast %mul3A_321 : f32 to vector<16xf32>
      %mul3A_323 = arith.mulf %bitcast_convert_type3A_320, %mul3A_322 : vector<16xf32>
      %add3A_324 = arith.constant 0x4B000080 : f32
      %add3A_325 = vector.broadcast %add3A_324 : f32 to vector<16xf32>
      %add3A_326 = arith.addf %mul3A_323, %add3A_325 : vector<16xf32>
      %bitcast_convert_type3A_327 = tpu.bitcast %add3A_326 : vector<16xf32> -> vector<16xi32>
      %add3A_328 = arith.constant -1258230488 : i32
      %add3A_329 = vector.broadcast %add3A_328 : i32 to vector<16xi32>
      %add3A_330 = arith.addi %bitcast_convert_type3A_327, %add3A_329 : vector<16xi32>
      %sub3A_331 = arith.constant 0x4B000080 : f32
      %sub3A_332 = vector.broadcast %sub3A_331 : f32 to vector<16xf32>
      %sub3A_333 = arith.subf %add3A_326, %sub3A_332 : vector<16xf32>
      %gt3A_334 = arith.cmpf ogt, %mul3A_323, %sub3A_333 : vector<16xf32>
      %add3A_335 = arith.constant 1 : i32
      %add3A_336 = vector.broadcast %add3A_335 : i32 to vector<16xi32>
      %add3A_337 = arith.addi %add3A_330, %add3A_336 : vector<16xi32>
      %select_n3A_338 = arith.select %gt3A_334, %add3A_337, %add3A_330 : vector<16xi1>, vector<16xi32>
      %max3A_339 = arith.constant 60713 : i32
      %max3A_340 = vector.broadcast %max3A_339 : i32 to vector<16xi32>
      %max3A_341 = arith.maxsi %select_n3A_338, %max3A_340 : vector<16xi32>
      %min3A_342 = arith.constant 60968 : i32
      %min3A_343 = vector.broadcast %min3A_342 : i32 to vector<16xi32>
      %min3A_344 = arith.minsi %max3A_341, %min3A_343 : vector<16xi32>
      %swap3A_345 = arith.constant 3 : i32
      %swap3A_346 = arith.index_cast %swap3A_345 : i32 to index
      %swap3A_347 = arith.index_cast %mul3A_214 : i32 to index
      %swap3A_348 = tpu.vector_load %arg5[%swap3A_346, %swap3A_347] {strides = array<i32>} : memref<7x4096xi32, #tpu.memory_space<vmem>>, vector<1x16xi32>,
      %swap3A_349 = vector.shape_cast %swap3A_348 : vector<1x16xi32> to vector<16xi32>
      %swap3A_350 = vector.shape_cast %min3A_344 : vector<16xi32> to vector<1x16xi32>
      tpu.vector_store %arg5[%swap3A_346, %swap3A_347], %swap3A_350 {strides = array<i32>} : memref<7x4096xi32, #tpu.memory_space<vmem>>, vector<1x16xi32>,
      %get3A_351 = arith.constant 4 : i32
      %get3A_352 = arith.index_cast %get3A_351 : i32 to index
      %get3A_353 = arith.index_cast %mul3A_214 : i32 to index
      %get3A_354 = tpu.vector_load %arg5[%get3A_352, %get3A_353] {strides = array<i32>} : memref<7x4096xi32, #tpu.memory_space<vmem>>, vector<1x16xi32>,
      %get3A_355 = vector.shape_cast %get3A_354 : vector<1x16xi32> to vector<16xi32>
      %bitcast_convert_type3A_356 = tpu.bitcast %get3A_355 : vector<16xi32> -> vector<16xf32>
      %mul3A_357 = arith.constant 1.280000e+02 : f32
      %mul3A_358 = vector.broadcast %mul3A_357 : f32 to vector<16xf32>
      %mul3A_359 = arith.mulf %bitcast_convert_type3A_356, %mul3A_358 : vector<16xf32>
      %add3A_360 = arith.constant 0x4B000080 : f32
      %add3A_361 = vector.broadcast %add3A_360 : f32 to vector<16xf32>
      %add3A_362 = arith.addf %mul3A_359, %add3A_361 : vector<16xf32>
      %bitcast_convert_type3A_363 = tpu.bitcast %add3A_362 : vector<16xf32> -> vector<16xi32>
      %add3A_364 = arith.constant -1258226917 : i32
      %add3A_365 = vector.broadcast %add3A_364 : i32 to vector<16xi32>
      %add3A_366 = arith.addi %bitcast_convert_type3A_363, %add3A_365 : vector<16xi32>
      %sub3A_367 = arith.constant 0x4B000080 : f32
      %sub3A_368 = vector.broadcast %sub3A_367 : f32 to vector<16xf32>
      %sub3A_369 = arith.subf %add3A_362, %sub3A_368 : vector<16xf32>
      %gt3A_370 = arith.cmpf ogt, %mul3A_359, %sub3A_369 : vector<16xf32>
      %add3A_371 = arith.constant 1 : i32
      %add3A_372 = vector.broadcast %add3A_371 : i32 to vector<16xi32>
      %add3A_373 = arith.addi %add3A_366, %add3A_372 : vector<16xi32>
      %select_n3A_374 = arith.select %gt3A_370, %add3A_373, %add3A_366 : vector<16xi1>, vector<16xi32>
      %max3A_375 = arith.constant 64284 : i32
      %max3A_376 = vector.broadcast %max3A_375 : i32 to vector<16xi32>
      %max3A_377 = arith.maxsi %select_n3A_374, %max3A_376 : vector<16xi32>
      %min3A_378 = arith.constant 64539 : i32
      %min3A_379 = vector.broadcast %min3A_378 : i32 to vector<16xi32>
      %min3A_380 = arith.minsi %max3A_377, %min3A_379 : vector<16xi32>
      %swap3A_381 = arith.constant 4 : i32
      %swap3A_382 = arith.index_cast %swap3A_381 : i32 to index
      %swap3A_383 = arith.index_cast %mul3A_214 : i32 to index
      %swap3A_384 = tpu.vector_load %arg5[%swap3A_382, %swap3A_383] {strides = array<i32>} : memref<7x4096xi32, #tpu.memory_space<vmem>>, vector<1x16xi32>,
      %swap3A_385 = vector.shape_cast %swap3A_384 : vector<1x16xi32> to vector<16xi32>
      %swap3A_386 = vector.shape_cast %min3A_380 : vector<16xi32> to vector<1x16xi32>
      tpu.vector_store %arg5[%swap3A_382, %swap3A_383], %swap3A_386 {strides = array<i32>} : memref<7x4096xi32, #tpu.memory_space<vmem>>, vector<1x16xi32>,
      %get3A_387 = arith.constant 5 : i32
      %get3A_388 = arith.index_cast %get3A_387 : i32 to index
      %get3A_389 = arith.index_cast %mul3A_214 : i32 to index
      %get3A_390 = tpu.vector_load %arg5[%get3A_388, %get3A_389] {strides = array<i32>} : memref<7x4096xi32, #tpu.memory_space<vmem>>, vector<1x16xi32>,
      %get3A_391 = vector.shape_cast %get3A_390 : vector<1x16xi32> to vector<16xi32>
      %bitcast_convert_type3A_392 = tpu.bitcast %get3A_391 : vector<16xi32> -> vector<16xf32>
      %mul3A_393 = arith.constant 1.280000e+02 : f32
      %mul3A_394 = vector.broadcast %mul3A_393 : f32 to vector<16xf32>
      %mul3A_395 = arith.mulf %bitcast_convert_type3A_392, %mul3A_394 : vector<16xf32>
      %add3A_396 = arith.constant 0x4B000080 : f32
      %add3A_397 = vector.broadcast %add3A_396 : f32 to vector<16xf32>
      %add3A_398 = arith.addf %mul3A_395, %add3A_397 : vector<16xf32>
      %bitcast_convert_type3A_399 = tpu.bitcast %add3A_398 : vector<16xf32> -> vector<16xi32>
      %add3A_400 = arith.constant -1258223346 : i32
      %add3A_401 = vector.broadcast %add3A_400 : i32 to vector<16xi32>
      %add3A_402 = arith.addi %bitcast_convert_type3A_399, %add3A_401 : vector<16xi32>
      %sub3A_403 = arith.constant 0x4B000080 : f32
      %sub3A_404 = vector.broadcast %sub3A_403 : f32 to vector<16xf32>
      %sub3A_405 = arith.subf %add3A_398, %sub3A_404 : vector<16xf32>
      %gt3A_406 = arith.cmpf ogt, %mul3A_395, %sub3A_405 : vector<16xf32>
      %add3A_407 = arith.constant 1 : i32
      %add3A_408 = vector.broadcast %add3A_407 : i32 to vector<16xi32>
      %add3A_409 = arith.addi %add3A_402, %add3A_408 : vector<16xi32>
      %select_n3A_410 = arith.select %gt3A_406, %add3A_409, %add3A_402 : vector<16xi1>, vector<16xi32>
      %max3A_411 = arith.constant 67855 : i32
      %max3A_412 = vector.broadcast %max3A_411 : i32 to vector<16xi32>
      %max3A_413 = arith.maxsi %select_n3A_410, %max3A_412 : vector<16xi32>
      %min3A_414 = arith.constant 68110 : i32
      %min3A_415 = vector.broadcast %min3A_414 : i32 to vector<16xi32>
      %min3A_416 = arith.minsi %max3A_413, %min3A_415 : vector<16xi32>
      %swap3A_417 = arith.constant 5 : i32
      %swap3A_418 = arith.index_cast %swap3A_417 : i32 to index
      %swap3A_419 = arith.index_cast %mul3A_214 : i32 to index
      %swap3A_420 = tpu.vector_load %arg5[%swap3A_418, %swap3A_419] {strides = array<i32>} : memref<7x4096xi32, #tpu.memory_space<vmem>>, vector<1x16xi32>,
      %swap3A_421 = vector.shape_cast %swap3A_420 : vector<1x16xi32> to vector<16xi32>
      %swap3A_422 = vector.shape_cast %min3A_416 : vector<16xi32> to vector<1x16xi32>
      tpu.vector_store %arg5[%swap3A_418, %swap3A_419], %swap3A_422 {strides = array<i32>} : memref<7x4096xi32, #tpu.memory_space<vmem>>, vector<1x16xi32>,
      %get3A_423 = arith.constant 6 : i32
      %get3A_424 = arith.index_cast %get3A_423 : i32 to index
      %get3A_425 = arith.index_cast %mul3A_214 : i32 to index
      %get3A_426 = tpu.vector_load %arg5[%get3A_424, %get3A_425] {strides = array<i32>} : memref<7x4096xi32, #tpu.memory_space<vmem>>, vector<1x16xi32>,
      %get3A_427 = vector.shape_cast %get3A_426 : vector<1x16xi32> to vector<16xi32>
      %bitcast_convert_type3A_428 = tpu.bitcast %get3A_427 : vector<16xi32> -> vector<16xf32>
      %mul3A_429 = arith.constant 1.280000e+02 : f32
      %mul3A_430 = vector.broadcast %mul3A_429 : f32 to vector<16xf32>
      %mul3A_431 = arith.mulf %bitcast_convert_type3A_428, %mul3A_430 : vector<16xf32>
      %add3A_432 = arith.constant 0x4B000080 : f32
      %add3A_433 = vector.broadcast %add3A_432 : f32 to vector<16xf32>
      %add3A_434 = arith.addf %mul3A_431, %add3A_433 : vector<16xf32>
      %bitcast_convert_type3A_435 = tpu.bitcast %add3A_434 : vector<16xf32> -> vector<16xi32>
      %add3A_436 = arith.constant -1258219775 : i32
      %add3A_437 = vector.broadcast %add3A_436 : i32 to vector<16xi32>
      %add3A_438 = arith.addi %bitcast_convert_type3A_435, %add3A_437 : vector<16xi32>
      %sub3A_439 = arith.constant 0x4B000080 : f32
      %sub3A_440 = vector.broadcast %sub3A_439 : f32 to vector<16xf32>
      %sub3A_441 = arith.subf %add3A_434, %sub3A_440 : vector<16xf32>
      %gt3A_442 = arith.cmpf ogt, %mul3A_431, %sub3A_441 : vector<16xf32>
      %add3A_443 = arith.constant 1 : i32
      %add3A_444 = vector.broadcast %add3A_443 : i32 to vector<16xi32>
      %add3A_445 = arith.addi %add3A_438, %add3A_444 : vector<16xi32>
      %select_n3A_446 = arith.select %gt3A_442, %add3A_445, %add3A_438 : vector<16xi1>, vector<16xi32>
      %max3A_447 = arith.constant 71426 : i32
      %max3A_448 = vector.broadcast %max3A_447 : i32 to vector<16xi32>
      %max3A_449 = arith.maxsi %select_n3A_446, %max3A_448 : vector<16xi32>
      %min3A_450 = arith.constant 71681 : i32
      %min3A_451 = vector.broadcast %min3A_450 : i32 to vector<16xi32>
      %min3A_452 = arith.minsi %max3A_449, %min3A_451 : vector<16xi32>
      %swap3A_453 = arith.constant 6 : i32
      %swap3A_454 = arith.index_cast %swap3A_453 : i32 to index
      %swap3A_455 = arith.index_cast %mul3A_214 : i32 to index
      %swap3A_456 = tpu.vector_load %arg5[%swap3A_454, %swap3A_455] {strides = array<i32>} : memref<7x4096xi32, #tpu.memory_space<vmem>>, vector<1x16xi32>,
      %swap3A_457 = vector.shape_cast %swap3A_456 : vector<1x16xi32> to vector<16xi32>
      %swap3A_458 = vector.shape_cast %min3A_452 : vector<16xi32> to vector<1x16xi32>
      tpu.vector_store %arg5[%swap3A_454, %swap3A_455], %swap3A_458 {strides = array<i32>} : memref<7x4096xi32, #tpu.memory_space<vmem>>, vector<1x16xi32>,
      %mul3A_459 = arith.constant 2 : i32
      %mul3A_460 = arith.muli %scan3A_208, %mul3A_459 : i32
      %add3A_461 = arith.constant 1 : i32
      %add3A_462 = arith.addi %mul3A_460, %add3A_461 : i32
      %mul3A_463 = arith.constant 16 : i32
      %mul3A_464 = arith.muli %add3A_462, %mul3A_463 : i32
      %get3A_465 = arith.constant 0 : i32
      %get3A_466 = arith.index_cast %get3A_465 : i32 to index
      %get3A_467 = arith.index_cast %mul3A_464 : i32 to index
      %get3A_468 = tpu.vector_load %arg5[%get3A_466, %get3A_467] {strides = array<i32>} : memref<7x4096xi32, #tpu.memory_space<vmem>>, vector<1x16xi32>,
      %get3A_469 = vector.shape_cast %get3A_468 : vector<1x16xi32> to vector<16xi32>
      %bitcast_convert_type3A_470 = tpu.bitcast %get3A_469 : vector<16xi32> -> vector<16xf32>
      %mul3A_471 = arith.constant 1.280000e+02 : f32
      %mul3A_472 = vector.broadcast %mul3A_471 : f32 to vector<16xf32>
      %mul3A_473 = arith.mulf %bitcast_convert_type3A_470, %mul3A_472 : vector<16xf32>
      %add3A_474 = arith.constant 0x4B000080 : f32
      %add3A_475 = vector.broadcast %add3A_474 : f32 to vector<16xf32>
      %add3A_476 = arith.addf %mul3A_473, %add3A_475 : vector<16xf32>
      %bitcast_convert_type3A_477 = tpu.bitcast %add3A_476 : vector<16xf32> -> vector<16xi32>
      %add3A_478 = arith.constant -1258241201 : i32
      %add3A_479 = vector.broadcast %add3A_478 : i32 to vector<16xi32>
      %add3A_480 = arith.addi %bitcast_convert_type3A_477, %add3A_479 : vector<16xi32>
      %sub3A_481 = arith.constant 0x4B000080 : f32
      %sub3A_482 = vector.broadcast %sub3A_481 : f32 to vector<16xf32>
      %sub3A_483 = arith.subf %add3A_476, %sub3A_482 : vector<16xf32>
      %gt3A_484 = arith.cmpf ogt, %mul3A_473, %sub3A_483 : vector<16xf32>
      %add3A_485 = arith.constant 1 : i32
      %add3A_486 = vector.broadcast %add3A_485 : i32 to vector<16xi32>
      %add3A_487 = arith.addi %add3A_480, %add3A_486 : vector<16xi32>
      %select_n3A_488 = arith.select %gt3A_484, %add3A_487, %add3A_480 : vector<16xi1>, vector<16xi32>
      %max3A_489 = arith.constant 50000 : i32
      %max3A_490 = vector.broadcast %max3A_489 : i32 to vector<16xi32>
      %max3A_491 = arith.maxsi %select_n3A_488, %max3A_490 : vector<16xi32>
      %min3A_492 = arith.constant 50255 : i32
      %min3A_493 = vector.broadcast %min3A_492 : i32 to vector<16xi32>
      %min3A_494 = arith.minsi %max3A_491, %min3A_493 : vector<16xi32>
      %swap3A_495 = arith.constant 0 : i32
      %swap3A_496 = arith.index_cast %swap3A_495 : i32 to index
      %swap3A_497 = arith.index_cast %mul3A_464 : i32 to index
      %swap3A_498 = tpu.vector_load %arg5[%swap3A_496, %swap3A_497] {strides = array<i32>} : memref<7x4096xi32, #tpu.memory_space<vmem>>, vector<1x16xi32>,
      %swap3A_499 = vector.shape_cast %swap3A_498 : vector<1x16xi32> to vector<16xi32>
      %swap3A_500 = vector.shape_cast %min3A_494 : vector<16xi32> to vector<1x16xi32>
      tpu.vector_store %arg5[%swap3A_496, %swap3A_497], %swap3A_500 {strides = array<i32>} : memref<7x4096xi32, #tpu.memory_space<vmem>>, vector<1x16xi32>,
      %get3A_501 = arith.constant 1 : i32
      %get3A_502 = arith.index_cast %get3A_501 : i32 to index
      %get3A_503 = arith.index_cast %mul3A_464 : i32 to index
      %get3A_504 = tpu.vector_load %arg5[%get3A_502, %get3A_503] {strides = array<i32>} : memref<7x4096xi32, #tpu.memory_space<vmem>>, vector<1x16xi32>,
      %get3A_505 = vector.shape_cast %get3A_504 : vector<1x16xi32> to vector<16xi32>
      %bitcast_convert_type3A_506 = tpu.bitcast %get3A_505 : vector<16xi32> -> vector<16xf32>
      %mul3A_507 = arith.constant 1.280000e+02 : f32
      %mul3A_508 = vector.broadcast %mul3A_507 : f32 to vector<16xf32>
      %mul3A_509 = arith.mulf %bitcast_convert_type3A_506, %mul3A_508 : vector<16xf32>
      %add3A_510 = arith.constant 0x4B000080 : f32
      %add3A_511 = vector.broadcast %add3A_510 : f32 to vector<16xf32>
      %add3A_512 = arith.addf %mul3A_509, %add3A_511 : vector<16xf32>
      %bitcast_convert_type3A_513 = tpu.bitcast %add3A_512 : vector<16xf32> -> vector<16xi32>
      %add3A_514 = arith.constant -1258237630 : i32
      %add3A_515 = vector.broadcast %add3A_514 : i32 to vector<16xi32>
      %add3A_516 = arith.addi %bitcast_convert_type3A_513, %add3A_515 : vector<16xi32>
      %sub3A_517 = arith.constant 0x4B000080 : f32
      %sub3A_518 = vector.broadcast %sub3A_517 : f32 to vector<16xf32>
      %sub3A_519 = arith.subf %add3A_512, %sub3A_518 : vector<16xf32>
      %gt3A_520 = arith.cmpf ogt, %mul3A_509, %sub3A_519 : vector<16xf32>
      %add3A_521 = arith.constant 1 : i32
      %add3A_522 = vector.broadcast %add3A_521 : i32 to vector<16xi32>
      %add3A_523 = arith.addi %add3A_516, %add3A_522 : vector<16xi32>
      %select_n3A_524 = arith.select %gt3A_520, %add3A_523, %add3A_516 : vector<16xi1>, vector<16xi32>
      %max3A_525 = arith.constant 53571 : i32
      %max3A_526 = vector.broadcast %max3A_525 : i32 to vector<16xi32>
      %max3A_527 = arith.maxsi %select_n3A_524, %max3A_526 : vector<16xi32>
      %min3A_528 = arith.constant 53826 : i32
      %min3A_529 = vector.broadcast %min3A_528 : i32 to vector<16xi32>
      %min3A_530 = arith.minsi %max3A_527, %min3A_529 : vector<16xi32>
      %swap3A_531 = arith.constant 1 : i32
      %swap3A_532 = arith.index_cast %swap3A_531 : i32 to index
      %swap3A_533 = arith.index_cast %mul3A_464 : i32 to index
      %swap3A_534 = tpu.vector_load %arg5[%swap3A_532, %swap3A_533] {strides = array<i32>} : memref<7x4096xi32, #tpu.memory_space<vmem>>, vector<1x16xi32>,
      %swap3A_535 = vector.shape_cast %swap3A_534 : vector<1x16xi32> to vector<16xi32>
      %swap3A_536 = vector.shape_cast %min3A_530 : vector<16xi32> to vector<1x16xi32>
      tpu.vector_store %arg5[%swap3A_532, %swap3A_533], %swap3A_536 {strides = array<i32>} : memref<7x4096xi32, #tpu.memory_space<vmem>>, vector<1x16xi32>,
      %get3A_537 = arith.constant 2 : i32
      %get3A_538 = arith.index_cast %get3A_537 : i32 to index
      %get3A_539 = arith.index_cast %mul3A_464 : i32 to index
      %get3A_540 = tpu.vector_load %arg5[%get3A_538, %get3A_539] {strides = array<i32>} : memref<7x4096xi32, #tpu.memory_space<vmem>>, vector<1x16xi32>,
      %get3A_541 = vector.shape_cast %get3A_540 : vector<1x16xi32> to vector<16xi32>
      %bitcast_convert_type3A_542 = tpu.bitcast %get3A_541 : vector<16xi32> -> vector<16xf32>
      %mul3A_543 = arith.constant 1.280000e+02 : f32
      %mul3A_544 = vector.broadcast %mul3A_543 : f32 to vector<16xf32>
      %mul3A_545 = arith.mulf %bitcast_convert_type3A_542, %mul3A_544 : vector<16xf32>
      %add3A_546 = arith.constant 0x4B000080 : f32
      %add3A_547 = vector.broadcast %add3A_546 : f32 to vector<16xf32>
      %add3A_548 = arith.addf %mul3A_545, %add3A_547 : vector<16xf32>
      %bitcast_convert_type3A_549 = tpu.bitcast %add3A_548 : vector<16xf32> -> vector<16xi32>
      %add3A_550 = arith.constant -1258234059 : i32
      %add3A_551 = vector.broadcast %add3A_550 : i32 to vector<16xi32>
      %add3A_552 = arith.addi %bitcast_convert_type3A_549, %add3A_551 : vector<16xi32>
      %sub3A_553 = arith.constant 0x4B000080 : f32
      %sub3A_554 = vector.broadcast %sub3A_553 : f32 to vector<16xf32>
      %sub3A_555 = arith.subf %add3A_548, %sub3A_554 : vector<16xf32>
      %gt3A_556 = arith.cmpf ogt, %mul3A_545, %sub3A_555 : vector<16xf32>
      %add3A_557 = arith.constant 1 : i32
      %add3A_558 = vector.broadcast %add3A_557 : i32 to vector<16xi32>
      %add3A_559 = arith.addi %add3A_552, %add3A_558 : vector<16xi32>
      %select_n3A_560 = arith.select %gt3A_556, %add3A_559, %add3A_552 : vector<16xi1>, vector<16xi32>
      %max3A_561 = arith.constant 57142 : i32
      %max3A_562 = vector.broadcast %max3A_561 : i32 to vector<16xi32>
      %max3A_563 = arith.maxsi %select_n3A_560, %max3A_562 : vector<16xi32>
      %min3A_564 = arith.constant 57397 : i32
      %min3A_565 = vector.broadcast %min3A_564 : i32 to vector<16xi32>
      %min3A_566 = arith.minsi %max3A_563, %min3A_565 : vector<16xi32>
      %swap3A_567 = arith.constant 2 : i32
      %swap3A_568 = arith.index_cast %swap3A_567 : i32 to index
      %swap3A_569 = arith.index_cast %mul3A_464 : i32 to index
      %swap3A_570 = tpu.vector_load %arg5[%swap3A_568, %swap3A_569] {strides = array<i32>} : memref<7x4096xi32, #tpu.memory_space<vmem>>, vector<1x16xi32>,
      %swap3A_571 = vector.shape_cast %swap3A_570 : vector<1x16xi32> to vector<16xi32>
      %swap3A_572 = vector.shape_cast %min3A_566 : vector<16xi32> to vector<1x16xi32>
      tpu.vector_store %arg5[%swap3A_568, %swap3A_569], %swap3A_572 {strides = array<i32>} : memref<7x4096xi32, #tpu.memory_space<vmem>>, vector<1x16xi32>,
      %get3A_573 = arith.constant 3 : i32
      %get3A_574 = arith.index_cast %get3A_573 : i32 to index
      %get3A_575 = arith.index_cast %mul3A_464 : i32 to index
      %get3A_576 = tpu.vector_load %arg5[%get3A_574, %get3A_575] {strides = array<i32>} : memref<7x4096xi32, #tpu.memory_space<vmem>>, vector<1x16xi32>,
      %get3A_577 = vector.shape_cast %get3A_576 : vector<1x16xi32> to vector<16xi32>
      %bitcast_convert_type3A_578 = tpu.bitcast %get3A_577 : vector<16xi32> -> vector<16xf32>
      %mul3A_579 = arith.constant 1.280000e+02 : f32
      %mul3A_580 = vector.broadcast %mul3A_579 : f32 to vector<16xf32>
      %mul3A_581 = arith.mulf %bitcast_convert_type3A_578, %mul3A_580 : vector<16xf32>
      %add3A_582 = arith.constant 0x4B000080 : f32
      %add3A_583 = vector.broadcast %add3A_582 : f32 to vector<16xf32>
      %add3A_584 = arith.addf %mul3A_581, %add3A_583 : vector<16xf32>
      %bitcast_convert_type3A_585 = tpu.bitcast %add3A_584 : vector<16xf32> -> vector<16xi32>
      %add3A_586 = arith.constant -1258230488 : i32
      %add3A_587 = vector.broadcast %add3A_586 : i32 to vector<16xi32>
      %add3A_588 = arith.addi %bitcast_convert_type3A_585, %add3A_587 : vector<16xi32>
      %sub3A_589 = arith.constant 0x4B000080 : f32
      %sub3A_590 = vector.broadcast %sub3A_589 : f32 to vector<16xf32>
      %sub3A_591 = arith.subf %add3A_584, %sub3A_590 : vector<16xf32>
      %gt3A_592 = arith.cmpf ogt, %mul3A_581, %sub3A_591 : vector<16xf32>
      %add3A_593 = arith.constant 1 : i32
      %add3A_594 = vector.broadcast %add3A_593 : i32 to vector<16xi32>
      %add3A_595 = arith.addi %add3A_588, %add3A_594 : vector<16xi32>
      %select_n3A_596 = arith.select %gt3A_592, %add3A_595, %add3A_588 : vector<16xi1>, vector<16xi32>
      %max3A_597 = arith.constant 60713 : i32
      %max3A_598 = vector.broadcast %max3A_597 : i32 to vector<16xi32>
      %max3A_599 = arith.maxsi %select_n3A_596, %max3A_598 : vector<16xi32>
      %min3A_600 = arith.constant 60968 : i32
      %min3A_601 = vector.broadcast %min3A_600 : i32 to vector<16xi32>
      %min3A_602 = arith.minsi %max3A_599, %min3A_601 : vector<16xi32>
      %swap3A_603 = arith.constant 3 : i32
      %swap3A_604 = arith.index_cast %swap3A_603 : i32 to index
      %swap3A_605 = arith.index_cast %mul3A_464 : i32 to index
      %swap3A_606 = tpu.vector_load %arg5[%swap3A_604, %swap3A_605] {strides = array<i32>} : memref<7x4096xi32, #tpu.memory_space<vmem>>, vector<1x16xi32>,
      %swap3A_607 = vector.shape_cast %swap3A_606 : vector<1x16xi32> to vector<16xi32>
      %swap3A_608 = vector.shape_cast %min3A_602 : vector<16xi32> to vector<1x16xi32>
      tpu.vector_store %arg5[%swap3A_604, %swap3A_605], %swap3A_608 {strides = array<i32>} : memref<7x4096xi32, #tpu.memory_space<vmem>>, vector<1x16xi32>,
      %get3A_609 = arith.constant 4 : i32
      %get3A_610 = arith.index_cast %get3A_609 : i32 to index
      %get3A_611 = arith.index_cast %mul3A_464 : i32 to index
      %get3A_612 = tpu.vector_load %arg5[%get3A_610, %get3A_611] {strides = array<i32>} : memref<7x4096xi32, #tpu.memory_space<vmem>>, vector<1x16xi32>,
      %get3A_613 = vector.shape_cast %get3A_612 : vector<1x16xi32> to vector<16xi32>
      %bitcast_convert_type3A_614 = tpu.bitcast %get3A_613 : vector<16xi32> -> vector<16xf32>
      %mul3A_615 = arith.constant 1.280000e+02 : f32
      %mul3A_616 = vector.broadcast %mul3A_615 : f32 to vector<16xf32>
      %mul3A_617 = arith.mulf %bitcast_convert_type3A_614, %mul3A_616 : vector<16xf32>
      %add3A_618 = arith.constant 0x4B000080 : f32
      %add3A_619 = vector.broadcast %add3A_618 : f32 to vector<16xf32>
      %add3A_620 = arith.addf %mul3A_617, %add3A_619 : vector<16xf32>
      %bitcast_convert_type3A_621 = tpu.bitcast %add3A_620 : vector<16xf32> -> vector<16xi32>
      %add3A_622 = arith.constant -1258226917 : i32
      %add3A_623 = vector.broadcast %add3A_622 : i32 to vector<16xi32>
      %add3A_624 = arith.addi %bitcast_convert_type3A_621, %add3A_623 : vector<16xi32>
      %sub3A_625 = arith.constant 0x4B000080 : f32
      %sub3A_626 = vector.broadcast %sub3A_625 : f32 to vector<16xf32>
      %sub3A_627 = arith.subf %add3A_620, %sub3A_626 : vector<16xf32>
      %gt3A_628 = arith.cmpf ogt, %mul3A_617, %sub3A_627 : vector<16xf32>
      %add3A_629 = arith.constant 1 : i32
      %add3A_630 = vector.broadcast %add3A_629 : i32 to vector<16xi32>
      %add3A_631 = arith.addi %add3A_624, %add3A_630 : vector<16xi32>
      %select_n3A_632 = arith.select %gt3A_628, %add3A_631, %add3A_624 : vector<16xi1>, vector<16xi32>
      %max3A_633 = arith.constant 64284 : i32
      %max3A_634 = vector.broadcast %max3A_633 : i32 to vector<16xi32>
      %max3A_635 = arith.maxsi %select_n3A_632, %max3A_634 : vector<16xi32>
      %min3A_636 = arith.constant 64539 : i32
      %min3A_637 = vector.broadcast %min3A_636 : i32 to vector<16xi32>
      %min3A_638 = arith.minsi %max3A_635, %min3A_637 : vector<16xi32>
      %swap3A_639 = arith.constant 4 : i32
      %swap3A_640 = arith.index_cast %swap3A_639 : i32 to index
      %swap3A_641 = arith.index_cast %mul3A_464 : i32 to index
      %swap3A_642 = tpu.vector_load %arg5[%swap3A_640, %swap3A_641] {strides = array<i32>} : memref<7x4096xi32, #tpu.memory_space<vmem>>, vector<1x16xi32>,
      %swap3A_643 = vector.shape_cast %swap3A_642 : vector<1x16xi32> to vector<16xi32>
      %swap3A_644 = vector.shape_cast %min3A_638 : vector<16xi32> to vector<1x16xi32>
      tpu.vector_store %arg5[%swap3A_640, %swap3A_641], %swap3A_644 {strides = array<i32>} : memref<7x4096xi32, #tpu.memory_space<vmem>>, vector<1x16xi32>,
      %get3A_645 = arith.constant 5 : i32
      %get3A_646 = arith.index_cast %get3A_645 : i32 to index
      %get3A_647 = arith.index_cast %mul3A_464 : i32 to index
      %get3A_648 = tpu.vector_load %arg5[%get3A_646, %get3A_647] {strides = array<i32>} : memref<7x4096xi32, #tpu.memory_space<vmem>>, vector<1x16xi32>,
      %get3A_649 = vector.shape_cast %get3A_648 : vector<1x16xi32> to vector<16xi32>
      %bitcast_convert_type3A_650 = tpu.bitcast %get3A_649 : vector<16xi32> -> vector<16xf32>
      %mul3A_651 = arith.constant 1.280000e+02 : f32
      %mul3A_652 = vector.broadcast %mul3A_651 : f32 to vector<16xf32>
      %mul3A_653 = arith.mulf %bitcast_convert_type3A_650, %mul3A_652 : vector<16xf32>
      %add3A_654 = arith.constant 0x4B000080 : f32
      %add3A_655 = vector.broadcast %add3A_654 : f32 to vector<16xf32>
      %add3A_656 = arith.addf %mul3A_653, %add3A_655 : vector<16xf32>
      %bitcast_convert_type3A_657 = tpu.bitcast %add3A_656 : vector<16xf32> -> vector<16xi32>
      %add3A_658 = arith.constant -1258223346 : i32
      %add3A_659 = vector.broadcast %add3A_658 : i32 to vector<16xi32>
      %add3A_660 = arith.addi %bitcast_convert_type3A_657, %add3A_659 : vector<16xi32>
      %sub3A_661 = arith.constant 0x4B000080 : f32
      %sub3A_662 = vector.broadcast %sub3A_661 : f32 to vector<16xf32>
      %sub3A_663 = arith.subf %add3A_656, %sub3A_662 : vector<16xf32>
      %gt3A_664 = arith.cmpf ogt, %mul3A_653, %sub3A_663 : vector<16xf32>
      %add3A_665 = arith.constant 1 : i32
      %add3A_666 = vector.broadcast %add3A_665 : i32 to vector<16xi32>
      %add3A_667 = arith.addi %add3A_660, %add3A_666 : vector<16xi32>
      %select_n3A_668 = arith.select %gt3A_664, %add3A_667, %add3A_660 : vector<16xi1>, vector<16xi32>
      %max3A_669 = arith.constant 67855 : i32
      %max3A_670 = vector.broadcast %max3A_669 : i32 to vector<16xi32>
      %max3A_671 = arith.maxsi %select_n3A_668, %max3A_670 : vector<16xi32>
      %min3A_672 = arith.constant 68110 : i32
      %min3A_673 = vector.broadcast %min3A_672 : i32 to vector<16xi32>
      %min3A_674 = arith.minsi %max3A_671, %min3A_673 : vector<16xi32>
      %swap3A_675 = arith.constant 5 : i32
      %swap3A_676 = arith.index_cast %swap3A_675 : i32 to index
      %swap3A_677 = arith.index_cast %mul3A_464 : i32 to index
      %swap3A_678 = tpu.vector_load %arg5[%swap3A_676, %swap3A_677] {strides = array<i32>} : memref<7x4096xi32, #tpu.memory_space<vmem>>, vector<1x16xi32>,
      %swap3A_679 = vector.shape_cast %swap3A_678 : vector<1x16xi32> to vector<16xi32>
      %swap3A_680 = vector.shape_cast %min3A_674 : vector<16xi32> to vector<1x16xi32>
      tpu.vector_store %arg5[%swap3A_676, %swap3A_677], %swap3A_680 {strides = array<i32>} : memref<7x4096xi32, #tpu.memory_space<vmem>>, vector<1x16xi32>,
      %get3A_681 = arith.constant 6 : i32
      %get3A_682 = arith.index_cast %get3A_681 : i32 to index
      %get3A_683 = arith.index_cast %mul3A_464 : i32 to index
      %get3A_684 = tpu.vector_load %arg5[%get3A_682, %get3A_683] {strides = array<i32>} : memref<7x4096xi32, #tpu.memory_space<vmem>>, vector<1x16xi32>,
      %get3A_685 = vector.shape_cast %get3A_684 : vector<1x16xi32> to vector<16xi32>
      %bitcast_convert_type3A_686 = tpu.bitcast %get3A_685 : vector<16xi32> -> vector<16xf32>
      %mul3A_687 = arith.constant 1.280000e+02 : f32
      %mul3A_688 = vector.broadcast %mul3A_687 : f32 to vector<16xf32>
      %mul3A_689 = arith.mulf %bitcast_convert_type3A_686, %mul3A_688 : vector<16xf32>
      %add3A_690 = arith.constant 0x4B000080 : f32
      %add3A_691 = vector.broadcast %add3A_690 : f32 to vector<16xf32>
      %add3A_692 = arith.addf %mul3A_689, %add3A_691 : vector<16xf32>
      %bitcast_convert_type3A_693 = tpu.bitcast %add3A_692 : vector<16xf32> -> vector<16xi32>
      %add3A_694 = arith.constant -1258219775 : i32
      %add3A_695 = vector.broadcast %add3A_694 : i32 to vector<16xi32>
      %add3A_696 = arith.addi %bitcast_convert_type3A_693, %add3A_695 : vector<16xi32>
      %sub3A_697 = arith.constant 0x4B000080 : f32
      %sub3A_698 = vector.broadcast %sub3A_697 : f32 to vector<16xf32>
      %sub3A_699 = arith.subf %add3A_692, %sub3A_698 : vector<16xf32>
      %gt3A_700 = arith.cmpf ogt, %mul3A_689, %sub3A_699 : vector<16xf32>
      %add3A_701 = arith.constant 1 : i32
      %add3A_702 = vector.broadcast %add3A_701 : i32 to vector<16xi32>
      %add3A_703 = arith.addi %add3A_696, %add3A_702 : vector<16xi32>
      %select_n3A_704 = arith.select %gt3A_700, %add3A_703, %add3A_696 : vector<16xi1>, vector<16xi32>
      %max3A_705 = arith.constant 71426 : i32
      %max3A_706 = vector.broadcast %max3A_705 : i32 to vector<16xi32>
      %max3A_707 = arith.maxsi %select_n3A_704, %max3A_706 : vector<16xi32>
      %min3A_708 = arith.constant 71681 : i32
      %min3A_709 = vector.broadcast %min3A_708 : i32 to vector<16xi32>
      %min3A_710 = arith.minsi %max3A_707, %min3A_709 : vector<16xi32>
      %swap3A_711 = arith.constant 6 : i32
      %swap3A_712 = arith.index_cast %swap3A_711 : i32 to index
      %swap3A_713 = arith.index_cast %mul3A_464 : i32 to index
      %swap3A_714 = tpu.vector_load %arg5[%swap3A_712, %swap3A_713] {strides = array<i32>} : memref<7x4096xi32, #tpu.memory_space<vmem>>, vector<1x16xi32>,
      %swap3A_715 = vector.shape_cast %swap3A_714 : vector<1x16xi32> to vector<16xi32>
      %swap3A_716 = vector.shape_cast %min3A_710 : vector<16xi32> to vector<1x16xi32>
      tpu.vector_store %arg5[%swap3A_712, %swap3A_713], %swap3A_716 {strides = array<i32>} : memref<7x4096xi32, #tpu.memory_space<vmem>>, vector<1x16xi32>,
    }
    %scan3A_193 = arith.constant 128 : i32
    %add3A_194 = arith.constant 28672 : i32
    %add3A_195 = arith.addi %mul3A_2, %add3A_194 : i32
    %dma_start3A_196 = arith.constant 0 : i32
    %dma_start3A_197 = tpu.memref_slice %arg3[%dma_start3A_196, %add3A_195] : memref<7x1048576xi32, #tpu.memory_space<hbm>> -> memref<7x4096xi32, #tpu.memory_space<hbm>>
    %dma_start3A_198 = arith.constant 0 : i32
    %dma_start3A_199 = tpu.memref_slice %arg3[%dma_start3A_198, %add3A_195] : memref<7x1048576xi32, #tpu.memory_space<hbm>> -> memref<7x4096xi32, #tpu.memory_space<hbm>>
    tpu.enqueue_dma source(%arg5 : memref<7x4096xi32, #tpu.memory_space<vmem>>) target(%dma_start3A_199 : memref<7x4096xi32, #tpu.memory_space<hbm>>) target_semaphore(%arg9 : memref<!tpu.dma_semaphore, #tpu.memory_space<semaphore_mem>>)
    %dma_wait3A_200 = arith.constant 0 : i32
    %dma_wait3A_201 = tpu.memref_slice %arg3[%dma_wait3A_200, %add3A_175] : memref<7x1048576xi32, #tpu.memory_space<hbm>> -> memref<7x4096xi32, #tpu.memory_space<hbm>>
    %dma_wait3A_202 = arith.constant 0 : i32
    %dma_wait3A_203 = tpu.memref_slice %arg3[%dma_wait3A_202, %add3A_175] : memref<7x1048576xi32, #tpu.memory_space<hbm>> -> memref<7x4096xi32, #tpu.memory_space<hbm>>
    tpu.wait_dma2 semaphore(%arg8 : memref<!tpu.dma_semaphore, #tpu.memory_space<semaphore_mem>>) src(%arg4 : memref<7x4096xi32, #tpu.memory_space<vmem>>) dst(%dma_wait3A_203 : memref<7x4096xi32, #tpu.memory_space<hbm>>)
    %dma_wait3A_204 = arith.constant 0 : i32
    %dma_wait3A_205 = tpu.memref_slice %arg3[%dma_wait3A_204, %add3A_195] : memref<7x1048576xi32, #tpu.memory_space<hbm>> -> memref<7x4096xi32, #tpu.memory_space<hbm>>
    %dma_wait3A_206 = arith.constant 0 : i32
    %dma_wait3A_207 = tpu.memref_slice %arg3[%dma_wait3A_206, %add3A_195] : memref<7x1048576xi32, #tpu.memory_space<hbm>> -> memref<7x4096xi32, #tpu.memory_space<hbm>>
    tpu.wait_dma2 semaphore(%arg9 : memref<!tpu.dma_semaphore, #tpu.memory_space<semaphore_mem>>) src(%arg5 : memref<7x4096xi32, #tpu.memory_space<vmem>>) dst(%dma_wait3A_207 : memref<7x4096xi32, #tpu.memory_space<hbm>>)
    return
  }
}

</mosaic_0001>

<sc_bundles>
// kernel: kernel.3.cloned.1.call-start
scs
__scs_entry_jumppad:
0x0: {  	(pc) =	sbr.rel $0x88, $3  }
0x1: {  	(tag) =	ssettag $0x0;
	lr =	simm.s32 $0x1  }
0x2: {  	[smem:$0x3FA0] =	sst lr;
	_ =	strace $0xD0000000  }
0x3: {  	_ = 	snop  }
0x4: {  	_ = 	snop  }
0x5: {  	_ = 	snop  }
0x6: {  	_ = 	snop  }
0x7: {  	_ = 	snop  }
__scs_overlays_trampoline_lowered:
0x8: {  	[smem:$0x3FAF] =	sst s0  }
0x9: {  	[smem:$0x3FB0] =	sst s1  }
0xa: {  	[smem:$0x3FB1] =	sst s2  }
0xb: {  	[smem:$0x3FB2] =	sst s3  }
0xc: {  	[smem:$0x3FB3] =	sst s4  }
0xd: {  	[smem:$0x3FB4] =	sst s5  }
0xe: {  	[smem:$0x3FB5] =	sst s6  }
0xf: {  	[smem:$0x3FB6] =	sst s7  }
0x10: {  	[smem:$0x3FB7] =	sst s8  }
0x11: {  	[smem:$0x3FB8] =	sst s9;
	s0 =	simm.s32 @!p0 $0x0  }
0x12: {  	s1 =	sld [smem:$0x3F9E];
	s0 =	simm.s32 @p0 $0x1  }
0x13: {  	[smem:$0x3FB9] =	sst s0;
	s0 =	simm.s32 @!p1 $0x0  }
0x14: {  	s2 =	sld [smem:$0x3F9D];
	s0 =	simm.s32 @p1 $0x1  }
0x15: {  	[smem:$0x3FBA] =	sst s0;
	s0 =	simm.s32 @!p2 $0x0  }
0x16: {  	s3 =	sld [smem:$0x3FDB];
	s0 =	simm.s32 @p2 $0x1  }
0x17: {  	s4 =	simm.s32 $0x1BF5;
	[smem:$0x3FBC] =	sst s0  }
0x18: {  	s0 =	sld [smem:$0x3F9F];
	_ =	swait.ge [sflag:s4], $0x0  }
0x19: {  	s7 =	sld [smem:$0x3FA0]  }
0x1a: {  	s8 =	sadd.s32 $0xFFFFE003, lr  }
0x1b: {  	s9 =	sadd.s32 $0xFFFFFEF7, lr;
	s5 =	simm.s32 $0xFFFFFFFF;
	p2 =	slt.u32 s8, $0xFFFFF086  }
0x1c: {  	p1 =	slt.u32 s9, $0xF7A;
	s5 =	simm.s32 @!p2 $0x0  }
0x1d: {  	s5 =	simm.s32 @p1 $0x1;
	p0 =	seq.s32 s7, s2  }
0x1e: {  	s7 =	smul.u32 @!p0 $0xF7A, s2;
	p2 =	seq.s32 @!p0 s5, $0x0  }
0x1f: {  	s9 =	smul.u32 $0xF7A, s1;
	s8 =	simm.s32 @!p0 $0x1BF5;
	p2 =	por !p2, p0  }
0x20: {  	[sflag:s8] =	ssyncset.s32 @!p0 $0xFFFFF086;
	s6 =	sadd.s32 @!p0 s3, s7;
	s7 =	simm.s32 @!p0 $0x108  }
0x21: {  	s3 =	sadd.s32 s3, s9;
	s6 =	sadd.s32 @!p0 $0x88, s6;
	s7 =	simm.s32 @p2 $0x1082  }
0x22: {  	[simem:s7], [sflag:s8] =	dma.local @!p0 [hbm:s6], $0xF7A  }
0x23: {  	s9 =	sor.u32 $0xD0000000, s2;
	s6 =	simm.s32 $0x108;
	_ =	swait.ge @!p0 [sflag:s8], $0x0  }
0x24: {  	s3 =	sadd.s32 $0x88, s3;
	s6 =	simm.s32 @!p1 $0x1082;
	[sflag:s4] =	ssyncset.s32 $0xFFFFF086  }
0x25: {  	[simem:s6], [sflag:s4] =	dma.local [hbm:s3], $0xF7A  }
0x26: {  	[smem:$0x3FA0] =	sst s1;
	(tag) =	ssettag s2;
	_ =	strace s9  }
0x27: {  	s1 =	sld [smem:$0x3FB0]  }
0x28: {  	s2 =	sld [smem:$0x3FB1]  }
0x29: {  	s4 =	sld [smem:$0x3FB3]  }
0x2a: {  	p0 =	seq.s32 s5, $0x0;
	s5 =	sld [smem:$0x3FB4]  }
0x2b: {  	s6 =	sld [smem:$0x3FB5]  }
0x2c: {  	s7 =	sld [smem:$0x3FB6]  }
0x2d: {  	s3 =	simm.s32 $0x108;
	s8 =	sld [smem:$0x3FB7]  }
0x2e: {  	s3 =	simm.s32 @!p0 $0x1082;
	s9 =	sld [smem:$0x3FB8]  }
0x2f: {  	lr =	sadd.s32 s0, s3;
	s0 =	sld [smem:$0x3FAF]  }
0x30: {  	s3 =	sld [smem:$0x3FB2]  }
0x31: {  	[smem:$0x3FBB] =	sst s10  }
0x32: {  	s10 =	sld [smem:$0x3FB9];
	_ =	sdelay $0x3  }
0x33: {  	p0 =	seq.s32 s10, $0x1;
	s10 =	sld [smem:$0x3FBB];
	_ =	sdelay $0x3  }
0x34: {  	[smem:$0x3FBB] =	sst s10  }
0x35: {  	s10 =	sld [smem:$0x3FBA];
	_ =	sdelay $0x3  }
0x36: {  	p1 =	seq.s32 s10, $0x1;
	s10 =	sld [smem:$0x3FBB];
	_ =	sdelay $0x3  }
0x37: {  	[smem:$0x3FBB] =	sst s10  }
0x38: {  	s10 =	sld [smem:$0x3FBC]  }
0x39: {  	_ = 	snop;
	(pc) =	sbr.ind lr, $3  }
0x3a: {  	_ = 	snop  }
0x3b: {  	_ = 	snop  }
0x3c: {  	p2 =	seq.s32 s10, $0x1;
	s10 =	sld [smem:$0x3FBB]  }
0x3d: {  	_ =	shalt  }
0x3e: {  	_ =	shalt  }
0x3f: {  	_ =	shalt  }
0x40: {  	_ =	shalt  }
0x41: {  	_ =	shalt  }
0x42: {  	_ =	shalt  }
0x43: {  	_ =	shalt  }
0x44: {  	_ =	shalt  }
0x45: {  	_ =	shalt  }
0x46: {  	_ =	shalt  }
0x47: {  	_ =	shalt  }
0x48: {  	_ =	shalt  }
0x49: {  	_ =	shalt  }
0x4a: {  	_ =	shalt  }
0x4b: {  	_ =	shalt  }
0x4c: {  	_ =	shalt  }
0x4d: {  	_ =	shalt  }
0x4e: {  	_ =	shalt  }
0x4f: {  	_ =	shalt  }
0x50: {  	_ =	shalt  }
0x51: {  	_ =	shalt  }
0x52: {  	_ =	shalt  }
0x53: {  	_ =	shalt  }
0x54: {  	_ =	shalt  }
0x55: {  	_ =	shalt  }
0x56: {  	_ =	shalt  }
0x57: {  	_ =	shalt  }
0x58: {  	_ =	shalt  }
0x59: {  	_ =	shalt  }
0x5a: {  	_ =	shalt  }
0x5b: {  	_ =	shalt  }
0x5c: {  	_ =	shalt  }
0x5d: {  	_ =	shalt  }
0x5e: {  	_ =	shalt  }
0x5f: {  	_ =	shalt  }
0x60: {  	_ =	shalt  }
0x61: {  	_ =	shalt  }
0x62: {  	_ =	shalt  }
0x63: {  	_ =	shalt  }
0x64: {  	_ =	shalt  }
0x65: {  	_ =	shalt  }
0x66: {  	_ =	shalt  }
0x67: {  	_ =	shalt  }
0x68: {  	_ =	shalt  }
0x69: {  	_ =	shalt  }
0x6a: {  	_ =	shalt  }
0x6b: {  	_ =	shalt  }
0x6c: {  	_ =	shalt  }
0x6d: {  	_ =	shalt  }
0x6e: {  	_ =	shalt  }
0x6f: {  	_ =	shalt  }
0x70: {  	_ =	shalt  }
0x71: {  	_ =	shalt  }
0x72: {  	_ =	shalt  }
0x73: {  	_ =	shalt  }
0x74: {  	_ =	shalt  }
0x75: {  	_ =	shalt  }
0x76: {  	_ =	shalt  }
0x77: {  	_ =	shalt  }
0x78: {  	_ =	shalt  }
0x79: {  	_ =	shalt  }
0x7a: {  	_ =	shalt  }
0x7b: {  	_ =	shalt  }
0x7c: {  	_ =	shalt  }
0x7d: {  	_ =	shalt  }
0x7e: {  	_ =	shalt  }
0x7f: {  	_ =	shalt  }
0x80: {  	_ =	shalt  }
0x81: {  	_ =	shalt  }
0x82: {  	_ =	shalt  }
0x83: {  	_ =	shalt  }
0x84: {  	_ =	shalt  }
0x85: {  	_ =	shalt  }
0x86: {  	_ =	shalt  }
0x87: {  	_ =	shalt  }
.Lfunc_end0:
.L_simem_size_0:
called_computation_lowered:
.L_overlay_start_0:
0x88: {  	s2 =	sld [smem:$0x3FD9]  }
0x89: {  	s3 =	sld [smem:$0x3FFE];
	_ =	sdelay $0x1  }
0x8a: {  	s1 =	srdreg.scid  }
0x8b: {  	s0 =	sand.u32 $0x1, s1  }
0x8c: {  	s17 =	sshll.u32 s0, $0xA;
	s2 =	sadd.s32 s3, s2  }
0x8d: {  	s2 =	sadd.s32 s2, s17  }
0x8e: {  	[smem:$0x3FC7] =	sst s2  }
0x8f: {  	_ = 	snop  }
0x90: {  	s2 =	sld [smem:$0x3FD0];
	(tm) =	ssettm $0x1  }
0x91: {  	s18 =	sld [smem:$0x3FFB];
	_ =	sdelay $0x3  }
0x92: {  	_ =	strace s18  }
0x93: {  	s3 =	sld [smem:$0x3FFC];
	_ =	sdelay $0x3  }
0x94: {  	_ =	strace s3  }
0x95: {  	s3 =	sld [smem:$0x3FFD];
	_ =	sdelay $0x3  }
0x96: {  	_ =	strace s3  }
0x97: {  	_ =	strace $0x8FFFFFFF  }
0x98: {  	s19 =	sld [smem:$0x3FDB];
	_ =	sdelay $0x1  }
0x99: {  	s4 =	simm.s32 $_scs_section_size  }
0x9a: {  	s5 =	simm.s32 $_size__tile_overlayer_lowered;
	s6 =	simm.s32 $_tile_overlayer_lowered  }
0x9b: {  	s22 =	simm.s32 $0x1BFF;
	s21 =	sshll.u32 s6, $0x1;
	s3 =	sadd.s32 s4, s19  }
0x9c: {  	s7 =	simm.s32 $0x0;
	s20 =	sshll.u32 s5, $0x1;
	s5 =	sadd.s32 s21, s3  }
0x9d: {  	[timem:s7], [sflag:s22] =	dma.local [hbm:s5], s20  }
0x9e: {  	_ =	swait.ge [sflag:s22], s20  }
0x9f: {  	s4 =	ssub.s32 $0x0, s20;
	[sflag:s22] =	ssyncset.done $0x0  }
0xa0: {  	[sflag:s22] =	ssyncadd.s32 s4;
	_ =	sdelay $0x1  }
0xa1: {  	s23 =	simm.s32 $0x1B8B  }
0xa2: {  	_ =	swait.ge [sflag:s23], $0x1  }
0xa3: {  	[sflag:s23] =	ssyncset.done $0x0  }
0xa4: {  	s25 =	simm.s32 $0x1B8E;
	s24 =	sld [smem:$0x3FFE];
	[sflag:s23] =	ssyncadd.s32 $0xFFFFFFFF  }
0xa5: {  	s26 =	simm.s32 $execute0_lowered;
	[smem:$0x3FD2] =	sst s25  }
0xa6: {  	s5 =	sshll.u32 s26, $0x1;
	_ =	strace $0x80000046;
	[dreg:$0x1] =	wrdreg $0xFFFFFFFF  }
0xa7: {  	s28 =	simm.s32 $_size_execute0_lowered;
	s3 =	sadd.s32 s3, s5;
	[dreg:$0x0] =	wrdreg $0x0  }
0xa8: {  	s5 =	sshll.u32 s28, $0x1;
	[dreg:$0x2] =	wrdreg s3  }
0xa9: {  	[dreg:$0x3] =	wrdreg s5  }
0xaa: {  	[dreg:$0x4] =	wrdreg $0xC0  }
0xab: {  	_ =	task [dreg:s7], $0x5FFFF  }
0xac: {  	[dreg:$0x1] =	wrdreg $0xFFFFFFFF  }
0xad: {  	[dreg:$0x0] =	wrdreg $0x60  }
0xae: {  	[dreg:$0x2] =	wrdreg s24  }
0xaf: {  	[dreg:$0x3] =	wrdreg s2  }
0xb0: {  	[dreg:$0x4] =	wrdreg $0x9  }
0xb1: {  	_ =	task.clear_ibuf [dreg:s7], $0x5FFFF;
	_ =	strace $0x90000046  }
0xb2: {  	s29 =	simm.s32 $0x9;
	_ =	strace $0x80000048  }
0xb3: {  	_ =	swait.ge [sflag:s29], $0x1  }
0xb4: {  	[sflag:s29] =	ssyncadd.s32 $0xFFFFFFFF  }
0xb5: {  	_ =	strace $0x90000048  }
0xb6: {  	_ =	sfence  }
0xb7: {  	s30 =	sld [smem:$0x0];
	_ =	sdelay $0x2  }
0xb8: {  	s31 =	sshll.u32 s1, $0xD;
	s1 =	sshrl.u32 s1, $0x2  }
0xb9: {  	s3 =	sand.u32 $0x4000, s31;
	s1 =	sadd.s32 s1, s30  }
0xba: {  	s0 =	sor.u32 s3, s0;
	s1 =	sshll.u32 s1, $0x11  }
0xbb: {  	s0 =	sor.u32 s1, s0  }
0xbc: {  	s0 =	sadd.s32 $0x8F2B, s0  }
0xbd: {  	[sflag:s0] =	ssyncadd.remote.s32 $0x1  }
0xbe: {  	_ =	sfence.sel $0xFFFF  }
0xbf: {  	[dreg:$0x0] =	wrdreg $0xFFFFFFFF;
	(pc) =	sbr.abs _section_cstart, $3  }
0xc0: {  	[dreg:$0x1] =	wrdreg $0xFFFFFFFF  }
0xc1: {  	_ =	task.clear_ibuf [dreg:s7], $0x2FFFF;
	_ =	strace $0x9FFFFFFF  }
0xc2: {  	(tm) =	ssettm $0x7FFFFFFF  }
0xc3: {  	_ =	shalt  }
tec
execute0_lowered:
.L_overlay_start_1:
0x0: {  	(tag) =	ssettag $0x1  }
0x1: {  	s3 =	rddreg [dreg:$0x0]  }
0x2: {  	s18 =	rddreg [dreg:$0x1];
	s4 =	srdreg.scid  }
0x3: {  	s2 =	simm.s32 $0x0;
	s0 =	stileid.u32;
	s21 =	simm.s32 $0x1  }
0x4: {  	s22 =	simm.s32 $0x2;
	s23 =	simm.s32 $0x3;
	s24 =	simm.s32 $0x4  }
0x5: {  	s25 =	simm.s32 $0x0;
	s4 =	sand.u32 $0x1, s4;
	[smem:$0x7FF] =	sst s2  }
0x6: {  	s5 =	sshll.u32 s0, $0x10;
	s6 =	sshll.u32 s4, $0xF;
	s4 =	ssub.s32 $0x2, s4  }
0x7: {  	s16 =	sadd.s32 $0x400, s3;
	s14 =	sor.u32 s6, s5;
	s31 =	sshrl.u32 s4, $0x1  }
0x8: {  	_ =	strace $0x80000047;
	s7 =	sor.u32 $0x1000, s14;
	s20 =	ssub.s32 s4, s31  }
0x9: {  	s3 =	sadd.s32 s16, s14;
	s5 =	sadd.s32 s18, s14;
	s9 =	sor.u32 $0x2000, s14  }
0xa: {  	s11 =	sor.u32 $0x3000, s14;
	s13 =	sor.u32 $0x4000, s14;
	s15 =	sor.u32 $0x5000, s14  }
0xb: {  	s17 =	sor.u32 $0x6000, s14;
	s19 =	sor.u32 $0x7000, s14;
	s4 =	sadd.s32 s16, s7  }
0xc: {  	s6 =	sadd.s32 s16, s9;
	s7 =	sadd.s32 s18, s7;
	s8 =	sadd.s32 s16, s11  }
0xd: {  	s9 =	sadd.s32 s18, s9;
	s10 =	sadd.s32 s16, s13;
	s11 =	sadd.s32 s18, s11  }
0xe: {  	v0 =	vimm.s32 $0xB500C34F;
	v1 =	vimm.s32 $0xB500D142;
	s12 =	sadd.s32 s16, s15;
	s13 =	sadd.s32 s18, s13;
	s14 =	sadd.s32 s16, s17  }
0xf: {  	v2 =	vimm.s32 $0xB500DF35;
	v3 =	vimm.s32 $0xB500ED28;
	v4 =	vimm.s32 $0xB500FB1B;
	s15 =	sadd.s32 s18, s15;
	s16 =	sadd.s32 s16, s19;
	s17 =	sadd.s32 s18, s17  }
0x10: {  	v5 =	vimm.s32 $0xB501090E;
	v6 =	vimm.s32 $0xB5011701;
	s18 =	sadd.s32 s18, s19;
	s19 =	simm.s32 $0x8000;
	s20 =	smax.u32 s20, $0x1  }
.LBB2_1:
0x11: {  	[tilespmem:s2], [sflag:$0x1] =	stream.linear.gather [hbm4b:s3+s2], $0x8000, $0x38;
	[tilespmem:$0x10000] =	vst v63  }
0x12: {  	_ =	swait.ge [sflag:s21], $0x8000  }
0x13: {  	s26 =	sand.u32 $0x60, s2;
	s28 =	sand.u32 $0x7C00, s2;
	[sflag:s21] =	ssyncset.done $0x0  }
0x14: {  	s26 =	sor.u32 s26, s28;
	[sflag:s21] =	ssyncadd.s32 $0xFFFF8000  }
0x15: {  	[tilespmem:s19], [sflag:$0x2] =	stream.linear.gather [hbm4b:s4+s2], $0x8000, $0x38;
	[tilespmem:$0x10000] =	vst v63  }
0x16: {  	v7 =	vld [tilespmem:s26+$0x280]  }
0x17: {  	v8 =	vld [tilespmem:s26+$0x180]  }
0x18: {  	v9 =	vld [tilespmem:s26+$0x100]  }
0x19: {  	v10 =	vld [tilespmem:s26+$0x200];
	_ =	sdelay $0x1  }
0x1a: {  	v11 =	vld [tilespmem:s26+$0x0]  }
0x1b: {  	v7 =	vmul.f32 $1.280000000e+02, v7  }
0x1c: {  	v8 =	vmul.f32 $1.280000000e+02, v8;
	v9 =	vmul.f32 $1.280000000e+02, v9  }
0x1d: {  	v12 =	vld [tilespmem:s26+$0x80];
	v10 =	vmul.f32 $1.280000000e+02, v10;
	v13 =	vadd.f32 $8.388736000e+06, v7  }
0x1e: {  	v14 =	vadd.f32 $8.388736000e+06, v8;
	v15 =	vadd.f32 $8.388736000e+06, v9  }
0x1f: {  	v11 =	vmul.f32 $1.280000000e+02, v11;
	v18 =	vadd.f32 $8.388736000e+06, v10;
	v16 =	vadd.f32 $-8.388736000e+06, v13  }
0x20: {  	v17 =	vadd.f32 $-8.388736000e+06, v14;
	v19 =	vadd.f32 $-8.388736000e+06, v15  }
0x21: {  	v51 =	vadd.f32 $8.388736000e+06, v11;
	v49 =	vadd.f32 $-8.388736000e+06, v18;
	vm0 =	vgt.f32 v7, v16  }
0x22: {  	v7 =	vmul.f32 $1.280000000e+02, v12;
	vm1 =	vgt.f32 v8, v17;
	vm5 =	vgt.f32 v9, v19  }
0x23: {  	vm7 =	vgt.f32 v10, v49;
	v10 =	vadd.f32 $-8.388736000e+06, v51;
	v8 =	vsel vm0, $0xB501090F, v5  }
0x24: {  	v48 =	vsel vm1, $0xB500ED29, v3;
	v52 =	vsel vm5, $0xB500DF36, v2;
	v53 =	vsel vm7, $0xB500FB1C, v4  }
0x25: {  	v8 =	vadd.s32 v13, v8;
	v9 =	vadd.s32 v14, v48;
	v50 =	vadd.f32 $8.388736000e+06, v7  }
0x26: {  	v14 =	vadd.s32 v15, v52;
	v15 =	vadd.s32 v18, v53;
	vm9 =	vgt.f32 v11, v10  }
0x27: {  	vm6 =	vgt.s32 v8, $0x1090F;
	vm2 =	vgt.s32 v9, $0xED29;
	vm8 =	vgt.s32 v14, $0xDF36  }
0x28: {  	vm10 =	vgt.s32 v15, $0xFB1C;
	v11 =	vsel vm9, $0xB500C350, v0;
	v54 =	vadd.f32 $-8.388736000e+06, v50  }
0x29: {  	v8 =	vnsel vm6, $0x1090F, v8;
	v9 =	vnsel vm2, $0xED29, v9;
	v10 =	vnsel vm8, $0xDF36, v14  }
0x2a: {  	v8 =	vmin.u32 v8, $0x10A0E;
	v9 =	vmin.u32 v9, $0xEE28;
	vm11 =	vgt.f32 v7, v54  }
0x2b: {  	[tilespmem:s26+$0x280] =	vst v8;
	v7 =	vmin.u32 v10, $0xE035;
	v8 =	vadd.s32 v51, v11;
	v10 =	vsel vm11, $0xB500D143, v1  }
0x2c: {  	[tilespmem:s26+$0x180] =	vst v9;
	v9 =	vnsel vm10, $0xFB1C, v15;
	vm12 =	vgt.s32 v8, $0xC350;
	v10 =	vadd.s32 v50, v10  }
0x2d: {  	s28 =	sand.u32 $0x3, s2;
	[tilespmem:s26+$0x100] =	vst v7;
	v7 =	vmin.u32 v9, $0xFC1B;
	v8 =	vnsel vm12, $0xC350, v8;
	vm13 =	vgt.s32 v10, $0xD143  }
0x2e: {  	s28 =	sshll.u32 s28, $0x5;
	[tilespmem:s26+$0x200] =	vst v7;
	v8 =	vmin.u32 v8, $0xC44F;
	v9 =	vnsel vm13, $0xD143, v10  }
0x2f: {  	s29 =	sadd.s32 $0x0, s28;
	[tilespmem:s26+$0x0] =	vst v8;
	v7 =	vmin.u32 v9, $0xD242  }
0x30: {  	s28 =	sor.u32 $0x300, s29;
	[tilespmem:s26+$0x80] =	vst v7  }
0x31: {  	v7 =	vld [tilespmem:s28+$0x0];
	_ =	sdelay $0x4  }
0x32: {  	v7 =	vmul.f32 $1.280000000e+02, v7;
	_ =	sdelay $0x1  }
0x33: {  	v8 =	vadd.f32 $8.388736000e+06, v7;
	_ =	sdelay $0x1  }
0x34: {  	v9 =	vadd.f32 $-8.388736000e+06, v8;
	_ =	sdelay $0x1  }
0x35: {  	vm14 =	vgt.f32 v7, v9  }
0x36: {  	v7 =	vsel vm14, $0xB5011702, v6  }
0x37: {  	v7 =	vadd.s32 v8, v7  }
0x38: {  	vm15 =	vgt.s32 v7, $0x11702  }
0x39: {  	v7 =	vnsel vm15, $0x11702, v7  }
0x3a: {  	v7 =	vmin.u32 v7, $0x11801  }
0x3b: {  	[tilespmem:s28+$0x0] =	vst v7  }
0x3c: {  	v7 =	vld [tilespmem:s26+$0x90]  }
0x3d: {  	v8 =	vld [tilespmem:s26+$0x210]  }
0x3e: {  	v9 =	vld [tilespmem:s26+$0x110]  }
0x3f: {  	v10 =	vld [tilespmem:s26+$0x190]  }
0x40: {  	v11 =	vld [tilespmem:s26+$0x10]  }
0x41: {  	v55 =	vld [tilespmem:s26+$0x290];
	_ =	sdelay $0x1  }
0x42: {  	v7 =	vmul.f32 $1.280000000e+02, v7  }
0x43: {  	v8 =	vmul.f32 $1.280000000e+02, v8;
	v9 =	vmul.f32 $1.280000000e+02, v9  }
0x44: {  	v10 =	vmul.f32 $1.280000000e+02, v10;
	v11 =	vmul.f32 $1.280000000e+02, v11;
	v56 =	vadd.f32 $8.388736000e+06, v7  }
0x45: {  	v12 =	vmul.f32 $1.280000000e+02, v55;
	v57 =	vadd.f32 $8.388736000e+06, v8;
	v59 =	vadd.f32 $8.388736000e+06, v9  }
0x46: {  	v60 =	vadd.f32 $8.388736000e+06, v10;
	v62 =	vadd.f32 $8.388736000e+06, v11  }
0x47: {  	v21 =	vadd.f32 $8.388736000e+06, v12;
	v58 =	vadd.f32 $-8.388736000e+06, v56  }
0x48: {  	v61 =	vadd.f32 $-8.388736000e+06, v57;
	v20 =	vadd.f32 $-8.388736000e+06, v60  }
0x49: {  	v22 =	vadd.f32 $-8.388736000e+06, v62;
	vm4 =	vgt.f32 v7, v58;
	v7 =	vadd.f32 $-8.388736000e+06, v59  }
0x4a: {  	vm6 =	vgt.f32 v10, v20;
	vm7 =	vgt.f32 v8, v61;
	v10 =	vadd.f32 $-8.388736000e+06, v21  }
0x4b: {  	vm11 =	vgt.f32 v11, v22;
	v15 =	vsel vm4, $0xB500D143, v1;
	v8 =	vsel vm6, $0xB500ED29, v3  }
0x4c: {  	v11 =	vsel vm7, $0xB500FB1C, v4;
	v63 =	vsel vm11, $0xB500C350, v0;
	v13 =	vadd.s32 v56, v15  }
0x4d: {  	vm5 =	vgt.f32 v9, v7;
	v8 =	vadd.s32 v60, v8;
	v11 =	vadd.s32 v57, v11  }
0x4e: {  	vm12 =	vgt.f32 v12, v10;
	v7 =	vsel vm5, $0xB500DF36, v2;
	vm8 =	vgt.s32 v13, $0xD143  }
0x4f: {  	vm10 =	vgt.s32 v8, $0xED29;
	vm13 =	vgt.s32 v11, $0xFB1C;
	v7 =	vadd.s32 v59, v7  }
0x50: {  	v10 =	vsel vm12, $0xB501090F, v5;
	v9 =	vnsel vm8, $0xD143, v13;
	vm9 =	vgt.s32 v7, $0xDF36  }
0x51: {  	v8 =	vnsel vm10, $0xED29, v8;
	v9 =	vmin.u32 v9, $0xD242;
	v7 =	vnsel vm9, $0xDF36, v7  }
0x52: {  	v10 =	vadd.s32 v21, v10;
	[tilespmem:s26+$0x90] =	vst v9;
	v9 =	vadd.s32 v62, v63;
	v7 =	vmin.u32 v7, $0xE035  }
0x53: {  	v8 =	vmin.u32 v8, $0xEE28;
	vm14 =	vgt.s32 v9, $0xC350;
	[tilespmem:s26+$0x110] =	vst v7;
	v7 =	vnsel vm13, $0xFB1C, v11  }
0x54: {  	s30 =	simm.s32 $0x0;
	s29 =	sadd.s32 $0x10, s29;
	vm15 =	vgt.s32 v10, $0x1090F;
	[tilespmem:s26+$0x190] =	vst v8;
	v8 =	vnsel vm14, $0xC350, v9;
	v9 =	vmin.u32 v7, $0xFC1B  }
0x55: {  	s31 =	sor.u32 $0x300, s29;
	s29 =	simm.s32 $0x0;
	s28 =	simm.s32 $0x20;
	v7 =	vmin.u32 v8, $0xC44F;
	v8 =	vnsel vm15, $0x1090F, v10;
	[tilespmem:s26+$0x210] =	vst v9  }
.LBB2_2:
0x56: {  	p0 =	sne.s32 s28, $0xFE0;
	[tilespmem:s26+$0x10] =	vst v7;
	v7 =	vmin.u32 v8, $0x10A0E;
	s29 =	sadd.s32 $0x100, s29;
	s30 =	sadd.s32 $0x1, s30  }
0x57: {  	[tilespmem:s26+$0x290] =	vst v7;
	s26 =	smov.u32 s28;
	s28 =	sadd.s32 $0x20, s28  }
0x58: {  	v7 =	vld [tilespmem:s31+$0x0];
	_ =	sdelay $0x4  }
0x59: {  	v7 =	vmul.f32 $1.280000000e+02, v7;
	_ =	sdelay $0x1  }
0x5a: {  	v8 =	vadd.f32 $8.388736000e+06, v7;
	_ =	sdelay $0x1  }
0x5b: {  	v9 =	vadd.f32 $-8.388736000e+06, v8;
	_ =	sdelay $0x1  }
0x5c: {  	vm0 =	vgt.f32 v7, v9  }
0x5d: {  	v7 =	vsel vm0, $0xB5011702, v6  }
0x5e: {  	v7 =	vadd.s32 v8, v7  }
0x5f: {  	vm0 =	vgt.s32 v7, $0x11702  }
0x60: {  	v7 =	vnsel vm0, $0x11702, v7  }
0x61: {  	s0 =	sand.u32 $0x7C00, s29;
	s26 =	sand.u32 $0x60, s26;
	v7 =	vmin.u32 v7, $0x11801  }
0x62: {  	s26 =	sor.u32 s26, s0;
	[tilespmem:s31+$0x0] =	vst v7  }
0x63: {  	v7 =	vld [tilespmem:s26+$0x280]  }
0x64: {  	v8 =	vld [tilespmem:s26+$0x180]  }
0x65: {  	v9 =	vld [tilespmem:s26+$0x100]  }
0x66: {  	v10 =	vld [tilespmem:s26+$0x200];
	_ =	sdelay $0x1  }
0x67: {  	v11 =	vld [tilespmem:s26+$0x0];
	v7 =	vmul.f32 $1.280000000e+02, v7  }
0x68: {  	v8 =	vmul.f32 $1.280000000e+02, v8  }
0x69: {  	v12 =	vld [tilespmem:s26+$0x80];
	v9 =	vmul.f32 $1.280000000e+02, v9;
	v13 =	vadd.f32 $8.388736000e+06, v7  }
0x6a: {  	v14 =	vadd.f32 $8.388736000e+06, v8;
	v10 =	vmul.f32 $1.280000000e+02, v10  }
0x6b: {  	v15 =	vadd.f32 $8.388736000e+06, v9;
	v16 =	vadd.f32 $-8.388736000e+06, v13  }
0x6c: {  	v11 =	vmul.f32 $1.280000000e+02, v11;
	v17 =	vadd.f32 $-8.388736000e+06, v14;
	v18 =	vadd.f32 $8.388736000e+06, v10  }
0x6d: {  	v19 =	vadd.f32 $-8.388736000e+06, v15;
	vm0 =	vgt.f32 v7, v16  }
0x6e: {  	v7 =	vmul.f32 $1.280000000e+02, v12;
	vm1 =	vgt.f32 v8, v17;
	v8 =	vsel vm0, $0xB501090F, v5  }
0x6f: {  	v16 =	vadd.f32 $-8.388736000e+06, v18;
	v12 =	vsel vm1, $0xB500ED29, v3;
	v8 =	vadd.s32 v13, v8  }
0x70: {  	vm0 =	vgt.f32 v9, v19;
	v9 =	vadd.s32 v14, v12;
	vm1 =	vgt.s32 v8, $0x1090F  }
0x71: {  	v12 =	vadd.f32 $8.388736000e+06, v7;
	vm2 =	vgt.s32 v9, $0xED29;
	v8 =	vnsel vm1, $0x1090F, v8  }
0x72: {  	v13 =	vadd.f32 $8.388736000e+06, v11;
	v9 =	vnsel vm2, $0xED29, v9;
	v8 =	vmin.u32 v8, $0x10A0E  }
0x73: {  	v14 =	vsel vm0, $0xB500DF36, v2;
	vm0 =	vgt.f32 v10, v16;
	v9 =	vmin.u32 v9, $0xEE28;
	[tilespmem:s26+$0x280] =	vst v8  }
0x74: {  	v10 =	vadd.s32 v15, v14;
	v8 =	vadd.f32 $-8.388736000e+06, v13;
	[tilespmem:s26+$0x180] =	vst v9;
	v9 =	vsel vm0, $0xB500FB1C, v4  }
0x75: {  	v14 =	vadd.f32 $-8.388736000e+06, v12;
	vm0 =	vgt.s32 v10, $0xDF36;
	v9 =	vadd.s32 v18, v9  }
0x76: {  	vm1 =	vgt.f32 v11, v8;
	v8 =	vnsel vm0, $0xDF36, v10;
	vm0 =	vgt.s32 v9, $0xFB1C  }
0x77: {  	v10 =	vsel vm1, $0xB500C350, v0;
	vm1 =	vgt.f32 v7, v14;
	v7 =	vmin.u32 v8, $0xE035  }
0x78: {  	v8 =	vadd.s32 v13, v10;
	v10 =	vsel vm1, $0xB500D143, v1;
	[tilespmem:s26+$0x100] =	vst v7;
	v7 =	vnsel vm0, $0xFB1C, v9  }
0x79: {  	vm0 =	vgt.s32 v8, $0xC350;
	v9 =	vadd.s32 v12, v10;
	v7 =	vmin.u32 v7, $0xFC1B  }
0x7a: {  	s0 =	sand.u32 $0x3, s30;
	v8 =	vnsel vm0, $0xC350, v8;
	vm0 =	vgt.s32 v9, $0xD143  }
0x7b: {  	s0 =	sshll.u32 s0, $0x5;
	v8 =	vmin.u32 v8, $0xC44F;
	v9 =	vnsel vm0, $0xD143, v9;
	[tilespmem:s26+$0x200] =	vst v7  }
0x7c: {  	s0 =	sadd.s32 s0, s29;
	v7 =	vmin.u32 v9, $0xD242;
	[tilespmem:s26+$0x0] =	vst v8  }
0x7d: {  	s1 =	sor.u32 $0x300, s0;
	s0 =	sadd.s32 $0x10, s0;
	[tilespmem:s26+$0x80] =	vst v7  }
0x7e: {  	s31 =	sor.u32 $0x300, s0;
	v7 =	vld [tilespmem:s1+$0x0];
	_ =	sdelay $0x4  }
0x7f: {  	v7 =	vmul.f32 $1.280000000e+02, v7;
	_ =	sdelay $0x1  }
0x80: {  	v8 =	vadd.f32 $8.388736000e+06, v7;
	_ =	sdelay $0x1  }
0x81: {  	v9 =	vadd.f32 $-8.388736000e+06, v8;
	_ =	sdelay $0x1  }
0x82: {  	vm0 =	vgt.f32 v7, v9  }
0x83: {  	v7 =	vsel vm0, $0xB5011702, v6  }
0x84: {  	v7 =	vadd.s32 v8, v7  }
0x85: {  	vm0 =	vgt.s32 v7, $0x11702  }
0x86: {  	v7 =	vnsel vm0, $0x11702, v7  }
0x87: {  	v7 =	vmin.u32 v7, $0x11801  }
0x88: {  	[tilespmem:s1+$0x0] =	vst v7  }
0x89: {  	v7 =	vld [tilespmem:s26+$0x90]  }
0x8a: {  	v8 =	vld [tilespmem:s26+$0x210]  }
0x8b: {  	v9 =	vld [tilespmem:s26+$0x110]  }
0x8c: {  	v10 =	vld [tilespmem:s26+$0x190]  }
0x8d: {  	v11 =	vld [tilespmem:s26+$0x10]  }
0x8e: {  	v7 =	vmul.f32 $1.280000000e+02, v7;
	v12 =	vld [tilespmem:s26+$0x290]  }
0x8f: {  	v8 =	vmul.f32 $1.280000000e+02, v8  }
0x90: {  	v13 =	vadd.f32 $8.388736000e+06, v7;
	v9 =	vmul.f32 $1.280000000e+02, v9  }
0x91: {  	v10 =	vmul.f32 $1.280000000e+02, v10;
	v14 =	vadd.f32 $8.388736000e+06, v8  }
0x92: {  	v11 =	vmul.f32 $1.280000000e+02, v11;
	v15 =	vadd.f32 $-8.388736000e+06, v13;
	v16 =	vadd.f32 $8.388736000e+06, v9  }
0x93: {  	v17 =	vadd.f32 $8.388736000e+06, v10;
	v18 =	vadd.f32 $-8.388736000e+06, v14;
	v12 =	vmul.f32 $1.280000000e+02, v12  }
0x94: {  	v19 =	vadd.f32 $8.388736000e+06, v11;
	vm0 =	vgt.f32 v7, v15;
	v7 =	vadd.f32 $-8.388736000e+06, v16  }
0x95: {  	v15 =	vsel vm0, $0xB500D143, v1;
	v20 =	vadd.f32 $-8.388736000e+06, v17;
	v21 =	vadd.f32 $8.388736000e+06, v12  }
0x96: {  	v22 =	vadd.f32 $-8.388736000e+06, v19;
	v13 =	vadd.s32 v13, v15;
	vm0 =	vgt.f32 v9, v7  }
0x97: {  	vm1 =	vgt.f32 v8, v18;
	v7 =	vsel vm0, $0xB500DF36, v2;
	vm0 =	vgt.f32 v10, v20  }
0x98: {  	vm2 =	vgt.s32 v13, $0xD143;
	v7 =	vadd.s32 v16, v7;
	v8 =	vsel vm0, $0xB500ED29, v3  }
0x99: {  	v9 =	vnsel vm2, $0xD143, v13;
	vm0 =	vgt.s32 v7, $0xDF36;
	v8 =	vadd.s32 v17, v8  }
0x9a: {  	v9 =	vmin.u32 v9, $0xD242;
	v7 =	vnsel vm0, $0xDF36, v7;
	vm0 =	vgt.s32 v8, $0xED29  }
0x9b: {  	[tilespmem:s26+$0x90] =	vst v9;
	v7 =	vmin.u32 v7, $0xE035;
	v8 =	vnsel vm0, $0xED29, v8;
	v9 =	vadd.f32 $-8.388736000e+06, v21  }
0x9c: {  	vm0 =	vgt.f32 v11, v22;
	[tilespmem:s26+$0x110] =	vst v7;
	v7 =	vmin.u32 v8, $0xEE28;
	v8 =	vsel vm1, $0xB500FB1C, v4  }
.Ltmp0:
0x9d: {  	v10 =	vsel vm0, $0xB500C350, v0;
	[tilespmem:s26+$0x190] =	vst v7;
	v7 =	vadd.s32 v14, v8;
	vm0 =	vgt.f32 v12, v9;
	(pc) =	sbr.rel @p0 .LBB2_2-.Ltmp0, $4  }
0x9e: {  	v8 =	vadd.s32 v19, v10;
	vm1 =	vgt.s32 v7, $0xFB1C;
	v9 =	vsel vm0, $0xB501090F, v5  }
0x9f: {  	vm0 =	vgt.s32 v8, $0xC350;
	v7 =	vnsel vm1, $0xFB1C, v7;
	v9 =	vadd.s32 v21, v9  }
0xa0: {  	v8 =	vnsel vm0, $0xC350, v8;
	v10 =	vmin.u32 v7, $0xFC1B;
	vm0 =	vgt.s32 v9, $0x1090F  }
0xa1: {  	v7 =	vmin.u32 v8, $0xC44F;
	[tilespmem:s26+$0x210] =	vst v10;
	v8 =	vnsel vm0, $0x1090F, v9  }
0xa2: {  	[tilespmem:s26+$0x10] =	vst v7;
	v7 =	vmin.u32 v8, $0x10A0E  }
0xa3: {  	[tilespmem:s26+$0x290] =	vst v7  }
0xa4: {  	v7 =	vld [tilespmem:s31+$0x0];
	_ =	sdelay $0x4  }
0xa5: {  	v7 =	vmul.f32 $1.280000000e+02, v7;
	_ =	sdelay $0x1  }
0xa6: {  	v8 =	vadd.f32 $8.388736000e+06, v7;
	_ =	sdelay $0x1  }
0xa7: {  	v9 =	vadd.f32 $-8.388736000e+06, v8;
	_ =	sdelay $0x1  }
0xa8: {  	vm0 =	vgt.f32 v7, v9  }
0xa9: {  	v7 =	vsel vm0, $0xB5011702, v6  }
0xaa: {  	v7 =	vadd.s32 v8, v7  }
0xab: {  	vm15 =	vgt.s32 v7, $0x11702  }
0xac: {  	v7 =	vnsel vm15, $0x11702, v7  }
0xad: {  	v7 =	vmin.u32 v7, $0x11801  }
0xae: {  	s26 =	simm.s32 $0x0;
	[tilespmem:s31+$0x0] =	vst v7  }
0xaf: {  	[hbm4b:s5+s26] =	stream.linear.scatter [tilespmem:s26], [sflag:$0x3], $0x8000, $0x38;
	[tilespmem:$0x10000] =	vst v63  }
0xb0: {  	_ =	swait.ge [sflag:s22], $0x8000  }
0xb1: {  	s0 =	sand.u32 $0x60, s26;
	s1 =	sand.u32 $0x7C00, s26;
	[sflag:s22] =	ssyncset.done $0x0  }
0xb2: {  	s28 =	sor.u32 s0, s1;
	[sflag:s22] =	ssyncadd.s32 $0xFFFF8000  }
0xb3: {  	[tilespmem:s26], [sflag:$0x1] =	stream.linear.gather [hbm4b:s6+s26], $0x8000, $0x38;
	[tilespmem:$0x10000] =	vst v63  }
0xb4: {  	v7 =	vld [tilespmem:s28+$0x8280]  }
0xb5: {  	v8 =	vld [tilespmem:s28+$0x8180]  }
0xb6: {  	v9 =	vld [tilespmem:s28+$0x8100]  }
0xb7: {  	v10 =	vld [tilespmem:s28+$0x8200];
	_ =	sdelay $0x1  }
0xb8: {  	v11 =	vld [tilespmem:s28+$0x8000]  }
0xb9: {  	v7 =	vmul.f32 $1.280000000e+02, v7  }
0xba: {  	v8 =	vmul.f32 $1.280000000e+02, v8;
	v9 =	vmul.f32 $1.280000000e+02, v9  }
0xbb: {  	v12 =	vld [tilespmem:s28+$0x8080];
	v10 =	vmul.f32 $1.280000000e+02, v10;
	v13 =	vadd.f32 $8.388736000e+06, v7  }
0xbc: {  	v14 =	vadd.f32 $8.388736000e+06, v8;
	v15 =	vadd.f32 $8.388736000e+06, v9  }
0xbd: {  	v11 =	vmul.f32 $1.280000000e+02, v11;
	v18 =	vadd.f32 $8.388736000e+06, v10;
	v16 =	vadd.f32 $-8.388736000e+06, v13  }
0xbe: {  	v17 =	vadd.f32 $-8.388736000e+06, v14;
	v19 =	vadd.f32 $-8.388736000e+06, v15  }
0xbf: {  	v51 =	vadd.f32 $8.388736000e+06, v11;
	v49 =	vadd.f32 $-8.388736000e+06, v18;
	vm4 =	vgt.f32 v7, v16  }
0xc0: {  	v7 =	vmul.f32 $1.280000000e+02, v12;
	vm1 =	vgt.f32 v8, v17;
	vm5 =	vgt.f32 v9, v19  }
0xc1: {  	vm7 =	vgt.f32 v10, v49;
	v10 =	vadd.f32 $-8.388736000e+06, v51;
	v8 =	vsel vm4, $0xB501090F, v5  }
0xc2: {  	v48 =	vsel vm1, $0xB500ED29, v3;
	v52 =	vsel vm5, $0xB500DF36, v2;
	v53 =	vsel vm7, $0xB500FB1C, v4  }
0xc3: {  	v8 =	vadd.s32 v13, v8;
	v9 =	vadd.s32 v14, v48;
	v50 =	vadd.f32 $8.388736000e+06, v7  }
0xc4: {  	v14 =	vadd.s32 v15, v52;
	v15 =	vadd.s32 v18, v53;
	vm9 =	vgt.f32 v11, v10  }
0xc5: {  	vm6 =	vgt.s32 v8, $0x1090F;
	vm2 =	vgt.s32 v9, $0xED29;
	vm8 =	vgt.s32 v14, $0xDF36  }
0xc6: {  	vm10 =	vgt.s32 v15, $0xFB1C;
	v11 =	vsel vm9, $0xB500C350, v0;
	v54 =	vadd.f32 $-8.388736000e+06, v50  }
0xc7: {  	v8 =	vnsel vm6, $0x1090F, v8;
	v9 =	vnsel vm2, $0xED29, v9;
	v10 =	vnsel vm8, $0xDF36, v14  }
0xc8: {  	v8 =	vmin.u32 v8, $0x10A0E;
	v9 =	vmin.u32 v9, $0xEE28;
	vm11 =	vgt.f32 v7, v54  }
0xc9: {  	[tilespmem:s28+$0x8280] =	vst v8;
	v7 =	vmin.u32 v10, $0xE035;
	v8 =	vadd.s32 v51, v11;
	v10 =	vsel vm11, $0xB500D143, v1  }
0xca: {  	[tilespmem:s28+$0x8180] =	vst v9;
	v9 =	vnsel vm10, $0xFB1C, v15;
	vm12 =	vgt.s32 v8, $0xC350;
	v10 =	vadd.s32 v50, v10  }
0xcb: {  	s1 =	sand.u32 $0x3, s26;
	[tilespmem:s28+$0x8100] =	vst v7;
	v7 =	vmin.u32 v9, $0xFC1B;
	v8 =	vnsel vm12, $0xC350, v8;
	vm13 =	vgt.s32 v10, $0xD143  }
0xcc: {  	s0 =	sshll.u32 s1, $0x5;
	[tilespmem:s28+$0x8200] =	vst v7;
	v8 =	vmin.u32 v8, $0xC44F;
	v9 =	vnsel vm13, $0xD143, v10  }
0xcd: {  	s29 =	sadd.s32 $0x0, s0;
	[tilespmem:s28+$0x8000] =	vst v8;
	v7 =	vmin.u32 v9, $0xD242  }
0xce: {  	s0 =	sor.u32 $0x300, s29;
	[tilespmem:s28+$0x8080] =	vst v7  }
0xcf: {  	v7 =	vld [tilespmem:s0+$0x8000];
	_ =	sdelay $0x4  }
0xd0: {  	v7 =	vmul.f32 $1.280000000e+02, v7;
	_ =	sdelay $0x1  }
0xd1: {  	v8 =	vadd.f32 $8.388736000e+06, v7;
	_ =	sdelay $0x1  }
0xd2: {  	v9 =	vadd.f32 $-8.388736000e+06, v8;
	_ =	sdelay $0x1  }
0xd3: {  	vm14 =	vgt.f32 v7, v9  }
0xd4: {  	v7 =	vsel vm14, $0xB5011702, v6  }
0xd5: {  	v7 =	vadd.s32 v8, v7  }
0xd6: {  	vm15 =	vgt.s32 v7, $0x11702  }
0xd7: {  	v7 =	vnsel vm15, $0x11702, v7  }
0xd8: {  	v7 =	vmin.u32 v7, $0x11801  }
0xd9: {  	[tilespmem:s0+$0x8000] =	vst v7  }
0xda: {  	v7 =	vld [tilespmem:s28+$0x8090]  }
0xdb: {  	v8 =	vld [tilespmem:s28+$0x8210]  }
0xdc: {  	v9 =	vld [tilespmem:s28+$0x8110]  }
0xdd: {  	v10 =	vld [tilespmem:s28+$0x8190]  }
0xde: {  	v11 =	vld [tilespmem:s28+$0x8010]  }
0xdf: {  	v55 =	vld [tilespmem:s28+$0x8290];
	_ =	sdelay $0x1  }
0xe0: {  	v7 =	vmul.f32 $1.280000000e+02, v7  }
0xe1: {  	v8 =	vmul.f32 $1.280000000e+02, v8;
	v9 =	vmul.f32 $1.280000000e+02, v9  }
0xe2: {  	v10 =	vmul.f32 $1.280000000e+02, v10;
	v11 =	vmul.f32 $1.280000000e+02, v11;
	v56 =	vadd.f32 $8.388736000e+06, v7  }
0xe3: {  	v12 =	vmul.f32 $1.280000000e+02, v55;
	v57 =	vadd.f32 $8.388736000e+06, v8;
	v59 =	vadd.f32 $8.388736000e+06, v9  }
0xe4: {  	v60 =	vadd.f32 $8.388736000e+06, v10;
	v62 =	vadd.f32 $8.388736000e+06, v11  }
0xe5: {  	v21 =	vadd.f32 $8.388736000e+06, v12;
	v58 =	vadd.f32 $-8.388736000e+06, v56  }
0xe6: {  	v61 =	vadd.f32 $-8.388736000e+06, v57;
	v20 =	vadd.f32 $-8.388736000e+06, v60  }
0xe7: {  	v22 =	vadd.f32 $-8.388736000e+06, v62;
	vm4 =	vgt.f32 v7, v58;
	v7 =	vadd.f32 $-8.388736000e+06, v59  }
0xe8: {  	vm6 =	vgt.f32 v10, v20;
	vm7 =	vgt.f32 v8, v61;
	v10 =	vadd.f32 $-8.388736000e+06, v21  }
0xe9: {  	vm11 =	vgt.f32 v11, v22;
	v15 =	vsel vm4, $0xB500D143, v1;
	v8 =	vsel vm6, $0xB500ED29, v3  }
0xea: {  	v11 =	vsel vm7, $0xB500FB1C, v4;
	v63 =	vsel vm11, $0xB500C350, v0;
	v13 =	vadd.s32 v56, v15  }
0xeb: {  	vm5 =	vgt.f32 v9, v7;
	v8 =	vadd.s32 v60, v8;
	v11 =	vadd.s32 v57, v11  }
0xec: {  	vm12 =	vgt.f32 v12, v10;
	v7 =	vsel vm5, $0xB500DF36, v2;
	vm8 =	vgt.s32 v13, $0xD143  }
0xed: {  	vm10 =	vgt.s32 v8, $0xED29;
	vm13 =	vgt.s32 v11, $0xFB1C;
	v7 =	vadd.s32 v59, v7  }
0xee: {  	v10 =	vsel vm12, $0xB501090F, v5;
	v9 =	vnsel vm8, $0xD143, v13;
	vm9 =	vgt.s32 v7, $0xDF36  }
0xef: {  	v8 =	vnsel vm10, $0xED29, v8;
	v9 =	vmin.u32 v9, $0xD242;
	v7 =	vnsel vm9, $0xDF36, v7  }
0xf0: {  	v10 =	vadd.s32 v21, v10;
	[tilespmem:s28+$0x8090] =	vst v9;
	v9 =	vadd.s32 v62, v63;
	v7 =	vmin.u32 v7, $0xE035  }
0xf1: {  	v8 =	vmin.u32 v8, $0xEE28;
	vm14 =	vgt.s32 v9, $0xC350;
	[tilespmem:s28+$0x8110] =	vst v7;
	v7 =	vnsel vm13, $0xFB1C, v11  }
0xf2: {  	s1 =	sadd.s32 $0x10, s29;
	vm15 =	vgt.s32 v10, $0x1090F;
	[tilespmem:s28+$0x8190] =	vst v8;
	v8 =	vnsel vm14, $0xC350, v9;
	v9 =	vmin.u32 v7, $0xFC1B  }
0xf3: {  	s30 =	simm.s32 $0x0;
	s29 =	simm.s32 $0x20;
	s31 =	sor.u32 $0x300, s1;
	v7 =	vmin.u32 v8, $0xC44F;
	v8 =	vnsel vm15, $0x1090F, v10;
	[tilespmem:s28+$0x8210] =	vst v9  }
.LBB2_4:
0xf4: {  	p0 =	sne.s32 s29, $0xFE0;
	[tilespmem:s28+$0x8010] =	vst v7;
	v7 =	vmin.u32 v8, $0x10A0E;
	s26 =	sadd.s32 $0x100, s26;
	s30 =	sadd.s32 $0x1, s30  }
0xf5: {  	s0 =	smov.u32 s29;
	s29 =	sadd.s32 $0x20, s29;
	[tilespmem:s28+$0x8290] =	vst v7  }
0xf6: {  	v7 =	vld [tilespmem:s31+$0x8000];
	_ =	sdelay $0x4  }
0xf7: {  	v7 =	vmul.f32 $1.280000000e+02, v7;
	_ =	sdelay $0x1  }
0xf8: {  	v8 =	vadd.f32 $8.388736000e+06, v7;
	_ =	sdelay $0x1  }
0xf9: {  	v9 =	vadd.f32 $-8.388736000e+06, v8;
	_ =	sdelay $0x1  }
0xfa: {  	vm0 =	vgt.f32 v7, v9  }
0xfb: {  	v7 =	vsel vm0, $0xB5011702, v6  }
0xfc: {  	v7 =	vadd.s32 v8, v7  }
0xfd: {  	vm0 =	vgt.s32 v7, $0x11702  }
0xfe: {  	v7 =	vnsel vm0, $0x11702, v7  }
0xff: {  	s0 =	sand.u32 $0x60, s0;
	s1 =	sand.u32 $0x7C00, s26;
	v7 =	vmin.u32 v7, $0x11801  }
0x100: {  	s28 =	sor.u32 s0, s1;
	[tilespmem:s31+$0x8000] =	vst v7  }
0x101: {  	v7 =	vld [tilespmem:s28+$0x8280]  }
0x102: {  	v8 =	vld [tilespmem:s28+$0x8180]  }
0x103: {  	v9 =	vld [tilespmem:s28+$0x8100]  }
0x104: {  	v10 =	vld [tilespmem:s28+$0x8200];
	_ =	sdelay $0x1  }
0x105: {  	v11 =	vld [tilespmem:s28+$0x8000];
	v7 =	vmul.f32 $1.280000000e+02, v7  }
0x106: {  	v8 =	vmul.f32 $1.280000000e+02, v8  }
0x107: {  	v12 =	vld [tilespmem:s28+$0x8080];
	v9 =	vmul.f32 $1.280000000e+02, v9;
	v13 =	vadd.f32 $8.388736000e+06, v7  }
0x108: {  	v14 =	vadd.f32 $8.388736000e+06, v8;
	v10 =	vmul.f32 $1.280000000e+02, v10  }
0x109: {  	v15 =	vadd.f32 $8.388736000e+06, v9;
	v16 =	vadd.f32 $-8.388736000e+06, v13  }
0x10a: {  	v11 =	vmul.f32 $1.280000000e+02, v11;
	v17 =	vadd.f32 $-8.388736000e+06, v14;
	v18 =	vadd.f32 $8.388736000e+06, v10  }
0x10b: {  	v19 =	vadd.f32 $-8.388736000e+06, v15;
	vm0 =	vgt.f32 v7, v16  }
0x10c: {  	v7 =	vmul.f32 $1.280000000e+02, v12;
	vm1 =	vgt.f32 v8, v17;
	v8 =	vsel vm0, $0xB501090F, v5  }
0x10d: {  	v16 =	vadd.f32 $-8.388736000e+06, v18;
	v12 =	vsel vm1, $0xB500ED29, v3;
	v8 =	vadd.s32 v13, v8  }
0x10e: {  	vm0 =	vgt.f32 v9, v19;
	v9 =	vadd.s32 v14, v12;
	vm1 =	vgt.s32 v8, $0x1090F  }
0x10f: {  	v12 =	vadd.f32 $8.388736000e+06, v7;
	vm2 =	vgt.s32 v9, $0xED29;
	v8 =	vnsel vm1, $0x1090F, v8  }
0x110: {  	v13 =	vadd.f32 $8.388736000e+06, v11;
	v9 =	vnsel vm2, $0xED29, v9;
	v8 =	vmin.u32 v8, $0x10A0E  }
0x111: {  	v14 =	vsel vm0, $0xB500DF36, v2;
	vm0 =	vgt.f32 v10, v16;
	v9 =	vmin.u32 v9, $0xEE28;
	[tilespmem:s28+$0x8280] =	vst v8  }
0x112: {  	v10 =	vadd.s32 v15, v14;
	v8 =	vadd.f32 $-8.388736000e+06, v13;
	[tilespmem:s28+$0x8180] =	vst v9;
	v9 =	vsel vm0, $0xB500FB1C, v4  }
0x113: {  	v14 =	vadd.f32 $-8.388736000e+06, v12;
	vm0 =	vgt.s32 v10, $0xDF36;
	v9 =	vadd.s32 v18, v9  }
0x114: {  	vm1 =	vgt.f32 v11, v8;
	v8 =	vnsel vm0, $0xDF36, v10;
	vm0 =	vgt.s32 v9, $0xFB1C  }
0x115: {  	v10 =	vsel vm1, $0xB500C350, v0;
	vm1 =	vgt.f32 v7, v14;
	v7 =	vmin.u32 v8, $0xE035  }
0x116: {  	v8 =	vadd.s32 v13, v10;
	v10 =	vsel vm1, $0xB500D143, v1;
	[tilespmem:s28+$0x8100] =	vst v7;
	v7 =	vnsel vm0, $0xFB1C, v9  }
0x117: {  	vm0 =	vgt.s32 v8, $0xC350;
	v9 =	vadd.s32 v12, v10;
	v7 =	vmin.u32 v7, $0xFC1B  }
0x118: {  	s0 =	sand.u32 $0x3, s30;
	v8 =	vnsel vm0, $0xC350, v8;
	vm0 =	vgt.s32 v9, $0xD143  }
0x119: {  	s0 =	sshll.u32 s0, $0x5;
	v8 =	vmin.u32 v8, $0xC44F;
	v9 =	vnsel vm0, $0xD143, v9;
	[tilespmem:s28+$0x8200] =	vst v7  }
0x11a: {  	s0 =	sadd.s32 s0, s26;
	v7 =	vmin.u32 v9, $0xD242;
	[tilespmem:s28+$0x8000] =	vst v8  }
0x11b: {  	s1 =	sor.u32 $0x300, s0;
	s0 =	sadd.s32 $0x10, s0;
	[tilespmem:s28+$0x8080] =	vst v7  }
0x11c: {  	s31 =	sor.u32 $0x300, s0;
	v7 =	vld [tilespmem:s1+$0x8000];
	_ =	sdelay $0x4  }
0x11d: {  	v7 =	vmul.f32 $1.280000000e+02, v7;
	_ =	sdelay $0x1  }
0x11e: {  	v8 =	vadd.f32 $8.388736000e+06, v7;
	_ =	sdelay $0x1  }
0x11f: {  	v9 =	vadd.f32 $-8.388736000e+06, v8;
	_ =	sdelay $0x1  }
0x120: {  	vm0 =	vgt.f32 v7, v9  }
0x121: {  	v7 =	vsel vm0, $0xB5011702, v6  }
0x122: {  	v7 =	vadd.s32 v8, v7  }
0x123: {  	vm0 =	vgt.s32 v7, $0x11702  }
0x124: {  	v7 =	vnsel vm0, $0x11702, v7  }
0x125: {  	v7 =	vmin.u32 v7, $0x11801  }
0x126: {  	[tilespmem:s1+$0x8000] =	vst v7  }
0x127: {  	v7 =	vld [tilespmem:s28+$0x8090]  }
0x128: {  	v8 =	vld [tilespmem:s28+$0x8210]  }
0x129: {  	v9 =	vld [tilespmem:s28+$0x8110]  }
0x12a: {  	v10 =	vld [tilespmem:s28+$0x8190]  }
0x12b: {  	v11 =	vld [tilespmem:s28+$0x8010]  }
0x12c: {  	v7 =	vmul.f32 $1.280000000e+02, v7;
	v12 =	vld [tilespmem:s28+$0x8290]  }
0x12d: {  	v8 =	vmul.f32 $1.280000000e+02, v8  }
0x12e: {  	v13 =	vadd.f32 $8.388736000e+06, v7;
	v9 =	vmul.f32 $1.280000000e+02, v9  }
0x12f: {  	v10 =	vmul.f32 $1.280000000e+02, v10;
	v14 =	vadd.f32 $8.388736000e+06, v8  }
0x130: {  	v11 =	vmul.f32 $1.280000000e+02, v11;
	v15 =	vadd.f32 $-8.388736000e+06, v13;
	v16 =	vadd.f32 $8.388736000e+06, v9  }
0x131: {  	v17 =	vadd.f32 $8.388736000e+06, v10;
	v18 =	vadd.f32 $-8.388736000e+06, v14;
	v12 =	vmul.f32 $1.280000000e+02, v12  }
0x132: {  	v19 =	vadd.f32 $8.388736000e+06, v11;
	vm0 =	vgt.f32 v7, v15;
	v7 =	vadd.f32 $-8.388736000e+06, v16  }
0x133: {  	v15 =	vsel vm0, $0xB500D143, v1;
	v20 =	vadd.f32 $-8.388736000e+06, v17;
	v21 =	vadd.f32 $8.388736000e+06, v12  }
0x134: {  	v22 =	vadd.f32 $-8.388736000e+06, v19;
	v13 =	vadd.s32 v13, v15;
	vm0 =	vgt.f32 v9, v7  }
0x135: {  	vm1 =	vgt.f32 v8, v18;
	v7 =	vsel vm0, $0xB500DF36, v2;
	vm0 =	vgt.f32 v10, v20  }
0x136: {  	vm2 =	vgt.s32 v13, $0xD143;
	v7 =	vadd.s32 v16, v7;
	v8 =	vsel vm0, $0xB500ED29, v3  }
0x137: {  	v9 =	vnsel vm2, $0xD143, v13;
	vm0 =	vgt.s32 v7, $0xDF36;
	v8 =	vadd.s32 v17, v8  }
0x138: {  	v9 =	vmin.u32 v9, $0xD242;
	v7 =	vnsel vm0, $0xDF36, v7;
	vm0 =	vgt.s32 v8, $0xED29  }
0x139: {  	[tilespmem:s28+$0x8090] =	vst v9;
	v7 =	vmin.u32 v7, $0xE035;
	v8 =	vnsel vm0, $0xED29, v8;
	v9 =	vadd.f32 $-8.388736000e+06, v21  }
0x13a: {  	vm0 =	vgt.f32 v11, v22;
	[tilespmem:s28+$0x8110] =	vst v7;
	v7 =	vmin.u32 v8, $0xEE28;
	v8 =	vsel vm1, $0xB500FB1C, v4  }
.Ltmp1:
0x13b: {  	v10 =	vsel vm0, $0xB500C350, v0;
	[tilespmem:s28+$0x8190] =	vst v7;
	v7 =	vadd.s32 v14, v8;
	vm0 =	vgt.f32 v12, v9;
	(pc) =	sbr.rel @p0 .LBB2_4-.Ltmp1, $4  }
0x13c: {  	v8 =	vadd.s32 v19, v10;
	vm1 =	vgt.s32 v7, $0xFB1C;
	v9 =	vsel vm0, $0xB501090F, v5  }
0x13d: {  	vm0 =	vgt.s32 v8, $0xC350;
	v7 =	vnsel vm1, $0xFB1C, v7;
	v9 =	vadd.s32 v21, v9  }
0x13e: {  	v8 =	vnsel vm0, $0xC350, v8;
	v10 =	vmin.u32 v7, $0xFC1B;
	vm0 =	vgt.s32 v9, $0x1090F  }
0x13f: {  	v7 =	vmin.u32 v8, $0xC44F;
	[tilespmem:s28+$0x8210] =	vst v10;
	v8 =	vnsel vm0, $0x1090F, v9  }
0x140: {  	[tilespmem:s28+$0x8010] =	vst v7;
	v7 =	vmin.u32 v8, $0x10A0E  }
0x141: {  	[tilespmem:s28+$0x8290] =	vst v7  }
0x142: {  	v7 =	vld [tilespmem:s31+$0x8000];
	_ =	sdelay $0x4  }
0x143: {  	v7 =	vmul.f32 $1.280000000e+02, v7;
	_ =	sdelay $0x1  }
0x144: {  	v8 =	vadd.f32 $8.388736000e+06, v7;
	_ =	sdelay $0x1  }
0x145: {  	v9 =	vadd.f32 $-8.388736000e+06, v8;
	_ =	sdelay $0x1  }
0x146: {  	vm0 =	vgt.f32 v7, v9  }
0x147: {  	v7 =	vsel vm0, $0xB5011702, v6  }
0x148: {  	v7 =	vadd.s32 v8, v7  }
0x149: {  	vm15 =	vgt.s32 v7, $0x11702  }
0x14a: {  	v7 =	vnsel vm15, $0x11702, v7  }
0x14b: {  	v7 =	vmin.u32 v7, $0x11801  }
0x14c: {  	s26 =	simm.s32 $0x0;
	[tilespmem:s31+$0x8000] =	vst v7  }
0x14d: {  	[hbm4b:s7+s26] =	stream.linear.scatter [tilespmem:s19], [sflag:$0x4], $0x8000, $0x38;
	[tilespmem:$0x10000] =	vst v63  }
0x14e: {  	_ =	swait.ge [sflag:s23], $0x8000  }
0x14f: {  	[sflag:s23] =	ssyncset.done $0x0  }
0x150: {  	[sflag:s23] =	ssyncadd.s32 $0xFFFF8000  }
0x151: {  	_ =	swait.ge [sflag:s21], $0x8000  }
0x152: {  	s0 =	sand.u32 $0x60, s26;
	s1 =	sand.u32 $0x7C00, s26;
	[sflag:s21] =	ssyncset.done $0x0  }
0x153: {  	s28 =	sor.u32 s0, s1;
	[sflag:s21] =	ssyncadd.s32 $0xFFFF8000  }
0x154: {  	[tilespmem:s19], [sflag:$0x2] =	stream.linear.gather [hbm4b:s8+s26], $0x8000, $0x38;
	[tilespmem:$0x10000] =	vst v63  }
0x155: {  	v7 =	vld [tilespmem:s28+$0x280]  }
0x156: {  	v8 =	vld [tilespmem:s28+$0x180]  }
0x157: {  	v9 =	vld [tilespmem:s28+$0x100]  }
0x158: {  	v10 =	vld [tilespmem:s28+$0x200];
	_ =	sdelay $0x1  }
0x159: {  	v11 =	vld [tilespmem:s28+$0x0]  }
0x15a: {  	v7 =	vmul.f32 $1.280000000e+02, v7  }
0x15b: {  	v8 =	vmul.f32 $1.280000000e+02, v8;
	v9 =	vmul.f32 $1.280000000e+02, v9  }
0x15c: {  	v12 =	vld [tilespmem:s28+$0x80];
	v10 =	vmul.f32 $1.280000000e+02, v10;
	v13 =	vadd.f32 $8.388736000e+06, v7  }
0x15d: {  	v14 =	vadd.f32 $8.388736000e+06, v8;
	v15 =	vadd.f32 $8.388736000e+06, v9  }
0x15e: {  	v11 =	vmul.f32 $1.280000000e+02, v11;
	v18 =	vadd.f32 $8.388736000e+06, v10;
	v16 =	vadd.f32 $-8.388736000e+06, v13  }
0x15f: {  	v17 =	vadd.f32 $-8.388736000e+06, v14;
	v19 =	vadd.f32 $-8.388736000e+06, v15  }
0x160: {  	v51 =	vadd.f32 $8.388736000e+06, v11;
	v49 =	vadd.f32 $-8.388736000e+06, v18;
	vm4 =	vgt.f32 v7, v16  }
0x161: {  	v7 =	vmul.f32 $1.280000000e+02, v12;
	vm1 =	vgt.f32 v8, v17;
	vm5 =	vgt.f32 v9, v19  }
0x162: {  	vm7 =	vgt.f32 v10, v49;
	v10 =	vadd.f32 $-8.388736000e+06, v51;
	v8 =	vsel vm4, $0xB501090F, v5  }
0x163: {  	v48 =	vsel vm1, $0xB500ED29, v3;
	v52 =	vsel vm5, $0xB500DF36, v2;
	v53 =	vsel vm7, $0xB500FB1C, v4  }
0x164: {  	v8 =	vadd.s32 v13, v8;
	v9 =	vadd.s32 v14, v48;
	v50 =	vadd.f32 $8.388736000e+06, v7  }
0x165: {  	v14 =	vadd.s32 v15, v52;
	v15 =	vadd.s32 v18, v53;
	vm9 =	vgt.f32 v11, v10  }
0x166: {  	vm6 =	vgt.s32 v8, $0x1090F;
	vm2 =	vgt.s32 v9, $0xED29;
	vm8 =	vgt.s32 v14, $0xDF36  }
0x167: {  	vm10 =	vgt.s32 v15, $0xFB1C;
	v11 =	vsel vm9, $0xB500C350, v0;
	v54 =	vadd.f32 $-8.388736000e+06, v50  }
0x168: {  	v8 =	vnsel vm6, $0x1090F, v8;
	v9 =	vnsel vm2, $0xED29, v9;
	v10 =	vnsel vm8, $0xDF36, v14  }
0x169: {  	v8 =	vmin.u32 v8, $0x10A0E;
	v9 =	vmin.u32 v9, $0xEE28;
	vm11 =	vgt.f32 v7, v54  }
0x16a: {  	[tilespmem:s28+$0x280] =	vst v8;
	v7 =	vmin.u32 v10, $0xE035;
	v8 =	vadd.s32 v51, v11;
	v10 =	vsel vm11, $0xB500D143, v1  }
0x16b: {  	[tilespmem:s28+$0x180] =	vst v9;
	v9 =	vnsel vm10, $0xFB1C, v15;
	vm12 =	vgt.s32 v8, $0xC350;
	v10 =	vadd.s32 v50, v10  }
0x16c: {  	s1 =	sand.u32 $0x3, s26;
	[tilespmem:s28+$0x100] =	vst v7;
	v7 =	vmin.u32 v9, $0xFC1B;
	v8 =	vnsel vm12, $0xC350, v8;
	vm13 =	vgt.s32 v10, $0xD143  }
0x16d: {  	s0 =	sshll.u32 s1, $0x5;
	[tilespmem:s28+$0x200] =	vst v7;
	v8 =	vmin.u32 v8, $0xC44F;
	v9 =	vnsel vm13, $0xD143, v10  }
0x16e: {  	s29 =	sadd.s32 $0x0, s0;
	[tilespmem:s28+$0x0] =	vst v8;
	v7 =	vmin.u32 v9, $0xD242  }
0x16f: {  	s0 =	sor.u32 $0x300, s29;
	[tilespmem:s28+$0x80] =	vst v7  }
0x170: {  	v7 =	vld [tilespmem:s0+$0x0];
	_ =	sdelay $0x4  }
0x171: {  	v7 =	vmul.f32 $1.280000000e+02, v7;
	_ =	sdelay $0x1  }
0x172: {  	v8 =	vadd.f32 $8.388736000e+06, v7;
	_ =	sdelay $0x1  }
0x173: {  	v9 =	vadd.f32 $-8.388736000e+06, v8;
	_ =	sdelay $0x1  }
0x174: {  	vm14 =	vgt.f32 v7, v9  }
0x175: {  	v7 =	vsel vm14, $0xB5011702, v6  }
0x176: {  	v7 =	vadd.s32 v8, v7  }
0x177: {  	vm15 =	vgt.s32 v7, $0x11702  }
0x178: {  	v7 =	vnsel vm15, $0x11702, v7  }
0x179: {  	v7 =	vmin.u32 v7, $0x11801  }
0x17a: {  	[tilespmem:s0+$0x0] =	vst v7  }
0x17b: {  	v7 =	vld [tilespmem:s28+$0x90]  }
0x17c: {  	v8 =	vld [tilespmem:s28+$0x210]  }
0x17d: {  	v9 =	vld [tilespmem:s28+$0x110]  }
0x17e: {  	v10 =	vld [tilespmem:s28+$0x190]  }
0x17f: {  	v11 =	vld [tilespmem:s28+$0x10]  }
0x180: {  	v55 =	vld [tilespmem:s28+$0x290];
	_ =	sdelay $0x1  }
0x181: {  	v7 =	vmul.f32 $1.280000000e+02, v7  }
0x182: {  	v8 =	vmul.f32 $1.280000000e+02, v8;
	v9 =	vmul.f32 $1.280000000e+02, v9  }
0x183: {  	v10 =	vmul.f32 $1.280000000e+02, v10;
	v11 =	vmul.f32 $1.280000000e+02, v11;
	v56 =	vadd.f32 $8.388736000e+06, v7  }
0x184: {  	v12 =	vmul.f32 $1.280000000e+02, v55;
	v57 =	vadd.f32 $8.388736000e+06, v8;
	v59 =	vadd.f32 $8.388736000e+06, v9  }
0x185: {  	v60 =	vadd.f32 $8.388736000e+06, v10;
	v62 =	vadd.f32 $8.388736000e+06, v11  }
0x186: {  	v21 =	vadd.f32 $8.388736000e+06, v12;
	v58 =	vadd.f32 $-8.388736000e+06, v56  }
0x187: {  	v61 =	vadd.f32 $-8.388736000e+06, v57;
	v20 =	vadd.f32 $-8.388736000e+06, v60  }
0x188: {  	v22 =	vadd.f32 $-8.388736000e+06, v62;
	vm4 =	vgt.f32 v7, v58;
	v7 =	vadd.f32 $-8.388736000e+06, v59  }
0x189: {  	vm6 =	vgt.f32 v10, v20;
	vm7 =	vgt.f32 v8, v61;
	v10 =	vadd.f32 $-8.388736000e+06, v21  }
0x18a: {  	vm11 =	vgt.f32 v11, v22;
	v15 =	vsel vm4, $0xB500D143, v1;
	v8 =	vsel vm6, $0xB500ED29, v3  }
0x18b: {  	v11 =	vsel vm7, $0xB500FB1C, v4;
	v63 =	vsel vm11, $0xB500C350, v0;
	v13 =	vadd.s32 v56, v15  }
0x18c: {  	vm5 =	vgt.f32 v9, v7;
	v8 =	vadd.s32 v60, v8;
	v11 =	vadd.s32 v57, v11  }
0x18d: {  	vm12 =	vgt.f32 v12, v10;
	v7 =	vsel vm5, $0xB500DF36, v2;
	vm8 =	vgt.s32 v13, $0xD143  }
0x18e: {  	vm10 =	vgt.s32 v8, $0xED29;
	vm13 =	vgt.s32 v11, $0xFB1C;
	v7 =	vadd.s32 v59, v7  }
0x18f: {  	v10 =	vsel vm12, $0xB501090F, v5;
	v9 =	vnsel vm8, $0xD143, v13;
	vm9 =	vgt.s32 v7, $0xDF36  }
0x190: {  	v8 =	vnsel vm10, $0xED29, v8;
	v9 =	vmin.u32 v9, $0xD242;
	v7 =	vnsel vm9, $0xDF36, v7  }
0x191: {  	v10 =	vadd.s32 v21, v10;
	[tilespmem:s28+$0x90] =	vst v9;
	v9 =	vadd.s32 v62, v63;
	v7 =	vmin.u32 v7, $0xE035  }
0x192: {  	v8 =	vmin.u32 v8, $0xEE28;
	vm14 =	vgt.s32 v9, $0xC350;
	[tilespmem:s28+$0x110] =	vst v7;
	v7 =	vnsel vm13, $0xFB1C, v11  }
0x193: {  	s1 =	sadd.s32 $0x10, s29;
	vm15 =	vgt.s32 v10, $0x1090F;
	[tilespmem:s28+$0x190] =	vst v8;
	v8 =	vnsel vm14, $0xC350, v9;
	v9 =	vmin.u32 v7, $0xFC1B  }
0x194: {  	s30 =	simm.s32 $0x0;
	s29 =	simm.s32 $0x20;
	s31 =	sor.u32 $0x300, s1;
	v7 =	vmin.u32 v8, $0xC44F;
	v8 =	vnsel vm15, $0x1090F, v10;
	[tilespmem:s28+$0x210] =	vst v9  }
.LBB2_6:
0x195: {  	p0 =	sne.s32 s29, $0xFE0;
	[tilespmem:s28+$0x10] =	vst v7;
	v7 =	vmin.u32 v8, $0x10A0E;
	s26 =	sadd.s32 $0x100, s26;
	s30 =	sadd.s32 $0x1, s30  }
0x196: {  	s0 =	smov.u32 s29;
	s29 =	sadd.s32 $0x20, s29;
	[tilespmem:s28+$0x290] =	vst v7  }
0x197: {  	v7 =	vld [tilespmem:s31+$0x0];
	_ =	sdelay $0x4  }
0x198: {  	v7 =	vmul.f32 $1.280000000e+02, v7;
	_ =	sdelay $0x1  }
0x199: {  	v8 =	vadd.f32 $8.388736000e+06, v7;
	_ =	sdelay $0x1  }
0x19a: {  	v9 =	vadd.f32 $-8.388736000e+06, v8;
	_ =	sdelay $0x1  }
0x19b: {  	vm0 =	vgt.f32 v7, v9  }
0x19c: {  	v7 =	vsel vm0, $0xB5011702, v6  }
0x19d: {  	v7 =	vadd.s32 v8, v7  }
0x19e: {  	vm0 =	vgt.s32 v7, $0x11702  }
0x19f: {  	v7 =	vnsel vm0, $0x11702, v7  }
0x1a0: {  	s0 =	sand.u32 $0x60, s0;
	s1 =	sand.u32 $0x7C00, s26;
	v7 =	vmin.u32 v7, $0x11801  }
0x1a1: {  	s28 =	sor.u32 s0, s1;
	[tilespmem:s31+$0x0] =	vst v7  }
0x1a2: {  	v7 =	vld [tilespmem:s28+$0x280]  }
0x1a3: {  	v8 =	vld [tilespmem:s28+$0x180]  }
0x1a4: {  	v9 =	vld [tilespmem:s28+$0x100]  }
0x1a5: {  	v10 =	vld [tilespmem:s28+$0x200];
	_ =	sdelay $0x1  }
0x1a6: {  	v11 =	vld [tilespmem:s28+$0x0];
	v7 =	vmul.f32 $1.280000000e+02, v7  }
0x1a7: {  	v8 =	vmul.f32 $1.280000000e+02, v8  }
0x1a8: {  	v12 =	vld [tilespmem:s28+$0x80];
	v9 =	vmul.f32 $1.280000000e+02, v9;
	v13 =	vadd.f32 $8.388736000e+06, v7  }
0x1a9: {  	v14 =	vadd.f32 $8.388736000e+06, v8;
	v10 =	vmul.f32 $1.280000000e+02, v10  }
0x1aa: {  	v15 =	vadd.f32 $8.388736000e+06, v9;
	v16 =	vadd.f32 $-8.388736000e+06, v13  }
0x1ab: {  	v11 =	vmul.f32 $1.280000000e+02, v11;
	v17 =	vadd.f32 $-8.388736000e+06, v14;
	v18 =	vadd.f32 $8.388736000e+06, v10  }
0x1ac: {  	v19 =	vadd.f32 $-8.388736000e+06, v15;
	vm0 =	vgt.f32 v7, v16  }
0x1ad: {  	v7 =	vmul.f32 $1.280000000e+02, v12;
	vm1 =	vgt.f32 v8, v17;
	v8 =	vsel vm0, $0xB501090F, v5  }
0x1ae: {  	v16 =	vadd.f32 $-8.388736000e+06, v18;
	v12 =	vsel vm1, $0xB500ED29, v3;
	v8 =	vadd.s32 v13, v8  }
0x1af: {  	vm0 =	vgt.f32 v9, v19;
	v9 =	vadd.s32 v14, v12;
	vm1 =	vgt.s32 v8, $0x1090F  }
0x1b0: {  	v12 =	vadd.f32 $8.388736000e+06, v7;
	vm2 =	vgt.s32 v9, $0xED29;
	v8 =	vnsel vm1, $0x1090F, v8  }
0x1b1: {  	v13 =	vadd.f32 $8.388736000e+06, v11;
	v9 =	vnsel vm2, $0xED29, v9;
	v8 =	vmin.u32 v8, $0x10A0E  }
0x1b2: {  	v14 =	vsel vm0, $0xB500DF36, v2;
	vm0 =	vgt.f32 v10, v16;
	v9 =	vmin.u32 v9, $0xEE28;
	[tilespmem:s28+$0x280] =	vst v8  }
0x1b3: {  	v10 =	vadd.s32 v15, v14;
	v8 =	vadd.f32 $-8.388736000e+06, v13;
	[tilespmem:s28+$0x180] =	vst v9;
	v9 =	vsel vm0, $0xB500FB1C, v4  }
0x1b4: {  	v14 =	vadd.f32 $-8.388736000e+06, v12;
	vm0 =	vgt.s32 v10, $0xDF36;
	v9 =	vadd.s32 v18, v9  }
0x1b5: {  	vm1 =	vgt.f32 v11, v8;
	v8 =	vnsel vm0, $0xDF36, v10;
	vm0 =	vgt.s32 v9, $0xFB1C  }
0x1b6: {  	v10 =	vsel vm1, $0xB500C350, v0;
	vm1 =	vgt.f32 v7, v14;
	v7 =	vmin.u32 v8, $0xE035  }
0x1b7: {  	v8 =	vadd.s32 v13, v10;
	v10 =	vsel vm1, $0xB500D143, v1;
	[tilespmem:s28+$0x100] =	vst v7;
	v7 =	vnsel vm0, $0xFB1C, v9  }
0x1b8: {  	vm0 =	vgt.s32 v8, $0xC350;
	v9 =	vadd.s32 v12, v10;
	v7 =	vmin.u32 v7, $0xFC1B  }
0x1b9: {  	s0 =	sand.u32 $0x3, s30;
	v8 =	vnsel vm0, $0xC350, v8;
	vm0 =	vgt.s32 v9, $0xD143  }
0x1ba: {  	s0 =	sshll.u32 s0, $0x5;
	v8 =	vmin.u32 v8, $0xC44F;
	v9 =	vnsel vm0, $0xD143, v9;
	[tilespmem:s28+$0x200] =	vst v7  }
0x1bb: {  	s0 =	sadd.s32 s0, s26;
	v7 =	vmin.u32 v9, $0xD242;
	[tilespmem:s28+$0x0] =	vst v8  }
0x1bc: {  	s1 =	sor.u32 $0x300, s0;
	s0 =	sadd.s32 $0x10, s0;
	[tilespmem:s28+$0x80] =	vst v7  }
0x1bd: {  	s31 =	sor.u32 $0x300, s0;
	v7 =	vld [tilespmem:s1+$0x0];
	_ =	sdelay $0x4  }
0x1be: {  	v7 =	vmul.f32 $1.280000000e+02, v7;
	_ =	sdelay $0x1  }
0x1bf: {  	v8 =	vadd.f32 $8.388736000e+06, v7;
	_ =	sdelay $0x1  }
0x1c0: {  	v9 =	vadd.f32 $-8.388736000e+06, v8;
	_ =	sdelay $0x1  }
0x1c1: {  	vm0 =	vgt.f32 v7, v9  }
0x1c2: {  	v7 =	vsel vm0, $0xB5011702, v6  }
0x1c3: {  	v7 =	vadd.s32 v8, v7  }
0x1c4: {  	vm0 =	vgt.s32 v7, $0x11702  }
0x1c5: {  	v7 =	vnsel vm0, $0x11702, v7  }
0x1c6: {  	v7 =	vmin.u32 v7, $0x11801  }
0x1c7: {  	[tilespmem:s1+$0x0] =	vst v7  }
0x1c8: {  	v7 =	vld [tilespmem:s28+$0x90]  }
0x1c9: {  	v8 =	vld [tilespmem:s28+$0x210]  }
0x1ca: {  	v9 =	vld [tilespmem:s28+$0x110]  }
0x1cb: {  	v10 =	vld [tilespmem:s28+$0x190]  }
0x1cc: {  	v11 =	vld [tilespmem:s28+$0x10]  }
0x1cd: {  	v7 =	vmul.f32 $1.280000000e+02, v7;
	v12 =	vld [tilespmem:s28+$0x290]  }
0x1ce: {  	v8 =	vmul.f32 $1.280000000e+02, v8  }
0x1cf: {  	v13 =	vadd.f32 $8.388736000e+06, v7;
	v9 =	vmul.f32 $1.280000000e+02, v9  }
0x1d0: {  	v10 =	vmul.f32 $1.280000000e+02, v10;
	v14 =	vadd.f32 $8.388736000e+06, v8  }
0x1d1: {  	v11 =	vmul.f32 $1.280000000e+02, v11;
	v15 =	vadd.f32 $-8.388736000e+06, v13;
	v16 =	vadd.f32 $8.388736000e+06, v9  }
0x1d2: {  	v17 =	vadd.f32 $8.388736000e+06, v10;
	v18 =	vadd.f32 $-8.388736000e+06, v14;
	v12 =	vmul.f32 $1.280000000e+02, v12  }
0x1d3: {  	v19 =	vadd.f32 $8.388736000e+06, v11;
	vm0 =	vgt.f32 v7, v15;
	v7 =	vadd.f32 $-8.388736000e+06, v16  }
0x1d4: {  	v15 =	vsel vm0, $0xB500D143, v1;
	v20 =	vadd.f32 $-8.388736000e+06, v17;
	v21 =	vadd.f32 $8.388736000e+06, v12  }
0x1d5: {  	v22 =	vadd.f32 $-8.388736000e+06, v19;
	v13 =	vadd.s32 v13, v15;
	vm0 =	vgt.f32 v9, v7  }
0x1d6: {  	vm1 =	vgt.f32 v8, v18;
	v7 =	vsel vm0, $0xB500DF36, v2;
	vm0 =	vgt.f32 v10, v20  }
0x1d7: {  	vm2 =	vgt.s32 v13, $0xD143;
	v7 =	vadd.s32 v16, v7;
	v8 =	vsel vm0, $0xB500ED29, v3  }
0x1d8: {  	v9 =	vnsel vm2, $0xD143, v13;
	vm0 =	vgt.s32 v7, $0xDF36;
	v8 =	vadd.s32 v17, v8  }
0x1d9: {  	v9 =	vmin.u32 v9, $0xD242;
	v7 =	vnsel vm0, $0xDF36, v7;
	vm0 =	vgt.s32 v8, $0xED29  }
0x1da: {  	[tilespmem:s28+$0x90] =	vst v9;
	v7 =	vmin.u32 v7, $0xE035;
	v8 =	vnsel vm0, $0xED29, v8;
	v9 =	vadd.f32 $-8.388736000e+06, v21  }
0x1db: {  	vm0 =	vgt.f32 v11, v22;
	[tilespmem:s28+$0x110] =	vst v7;
	v7 =	vmin.u32 v8, $0xEE28;
	v8 =	vsel vm1, $0xB500FB1C, v4  }
.Ltmp2:
0x1dc: {  	v10 =	vsel vm0, $0xB500C350, v0;
	[tilespmem:s28+$0x190] =	vst v7;
	v7 =	vadd.s32 v14, v8;
	vm0 =	vgt.f32 v12, v9;
	(pc) =	sbr.rel @p0 .LBB2_6-.Ltmp2, $4  }
0x1dd: {  	v8 =	vadd.s32 v19, v10;
	vm1 =	vgt.s32 v7, $0xFB1C;
	v9 =	vsel vm0, $0xB501090F, v5  }
0x1de: {  	vm0 =	vgt.s32 v8, $0xC350;
	v7 =	vnsel vm1, $0xFB1C, v7;
	v9 =	vadd.s32 v21, v9  }
0x1df: {  	v8 =	vnsel vm0, $0xC350, v8;
	v10 =	vmin.u32 v7, $0xFC1B;
	vm0 =	vgt.s32 v9, $0x1090F  }
0x1e0: {  	v7 =	vmin.u32 v8, $0xC44F;
	[tilespmem:s28+$0x210] =	vst v10;
	v8 =	vnsel vm0, $0x1090F, v9  }
0x1e1: {  	[tilespmem:s28+$0x10] =	vst v7;
	v7 =	vmin.u32 v8, $0x10A0E  }
0x1e2: {  	[tilespmem:s28+$0x290] =	vst v7  }
0x1e3: {  	v7 =	vld [tilespmem:s31+$0x0];
	_ =	sdelay $0x4  }
0x1e4: {  	v7 =	vmul.f32 $1.280000000e+02, v7;
	_ =	sdelay $0x1  }
0x1e5: {  	v8 =	vadd.f32 $8.388736000e+06, v7;
	_ =	sdelay $0x1  }
0x1e6: {  	v9 =	vadd.f32 $-8.388736000e+06, v8;
	_ =	sdelay $0x1  }
0x1e7: {  	vm0 =	vgt.f32 v7, v9  }
0x1e8: {  	v7 =	vsel vm0, $0xB5011702, v6  }
0x1e9: {  	v7 =	vadd.s32 v8, v7  }
0x1ea: {  	vm15 =	vgt.s32 v7, $0x11702  }
0x1eb: {  	v7 =	vnsel vm15, $0x11702, v7  }
0x1ec: {  	v7 =	vmin.u32 v7, $0x11801  }
0x1ed: {  	s26 =	simm.s32 $0x0;
	[tilespmem:s31+$0x0] =	vst v7  }
0x1ee: {  	[hbm4b:s9+s26] =	stream.linear.scatter [tilespmem:s26], [sflag:$0x3], $0x8000, $0x38;
	[tilespmem:$0x10000] =	vst v63  }
0x1ef: {  	_ =	swait.ge [sflag:s24], $0x8000  }
0x1f0: {  	[sflag:s24] =	ssyncset.done $0x0  }
0x1f1: {  	[sflag:s24] =	ssyncadd.s32 $0xFFFF8000  }
0x1f2: {  	_ =	swait.ge [sflag:s22], $0x8000  }
0x1f3: {  	s0 =	sand.u32 $0x60, s26;
	s1 =	sand.u32 $0x7C00, s26;
	[sflag:s22] =	ssyncset.done $0x0  }
0x1f4: {  	s28 =	sor.u32 s0, s1;
	[sflag:s22] =	ssyncadd.s32 $0xFFFF8000  }
0x1f5: {  	[tilespmem:s26], [sflag:$0x1] =	stream.linear.gather [hbm4b:s10+s26], $0x8000, $0x38;
	[tilespmem:$0x10000] =	vst v63  }
0x1f6: {  	v7 =	vld [tilespmem:s28+$0x8280]  }
0x1f7: {  	v8 =	vld [tilespmem:s28+$0x8180]  }
0x1f8: {  	v9 =	vld [tilespmem:s28+$0x8100]  }
0x1f9: {  	v10 =	vld [tilespmem:s28+$0x8200];
	_ =	sdelay $0x1  }
0x1fa: {  	v11 =	vld [tilespmem:s28+$0x8000]  }
0x1fb: {  	v7 =	vmul.f32 $1.280000000e+02, v7  }
0x1fc: {  	v8 =	vmul.f32 $1.280000000e+02, v8;
	v9 =	vmul.f32 $1.280000000e+02, v9  }
0x1fd: {  	v12 =	vld [tilespmem:s28+$0x8080];
	v10 =	vmul.f32 $1.280000000e+02, v10;
	v13 =	vadd.f32 $8.388736000e+06, v7  }
0x1fe: {  	v14 =	vadd.f32 $8.388736000e+06, v8;
	v15 =	vadd.f32 $8.388736000e+06, v9  }
0x1ff: {  	v11 =	vmul.f32 $1.280000000e+02, v11;
	v18 =	vadd.f32 $8.388736000e+06, v10;
	v16 =	vadd.f32 $-8.388736000e+06, v13  }
0x200: {  	v17 =	vadd.f32 $-8.388736000e+06, v14;
	v19 =	vadd.f32 $-8.388736000e+06, v15  }
0x201: {  	v51 =	vadd.f32 $8.388736000e+06, v11;
	v49 =	vadd.f32 $-8.388736000e+06, v18;
	vm4 =	vgt.f32 v7, v16  }
0x202: {  	v7 =	vmul.f32 $1.280000000e+02, v12;
	vm1 =	vgt.f32 v8, v17;
	vm5 =	vgt.f32 v9, v19  }
0x203: {  	vm7 =	vgt.f32 v10, v49;
	v10 =	vadd.f32 $-8.388736000e+06, v51;
	v8 =	vsel vm4, $0xB501090F, v5  }
0x204: {  	v48 =	vsel vm1, $0xB500ED29, v3;
	v52 =	vsel vm5, $0xB500DF36, v2;
	v53 =	vsel vm7, $0xB500FB1C, v4  }
0x205: {  	v8 =	vadd.s32 v13, v8;
	v9 =	vadd.s32 v14, v48;
	v50 =	vadd.f32 $8.388736000e+06, v7  }
0x206: {  	v14 =	vadd.s32 v15, v52;
	v15 =	vadd.s32 v18, v53;
	vm9 =	vgt.f32 v11, v10  }
0x207: {  	vm6 =	vgt.s32 v8, $0x1090F;
	vm2 =	vgt.s32 v9, $0xED29;
	vm8 =	vgt.s32 v14, $0xDF36  }
0x208: {  	vm10 =	vgt.s32 v15, $0xFB1C;
	v11 =	vsel vm9, $0xB500C350, v0;
	v54 =	vadd.f32 $-8.388736000e+06, v50  }
0x209: {  	v8 =	vnsel vm6, $0x1090F, v8;
	v9 =	vnsel vm2, $0xED29, v9;
	v10 =	vnsel vm8, $0xDF36, v14  }
0x20a: {  	v8 =	vmin.u32 v8, $0x10A0E;
	v9 =	vmin.u32 v9, $0xEE28;
	vm11 =	vgt.f32 v7, v54  }
0x20b: {  	[tilespmem:s28+$0x8280] =	vst v8;
	v7 =	vmin.u32 v10, $0xE035;
	v8 =	vadd.s32 v51, v11;
	v10 =	vsel vm11, $0xB500D143, v1  }
0x20c: {  	[tilespmem:s28+$0x8180] =	vst v9;
	v9 =	vnsel vm10, $0xFB1C, v15;
	vm12 =	vgt.s32 v8, $0xC350;
	v10 =	vadd.s32 v50, v10  }
0x20d: {  	s1 =	sand.u32 $0x3, s26;
	[tilespmem:s28+$0x8100] =	vst v7;
	v7 =	vmin.u32 v9, $0xFC1B;
	v8 =	vnsel vm12, $0xC350, v8;
	vm13 =	vgt.s32 v10, $0xD143  }
0x20e: {  	s0 =	sshll.u32 s1, $0x5;
	[tilespmem:s28+$0x8200] =	vst v7;
	v8 =	vmin.u32 v8, $0xC44F;
	v9 =	vnsel vm13, $0xD143, v10  }
0x20f: {  	s29 =	sadd.s32 $0x0, s0;
	[tilespmem:s28+$0x8000] =	vst v8;
	v7 =	vmin.u32 v9, $0xD242  }
0x210: {  	s0 =	sor.u32 $0x300, s29;
	[tilespmem:s28+$0x8080] =	vst v7  }
0x211: {  	v7 =	vld [tilespmem:s0+$0x8000];
	_ =	sdelay $0x4  }
0x212: {  	v7 =	vmul.f32 $1.280000000e+02, v7;
	_ =	sdelay $0x1  }
0x213: {  	v8 =	vadd.f32 $8.388736000e+06, v7;
	_ =	sdelay $0x1  }
0x214: {  	v9 =	vadd.f32 $-8.388736000e+06, v8;
	_ =	sdelay $0x1  }
0x215: {  	vm14 =	vgt.f32 v7, v9  }
0x216: {  	v7 =	vsel vm14, $0xB5011702, v6  }
0x217: {  	v7 =	vadd.s32 v8, v7  }
0x218: {  	vm15 =	vgt.s32 v7, $0x11702  }
0x219: {  	v7 =	vnsel vm15, $0x11702, v7  }
0x21a: {  	v7 =	vmin.u32 v7, $0x11801  }
0x21b: {  	[tilespmem:s0+$0x8000] =	vst v7  }
0x21c: {  	v7 =	vld [tilespmem:s28+$0x8090]  }
0x21d: {  	v8 =	vld [tilespmem:s28+$0x8210]  }
0x21e: {  	v9 =	vld [tilespmem:s28+$0x8110]  }
0x21f: {  	v10 =	vld [tilespmem:s28+$0x8190]  }
0x220: {  	v11 =	vld [tilespmem:s28+$0x8010]  }
0x221: {  	v55 =	vld [tilespmem:s28+$0x8290];
	_ =	sdelay $0x1  }
0x222: {  	v7 =	vmul.f32 $1.280000000e+02, v7  }
0x223: {  	v8 =	vmul.f32 $1.280000000e+02, v8;
	v9 =	vmul.f32 $1.280000000e+02, v9  }
0x224: {  	v10 =	vmul.f32 $1.280000000e+02, v10;
	v11 =	vmul.f32 $1.280000000e+02, v11;
	v56 =	vadd.f32 $8.388736000e+06, v7  }
0x225: {  	v12 =	vmul.f32 $1.280000000e+02, v55;
	v57 =	vadd.f32 $8.388736000e+06, v8;
	v59 =	vadd.f32 $8.388736000e+06, v9  }
0x226: {  	v60 =	vadd.f32 $8.388736000e+06, v10;
	v62 =	vadd.f32 $8.388736000e+06, v11  }
0x227: {  	v21 =	vadd.f32 $8.388736000e+06, v12;
	v58 =	vadd.f32 $-8.388736000e+06, v56  }
0x228: {  	v61 =	vadd.f32 $-8.388736000e+06, v57;
	v20 =	vadd.f32 $-8.388736000e+06, v60  }
0x229: {  	v22 =	vadd.f32 $-8.388736000e+06, v62;
	vm4 =	vgt.f32 v7, v58;
	v7 =	vadd.f32 $-8.388736000e+06, v59  }
0x22a: {  	vm6 =	vgt.f32 v10, v20;
	vm7 =	vgt.f32 v8, v61;
	v10 =	vadd.f32 $-8.388736000e+06, v21  }
0x22b: {  	vm11 =	vgt.f32 v11, v22;
	v15 =	vsel vm4, $0xB500D143, v1;
	v8 =	vsel vm6, $0xB500ED29, v3  }
0x22c: {  	v11 =	vsel vm7, $0xB500FB1C, v4;
	v63 =	vsel vm11, $0xB500C350, v0;
	v13 =	vadd.s32 v56, v15  }
0x22d: {  	vm5 =	vgt.f32 v9, v7;
	v8 =	vadd.s32 v60, v8;
	v11 =	vadd.s32 v57, v11  }
0x22e: {  	vm12 =	vgt.f32 v12, v10;
	v7 =	vsel vm5, $0xB500DF36, v2;
	vm8 =	vgt.s32 v13, $0xD143  }
0x22f: {  	vm10 =	vgt.s32 v8, $0xED29;
	vm13 =	vgt.s32 v11, $0xFB1C;
	v7 =	vadd.s32 v59, v7  }
0x230: {  	v10 =	vsel vm12, $0xB501090F, v5;
	v9 =	vnsel vm8, $0xD143, v13;
	vm9 =	vgt.s32 v7, $0xDF36  }
0x231: {  	v8 =	vnsel vm10, $0xED29, v8;
	v9 =	vmin.u32 v9, $0xD242;
	v7 =	vnsel vm9, $0xDF36, v7  }
0x232: {  	v10 =	vadd.s32 v21, v10;
	[tilespmem:s28+$0x8090] =	vst v9;
	v9 =	vadd.s32 v62, v63;
	v7 =	vmin.u32 v7, $0xE035  }
0x233: {  	v8 =	vmin.u32 v8, $0xEE28;
	vm14 =	vgt.s32 v9, $0xC350;
	[tilespmem:s28+$0x8110] =	vst v7;
	v7 =	vnsel vm13, $0xFB1C, v11  }
0x234: {  	s1 =	sadd.s32 $0x10, s29;
	vm15 =	vgt.s32 v10, $0x1090F;
	[tilespmem:s28+$0x8190] =	vst v8;
	v8 =	vnsel vm14, $0xC350, v9;
	v9 =	vmin.u32 v7, $0xFC1B  }
0x235: {  	s30 =	simm.s32 $0x0;
	s29 =	simm.s32 $0x20;
	s31 =	sor.u32 $0x300, s1;
	v7 =	vmin.u32 v8, $0xC44F;
	v8 =	vnsel vm15, $0x1090F, v10;
	[tilespmem:s28+$0x8210] =	vst v9  }
.LBB2_8:
0x236: {  	p0 =	sne.s32 s29, $0xFE0;
	[tilespmem:s28+$0x8010] =	vst v7;
	v7 =	vmin.u32 v8, $0x10A0E;
	s26 =	sadd.s32 $0x100, s26;
	s30 =	sadd.s32 $0x1, s30  }
0x237: {  	s0 =	smov.u32 s29;
	s29 =	sadd.s32 $0x20, s29;
	[tilespmem:s28+$0x8290] =	vst v7  }
0x238: {  	v7 =	vld [tilespmem:s31+$0x8000];
	_ =	sdelay $0x4  }
0x239: {  	v7 =	vmul.f32 $1.280000000e+02, v7;
	_ =	sdelay $0x1  }
0x23a: {  	v8 =	vadd.f32 $8.388736000e+06, v7;
	_ =	sdelay $0x1  }
0x23b: {  	v9 =	vadd.f32 $-8.388736000e+06, v8;
	_ =	sdelay $0x1  }
0x23c: {  	vm0 =	vgt.f32 v7, v9  }
0x23d: {  	v7 =	vsel vm0, $0xB5011702, v6  }
0x23e: {  	v7 =	vadd.s32 v8, v7  }
0x23f: {  	vm0 =	vgt.s32 v7, $0x11702  }
0x240: {  	v7 =	vnsel vm0, $0x11702, v7  }
0x241: {  	s0 =	sand.u32 $0x60, s0;
	s1 =	sand.u32 $0x7C00, s26;
	v7 =	vmin.u32 v7, $0x11801  }
0x242: {  	s28 =	sor.u32 s0, s1;
	[tilespmem:s31+$0x8000] =	vst v7  }
0x243: {  	v7 =	vld [tilespmem:s28+$0x8280]  }
0x244: {  	v8 =	vld [tilespmem:s28+$0x8180]  }
0x245: {  	v9 =	vld [tilespmem:s28+$0x8100]  }
0x246: {  	v10 =	vld [tilespmem:s28+$0x8200];
	_ =	sdelay $0x1  }
0x247: {  	v11 =	vld [tilespmem:s28+$0x8000];
	v7 =	vmul.f32 $1.280000000e+02, v7  }
0x248: {  	v8 =	vmul.f32 $1.280000000e+02, v8  }
0x249: {  	v12 =	vld [tilespmem:s28+$0x8080];
	v9 =	vmul.f32 $1.280000000e+02, v9;
	v13 =	vadd.f32 $8.388736000e+06, v7  }
0x24a: {  	v14 =	vadd.f32 $8.388736000e+06, v8;
	v10 =	vmul.f32 $1.280000000e+02, v10  }
0x24b: {  	v15 =	vadd.f32 $8.388736000e+06, v9;
	v16 =	vadd.f32 $-8.388736000e+06, v13  }
0x24c: {  	v11 =	vmul.f32 $1.280000000e+02, v11;
	v17 =	vadd.f32 $-8.388736000e+06, v14;
	v18 =	vadd.f32 $8.388736000e+06, v10  }
0x24d: {  	v19 =	vadd.f32 $-8.388736000e+06, v15;
	vm0 =	vgt.f32 v7, v16  }
0x24e: {  	v7 =	vmul.f32 $1.280000000e+02, v12;
	vm1 =	vgt.f32 v8, v17;
	v8 =	vsel vm0, $0xB501090F, v5  }
0x24f: {  	v16 =	vadd.f32 $-8.388736000e+06, v18;
	v12 =	vsel vm1, $0xB500ED29, v3;
	v8 =	vadd.s32 v13, v8  }
0x250: {  	vm0 =	vgt.f32 v9, v19;
	v9 =	vadd.s32 v14, v12;
	vm1 =	vgt.s32 v8, $0x1090F  }
0x251: {  	v12 =	vadd.f32 $8.388736000e+06, v7;
	vm2 =	vgt.s32 v9, $0xED29;
	v8 =	vnsel vm1, $0x1090F, v8  }
0x252: {  	v13 =	vadd.f32 $8.388736000e+06, v11;
	v9 =	vnsel vm2, $0xED29, v9;
	v8 =	vmin.u32 v8, $0x10A0E  }
0x253: {  	v14 =	vsel vm0, $0xB500DF36, v2;
	vm0 =	vgt.f32 v10, v16;
	v9 =	vmin.u32 v9, $0xEE28;
	[tilespmem:s28+$0x8280] =	vst v8  }
0x254: {  	v10 =	vadd.s32 v15, v14;
	v8 =	vadd.f32 $-8.388736000e+06, v13;
	[tilespmem:s28+$0x8180] =	vst v9;
	v9 =	vsel vm0, $0xB500FB1C, v4  }
0x255: {  	v14 =	vadd.f32 $-8.388736000e+06, v12;
	vm0 =	vgt.s32 v10, $0xDF36;
	v9 =	vadd.s32 v18, v9  }
0x256: {  	vm1 =	vgt.f32 v11, v8;
	v8 =	vnsel vm0, $0xDF36, v10;
	vm0 =	vgt.s32 v9, $0xFB1C  }
0x257: {  	v10 =	vsel vm1, $0xB500C350, v0;
	vm1 =	vgt.f32 v7, v14;
	v7 =	vmin.u32 v8, $0xE035  }
0x258: {  	v8 =	vadd.s32 v13, v10;
	v10 =	vsel vm1, $0xB500D143, v1;
	[tilespmem:s28+$0x8100] =	vst v7;
	v7 =	vnsel vm0, $0xFB1C, v9  }
0x259: {  	vm0 =	vgt.s32 v8, $0xC350;
	v9 =	vadd.s32 v12, v10;
	v7 =	vmin.u32 v7, $0xFC1B  }
0x25a: {  	s0 =	sand.u32 $0x3, s30;
	v8 =	vnsel vm0, $0xC350, v8;
	vm0 =	vgt.s32 v9, $0xD143  }
0x25b: {  	s0 =	sshll.u32 s0, $0x5;
	v8 =	vmin.u32 v8, $0xC44F;
	v9 =	vnsel vm0, $0xD143, v9;
	[tilespmem:s28+$0x8200] =	vst v7  }
0x25c: {  	s0 =	sadd.s32 s0, s26;
	v7 =	vmin.u32 v9, $0xD242;
	[tilespmem:s28+$0x8000] =	vst v8  }
0x25d: {  	s1 =	sor.u32 $0x300, s0;
	s0 =	sadd.s32 $0x10, s0;
	[tilespmem:s28+$0x8080] =	vst v7  }
0x25e: {  	s31 =	sor.u32 $0x300, s0;
	v7 =	vld [tilespmem:s1+$0x8000];
	_ =	sdelay $0x4  }
0x25f: {  	v7 =	vmul.f32 $1.280000000e+02, v7;
	_ =	sdelay $0x1  }
0x260: {  	v8 =	vadd.f32 $8.388736000e+06, v7;
	_ =	sdelay $0x1  }
0x261: {  	v9 =	vadd.f32 $-8.388736000e+06, v8;
	_ =	sdelay $0x1  }
0x262: {  	vm0 =	vgt.f32 v7, v9  }
0x263: {  	v7 =	vsel vm0, $0xB5011702, v6  }
0x264: {  	v7 =	vadd.s32 v8, v7  }
0x265: {  	vm0 =	vgt.s32 v7, $0x11702  }
0x266: {  	v7 =	vnsel vm0, $0x11702, v7  }
0x267: {  	v7 =	vmin.u32 v7, $0x11801  }
0x268: {  	[tilespmem:s1+$0x8000] =	vst v7  }
0x269: {  	v7 =	vld [tilespmem:s28+$0x8090]  }
0x26a: {  	v8 =	vld [tilespmem:s28+$0x8210]  }
0x26b: {  	v9 =	vld [tilespmem:s28+$0x8110]  }
0x26c: {  	v10 =	vld [tilespmem:s28+$0x8190]  }
0x26d: {  	v11 =	vld [tilespmem:s28+$0x8010]  }
0x26e: {  	v7 =	vmul.f32 $1.280000000e+02, v7;
	v12 =	vld [tilespmem:s28+$0x8290]  }
0x26f: {  	v8 =	vmul.f32 $1.280000000e+02, v8  }
0x270: {  	v13 =	vadd.f32 $8.388736000e+06, v7;
	v9 =	vmul.f32 $1.280000000e+02, v9  }
0x271: {  	v10 =	vmul.f32 $1.280000000e+02, v10;
	v14 =	vadd.f32 $8.388736000e+06, v8  }
0x272: {  	v11 =	vmul.f32 $1.280000000e+02, v11;
	v15 =	vadd.f32 $-8.388736000e+06, v13;
	v16 =	vadd.f32 $8.388736000e+06, v9  }
0x273: {  	v17 =	vadd.f32 $8.388736000e+06, v10;
	v18 =	vadd.f32 $-8.388736000e+06, v14;
	v12 =	vmul.f32 $1.280000000e+02, v12  }
0x274: {  	v19 =	vadd.f32 $8.388736000e+06, v11;
	vm0 =	vgt.f32 v7, v15;
	v7 =	vadd.f32 $-8.388736000e+06, v16  }
0x275: {  	v15 =	vsel vm0, $0xB500D143, v1;
	v20 =	vadd.f32 $-8.388736000e+06, v17;
	v21 =	vadd.f32 $8.388736000e+06, v12  }
0x276: {  	v22 =	vadd.f32 $-8.388736000e+06, v19;
	v13 =	vadd.s32 v13, v15;
	vm0 =	vgt.f32 v9, v7  }
0x277: {  	vm1 =	vgt.f32 v8, v18;
	v7 =	vsel vm0, $0xB500DF36, v2;
	vm0 =	vgt.f32 v10, v20  }
0x278: {  	vm2 =	vgt.s32 v13, $0xD143;
	v7 =	vadd.s32 v16, v7;
	v8 =	vsel vm0, $0xB500ED29, v3  }
0x279: {  	v9 =	vnsel vm2, $0xD143, v13;
	vm0 =	vgt.s32 v7, $0xDF36;
	v8 =	vadd.s32 v17, v8  }
0x27a: {  	v9 =	vmin.u32 v9, $0xD242;
	v7 =	vnsel vm0, $0xDF36, v7;
	vm0 =	vgt.s32 v8, $0xED29  }
0x27b: {  	[tilespmem:s28+$0x8090] =	vst v9;
	v7 =	vmin.u32 v7, $0xE035;
	v8 =	vnsel vm0, $0xED29, v8;
	v9 =	vadd.f32 $-8.388736000e+06, v21  }
0x27c: {  	vm0 =	vgt.f32 v11, v22;
	[tilespmem:s28+$0x8110] =	vst v7;
	v7 =	vmin.u32 v8, $0xEE28;
	v8 =	vsel vm1, $0xB500FB1C, v4  }
.Ltmp3:
0x27d: {  	v10 =	vsel vm0, $0xB500C350, v0;
	[tilespmem:s28+$0x8190] =	vst v7;
	v7 =	vadd.s32 v14, v8;
	vm0 =	vgt.f32 v12, v9;
	(pc) =	sbr.rel @p0 .LBB2_8-.Ltmp3, $4  }
0x27e: {  	v8 =	vadd.s32 v19, v10;
	vm1 =	vgt.s32 v7, $0xFB1C;
	v9 =	vsel vm0, $0xB501090F, v5  }
0x27f: {  	vm0 =	vgt.s32 v8, $0xC350;
	v7 =	vnsel vm1, $0xFB1C, v7;
	v9 =	vadd.s32 v21, v9  }
0x280: {  	v8 =	vnsel vm0, $0xC350, v8;
	v10 =	vmin.u32 v7, $0xFC1B;
	vm0 =	vgt.s32 v9, $0x1090F  }
0x281: {  	v7 =	vmin.u32 v8, $0xC44F;
	[tilespmem:s28+$0x8210] =	vst v10;
	v8 =	vnsel vm0, $0x1090F, v9  }
0x282: {  	[tilespmem:s28+$0x8010] =	vst v7;
	v7 =	vmin.u32 v8, $0x10A0E  }
0x283: {  	[tilespmem:s28+$0x8290] =	vst v7  }
0x284: {  	v7 =	vld [tilespmem:s31+$0x8000];
	_ =	sdelay $0x4  }
0x285: {  	v7 =	vmul.f32 $1.280000000e+02, v7;
	_ =	sdelay $0x1  }
0x286: {  	v8 =	vadd.f32 $8.388736000e+06, v7;
	_ =	sdelay $0x1  }
0x287: {  	v9 =	vadd.f32 $-8.388736000e+06, v8;
	_ =	sdelay $0x1  }
0x288: {  	vm0 =	vgt.f32 v7, v9  }
0x289: {  	v7 =	vsel vm0, $0xB5011702, v6  }
0x28a: {  	v7 =	vadd.s32 v8, v7  }
0x28b: {  	vm15 =	vgt.s32 v7, $0x11702  }
0x28c: {  	v7 =	vnsel vm15, $0x11702, v7  }
0x28d: {  	v7 =	vmin.u32 v7, $0x11801  }
0x28e: {  	s26 =	simm.s32 $0x0;
	[tilespmem:s31+$0x8000] =	vst v7  }
0x28f: {  	[hbm4b:s11+s26] =	stream.linear.scatter [tilespmem:s19], [sflag:$0x4], $0x8000, $0x38;
	[tilespmem:$0x10000] =	vst v63  }
0x290: {  	_ =	swait.ge [sflag:s23], $0x8000  }
0x291: {  	[sflag:s23] =	ssyncset.done $0x0  }
0x292: {  	[sflag:s23] =	ssyncadd.s32 $0xFFFF8000  }
0x293: {  	_ =	swait.ge [sflag:s21], $0x8000  }
0x294: {  	s0 =	sand.u32 $0x60, s26;
	s1 =	sand.u32 $0x7C00, s26;
	[sflag:s21] =	ssyncset.done $0x0  }
0x295: {  	s28 =	sor.u32 s0, s1;
	[sflag:s21] =	ssyncadd.s32 $0xFFFF8000  }
0x296: {  	[tilespmem:s19], [sflag:$0x2] =	stream.linear.gather [hbm4b:s12+s26], $0x8000, $0x38;
	[tilespmem:$0x10000] =	vst v63  }
0x297: {  	v7 =	vld [tilespmem:s28+$0x280]  }
0x298: {  	v8 =	vld [tilespmem:s28+$0x180]  }
0x299: {  	v9 =	vld [tilespmem:s28+$0x100]  }
0x29a: {  	v10 =	vld [tilespmem:s28+$0x200];
	_ =	sdelay $0x1  }
0x29b: {  	v11 =	vld [tilespmem:s28+$0x0]  }
0x29c: {  	v7 =	vmul.f32 $1.280000000e+02, v7  }
0x29d: {  	v8 =	vmul.f32 $1.280000000e+02, v8;
	v9 =	vmul.f32 $1.280000000e+02, v9  }
0x29e: {  	v12 =	vld [tilespmem:s28+$0x80];
	v10 =	vmul.f32 $1.280000000e+02, v10;
	v13 =	vadd.f32 $8.388736000e+06, v7  }
0x29f: {  	v14 =	vadd.f32 $8.388736000e+06, v8;
	v15 =	vadd.f32 $8.388736000e+06, v9  }
0x2a0: {  	v11 =	vmul.f32 $1.280000000e+02, v11;
	v18 =	vadd.f32 $8.388736000e+06, v10;
	v16 =	vadd.f32 $-8.388736000e+06, v13  }
0x2a1: {  	v17 =	vadd.f32 $-8.388736000e+06, v14;
	v19 =	vadd.f32 $-8.388736000e+06, v15  }
0x2a2: {  	v51 =	vadd.f32 $8.388736000e+06, v11;
	v49 =	vadd.f32 $-8.388736000e+06, v18;
	vm4 =	vgt.f32 v7, v16  }
0x2a3: {  	v7 =	vmul.f32 $1.280000000e+02, v12;
	vm1 =	vgt.f32 v8, v17;
	vm5 =	vgt.f32 v9, v19  }
0x2a4: {  	vm7 =	vgt.f32 v10, v49;
	v10 =	vadd.f32 $-8.388736000e+06, v51;
	v8 =	vsel vm4, $0xB501090F, v5  }
0x2a5: {  	v48 =	vsel vm1, $0xB500ED29, v3;
	v52 =	vsel vm5, $0xB500DF36, v2;
	v53 =	vsel vm7, $0xB500FB1C, v4  }
0x2a6: {  	v8 =	vadd.s32 v13, v8;
	v9 =	vadd.s32 v14, v48;
	v50 =	vadd.f32 $8.388736000e+06, v7  }
0x2a7: {  	v14 =	vadd.s32 v15, v52;
	v15 =	vadd.s32 v18, v53;
	vm9 =	vgt.f32 v11, v10  }
0x2a8: {  	vm6 =	vgt.s32 v8, $0x1090F;
	vm2 =	vgt.s32 v9, $0xED29;
	vm8 =	vgt.s32 v14, $0xDF36  }
0x2a9: {  	vm10 =	vgt.s32 v15, $0xFB1C;
	v11 =	vsel vm9, $0xB500C350, v0;
	v54 =	vadd.f32 $-8.388736000e+06, v50  }
0x2aa: {  	v8 =	vnsel vm6, $0x1090F, v8;
	v9 =	vnsel vm2, $0xED29, v9;
	v10 =	vnsel vm8, $0xDF36, v14  }
0x2ab: {  	v8 =	vmin.u32 v8, $0x10A0E;
	v9 =	vmin.u32 v9, $0xEE28;
	vm11 =	vgt.f32 v7, v54  }
0x2ac: {  	[tilespmem:s28+$0x280] =	vst v8;
	v7 =	vmin.u32 v10, $0xE035;
	v8 =	vadd.s32 v51, v11;
	v10 =	vsel vm11, $0xB500D143, v1  }
0x2ad: {  	[tilespmem:s28+$0x180] =	vst v9;
	v9 =	vnsel vm10, $0xFB1C, v15;
	vm12 =	vgt.s32 v8, $0xC350;
	v10 =	vadd.s32 v50, v10  }
0x2ae: {  	s1 =	sand.u32 $0x3, s26;
	[tilespmem:s28+$0x100] =	vst v7;
	v7 =	vmin.u32 v9, $0xFC1B;
	v8 =	vnsel vm12, $0xC350, v8;
	vm13 =	vgt.s32 v10, $0xD143  }
0x2af: {  	s0 =	sshll.u32 s1, $0x5;
	[tilespmem:s28+$0x200] =	vst v7;
	v8 =	vmin.u32 v8, $0xC44F;
	v9 =	vnsel vm13, $0xD143, v10  }
0x2b0: {  	s29 =	sadd.s32 $0x0, s0;
	[tilespmem:s28+$0x0] =	vst v8;
	v7 =	vmin.u32 v9, $0xD242  }
0x2b1: {  	s0 =	sor.u32 $0x300, s29;
	[tilespmem:s28+$0x80] =	vst v7  }
0x2b2: {  	v7 =	vld [tilespmem:s0+$0x0];
	_ =	sdelay $0x4  }
0x2b3: {  	v7 =	vmul.f32 $1.280000000e+02, v7;
	_ =	sdelay $0x1  }
0x2b4: {  	v8 =	vadd.f32 $8.388736000e+06, v7;
	_ =	sdelay $0x1  }
0x2b5: {  	v9 =	vadd.f32 $-8.388736000e+06, v8;
	_ =	sdelay $0x1  }
0x2b6: {  	vm14 =	vgt.f32 v7, v9  }
0x2b7: {  	v7 =	vsel vm14, $0xB5011702, v6  }
0x2b8: {  	v7 =	vadd.s32 v8, v7  }
0x2b9: {  	vm15 =	vgt.s32 v7, $0x11702  }
0x2ba: {  	v7 =	vnsel vm15, $0x11702, v7  }
0x2bb: {  	v7 =	vmin.u32 v7, $0x11801  }
0x2bc: {  	[tilespmem:s0+$0x0] =	vst v7  }
0x2bd: {  	v7 =	vld [tilespmem:s28+$0x90]  }
0x2be: {  	v8 =	vld [tilespmem:s28+$0x210]  }
0x2bf: {  	v9 =	vld [tilespmem:s28+$0x110]  }
0x2c0: {  	v10 =	vld [tilespmem:s28+$0x190]  }
0x2c1: {  	v11 =	vld [tilespmem:s28+$0x10]  }
0x2c2: {  	v55 =	vld [tilespmem:s28+$0x290];
	_ =	sdelay $0x1  }
0x2c3: {  	v7 =	vmul.f32 $1.280000000e+02, v7  }
0x2c4: {  	v8 =	vmul.f32 $1.280000000e+02, v8;
	v9 =	vmul.f32 $1.280000000e+02, v9  }
0x2c5: {  	v10 =	vmul.f32 $1.280000000e+02, v10;
	v11 =	vmul.f32 $1.280000000e+02, v11;
	v56 =	vadd.f32 $8.388736000e+06, v7  }
0x2c6: {  	v12 =	vmul.f32 $1.280000000e+02, v55;
	v57 =	vadd.f32 $8.388736000e+06, v8;
	v59 =	vadd.f32 $8.388736000e+06, v9  }
0x2c7: {  	v60 =	vadd.f32 $8.388736000e+06, v10;
	v62 =	vadd.f32 $8.388736000e+06, v11  }
0x2c8: {  	v21 =	vadd.f32 $8.388736000e+06, v12;
	v58 =	vadd.f32 $-8.388736000e+06, v56  }
0x2c9: {  	v61 =	vadd.f32 $-8.388736000e+06, v57;
	v20 =	vadd.f32 $-8.388736000e+06, v60  }
0x2ca: {  	v22 =	vadd.f32 $-8.388736000e+06, v62;
	vm4 =	vgt.f32 v7, v58;
	v7 =	vadd.f32 $-8.388736000e+06, v59  }
0x2cb: {  	vm6 =	vgt.f32 v10, v20;
	vm7 =	vgt.f32 v8, v61;
	v10 =	vadd.f32 $-8.388736000e+06, v21  }
0x2cc: {  	vm11 =	vgt.f32 v11, v22;
	v15 =	vsel vm4, $0xB500D143, v1;
	v8 =	vsel vm6, $0xB500ED29, v3  }
0x2cd: {  	v11 =	vsel vm7, $0xB500FB1C, v4;
	v63 =	vsel vm11, $0xB500C350, v0;
	v13 =	vadd.s32 v56, v15  }
0x2ce: {  	vm5 =	vgt.f32 v9, v7;
	v8 =	vadd.s32 v60, v8;
	v11 =	vadd.s32 v57, v11  }
0x2cf: {  	vm12 =	vgt.f32 v12, v10;
	v7 =	vsel vm5, $0xB500DF36, v2;
	vm8 =	vgt.s32 v13, $0xD143  }
0x2d0: {  	vm10 =	vgt.s32 v8, $0xED29;
	vm13 =	vgt.s32 v11, $0xFB1C;
	v7 =	vadd.s32 v59, v7  }
0x2d1: {  	v10 =	vsel vm12, $0xB501090F, v5;
	v9 =	vnsel vm8, $0xD143, v13;
	vm9 =	vgt.s32 v7, $0xDF36  }
0x2d2: {  	v8 =	vnsel vm10, $0xED29, v8;
	v9 =	vmin.u32 v9, $0xD242;
	v7 =	vnsel vm9, $0xDF36, v7  }
0x2d3: {  	v10 =	vadd.s32 v21, v10;
	[tilespmem:s28+$0x90] =	vst v9;
	v9 =	vadd.s32 v62, v63;
	v7 =	vmin.u32 v7, $0xE035  }
0x2d4: {  	v8 =	vmin.u32 v8, $0xEE28;
	vm14 =	vgt.s32 v9, $0xC350;
	[tilespmem:s28+$0x110] =	vst v7;
	v7 =	vnsel vm13, $0xFB1C, v11  }
0x2d5: {  	s1 =	sadd.s32 $0x10, s29;
	vm15 =	vgt.s32 v10, $0x1090F;
	[tilespmem:s28+$0x190] =	vst v8;
	v8 =	vnsel vm14, $0xC350, v9;
	v9 =	vmin.u32 v7, $0xFC1B  }
0x2d6: {  	s30 =	simm.s32 $0x0;
	s29 =	simm.s32 $0x20;
	s31 =	sor.u32 $0x300, s1;
	v7 =	vmin.u32 v8, $0xC44F;
	v8 =	vnsel vm15, $0x1090F, v10;
	[tilespmem:s28+$0x210] =	vst v9  }
.LBB2_10:
0x2d7: {  	p0 =	sne.s32 s29, $0xFE0;
	[tilespmem:s28+$0x10] =	vst v7;
	v7 =	vmin.u32 v8, $0x10A0E;
	s26 =	sadd.s32 $0x100, s26;
	s30 =	sadd.s32 $0x1, s30  }
0x2d8: {  	s0 =	smov.u32 s29;
	s29 =	sadd.s32 $0x20, s29;
	[tilespmem:s28+$0x290] =	vst v7  }
0x2d9: {  	v7 =	vld [tilespmem:s31+$0x0];
	_ =	sdelay $0x4  }
0x2da: {  	v7 =	vmul.f32 $1.280000000e+02, v7;
	_ =	sdelay $0x1  }
0x2db: {  	v8 =	vadd.f32 $8.388736000e+06, v7;
	_ =	sdelay $0x1  }
0x2dc: {  	v9 =	vadd.f32 $-8.388736000e+06, v8;
	_ =	sdelay $0x1  }
0x2dd: {  	vm0 =	vgt.f32 v7, v9  }
0x2de: {  	v7 =	vsel vm0, $0xB5011702, v6  }
0x2df: {  	v7 =	vadd.s32 v8, v7  }
0x2e0: {  	vm0 =	vgt.s32 v7, $0x11702  }
0x2e1: {  	v7 =	vnsel vm0, $0x11702, v7  }
0x2e2: {  	s0 =	sand.u32 $0x60, s0;
	s1 =	sand.u32 $0x7C00, s26;
	v7 =	vmin.u32 v7, $0x11801  }
0x2e3: {  	s28 =	sor.u32 s0, s1;
	[tilespmem:s31+$0x0] =	vst v7  }
0x2e4: {  	v7 =	vld [tilespmem:s28+$0x280]  }
0x2e5: {  	v8 =	vld [tilespmem:s28+$0x180]  }
0x2e6: {  	v9 =	vld [tilespmem:s28+$0x100]  }
0x2e7: {  	v10 =	vld [tilespmem:s28+$0x200];
	_ =	sdelay $0x1  }
0x2e8: {  	v11 =	vld [tilespmem:s28+$0x0];
	v7 =	vmul.f32 $1.280000000e+02, v7  }
0x2e9: {  	v8 =	vmul.f32 $1.280000000e+02, v8  }
0x2ea: {  	v12 =	vld [tilespmem:s28+$0x80];
	v9 =	vmul.f32 $1.280000000e+02, v9;
	v13 =	vadd.f32 $8.388736000e+06, v7  }
0x2eb: {  	v14 =	vadd.f32 $8.388736000e+06, v8;
	v10 =	vmul.f32 $1.280000000e+02, v10  }
0x2ec: {  	v15 =	vadd.f32 $8.388736000e+06, v9;
	v16 =	vadd.f32 $-8.388736000e+06, v13  }
0x2ed: {  	v11 =	vmul.f32 $1.280000000e+02, v11;
	v17 =	vadd.f32 $-8.388736000e+06, v14;
	v18 =	vadd.f32 $8.388736000e+06, v10  }
0x2ee: {  	v19 =	vadd.f32 $-8.388736000e+06, v15;
	vm0 =	vgt.f32 v7, v16  }
0x2ef: {  	v7 =	vmul.f32 $1.280000000e+02, v12;
	vm1 =	vgt.f32 v8, v17;
	v8 =	vsel vm0, $0xB501090F, v5  }
0x2f0: {  	v16 =	vadd.f32 $-8.388736000e+06, v18;
	v12 =	vsel vm1, $0xB500ED29, v3;
	v8 =	vadd.s32 v13, v8  }
0x2f1: {  	vm0 =	vgt.f32 v9, v19;
	v9 =	vadd.s32 v14, v12;
	vm1 =	vgt.s32 v8, $0x1090F  }
0x2f2: {  	v12 =	vadd.f32 $8.388736000e+06, v7;
	vm2 =	vgt.s32 v9, $0xED29;
	v8 =	vnsel vm1, $0x1090F, v8  }
0x2f3: {  	v13 =	vadd.f32 $8.388736000e+06, v11;
	v9 =	vnsel vm2, $0xED29, v9;
	v8 =	vmin.u32 v8, $0x10A0E  }
0x2f4: {  	v14 =	vsel vm0, $0xB500DF36, v2;
	vm0 =	vgt.f32 v10, v16;
	v9 =	vmin.u32 v9, $0xEE28;
	[tilespmem:s28+$0x280] =	vst v8  }
0x2f5: {  	v10 =	vadd.s32 v15, v14;
	v8 =	vadd.f32 $-8.388736000e+06, v13;
	[tilespmem:s28+$0x180] =	vst v9;
	v9 =	vsel vm0, $0xB500FB1C, v4  }
0x2f6: {  	v14 =	vadd.f32 $-8.388736000e+06, v12;
	vm0 =	vgt.s32 v10, $0xDF36;
	v9 =	vadd.s32 v18, v9  }
0x2f7: {  	vm1 =	vgt.f32 v11, v8;
	v8 =	vnsel vm0, $0xDF36, v10;
	vm0 =	vgt.s32 v9, $0xFB1C  }
0x2f8: {  	v10 =	vsel vm1, $0xB500C350, v0;
	vm1 =	vgt.f32 v7, v14;
	v7 =	vmin.u32 v8, $0xE035  }
0x2f9: {  	v8 =	vadd.s32 v13, v10;
	v10 =	vsel vm1, $0xB500D143, v1;
	[tilespmem:s28+$0x100] =	vst v7;
	v7 =	vnsel vm0, $0xFB1C, v9  }
0x2fa: {  	vm0 =	vgt.s32 v8, $0xC350;
	v9 =	vadd.s32 v12, v10;
	v7 =	vmin.u32 v7, $0xFC1B  }
0x2fb: {  	s0 =	sand.u32 $0x3, s30;
	v8 =	vnsel vm0, $0xC350, v8;
	vm0 =	vgt.s32 v9, $0xD143  }
0x2fc: {  	s0 =	sshll.u32 s0, $0x5;
	v8 =	vmin.u32 v8, $0xC44F;
	v9 =	vnsel vm0, $0xD143, v9;
	[tilespmem:s28+$0x200] =	vst v7  }
0x2fd: {  	s0 =	sadd.s32 s0, s26;
	v7 =	vmin.u32 v9, $0xD242;
	[tilespmem:s28+$0x0] =	vst v8  }
0x2fe: {  	s1 =	sor.u32 $0x300, s0;
	s0 =	sadd.s32 $0x10, s0;
	[tilespmem:s28+$0x80] =	vst v7  }
0x2ff: {  	s31 =	sor.u32 $0x300, s0;
	v7 =	vld [tilespmem:s1+$0x0];
	_ =	sdelay $0x4  }
0x300: {  	v7 =	vmul.f32 $1.280000000e+02, v7;
	_ =	sdelay $0x1  }
0x301: {  	v8 =	vadd.f32 $8.388736000e+06, v7;
	_ =	sdelay $0x1  }
0x302: {  	v9 =	vadd.f32 $-8.388736000e+06, v8;
	_ =	sdelay $0x1  }
0x303: {  	vm0 =	vgt.f32 v7, v9  }
0x304: {  	v7 =	vsel vm0, $0xB5011702, v6  }
0x305: {  	v7 =	vadd.s32 v8, v7  }
0x306: {  	vm0 =	vgt.s32 v7, $0x11702  }
0x307: {  	v7 =	vnsel vm0, $0x11702, v7  }
0x308: {  	v7 =	vmin.u32 v7, $0x11801  }
0x309: {  	[tilespmem:s1+$0x0] =	vst v7  }
0x30a: {  	v7 =	vld [tilespmem:s28+$0x90]  }
0x30b: {  	v8 =	vld [tilespmem:s28+$0x210]  }
0x30c: {  	v9 =	vld [tilespmem:s28+$0x110]  }
0x30d: {  	v10 =	vld [tilespmem:s28+$0x190]  }
0x30e: {  	v11 =	vld [tilespmem:s28+$0x10]  }
0x30f: {  	v7 =	vmul.f32 $1.280000000e+02, v7;
	v12 =	vld [tilespmem:s28+$0x290]  }
0x310: {  	v8 =	vmul.f32 $1.280000000e+02, v8  }
0x311: {  	v13 =	vadd.f32 $8.388736000e+06, v7;
	v9 =	vmul.f32 $1.280000000e+02, v9  }
0x312: {  	v10 =	vmul.f32 $1.280000000e+02, v10;
	v14 =	vadd.f32 $8.388736000e+06, v8  }
0x313: {  	v11 =	vmul.f32 $1.280000000e+02, v11;
	v15 =	vadd.f32 $-8.388736000e+06, v13;
	v16 =	vadd.f32 $8.388736000e+06, v9  }
0x314: {  	v17 =	vadd.f32 $8.388736000e+06, v10;
	v18 =	vadd.f32 $-8.388736000e+06, v14;
	v12 =	vmul.f32 $1.280000000e+02, v12  }
0x315: {  	v19 =	vadd.f32 $8.388736000e+06, v11;
	vm0 =	vgt.f32 v7, v15;
	v7 =	vadd.f32 $-8.388736000e+06, v16  }
0x316: {  	v15 =	vsel vm0, $0xB500D143, v1;
	v20 =	vadd.f32 $-8.388736000e+06, v17;
	v21 =	vadd.f32 $8.388736000e+06, v12  }
0x317: {  	v22 =	vadd.f32 $-8.388736000e+06, v19;
	v13 =	vadd.s32 v13, v15;
	vm0 =	vgt.f32 v9, v7  }
0x318: {  	vm1 =	vgt.f32 v8, v18;
	v7 =	vsel vm0, $0xB500DF36, v2;
	vm0 =	vgt.f32 v10, v20  }
0x319: {  	vm2 =	vgt.s32 v13, $0xD143;
	v7 =	vadd.s32 v16, v7;
	v8 =	vsel vm0, $0xB500ED29, v3  }
0x31a: {  	v9 =	vnsel vm2, $0xD143, v13;
	vm0 =	vgt.s32 v7, $0xDF36;
	v8 =	vadd.s32 v17, v8  }
0x31b: {  	v9 =	vmin.u32 v9, $0xD242;
	v7 =	vnsel vm0, $0xDF36, v7;
	vm0 =	vgt.s32 v8, $0xED29  }
0x31c: {  	[tilespmem:s28+$0x90] =	vst v9;
	v7 =	vmin.u32 v7, $0xE035;
	v8 =	vnsel vm0, $0xED29, v8;
	v9 =	vadd.f32 $-8.388736000e+06, v21  }
0x31d: {  	vm0 =	vgt.f32 v11, v22;
	[tilespmem:s28+$0x110] =	vst v7;
	v7 =	vmin.u32 v8, $0xEE28;
	v8 =	vsel vm1, $0xB500FB1C, v4  }
.Ltmp4:
0x31e: {  	v10 =	vsel vm0, $0xB500C350, v0;
	[tilespmem:s28+$0x190] =	vst v7;
	v7 =	vadd.s32 v14, v8;
	vm0 =	vgt.f32 v12, v9;
	(pc) =	sbr.rel @p0 .LBB2_10-.Ltmp4, $4  }
0x31f: {  	v8 =	vadd.s32 v19, v10;
	vm1 =	vgt.s32 v7, $0xFB1C;
	v9 =	vsel vm0, $0xB501090F, v5  }
0x320: {  	vm0 =	vgt.s32 v8, $0xC350;
	v7 =	vnsel vm1, $0xFB1C, v7;
	v9 =	vadd.s32 v21, v9  }
0x321: {  	v8 =	vnsel vm0, $0xC350, v8;
	v10 =	vmin.u32 v7, $0xFC1B;
	vm0 =	vgt.s32 v9, $0x1090F  }
0x322: {  	v7 =	vmin.u32 v8, $0xC44F;
	[tilespmem:s28+$0x210] =	vst v10;
	v8 =	vnsel vm0, $0x1090F, v9  }
0x323: {  	[tilespmem:s28+$0x10] =	vst v7;
	v7 =	vmin.u32 v8, $0x10A0E  }
0x324: {  	[tilespmem:s28+$0x290] =	vst v7  }
0x325: {  	v7 =	vld [tilespmem:s31+$0x0];
	_ =	sdelay $0x4  }
0x326: {  	v7 =	vmul.f32 $1.280000000e+02, v7;
	_ =	sdelay $0x1  }
0x327: {  	v8 =	vadd.f32 $8.388736000e+06, v7;
	_ =	sdelay $0x1  }
0x328: {  	v9 =	vadd.f32 $-8.388736000e+06, v8;
	_ =	sdelay $0x1  }
0x329: {  	vm0 =	vgt.f32 v7, v9  }
0x32a: {  	v7 =	vsel vm0, $0xB5011702, v6  }
0x32b: {  	v7 =	vadd.s32 v8, v7  }
0x32c: {  	vm15 =	vgt.s32 v7, $0x11702  }
0x32d: {  	v7 =	vnsel vm15, $0x11702, v7  }
0x32e: {  	v7 =	vmin.u32 v7, $0x11801  }
0x32f: {  	s26 =	simm.s32 $0x0;
	[tilespmem:s31+$0x0] =	vst v7  }
0x330: {  	[hbm4b:s13+s26] =	stream.linear.scatter [tilespmem:s26], [sflag:$0x3], $0x8000, $0x38;
	[tilespmem:$0x10000] =	vst v63  }
0x331: {  	_ =	swait.ge [sflag:s24], $0x8000  }
0x332: {  	[sflag:s24] =	ssyncset.done $0x0  }
0x333: {  	[sflag:s24] =	ssyncadd.s32 $0xFFFF8000  }
0x334: {  	_ =	swait.ge [sflag:s22], $0x8000  }
0x335: {  	s0 =	sand.u32 $0x60, s26;
	s1 =	sand.u32 $0x7C00, s26;
	[sflag:s22] =	ssyncset.done $0x0  }
0x336: {  	s28 =	sor.u32 s0, s1;
	[sflag:s22] =	ssyncadd.s32 $0xFFFF8000  }
0x337: {  	[tilespmem:s26], [sflag:$0x1] =	stream.linear.gather [hbm4b:s14+s26], $0x8000, $0x38;
	[tilespmem:$0x10000] =	vst v63  }
0x338: {  	v7 =	vld [tilespmem:s28+$0x8280]  }
0x339: {  	v8 =	vld [tilespmem:s28+$0x8180]  }
0x33a: {  	v9 =	vld [tilespmem:s28+$0x8100]  }
0x33b: {  	v10 =	vld [tilespmem:s28+$0x8200];
	_ =	sdelay $0x1  }
0x33c: {  	v11 =	vld [tilespmem:s28+$0x8000]  }
0x33d: {  	v7 =	vmul.f32 $1.280000000e+02, v7  }
0x33e: {  	v8 =	vmul.f32 $1.280000000e+02, v8;
	v9 =	vmul.f32 $1.280000000e+02, v9  }
0x33f: {  	v12 =	vld [tilespmem:s28+$0x8080];
	v10 =	vmul.f32 $1.280000000e+02, v10;
	v13 =	vadd.f32 $8.388736000e+06, v7  }
0x340: {  	v14 =	vadd.f32 $8.388736000e+06, v8;
	v15 =	vadd.f32 $8.388736000e+06, v9  }
0x341: {  	v11 =	vmul.f32 $1.280000000e+02, v11;
	v18 =	vadd.f32 $8.388736000e+06, v10;
	v16 =	vadd.f32 $-8.388736000e+06, v13  }
0x342: {  	v17 =	vadd.f32 $-8.388736000e+06, v14;
	v19 =	vadd.f32 $-8.388736000e+06, v15  }
0x343: {  	v51 =	vadd.f32 $8.388736000e+06, v11;
	v49 =	vadd.f32 $-8.388736000e+06, v18;
	vm4 =	vgt.f32 v7, v16  }
0x344: {  	v7 =	vmul.f32 $1.280000000e+02, v12;
	vm1 =	vgt.f32 v8, v17;
	vm5 =	vgt.f32 v9, v19  }
0x345: {  	vm7 =	vgt.f32 v10, v49;
	v10 =	vadd.f32 $-8.388736000e+06, v51;
	v8 =	vsel vm4, $0xB501090F, v5  }
0x346: {  	v48 =	vsel vm1, $0xB500ED29, v3;
	v52 =	vsel vm5, $0xB500DF36, v2;
	v53 =	vsel vm7, $0xB500FB1C, v4  }
0x347: {  	v8 =	vadd.s32 v13, v8;
	v9 =	vadd.s32 v14, v48;
	v50 =	vadd.f32 $8.388736000e+06, v7  }
0x348: {  	v14 =	vadd.s32 v15, v52;
	v15 =	vadd.s32 v18, v53;
	vm9 =	vgt.f32 v11, v10  }
0x349: {  	vm6 =	vgt.s32 v8, $0x1090F;
	vm2 =	vgt.s32 v9, $0xED29;
	vm8 =	vgt.s32 v14, $0xDF36  }
0x34a: {  	vm10 =	vgt.s32 v15, $0xFB1C;
	v11 =	vsel vm9, $0xB500C350, v0;
	v54 =	vadd.f32 $-8.388736000e+06, v50  }
0x34b: {  	v8 =	vnsel vm6, $0x1090F, v8;
	v9 =	vnsel vm2, $0xED29, v9;
	v10 =	vnsel vm8, $0xDF36, v14  }
0x34c: {  	v8 =	vmin.u32 v8, $0x10A0E;
	v9 =	vmin.u32 v9, $0xEE28;
	vm11 =	vgt.f32 v7, v54  }
0x34d: {  	[tilespmem:s28+$0x8280] =	vst v8;
	v7 =	vmin.u32 v10, $0xE035;
	v8 =	vadd.s32 v51, v11;
	v10 =	vsel vm11, $0xB500D143, v1  }
0x34e: {  	[tilespmem:s28+$0x8180] =	vst v9;
	v9 =	vnsel vm10, $0xFB1C, v15;
	vm12 =	vgt.s32 v8, $0xC350;
	v10 =	vadd.s32 v50, v10  }
0x34f: {  	s1 =	sand.u32 $0x3, s26;
	[tilespmem:s28+$0x8100] =	vst v7;
	v7 =	vmin.u32 v9, $0xFC1B;
	v8 =	vnsel vm12, $0xC350, v8;
	vm13 =	vgt.s32 v10, $0xD143  }
0x350: {  	s0 =	sshll.u32 s1, $0x5;
	[tilespmem:s28+$0x8200] =	vst v7;
	v8 =	vmin.u32 v8, $0xC44F;
	v9 =	vnsel vm13, $0xD143, v10  }
0x351: {  	s29 =	sadd.s32 $0x0, s0;
	[tilespmem:s28+$0x8000] =	vst v8;
	v7 =	vmin.u32 v9, $0xD242  }
0x352: {  	s0 =	sor.u32 $0x300, s29;
	[tilespmem:s28+$0x8080] =	vst v7  }
0x353: {  	v7 =	vld [tilespmem:s0+$0x8000];
	_ =	sdelay $0x4  }
0x354: {  	v7 =	vmul.f32 $1.280000000e+02, v7;
	_ =	sdelay $0x1  }
0x355: {  	v8 =	vadd.f32 $8.388736000e+06, v7;
	_ =	sdelay $0x1  }
0x356: {  	v9 =	vadd.f32 $-8.388736000e+06, v8;
	_ =	sdelay $0x1  }
0x357: {  	vm14 =	vgt.f32 v7, v9  }
0x358: {  	v7 =	vsel vm14, $0xB5011702, v6  }
0x359: {  	v7 =	vadd.s32 v8, v7  }
0x35a: {  	vm15 =	vgt.s32 v7, $0x11702  }
0x35b: {  	v7 =	vnsel vm15, $0x11702, v7  }
0x35c: {  	v7 =	vmin.u32 v7, $0x11801  }
0x35d: {  	[tilespmem:s0+$0x8000] =	vst v7  }
0x35e: {  	v7 =	vld [tilespmem:s28+$0x8090]  }
0x35f: {  	v8 =	vld [tilespmem:s28+$0x8210]  }
0x360: {  	v9 =	vld [tilespmem:s28+$0x8110]  }
0x361: {  	v10 =	vld [tilespmem:s28+$0x8190]  }
0x362: {  	v11 =	vld [tilespmem:s28+$0x8010]  }
0x363: {  	v55 =	vld [tilespmem:s28+$0x8290];
	_ =	sdelay $0x1  }
0x364: {  	v7 =	vmul.f32 $1.280000000e+02, v7  }
0x365: {  	v8 =	vmul.f32 $1.280000000e+02, v8;
	v9 =	vmul.f32 $1.280000000e+02, v9  }
0x366: {  	v10 =	vmul.f32 $1.280000000e+02, v10;
	v11 =	vmul.f32 $1.280000000e+02, v11;
	v56 =	vadd.f32 $8.388736000e+06, v7  }
0x367: {  	v12 =	vmul.f32 $1.280000000e+02, v55;
	v57 =	vadd.f32 $8.388736000e+06, v8;
	v59 =	vadd.f32 $8.388736000e+06, v9  }
0x368: {  	v60 =	vadd.f32 $8.388736000e+06, v10;
	v62 =	vadd.f32 $8.388736000e+06, v11  }
0x369: {  	v21 =	vadd.f32 $8.388736000e+06, v12;
	v58 =	vadd.f32 $-8.388736000e+06, v56  }
0x36a: {  	v61 =	vadd.f32 $-8.388736000e+06, v57;
	v20 =	vadd.f32 $-8.388736000e+06, v60  }
0x36b: {  	v22 =	vadd.f32 $-8.388736000e+06, v62;
	vm4 =	vgt.f32 v7, v58;
	v7 =	vadd.f32 $-8.388736000e+06, v59  }
0x36c: {  	vm6 =	vgt.f32 v10, v20;
	vm7 =	vgt.f32 v8, v61;
	v10 =	vadd.f32 $-8.388736000e+06, v21  }
0x36d: {  	vm11 =	vgt.f32 v11, v22;
	v15 =	vsel vm4, $0xB500D143, v1;
	v8 =	vsel vm6, $0xB500ED29, v3  }
0x36e: {  	v11 =	vsel vm7, $0xB500FB1C, v4;
	v63 =	vsel vm11, $0xB500C350, v0;
	v13 =	vadd.s32 v56, v15  }
0x36f: {  	vm5 =	vgt.f32 v9, v7;
	v8 =	vadd.s32 v60, v8;
	v11 =	vadd.s32 v57, v11  }
0x370: {  	vm12 =	vgt.f32 v12, v10;
	v7 =	vsel vm5, $0xB500DF36, v2;
	vm8 =	vgt.s32 v13, $0xD143  }
0x371: {  	vm10 =	vgt.s32 v8, $0xED29;
	vm13 =	vgt.s32 v11, $0xFB1C;
	v7 =	vadd.s32 v59, v7  }
0x372: {  	v10 =	vsel vm12, $0xB501090F, v5;
	v9 =	vnsel vm8, $0xD143, v13;
	vm9 =	vgt.s32 v7, $0xDF36  }
0x373: {  	v8 =	vnsel vm10, $0xED29, v8;
	v9 =	vmin.u32 v9, $0xD242;
	v7 =	vnsel vm9, $0xDF36, v7  }
0x374: {  	v10 =	vadd.s32 v21, v10;
	[tilespmem:s28+$0x8090] =	vst v9;
	v9 =	vadd.s32 v62, v63;
	v7 =	vmin.u32 v7, $0xE035  }
0x375: {  	v8 =	vmin.u32 v8, $0xEE28;
	vm14 =	vgt.s32 v9, $0xC350;
	[tilespmem:s28+$0x8110] =	vst v7;
	v7 =	vnsel vm13, $0xFB1C, v11  }
0x376: {  	s1 =	sadd.s32 $0x10, s29;
	vm15 =	vgt.s32 v10, $0x1090F;
	[tilespmem:s28+$0x8190] =	vst v8;
	v8 =	vnsel vm14, $0xC350, v9;
	v9 =	vmin.u32 v7, $0xFC1B  }
0x377: {  	s30 =	simm.s32 $0x0;
	s29 =	simm.s32 $0x20;
	s31 =	sor.u32 $0x300, s1;
	v7 =	vmin.u32 v8, $0xC44F;
	v8 =	vnsel vm15, $0x1090F, v10;
	[tilespmem:s28+$0x8210] =	vst v9  }
.LBB2_12:
0x378: {  	p0 =	sne.s32 s29, $0xFE0;
	[tilespmem:s28+$0x8010] =	vst v7;
	v7 =	vmin.u32 v8, $0x10A0E;
	s26 =	sadd.s32 $0x100, s26;
	s30 =	sadd.s32 $0x1, s30  }
0x379: {  	s0 =	smov.u32 s29;
	s29 =	sadd.s32 $0x20, s29;
	[tilespmem:s28+$0x8290] =	vst v7  }
0x37a: {  	v7 =	vld [tilespmem:s31+$0x8000];
	_ =	sdelay $0x4  }
0x37b: {  	v7 =	vmul.f32 $1.280000000e+02, v7;
	_ =	sdelay $0x1  }
0x37c: {  	v8 =	vadd.f32 $8.388736000e+06, v7;
	_ =	sdelay $0x1  }
0x37d: {  	v9 =	vadd.f32 $-8.388736000e+06, v8;
	_ =	sdelay $0x1  }
0x37e: {  	vm0 =	vgt.f32 v7, v9  }
0x37f: {  	v7 =	vsel vm0, $0xB5011702, v6  }
0x380: {  	v7 =	vadd.s32 v8, v7  }
0x381: {  	vm0 =	vgt.s32 v7, $0x11702  }
0x382: {  	v7 =	vnsel vm0, $0x11702, v7  }
0x383: {  	s0 =	sand.u32 $0x60, s0;
	s1 =	sand.u32 $0x7C00, s26;
	v7 =	vmin.u32 v7, $0x11801  }
0x384: {  	s28 =	sor.u32 s0, s1;
	[tilespmem:s31+$0x8000] =	vst v7  }
0x385: {  	v7 =	vld [tilespmem:s28+$0x8280]  }
0x386: {  	v8 =	vld [tilespmem:s28+$0x8180]  }
0x387: {  	v9 =	vld [tilespmem:s28+$0x8100]  }
0x388: {  	v10 =	vld [tilespmem:s28+$0x8200];
	_ =	sdelay $0x1  }
0x389: {  	v11 =	vld [tilespmem:s28+$0x8000];
	v7 =	vmul.f32 $1.280000000e+02, v7  }
0x38a: {  	v8 =	vmul.f32 $1.280000000e+02, v8  }
0x38b: {  	v12 =	vld [tilespmem:s28+$0x8080];
	v9 =	vmul.f32 $1.280000000e+02, v9;
	v13 =	vadd.f32 $8.388736000e+06, v7  }
0x38c: {  	v14 =	vadd.f32 $8.388736000e+06, v8;
	v10 =	vmul.f32 $1.280000000e+02, v10  }
0x38d: {  	v15 =	vadd.f32 $8.388736000e+06, v9;
	v16 =	vadd.f32 $-8.388736000e+06, v13  }
0x38e: {  	v11 =	vmul.f32 $1.280000000e+02, v11;
	v17 =	vadd.f32 $-8.388736000e+06, v14;
	v18 =	vadd.f32 $8.388736000e+06, v10  }
0x38f: {  	v19 =	vadd.f32 $-8.388736000e+06, v15;
	vm0 =	vgt.f32 v7, v16  }
0x390: {  	v7 =	vmul.f32 $1.280000000e+02, v12;
	vm1 =	vgt.f32 v8, v17;
	v8 =	vsel vm0, $0xB501090F, v5  }
0x391: {  	v16 =	vadd.f32 $-8.388736000e+06, v18;
	v12 =	vsel vm1, $0xB500ED29, v3;
	v8 =	vadd.s32 v13, v8  }
0x392: {  	vm0 =	vgt.f32 v9, v19;
	v9 =	vadd.s32 v14, v12;
	vm1 =	vgt.s32 v8, $0x1090F  }
0x393: {  	v12 =	vadd.f32 $8.388736000e+06, v7;
	vm2 =	vgt.s32 v9, $0xED29;
	v8 =	vnsel vm1, $0x1090F, v8  }
0x394: {  	v13 =	vadd.f32 $8.388736000e+06, v11;
	v9 =	vnsel vm2, $0xED29, v9;
	v8 =	vmin.u32 v8, $0x10A0E  }
0x395: {  	v14 =	vsel vm0, $0xB500DF36, v2;
	vm0 =	vgt.f32 v10, v16;
	v9 =	vmin.u32 v9, $0xEE28;
	[tilespmem:s28+$0x8280] =	vst v8  }
0x396: {  	v10 =	vadd.s32 v15, v14;
	v8 =	vadd.f32 $-8.388736000e+06, v13;
	[tilespmem:s28+$0x8180] =	vst v9;
	v9 =	vsel vm0, $0xB500FB1C, v4  }
0x397: {  	v14 =	vadd.f32 $-8.388736000e+06, v12;
	vm0 =	vgt.s32 v10, $0xDF36;
	v9 =	vadd.s32 v18, v9  }
0x398: {  	vm1 =	vgt.f32 v11, v8;
	v8 =	vnsel vm0, $0xDF36, v10;
	vm0 =	vgt.s32 v9, $0xFB1C  }
0x399: {  	v10 =	vsel vm1, $0xB500C350, v0;
	vm1 =	vgt.f32 v7, v14;
	v7 =	vmin.u32 v8, $0xE035  }
0x39a: {  	v8 =	vadd.s32 v13, v10;
	v10 =	vsel vm1, $0xB500D143, v1;
	[tilespmem:s28+$0x8100] =	vst v7;
	v7 =	vnsel vm0, $0xFB1C, v9  }
0x39b: {  	vm0 =	vgt.s32 v8, $0xC350;
	v9 =	vadd.s32 v12, v10;
	v7 =	vmin.u32 v7, $0xFC1B  }
0x39c: {  	s0 =	sand.u32 $0x3, s30;
	v8 =	vnsel vm0, $0xC350, v8;
	vm0 =	vgt.s32 v9, $0xD143  }
0x39d: {  	s0 =	sshll.u32 s0, $0x5;
	v8 =	vmin.u32 v8, $0xC44F;
	v9 =	vnsel vm0, $0xD143, v9;
	[tilespmem:s28+$0x8200] =	vst v7  }
0x39e: {  	s0 =	sadd.s32 s0, s26;
	v7 =	vmin.u32 v9, $0xD242;
	[tilespmem:s28+$0x8000] =	vst v8  }
0x39f: {  	s1 =	sor.u32 $0x300, s0;
	s0 =	sadd.s32 $0x10, s0;
	[tilespmem:s28+$0x8080] =	vst v7  }
0x3a0: {  	s31 =	sor.u32 $0x300, s0;
	v7 =	vld [tilespmem:s1+$0x8000];
	_ =	sdelay $0x4  }
0x3a1: {  	v7 =	vmul.f32 $1.280000000e+02, v7;
	_ =	sdelay $0x1  }
0x3a2: {  	v8 =	vadd.f32 $8.388736000e+06, v7;
	_ =	sdelay $0x1  }
0x3a3: {  	v9 =	vadd.f32 $-8.388736000e+06, v8;
	_ =	sdelay $0x1  }
0x3a4: {  	vm0 =	vgt.f32 v7, v9  }
0x3a5: {  	v7 =	vsel vm0, $0xB5011702, v6  }
0x3a6: {  	v7 =	vadd.s32 v8, v7  }
0x3a7: {  	vm0 =	vgt.s32 v7, $0x11702  }
0x3a8: {  	v7 =	vnsel vm0, $0x11702, v7  }
0x3a9: {  	v7 =	vmin.u32 v7, $0x11801  }
0x3aa: {  	[tilespmem:s1+$0x8000] =	vst v7  }
0x3ab: {  	v7 =	vld [tilespmem:s28+$0x8090]  }
0x3ac: {  	v8 =	vld [tilespmem:s28+$0x8210]  }
0x3ad: {  	v9 =	vld [tilespmem:s28+$0x8110]  }
0x3ae: {  	v10 =	vld [tilespmem:s28+$0x8190]  }
0x3af: {  	v11 =	vld [tilespmem:s28+$0x8010]  }
0x3b0: {  	v7 =	vmul.f32 $1.280000000e+02, v7;
	v12 =	vld [tilespmem:s28+$0x8290]  }
0x3b1: {  	v8 =	vmul.f32 $1.280000000e+02, v8  }
0x3b2: {  	v13 =	vadd.f32 $8.388736000e+06, v7;
	v9 =	vmul.f32 $1.280000000e+02, v9  }
0x3b3: {  	v10 =	vmul.f32 $1.280000000e+02, v10;
	v14 =	vadd.f32 $8.388736000e+06, v8  }
0x3b4: {  	v11 =	vmul.f32 $1.280000000e+02, v11;
	v15 =	vadd.f32 $-8.388736000e+06, v13;
	v16 =	vadd.f32 $8.388736000e+06, v9  }
0x3b5: {  	v17 =	vadd.f32 $8.388736000e+06, v10;
	v18 =	vadd.f32 $-8.388736000e+06, v14;
	v12 =	vmul.f32 $1.280000000e+02, v12  }
0x3b6: {  	v19 =	vadd.f32 $8.388736000e+06, v11;
	vm0 =	vgt.f32 v7, v15;
	v7 =	vadd.f32 $-8.388736000e+06, v16  }
0x3b7: {  	v15 =	vsel vm0, $0xB500D143, v1;
	v20 =	vadd.f32 $-8.388736000e+06, v17;
	v21 =	vadd.f32 $8.388736000e+06, v12  }
0x3b8: {  	v22 =	vadd.f32 $-8.388736000e+06, v19;
	v13 =	vadd.s32 v13, v15;
	vm0 =	vgt.f32 v9, v7  }
0x3b9: {  	vm1 =	vgt.f32 v8, v18;
	v7 =	vsel vm0, $0xB500DF36, v2;
	vm0 =	vgt.f32 v10, v20  }
0x3ba: {  	vm2 =	vgt.s32 v13, $0xD143;
	v7 =	vadd.s32 v16, v7;
	v8 =	vsel vm0, $0xB500ED29, v3  }
0x3bb: {  	v9 =	vnsel vm2, $0xD143, v13;
	vm0 =	vgt.s32 v7, $0xDF36;
	v8 =	vadd.s32 v17, v8  }
0x3bc: {  	v9 =	vmin.u32 v9, $0xD242;
	v7 =	vnsel vm0, $0xDF36, v7;
	vm0 =	vgt.s32 v8, $0xED29  }
0x3bd: {  	[tilespmem:s28+$0x8090] =	vst v9;
	v7 =	vmin.u32 v7, $0xE035;
	v8 =	vnsel vm0, $0xED29, v8;
	v9 =	vadd.f32 $-8.388736000e+06, v21  }
0x3be: {  	vm0 =	vgt.f32 v11, v22;
	[tilespmem:s28+$0x8110] =	vst v7;
	v7 =	vmin.u32 v8, $0xEE28;
	v8 =	vsel vm1, $0xB500FB1C, v4  }
.Ltmp5:
0x3bf: {  	v10 =	vsel vm0, $0xB500C350, v0;
	[tilespmem:s28+$0x8190] =	vst v7;
	v7 =	vadd.s32 v14, v8;
	vm0 =	vgt.f32 v12, v9;
	(pc) =	sbr.rel @p0 .LBB2_12-.Ltmp5, $4  }
0x3c0: {  	v8 =	vadd.s32 v19, v10;
	vm1 =	vgt.s32 v7, $0xFB1C;
	v9 =	vsel vm0, $0xB501090F, v5  }
0x3c1: {  	vm0 =	vgt.s32 v8, $0xC350;
	v7 =	vnsel vm1, $0xFB1C, v7;
	v9 =	vadd.s32 v21, v9  }
0x3c2: {  	v8 =	vnsel vm0, $0xC350, v8;
	v10 =	vmin.u32 v7, $0xFC1B;
	vm0 =	vgt.s32 v9, $0x1090F  }
0x3c3: {  	v7 =	vmin.u32 v8, $0xC44F;
	[tilespmem:s28+$0x8210] =	vst v10;
	v8 =	vnsel vm0, $0x1090F, v9  }
0x3c4: {  	[tilespmem:s28+$0x8010] =	vst v7;
	v7 =	vmin.u32 v8, $0x10A0E  }
0x3c5: {  	[tilespmem:s28+$0x8290] =	vst v7  }
0x3c6: {  	v7 =	vld [tilespmem:s31+$0x8000];
	_ =	sdelay $0x4  }
0x3c7: {  	v7 =	vmul.f32 $1.280000000e+02, v7;
	_ =	sdelay $0x1  }
0x3c8: {  	v8 =	vadd.f32 $8.388736000e+06, v7;
	_ =	sdelay $0x1  }
0x3c9: {  	v9 =	vadd.f32 $-8.388736000e+06, v8;
	_ =	sdelay $0x1  }
0x3ca: {  	vm0 =	vgt.f32 v7, v9  }
0x3cb: {  	v7 =	vsel vm0, $0xB5011702, v6  }
0x3cc: {  	v7 =	vadd.s32 v8, v7  }
0x3cd: {  	vm15 =	vgt.s32 v7, $0x11702  }
0x3ce: {  	v7 =	vnsel vm15, $0x11702, v7  }
0x3cf: {  	v7 =	vmin.u32 v7, $0x11801  }
0x3d0: {  	s26 =	simm.s32 $0x0;
	[tilespmem:s31+$0x8000] =	vst v7  }
0x3d1: {  	[hbm4b:s15+s26] =	stream.linear.scatter [tilespmem:s19], [sflag:$0x4], $0x8000, $0x38;
	[tilespmem:$0x10000] =	vst v63  }
0x3d2: {  	_ =	swait.ge [sflag:s23], $0x8000  }
0x3d3: {  	[sflag:s23] =	ssyncset.done $0x0  }
0x3d4: {  	[sflag:s23] =	ssyncadd.s32 $0xFFFF8000  }
0x3d5: {  	_ =	swait.ge [sflag:s21], $0x8000  }
0x3d6: {  	s0 =	sand.u32 $0x60, s26;
	s1 =	sand.u32 $0x7C00, s26;
	[sflag:s21] =	ssyncset.done $0x0  }
0x3d7: {  	s28 =	sor.u32 s0, s1;
	[sflag:s21] =	ssyncadd.s32 $0xFFFF8000  }
0x3d8: {  	[tilespmem:s19], [sflag:$0x2] =	stream.linear.gather [hbm4b:s16+s26], $0x8000, $0x38;
	[tilespmem:$0x10000] =	vst v63  }
0x3d9: {  	v7 =	vld [tilespmem:s28+$0x280]  }
0x3da: {  	v8 =	vld [tilespmem:s28+$0x180]  }
0x3db: {  	v9 =	vld [tilespmem:s28+$0x100]  }
0x3dc: {  	v10 =	vld [tilespmem:s28+$0x200];
	_ =	sdelay $0x1  }
0x3dd: {  	v11 =	vld [tilespmem:s28+$0x0]  }
0x3de: {  	v7 =	vmul.f32 $1.280000000e+02, v7  }
0x3df: {  	v8 =	vmul.f32 $1.280000000e+02, v8;
	v9 =	vmul.f32 $1.280000000e+02, v9  }
0x3e0: {  	v12 =	vld [tilespmem:s28+$0x80];
	v10 =	vmul.f32 $1.280000000e+02, v10;
	v13 =	vadd.f32 $8.388736000e+06, v7  }
0x3e1: {  	v14 =	vadd.f32 $8.388736000e+06, v8;
	v15 =	vadd.f32 $8.388736000e+06, v9  }
0x3e2: {  	v11 =	vmul.f32 $1.280000000e+02, v11;
	v18 =	vadd.f32 $8.388736000e+06, v10;
	v16 =	vadd.f32 $-8.388736000e+06, v13  }
0x3e3: {  	v17 =	vadd.f32 $-8.388736000e+06, v14;
	v19 =	vadd.f32 $-8.388736000e+06, v15  }
0x3e4: {  	v51 =	vadd.f32 $8.388736000e+06, v11;
	v49 =	vadd.f32 $-8.388736000e+06, v18;
	vm4 =	vgt.f32 v7, v16  }
0x3e5: {  	v7 =	vmul.f32 $1.280000000e+02, v12;
	vm1 =	vgt.f32 v8, v17;
	vm5 =	vgt.f32 v9, v19  }
0x3e6: {  	vm7 =	vgt.f32 v10, v49;
	v10 =	vadd.f32 $-8.388736000e+06, v51;
	v8 =	vsel vm4, $0xB501090F, v5  }
0x3e7: {  	v48 =	vsel vm1, $0xB500ED29, v3;
	v52 =	vsel vm5, $0xB500DF36, v2;
	v53 =	vsel vm7, $0xB500FB1C, v4  }
0x3e8: {  	v8 =	vadd.s32 v13, v8;
	v9 =	vadd.s32 v14, v48;
	v50 =	vadd.f32 $8.388736000e+06, v7  }
0x3e9: {  	v14 =	vadd.s32 v15, v52;
	v15 =	vadd.s32 v18, v53;
	vm9 =	vgt.f32 v11, v10  }
0x3ea: {  	vm6 =	vgt.s32 v8, $0x1090F;
	vm2 =	vgt.s32 v9, $0xED29;
	vm8 =	vgt.s32 v14, $0xDF36  }
0x3eb: {  	vm10 =	vgt.s32 v15, $0xFB1C;
	v11 =	vsel vm9, $0xB500C350, v0;
	v54 =	vadd.f32 $-8.388736000e+06, v50  }
0x3ec: {  	v8 =	vnsel vm6, $0x1090F, v8;
	v9 =	vnsel vm2, $0xED29, v9;
	v10 =	vnsel vm8, $0xDF36, v14  }
0x3ed: {  	v8 =	vmin.u32 v8, $0x10A0E;
	v9 =	vmin.u32 v9, $0xEE28;
	vm11 =	vgt.f32 v7, v54  }
0x3ee: {  	[tilespmem:s28+$0x280] =	vst v8;
	v7 =	vmin.u32 v10, $0xE035;
	v8 =	vadd.s32 v51, v11;
	v10 =	vsel vm11, $0xB500D143, v1  }
0x3ef: {  	[tilespmem:s28+$0x180] =	vst v9;
	v9 =	vnsel vm10, $0xFB1C, v15;
	vm12 =	vgt.s32 v8, $0xC350;
	v10 =	vadd.s32 v50, v10  }
0x3f0: {  	s1 =	sand.u32 $0x3, s26;
	[tilespmem:s28+$0x100] =	vst v7;
	v7 =	vmin.u32 v9, $0xFC1B;
	v8 =	vnsel vm12, $0xC350, v8;
	vm13 =	vgt.s32 v10, $0xD143  }
0x3f1: {  	s0 =	sshll.u32 s1, $0x5;
	[tilespmem:s28+$0x200] =	vst v7;
	v8 =	vmin.u32 v8, $0xC44F;
	v9 =	vnsel vm13, $0xD143, v10  }
0x3f2: {  	s29 =	sadd.s32 $0x0, s0;
	[tilespmem:s28+$0x0] =	vst v8;
	v7 =	vmin.u32 v9, $0xD242  }
0x3f3: {  	s0 =	sor.u32 $0x300, s29;
	[tilespmem:s28+$0x80] =	vst v7  }
0x3f4: {  	v7 =	vld [tilespmem:s0+$0x0];
	_ =	sdelay $0x4  }
0x3f5: {  	v7 =	vmul.f32 $1.280000000e+02, v7;
	_ =	sdelay $0x1  }
0x3f6: {  	v8 =	vadd.f32 $8.388736000e+06, v7;
	_ =	sdelay $0x1  }
0x3f7: {  	v9 =	vadd.f32 $-8.388736000e+06, v8;
	_ =	sdelay $0x1  }
0x3f8: {  	vm14 =	vgt.f32 v7, v9  }
0x3f9: {  	v7 =	vsel vm14, $0xB5011702, v6  }
0x3fa: {  	v7 =	vadd.s32 v8, v7  }
0x3fb: {  	vm15 =	vgt.s32 v7, $0x11702  }
0x3fc: {  	v7 =	vnsel vm15, $0x11702, v7  }
0x3fd: {  	v7 =	vmin.u32 v7, $0x11801  }
0x3fe: {  	[tilespmem:s0+$0x0] =	vst v7  }
0x3ff: {  	v7 =	vld [tilespmem:s28+$0x90]  }
0x400: {  	v8 =	vld [tilespmem:s28+$0x210]  }
0x401: {  	v9 =	vld [tilespmem:s28+$0x110]  }
0x402: {  	v10 =	vld [tilespmem:s28+$0x190]  }
0x403: {  	v11 =	vld [tilespmem:s28+$0x10]  }
0x404: {  	v55 =	vld [tilespmem:s28+$0x290];
	_ =	sdelay $0x1  }
0x405: {  	v7 =	vmul.f32 $1.280000000e+02, v7  }
0x406: {  	v8 =	vmul.f32 $1.280000000e+02, v8;
	v9 =	vmul.f32 $1.280000000e+02, v9  }
0x407: {  	v10 =	vmul.f32 $1.280000000e+02, v10;
	v11 =	vmul.f32 $1.280000000e+02, v11;
	v56 =	vadd.f32 $8.388736000e+06, v7  }
0x408: {  	v12 =	vmul.f32 $1.280000000e+02, v55;
	v57 =	vadd.f32 $8.388736000e+06, v8;
	v59 =	vadd.f32 $8.388736000e+06, v9  }
0x409: {  	v60 =	vadd.f32 $8.388736000e+06, v10;
	v62 =	vadd.f32 $8.388736000e+06, v11  }
0x40a: {  	v21 =	vadd.f32 $8.388736000e+06, v12;
	v58 =	vadd.f32 $-8.388736000e+06, v56  }
0x40b: {  	v61 =	vadd.f32 $-8.388736000e+06, v57;
	v20 =	vadd.f32 $-8.388736000e+06, v60  }
0x40c: {  	v22 =	vadd.f32 $-8.388736000e+06, v62;
	vm4 =	vgt.f32 v7, v58;
	v7 =	vadd.f32 $-8.388736000e+06, v59  }
0x40d: {  	vm6 =	vgt.f32 v10, v20;
	vm7 =	vgt.f32 v8, v61;
	v10 =	vadd.f32 $-8.388736000e+06, v21  }
0x40e: {  	vm11 =	vgt.f32 v11, v22;
	v15 =	vsel vm4, $0xB500D143, v1;
	v8 =	vsel vm6, $0xB500ED29, v3  }
0x40f: {  	v11 =	vsel vm7, $0xB500FB1C, v4;
	v63 =	vsel vm11, $0xB500C350, v0;
	v13 =	vadd.s32 v56, v15  }
0x410: {  	vm5 =	vgt.f32 v9, v7;
	v8 =	vadd.s32 v60, v8;
	v11 =	vadd.s32 v57, v11  }
0x411: {  	vm12 =	vgt.f32 v12, v10;
	v7 =	vsel vm5, $0xB500DF36, v2;
	vm8 =	vgt.s32 v13, $0xD143  }
0x412: {  	vm10 =	vgt.s32 v8, $0xED29;
	vm13 =	vgt.s32 v11, $0xFB1C;
	v7 =	vadd.s32 v59, v7  }
0x413: {  	v10 =	vsel vm12, $0xB501090F, v5;
	v9 =	vnsel vm8, $0xD143, v13;
	vm9 =	vgt.s32 v7, $0xDF36  }
0x414: {  	v8 =	vnsel vm10, $0xED29, v8;
	v9 =	vmin.u32 v9, $0xD242;
	v7 =	vnsel vm9, $0xDF36, v7  }
0x415: {  	v10 =	vadd.s32 v21, v10;
	[tilespmem:s28+$0x90] =	vst v9;
	v9 =	vadd.s32 v62, v63;
	v7 =	vmin.u32 v7, $0xE035  }
0x416: {  	v8 =	vmin.u32 v8, $0xEE28;
	vm14 =	vgt.s32 v9, $0xC350;
	[tilespmem:s28+$0x110] =	vst v7;
	v7 =	vnsel vm13, $0xFB1C, v11  }
0x417: {  	s1 =	sadd.s32 $0x10, s29;
	vm15 =	vgt.s32 v10, $0x1090F;
	[tilespmem:s28+$0x190] =	vst v8;
	v8 =	vnsel vm14, $0xC350, v9;
	v9 =	vmin.u32 v7, $0xFC1B  }
0x418: {  	s30 =	simm.s32 $0x0;
	s29 =	simm.s32 $0x20;
	s31 =	sor.u32 $0x300, s1;
	v7 =	vmin.u32 v8, $0xC44F;
	v8 =	vnsel vm15, $0x1090F, v10;
	[tilespmem:s28+$0x210] =	vst v9  }
.LBB2_14:
0x419: {  	p0 =	sne.s32 s29, $0xFE0;
	[tilespmem:s28+$0x10] =	vst v7;
	v7 =	vmin.u32 v8, $0x10A0E;
	s26 =	sadd.s32 $0x100, s26;
	s30 =	sadd.s32 $0x1, s30  }
0x41a: {  	s0 =	smov.u32 s29;
	s29 =	sadd.s32 $0x20, s29;
	[tilespmem:s28+$0x290] =	vst v7  }
0x41b: {  	v7 =	vld [tilespmem:s31+$0x0];
	_ =	sdelay $0x4  }
0x41c: {  	v7 =	vmul.f32 $1.280000000e+02, v7;
	_ =	sdelay $0x1  }
0x41d: {  	v8 =	vadd.f32 $8.388736000e+06, v7;
	_ =	sdelay $0x1  }
0x41e: {  	v9 =	vadd.f32 $-8.388736000e+06, v8;
	_ =	sdelay $0x1  }
0x41f: {  	vm0 =	vgt.f32 v7, v9  }
0x420: {  	v7 =	vsel vm0, $0xB5011702, v6  }
0x421: {  	v7 =	vadd.s32 v8, v7  }
0x422: {  	vm0 =	vgt.s32 v7, $0x11702  }
0x423: {  	v7 =	vnsel vm0, $0x11702, v7  }
0x424: {  	s0 =	sand.u32 $0x60, s0;
	s1 =	sand.u32 $0x7C00, s26;
	v7 =	vmin.u32 v7, $0x11801  }
0x425: {  	s28 =	sor.u32 s0, s1;
	[tilespmem:s31+$0x0] =	vst v7  }
0x426: {  	v7 =	vld [tilespmem:s28+$0x280]  }
0x427: {  	v8 =	vld [tilespmem:s28+$0x180]  }
0x428: {  	v9 =	vld [tilespmem:s28+$0x100]  }
0x429: {  	v10 =	vld [tilespmem:s28+$0x200];
	_ =	sdelay $0x1  }
0x42a: {  	v11 =	vld [tilespmem:s28+$0x0];
	v7 =	vmul.f32 $1.280000000e+02, v7  }
0x42b: {  	v8 =	vmul.f32 $1.280000000e+02, v8  }
0x42c: {  	v12 =	vld [tilespmem:s28+$0x80];
	v9 =	vmul.f32 $1.280000000e+02, v9;
	v13 =	vadd.f32 $8.388736000e+06, v7  }
0x42d: {  	v14 =	vadd.f32 $8.388736000e+06, v8;
	v10 =	vmul.f32 $1.280000000e+02, v10  }
0x42e: {  	v15 =	vadd.f32 $8.388736000e+06, v9;
	v16 =	vadd.f32 $-8.388736000e+06, v13  }
0x42f: {  	v11 =	vmul.f32 $1.280000000e+02, v11;
	v17 =	vadd.f32 $-8.388736000e+06, v14;
	v18 =	vadd.f32 $8.388736000e+06, v10  }
0x430: {  	v19 =	vadd.f32 $-8.388736000e+06, v15;
	vm0 =	vgt.f32 v7, v16  }
0x431: {  	v7 =	vmul.f32 $1.280000000e+02, v12;
	vm1 =	vgt.f32 v8, v17;
	v8 =	vsel vm0, $0xB501090F, v5  }
0x432: {  	v16 =	vadd.f32 $-8.388736000e+06, v18;
	v12 =	vsel vm1, $0xB500ED29, v3;
	v8 =	vadd.s32 v13, v8  }
0x433: {  	vm0 =	vgt.f32 v9, v19;
	v9 =	vadd.s32 v14, v12;
	vm1 =	vgt.s32 v8, $0x1090F  }
0x434: {  	v12 =	vadd.f32 $8.388736000e+06, v7;
	vm2 =	vgt.s32 v9, $0xED29;
	v8 =	vnsel vm1, $0x1090F, v8  }
0x435: {  	v13 =	vadd.f32 $8.388736000e+06, v11;
	v9 =	vnsel vm2, $0xED29, v9;
	v8 =	vmin.u32 v8, $0x10A0E  }
0x436: {  	v14 =	vsel vm0, $0xB500DF36, v2;
	vm0 =	vgt.f32 v10, v16;
	v9 =	vmin.u32 v9, $0xEE28;
	[tilespmem:s28+$0x280] =	vst v8  }
0x437: {  	v10 =	vadd.s32 v15, v14;
	v8 =	vadd.f32 $-8.388736000e+06, v13;
	[tilespmem:s28+$0x180] =	vst v9;
	v9 =	vsel vm0, $0xB500FB1C, v4  }
0x438: {  	v14 =	vadd.f32 $-8.388736000e+06, v12;
	vm0 =	vgt.s32 v10, $0xDF36;
	v9 =	vadd.s32 v18, v9  }
0x439: {  	vm1 =	vgt.f32 v11, v8;
	v8 =	vnsel vm0, $0xDF36, v10;
	vm0 =	vgt.s32 v9, $0xFB1C  }
0x43a: {  	v10 =	vsel vm1, $0xB500C350, v0;
	vm1 =	vgt.f32 v7, v14;
	v7 =	vmin.u32 v8, $0xE035  }
0x43b: {  	v8 =	vadd.s32 v13, v10;
	v10 =	vsel vm1, $0xB500D143, v1;
	[tilespmem:s28+$0x100] =	vst v7;
	v7 =	vnsel vm0, $0xFB1C, v9  }
0x43c: {  	vm0 =	vgt.s32 v8, $0xC350;
	v9 =	vadd.s32 v12, v10;
	v7 =	vmin.u32 v7, $0xFC1B  }
0x43d: {  	s0 =	sand.u32 $0x3, s30;
	v8 =	vnsel vm0, $0xC350, v8;
	vm0 =	vgt.s32 v9, $0xD143  }
0x43e: {  	s0 =	sshll.u32 s0, $0x5;
	v8 =	vmin.u32 v8, $0xC44F;
	v9 =	vnsel vm0, $0xD143, v9;
	[tilespmem:s28+$0x200] =	vst v7  }
0x43f: {  	s0 =	sadd.s32 s0, s26;
	v7 =	vmin.u32 v9, $0xD242;
	[tilespmem:s28+$0x0] =	vst v8  }
0x440: {  	s1 =	sor.u32 $0x300, s0;
	s0 =	sadd.s32 $0x10, s0;
	[tilespmem:s28+$0x80] =	vst v7  }
0x441: {  	s31 =	sor.u32 $0x300, s0;
	v7 =	vld [tilespmem:s1+$0x0];
	_ =	sdelay $0x4  }
0x442: {  	v7 =	vmul.f32 $1.280000000e+02, v7;
	_ =	sdelay $0x1  }
0x443: {  	v8 =	vadd.f32 $8.388736000e+06, v7;
	_ =	sdelay $0x1  }
0x444: {  	v9 =	vadd.f32 $-8.388736000e+06, v8;
	_ =	sdelay $0x1  }
0x445: {  	vm0 =	vgt.f32 v7, v9  }
0x446: {  	v7 =	vsel vm0, $0xB5011702, v6  }
0x447: {  	v7 =	vadd.s32 v8, v7  }
0x448: {  	vm0 =	vgt.s32 v7, $0x11702  }
0x449: {  	v7 =	vnsel vm0, $0x11702, v7  }
0x44a: {  	v7 =	vmin.u32 v7, $0x11801  }
0x44b: {  	[tilespmem:s1+$0x0] =	vst v7  }
0x44c: {  	v7 =	vld [tilespmem:s28+$0x90]  }
0x44d: {  	v8 =	vld [tilespmem:s28+$0x210]  }
0x44e: {  	v9 =	vld [tilespmem:s28+$0x110]  }
0x44f: {  	v10 =	vld [tilespmem:s28+$0x190]  }
0x450: {  	v11 =	vld [tilespmem:s28+$0x10]  }
0x451: {  	v7 =	vmul.f32 $1.280000000e+02, v7;
	v12 =	vld [tilespmem:s28+$0x290]  }
0x452: {  	v8 =	vmul.f32 $1.280000000e+02, v8  }
0x453: {  	v13 =	vadd.f32 $8.388736000e+06, v7;
	v9 =	vmul.f32 $1.280000000e+02, v9  }
0x454: {  	v10 =	vmul.f32 $1.280000000e+02, v10;
	v14 =	vadd.f32 $8.388736000e+06, v8  }
0x455: {  	v11 =	vmul.f32 $1.280000000e+02, v11;
	v15 =	vadd.f32 $-8.388736000e+06, v13;
	v16 =	vadd.f32 $8.388736000e+06, v9  }
0x456: {  	v17 =	vadd.f32 $8.388736000e+06, v10;
	v18 =	vadd.f32 $-8.388736000e+06, v14;
	v12 =	vmul.f32 $1.280000000e+02, v12  }
0x457: {  	v19 =	vadd.f32 $8.388736000e+06, v11;
	vm0 =	vgt.f32 v7, v15;
	v7 =	vadd.f32 $-8.388736000e+06, v16  }
0x458: {  	v15 =	vsel vm0, $0xB500D143, v1;
	v20 =	vadd.f32 $-8.388736000e+06, v17;
	v21 =	vadd.f32 $8.388736000e+06, v12  }
0x459: {  	v22 =	vadd.f32 $-8.388736000e+06, v19;
	v13 =	vadd.s32 v13, v15;
	vm0 =	vgt.f32 v9, v7  }
0x45a: {  	vm1 =	vgt.f32 v8, v18;
	v7 =	vsel vm0, $0xB500DF36, v2;
	vm0 =	vgt.f32 v10, v20  }
0x45b: {  	vm2 =	vgt.s32 v13, $0xD143;
	v7 =	vadd.s32 v16, v7;
	v8 =	vsel vm0, $0xB500ED29, v3  }
0x45c: {  	v9 =	vnsel vm2, $0xD143, v13;
	vm0 =	vgt.s32 v7, $0xDF36;
	v8 =	vadd.s32 v17, v8  }
0x45d: {  	v9 =	vmin.u32 v9, $0xD242;
	v7 =	vnsel vm0, $0xDF36, v7;
	vm0 =	vgt.s32 v8, $0xED29  }
0x45e: {  	[tilespmem:s28+$0x90] =	vst v9;
	v7 =	vmin.u32 v7, $0xE035;
	v8 =	vnsel vm0, $0xED29, v8;
	v9 =	vadd.f32 $-8.388736000e+06, v21  }
0x45f: {  	vm0 =	vgt.f32 v11, v22;
	[tilespmem:s28+$0x110] =	vst v7;
	v7 =	vmin.u32 v8, $0xEE28;
	v8 =	vsel vm1, $0xB500FB1C, v4  }
.Ltmp6:
0x460: {  	v10 =	vsel vm0, $0xB500C350, v0;
	[tilespmem:s28+$0x190] =	vst v7;
	v7 =	vadd.s32 v14, v8;
	vm0 =	vgt.f32 v12, v9;
	(pc) =	sbr.rel @p0 .LBB2_14-.Ltmp6, $4  }
0x461: {  	v8 =	vadd.s32 v19, v10;
	vm1 =	vgt.s32 v7, $0xFB1C;
	v9 =	vsel vm0, $0xB501090F, v5  }
0x462: {  	vm0 =	vgt.s32 v8, $0xC350;
	v7 =	vnsel vm1, $0xFB1C, v7;
	v9 =	vadd.s32 v21, v9  }
0x463: {  	v8 =	vnsel vm0, $0xC350, v8;
	v10 =	vmin.u32 v7, $0xFC1B;
	vm0 =	vgt.s32 v9, $0x1090F  }
0x464: {  	v7 =	vmin.u32 v8, $0xC44F;
	[tilespmem:s28+$0x210] =	vst v10;
	v8 =	vnsel vm0, $0x1090F, v9  }
0x465: {  	[tilespmem:s28+$0x10] =	vst v7;
	v7 =	vmin.u32 v8, $0x10A0E  }
0x466: {  	[tilespmem:s28+$0x290] =	vst v7  }
0x467: {  	v7 =	vld [tilespmem:s31+$0x0];
	_ =	sdelay $0x4  }
0x468: {  	v7 =	vmul.f32 $1.280000000e+02, v7;
	_ =	sdelay $0x1  }
0x469: {  	v8 =	vadd.f32 $8.388736000e+06, v7;
	_ =	sdelay $0x1  }
0x46a: {  	v9 =	vadd.f32 $-8.388736000e+06, v8;
	_ =	sdelay $0x1  }
0x46b: {  	vm0 =	vgt.f32 v7, v9  }
0x46c: {  	v7 =	vsel vm0, $0xB5011702, v6  }
0x46d: {  	v7 =	vadd.s32 v8, v7  }
0x46e: {  	vm15 =	vgt.s32 v7, $0x11702  }
0x46f: {  	v7 =	vnsel vm15, $0x11702, v7  }
0x470: {  	v7 =	vmin.u32 v7, $0x11801  }
0x471: {  	s26 =	simm.s32 $0x0;
	[tilespmem:s31+$0x0] =	vst v7  }
0x472: {  	[hbm4b:s17+s26] =	stream.linear.scatter [tilespmem:s26], [sflag:$0x3], $0x8000, $0x38;
	[tilespmem:$0x10000] =	vst v63  }
0x473: {  	_ =	swait.ge [sflag:s24], $0x8000  }
0x474: {  	[sflag:s24] =	ssyncset.done $0x0  }
0x475: {  	[sflag:s24] =	ssyncadd.s32 $0xFFFF8000  }
0x476: {  	_ =	swait.ge [sflag:s22], $0x8000  }
0x477: {  	s0 =	sand.u32 $0x60, s26;
	s1 =	sand.u32 $0x7C00, s26;
	[sflag:s22] =	ssyncset.done $0x0  }
0x478: {  	s28 =	sor.u32 s0, s1;
	[sflag:s22] =	ssyncadd.s32 $0xFFFF8000  }
0x479: {  	v7 =	vld [tilespmem:s28+$0x8280]  }
0x47a: {  	v8 =	vld [tilespmem:s28+$0x8180]  }
0x47b: {  	v9 =	vld [tilespmem:s28+$0x8100]  }
0x47c: {  	v10 =	vld [tilespmem:s28+$0x8200];
	_ =	sdelay $0x1  }
0x47d: {  	v11 =	vld [tilespmem:s28+$0x8000]  }
0x47e: {  	v7 =	vmul.f32 $1.280000000e+02, v7  }
0x47f: {  	v8 =	vmul.f32 $1.280000000e+02, v8;
	v9 =	vmul.f32 $1.280000000e+02, v9  }
0x480: {  	v12 =	vld [tilespmem:s28+$0x8080];
	v10 =	vmul.f32 $1.280000000e+02, v10;
	v13 =	vadd.f32 $8.388736000e+06, v7  }
0x481: {  	v14 =	vadd.f32 $8.388736000e+06, v8;
	v15 =	vadd.f32 $8.388736000e+06, v9  }
0x482: {  	v11 =	vmul.f32 $1.280000000e+02, v11;
	v18 =	vadd.f32 $8.388736000e+06, v10;
	v16 =	vadd.f32 $-8.388736000e+06, v13  }
0x483: {  	v17 =	vadd.f32 $-8.388736000e+06, v14;
	v19 =	vadd.f32 $-8.388736000e+06, v15  }
0x484: {  	v51 =	vadd.f32 $8.388736000e+06, v11;
	v49 =	vadd.f32 $-8.388736000e+06, v18;
	vm4 =	vgt.f32 v7, v16  }
0x485: {  	v7 =	vmul.f32 $1.280000000e+02, v12;
	vm1 =	vgt.f32 v8, v17;
	vm5 =	vgt.f32 v9, v19  }
0x486: {  	vm7 =	vgt.f32 v10, v49;
	v10 =	vadd.f32 $-8.388736000e+06, v51;
	v8 =	vsel vm4, $0xB501090F, v5  }
0x487: {  	v48 =	vsel vm1, $0xB500ED29, v3;
	v52 =	vsel vm5, $0xB500DF36, v2;
	v53 =	vsel vm7, $0xB500FB1C, v4  }
0x488: {  	v8 =	vadd.s32 v13, v8;
	v9 =	vadd.s32 v14, v48;
	v50 =	vadd.f32 $8.388736000e+06, v7  }
0x489: {  	v14 =	vadd.s32 v15, v52;
	v15 =	vadd.s32 v18, v53;
	vm9 =	vgt.f32 v11, v10  }
0x48a: {  	vm6 =	vgt.s32 v8, $0x1090F;
	vm2 =	vgt.s32 v9, $0xED29;
	vm8 =	vgt.s32 v14, $0xDF36  }
0x48b: {  	vm10 =	vgt.s32 v15, $0xFB1C;
	v11 =	vsel vm9, $0xB500C350, v0;
	v54 =	vadd.f32 $-8.388736000e+06, v50  }
0x48c: {  	v8 =	vnsel vm6, $0x1090F, v8;
	v9 =	vnsel vm2, $0xED29, v9;
	v10 =	vnsel vm8, $0xDF36, v14  }
0x48d: {  	v8 =	vmin.u32 v8, $0x10A0E;
	v9 =	vmin.u32 v9, $0xEE28;
	vm11 =	vgt.f32 v7, v54  }
0x48e: {  	[tilespmem:s28+$0x8280] =	vst v8;
	v7 =	vmin.u32 v10, $0xE035;
	v8 =	vadd.s32 v51, v11;
	v10 =	vsel vm11, $0xB500D143, v1  }
0x48f: {  	[tilespmem:s28+$0x8180] =	vst v9;
	v9 =	vnsel vm10, $0xFB1C, v15;
	vm12 =	vgt.s32 v8, $0xC350;
	v10 =	vadd.s32 v50, v10  }
0x490: {  	s1 =	sand.u32 $0x3, s26;
	[tilespmem:s28+$0x8100] =	vst v7;
	v7 =	vmin.u32 v9, $0xFC1B;
	v8 =	vnsel vm12, $0xC350, v8;
	vm13 =	vgt.s32 v10, $0xD143  }
0x491: {  	s0 =	sshll.u32 s1, $0x5;
	[tilespmem:s28+$0x8200] =	vst v7;
	v8 =	vmin.u32 v8, $0xC44F;
	v9 =	vnsel vm13, $0xD143, v10  }
0x492: {  	s29 =	sadd.s32 $0x0, s0;
	[tilespmem:s28+$0x8000] =	vst v8;
	v7 =	vmin.u32 v9, $0xD242  }
0x493: {  	s0 =	sor.u32 $0x300, s29;
	[tilespmem:s28+$0x8080] =	vst v7  }
0x494: {  	v7 =	vld [tilespmem:s0+$0x8000];
	_ =	sdelay $0x4  }
0x495: {  	v7 =	vmul.f32 $1.280000000e+02, v7;
	_ =	sdelay $0x1  }
0x496: {  	v8 =	vadd.f32 $8.388736000e+06, v7;
	_ =	sdelay $0x1  }
0x497: {  	v9 =	vadd.f32 $-8.388736000e+06, v8;
	_ =	sdelay $0x1  }
0x498: {  	vm14 =	vgt.f32 v7, v9  }
0x499: {  	v7 =	vsel vm14, $0xB5011702, v6  }
0x49a: {  	v7 =	vadd.s32 v8, v7  }
0x49b: {  	vm15 =	vgt.s32 v7, $0x11702  }
0x49c: {  	v7 =	vnsel vm15, $0x11702, v7  }
0x49d: {  	v7 =	vmin.u32 v7, $0x11801  }
0x49e: {  	[tilespmem:s0+$0x8000] =	vst v7  }
0x49f: {  	v7 =	vld [tilespmem:s28+$0x8090]  }
0x4a0: {  	v8 =	vld [tilespmem:s28+$0x8210]  }
0x4a1: {  	v9 =	vld [tilespmem:s28+$0x8110]  }
0x4a2: {  	v10 =	vld [tilespmem:s28+$0x8190]  }
0x4a3: {  	v11 =	vld [tilespmem:s28+$0x8010]  }
0x4a4: {  	v55 =	vld [tilespmem:s28+$0x8290];
	_ =	sdelay $0x1  }
0x4a5: {  	v7 =	vmul.f32 $1.280000000e+02, v7  }
0x4a6: {  	v8 =	vmul.f32 $1.280000000e+02, v8;
	v9 =	vmul.f32 $1.280000000e+02, v9  }
0x4a7: {  	v10 =	vmul.f32 $1.280000000e+02, v10;
	v11 =	vmul.f32 $1.280000000e+02, v11;
	v56 =	vadd.f32 $8.388736000e+06, v7  }
0x4a8: {  	v12 =	vmul.f32 $1.280000000e+02, v55;
	v57 =	vadd.f32 $8.388736000e+06, v8;
	v59 =	vadd.f32 $8.388736000e+06, v9  }
0x4a9: {  	v60 =	vadd.f32 $8.388736000e+06, v10;
	v62 =	vadd.f32 $8.388736000e+06, v11  }
0x4aa: {  	v21 =	vadd.f32 $8.388736000e+06, v12;
	v58 =	vadd.f32 $-8.388736000e+06, v56  }
0x4ab: {  	v61 =	vadd.f32 $-8.388736000e+06, v57;
	v20 =	vadd.f32 $-8.388736000e+06, v60  }
0x4ac: {  	v22 =	vadd.f32 $-8.388736000e+06, v62;
	vm4 =	vgt.f32 v7, v58;
	v7 =	vadd.f32 $-8.388736000e+06, v59  }
0x4ad: {  	vm6 =	vgt.f32 v10, v20;
	vm7 =	vgt.f32 v8, v61;
	v10 =	vadd.f32 $-8.388736000e+06, v21  }
0x4ae: {  	vm11 =	vgt.f32 v11, v22;
	v15 =	vsel vm4, $0xB500D143, v1;
	v8 =	vsel vm6, $0xB500ED29, v3  }
0x4af: {  	v11 =	vsel vm7, $0xB500FB1C, v4;
	v63 =	vsel vm11, $0xB500C350, v0;
	v13 =	vadd.s32 v56, v15  }
0x4b0: {  	vm5 =	vgt.f32 v9, v7;
	v8 =	vadd.s32 v60, v8;
	v11 =	vadd.s32 v57, v11  }
0x4b1: {  	vm12 =	vgt.f32 v12, v10;
	v7 =	vsel vm5, $0xB500DF36, v2;
	vm8 =	vgt.s32 v13, $0xD143  }
0x4b2: {  	vm10 =	vgt.s32 v8, $0xED29;
	vm13 =	vgt.s32 v11, $0xFB1C;
	v7 =	vadd.s32 v59, v7  }
0x4b3: {  	v10 =	vsel vm12, $0xB501090F, v5;
	v9 =	vnsel vm8, $0xD143, v13;
	vm9 =	vgt.s32 v7, $0xDF36  }
0x4b4: {  	v8 =	vnsel vm10, $0xED29, v8;
	v9 =	vmin.u32 v9, $0xD242;
	v7 =	vnsel vm9, $0xDF36, v7  }
0x4b5: {  	v10 =	vadd.s32 v21, v10;
	[tilespmem:s28+$0x8090] =	vst v9;
	v9 =	vadd.s32 v62, v63;
	v7 =	vmin.u32 v7, $0xE035  }
0x4b6: {  	v8 =	vmin.u32 v8, $0xEE28;
	vm14 =	vgt.s32 v9, $0xC350;
	[tilespmem:s28+$0x8110] =	vst v7;
	v7 =	vnsel vm13, $0xFB1C, v11  }
0x4b7: {  	s1 =	sadd.s32 $0x10, s29;
	vm15 =	vgt.s32 v10, $0x1090F;
	[tilespmem:s28+$0x8190] =	vst v8;
	v8 =	vnsel vm14, $0xC350, v9;
	v9 =	vmin.u32 v7, $0xFC1B  }
0x4b8: {  	s30 =	simm.s32 $0x0;
	s29 =	simm.s32 $0x20;
	s31 =	sor.u32 $0x300, s1;
	v7 =	vmin.u32 v8, $0xC44F;
	v8 =	vnsel vm15, $0x1090F, v10;
	[tilespmem:s28+$0x8210] =	vst v9  }
.LBB2_16:
0x4b9: {  	p0 =	sne.s32 s29, $0xFE0;
	[tilespmem:s28+$0x8010] =	vst v7;
	v7 =	vmin.u32 v8, $0x10A0E;
	s26 =	sadd.s32 $0x100, s26;
	s30 =	sadd.s32 $0x1, s30  }
0x4ba: {  	s0 =	smov.u32 s29;
	s29 =	sadd.s32 $0x20, s29;
	[tilespmem:s28+$0x8290] =	vst v7  }
0x4bb: {  	v7 =	vld [tilespmem:s31+$0x8000];
	_ =	sdelay $0x4  }
0x4bc: {  	v7 =	vmul.f32 $1.280000000e+02, v7;
	_ =	sdelay $0x1  }
0x4bd: {  	v8 =	vadd.f32 $8.388736000e+06, v7;
	_ =	sdelay $0x1  }
0x4be: {  	v9 =	vadd.f32 $-8.388736000e+06, v8;
	_ =	sdelay $0x1  }
0x4bf: {  	vm0 =	vgt.f32 v7, v9  }
0x4c0: {  	v7 =	vsel vm0, $0xB5011702, v6  }
0x4c1: {  	v7 =	vadd.s32 v8, v7  }
0x4c2: {  	vm0 =	vgt.s32 v7, $0x11702  }
0x4c3: {  	v7 =	vnsel vm0, $0x11702, v7  }
0x4c4: {  	s0 =	sand.u32 $0x60, s0;
	s1 =	sand.u32 $0x7C00, s26;
	v7 =	vmin.u32 v7, $0x11801  }
0x4c5: {  	s28 =	sor.u32 s0, s1;
	[tilespmem:s31+$0x8000] =	vst v7  }
0x4c6: {  	v7 =	vld [tilespmem:s28+$0x8280]  }
0x4c7: {  	v8 =	vld [tilespmem:s28+$0x8180]  }
0x4c8: {  	v9 =	vld [tilespmem:s28+$0x8100]  }
0x4c9: {  	v10 =	vld [tilespmem:s28+$0x8200];
	_ =	sdelay $0x1  }
0x4ca: {  	v11 =	vld [tilespmem:s28+$0x8000];
	v7 =	vmul.f32 $1.280000000e+02, v7  }
0x4cb: {  	v8 =	vmul.f32 $1.280000000e+02, v8  }
0x4cc: {  	v12 =	vld [tilespmem:s28+$0x8080];
	v9 =	vmul.f32 $1.280000000e+02, v9;
	v13 =	vadd.f32 $8.388736000e+06, v7  }
0x4cd: {  	v14 =	vadd.f32 $8.388736000e+06, v8;
	v10 =	vmul.f32 $1.280000000e+02, v10  }
0x4ce: {  	v15 =	vadd.f32 $8.388736000e+06, v9;
	v16 =	vadd.f32 $-8.388736000e+06, v13  }
0x4cf: {  	v11 =	vmul.f32 $1.280000000e+02, v11;
	v17 =	vadd.f32 $-8.388736000e+06, v14;
	v18 =	vadd.f32 $8.388736000e+06, v10  }
0x4d0: {  	v19 =	vadd.f32 $-8.388736000e+06, v15;
	vm0 =	vgt.f32 v7, v16  }
0x4d1: {  	v7 =	vmul.f32 $1.280000000e+02, v12;
	vm1 =	vgt.f32 v8, v17;
	v8 =	vsel vm0, $0xB501090F, v5  }
0x4d2: {  	v16 =	vadd.f32 $-8.388736000e+06, v18;
	v12 =	vsel vm1, $0xB500ED29, v3;
	v8 =	vadd.s32 v13, v8  }
0x4d3: {  	vm0 =	vgt.f32 v9, v19;
	v9 =	vadd.s32 v14, v12;
	vm1 =	vgt.s32 v8, $0x1090F  }
0x4d4: {  	v12 =	vadd.f32 $8.388736000e+06, v7;
	vm2 =	vgt.s32 v9, $0xED29;
	v8 =	vnsel vm1, $0x1090F, v8  }
0x4d5: {  	v13 =	vadd.f32 $8.388736000e+06, v11;
	v9 =	vnsel vm2, $0xED29, v9;
	v8 =	vmin.u32 v8, $0x10A0E  }
0x4d6: {  	v14 =	vsel vm0, $0xB500DF36, v2;
	vm0 =	vgt.f32 v10, v16;
	v9 =	vmin.u32 v9, $0xEE28;
	[tilespmem:s28+$0x8280] =	vst v8  }
0x4d7: {  	v10 =	vadd.s32 v15, v14;
	v8 =	vadd.f32 $-8.388736000e+06, v13;
	[tilespmem:s28+$0x8180] =	vst v9;
	v9 =	vsel vm0, $0xB500FB1C, v4  }
0x4d8: {  	v14 =	vadd.f32 $-8.388736000e+06, v12;
	vm0 =	vgt.s32 v10, $0xDF36;
	v9 =	vadd.s32 v18, v9  }
0x4d9: {  	vm1 =	vgt.f32 v11, v8;
	v8 =	vnsel vm0, $0xDF36, v10;
	vm0 =	vgt.s32 v9, $0xFB1C  }
0x4da: {  	v10 =	vsel vm1, $0xB500C350, v0;
	vm1 =	vgt.f32 v7, v14;
	v7 =	vmin.u32 v8, $0xE035  }
0x4db: {  	v8 =	vadd.s32 v13, v10;
	v10 =	vsel vm1, $0xB500D143, v1;
	[tilespmem:s28+$0x8100] =	vst v7;
	v7 =	vnsel vm0, $0xFB1C, v9  }
0x4dc: {  	vm0 =	vgt.s32 v8, $0xC350;
	v9 =	vadd.s32 v12, v10;
	v7 =	vmin.u32 v7, $0xFC1B  }
0x4dd: {  	s0 =	sand.u32 $0x3, s30;
	v8 =	vnsel vm0, $0xC350, v8;
	vm0 =	vgt.s32 v9, $0xD143  }
0x4de: {  	s0 =	sshll.u32 s0, $0x5;
	v8 =	vmin.u32 v8, $0xC44F;
	v9 =	vnsel vm0, $0xD143, v9;
	[tilespmem:s28+$0x8200] =	vst v7  }
0x4df: {  	s0 =	sadd.s32 s0, s26;
	v7 =	vmin.u32 v9, $0xD242;
	[tilespmem:s28+$0x8000] =	vst v8  }
0x4e0: {  	s1 =	sor.u32 $0x300, s0;
	s0 =	sadd.s32 $0x10, s0;
	[tilespmem:s28+$0x8080] =	vst v7  }
0x4e1: {  	s31 =	sor.u32 $0x300, s0;
	v7 =	vld [tilespmem:s1+$0x8000];
	_ =	sdelay $0x4  }
0x4e2: {  	v7 =	vmul.f32 $1.280000000e+02, v7;
	_ =	sdelay $0x1  }
0x4e3: {  	v8 =	vadd.f32 $8.388736000e+06, v7;
	_ =	sdelay $0x1  }
0x4e4: {  	v9 =	vadd.f32 $-8.388736000e+06, v8;
	_ =	sdelay $0x1  }
0x4e5: {  	vm0 =	vgt.f32 v7, v9  }
0x4e6: {  	v7 =	vsel vm0, $0xB5011702, v6  }
0x4e7: {  	v7 =	vadd.s32 v8, v7  }
0x4e8: {  	vm0 =	vgt.s32 v7, $0x11702  }
0x4e9: {  	v7 =	vnsel vm0, $0x11702, v7  }
0x4ea: {  	v7 =	vmin.u32 v7, $0x11801  }
0x4eb: {  	[tilespmem:s1+$0x8000] =	vst v7  }
0x4ec: {  	v7 =	vld [tilespmem:s28+$0x8090]  }
0x4ed: {  	v8 =	vld [tilespmem:s28+$0x8210]  }
0x4ee: {  	v9 =	vld [tilespmem:s28+$0x8110]  }
0x4ef: {  	v10 =	vld [tilespmem:s28+$0x8190]  }
0x4f0: {  	v11 =	vld [tilespmem:s28+$0x8010]  }
0x4f1: {  	v7 =	vmul.f32 $1.280000000e+02, v7;
	v12 =	vld [tilespmem:s28+$0x8290]  }
0x4f2: {  	v8 =	vmul.f32 $1.280000000e+02, v8  }
0x4f3: {  	v13 =	vadd.f32 $8.388736000e+06, v7;
	v9 =	vmul.f32 $1.280000000e+02, v9  }
0x4f4: {  	v10 =	vmul.f32 $1.280000000e+02, v10;
	v14 =	vadd.f32 $8.388736000e+06, v8  }
0x4f5: {  	v11 =	vmul.f32 $1.280000000e+02, v11;
	v15 =	vadd.f32 $-8.388736000e+06, v13;
	v16 =	vadd.f32 $8.388736000e+06, v9  }
0x4f6: {  	v17 =	vadd.f32 $8.388736000e+06, v10;
	v18 =	vadd.f32 $-8.388736000e+06, v14;
	v12 =	vmul.f32 $1.280000000e+02, v12  }
0x4f7: {  	v19 =	vadd.f32 $8.388736000e+06, v11;
	vm0 =	vgt.f32 v7, v15;
	v7 =	vadd.f32 $-8.388736000e+06, v16  }
0x4f8: {  	v15 =	vsel vm0, $0xB500D143, v1;
	v20 =	vadd.f32 $-8.388736000e+06, v17;
	v21 =	vadd.f32 $8.388736000e+06, v12  }
0x4f9: {  	v22 =	vadd.f32 $-8.388736000e+06, v19;
	v13 =	vadd.s32 v13, v15;
	vm0 =	vgt.f32 v9, v7  }
0x4fa: {  	vm1 =	vgt.f32 v8, v18;
	v7 =	vsel vm0, $0xB500DF36, v2;
	vm0 =	vgt.f32 v10, v20  }
0x4fb: {  	vm2 =	vgt.s32 v13, $0xD143;
	v7 =	vadd.s32 v16, v7;
	v8 =	vsel vm0, $0xB500ED29, v3  }
0x4fc: {  	v9 =	vnsel vm2, $0xD143, v13;
	vm0 =	vgt.s32 v7, $0xDF36;
	v8 =	vadd.s32 v17, v8  }
0x4fd: {  	v9 =	vmin.u32 v9, $0xD242;
	v7 =	vnsel vm0, $0xDF36, v7;
	vm0 =	vgt.s32 v8, $0xED29  }
0x4fe: {  	[tilespmem:s28+$0x8090] =	vst v9;
	v7 =	vmin.u32 v7, $0xE035;
	v8 =	vnsel vm0, $0xED29, v8;
	v9 =	vadd.f32 $-8.388736000e+06, v21  }
0x4ff: {  	vm0 =	vgt.f32 v11, v22;
	[tilespmem:s28+$0x8110] =	vst v7;
	v7 =	vmin.u32 v8, $0xEE28;
	v8 =	vsel vm1, $0xB500FB1C, v4  }
.Ltmp7:
0x500: {  	v10 =	vsel vm0, $0xB500C350, v0;
	[tilespmem:s28+$0x8190] =	vst v7;
	v7 =	vadd.s32 v14, v8;
	vm0 =	vgt.f32 v12, v9;
	(pc) =	sbr.rel @p0 .LBB2_16-.Ltmp7, $4  }
0x501: {  	v8 =	vadd.s32 v19, v10;
	vm1 =	vgt.s32 v7, $0xFB1C;
	v9 =	vsel vm0, $0xB501090F, v5  }
0x502: {  	vm0 =	vgt.s32 v8, $0xC350;
	v7 =	vnsel vm1, $0xFB1C, v7;
	v9 =	vadd.s32 v21, v9  }
0x503: {  	v8 =	vnsel vm0, $0xC350, v8;
	v10 =	vmin.u32 v7, $0xFC1B;
	vm0 =	vgt.s32 v9, $0x1090F  }
0x504: {  	v7 =	vmin.u32 v8, $0xC44F;
	[tilespmem:s28+$0x8210] =	vst v10;
	v8 =	vnsel vm0, $0x1090F, v9  }
0x505: {  	[tilespmem:s28+$0x8010] =	vst v7;
	v7 =	vmin.u32 v8, $0x10A0E  }
0x506: {  	[tilespmem:s28+$0x8290] =	vst v7  }
0x507: {  	v7 =	vld [tilespmem:s31+$0x8000];
	_ =	sdelay $0x4  }
0x508: {  	v7 =	vmul.f32 $1.280000000e+02, v7;
	_ =	sdelay $0x1  }
0x509: {  	v8 =	vadd.f32 $8.388736000e+06, v7;
	_ =	sdelay $0x1  }
0x50a: {  	v9 =	vadd.f32 $-8.388736000e+06, v8;
	_ =	sdelay $0x1  }
0x50b: {  	vm0 =	vgt.f32 v7, v9  }
0x50c: {  	v7 =	vsel vm0, $0xB5011702, v6  }
0x50d: {  	v7 =	vadd.s32 v8, v7  }
0x50e: {  	vm15 =	vgt.s32 v7, $0x11702  }
0x50f: {  	v7 =	vnsel vm15, $0x11702, v7  }
0x510: {  	v7 =	vmin.u32 v7, $0x11801  }
0x511: {  	s25 =	sadd.s32 $0x1, s25;
	[tilespmem:s31+$0x8000] =	vst v7  }
0x512: {  	[hbm4b:s18+s2] =	stream.linear.scatter [tilespmem:s19], [sflag:$0x4], $0x8000, $0x38;
	[tilespmem:$0x10000] =	vst v63  }
0x513: {  	p0 =	sne.s32 s25, s20;
	_ =	swait.ge [sflag:s23], $0x8000  }
.Ltmp8:
0x514: {  	[sflag:s23] =	ssyncset.done $0x0;
	(pc) =	sbr.rel @p0 .LBB2_1-.Ltmp8, $4  }
0x515: {  	[sflag:s23] =	ssyncadd.s32 $0xFFFF8000  }
0x516: {  	_ =	swait.ge [sflag:s24], $0x8000  }
0x517: {  	[sflag:s24] =	ssyncset.done $0x0  }
0x518: {  	[sflag:s24] =	ssyncadd.s32 $0xFFFF8000  }
0x519: {  	_ =	sfence.sel $0x180000  }
0x51a: {  	[bflag:$0x0] =	sbarrier.arrive $0xFFFF  }
0x51b: {  	_ =	strace $0x90000047  }
0x51c: {  	s0 =	stileid.u32;
	[bflag:$0x2] =	sbarrier.arrive $0xFFFF  }
0x51d: {  	p0 =	sne.s32 s0, $0x0;
	s0 =	rddreg [dreg:$0x2]  }
0x51e: {  	s0 =	sadd.s32 @!p0 $0x100000, s0  }
0x51f: {  	[sflag:s0] =	ssyncadd.tile.s32 @!p0 $0x1;
	_ =	shalt  }
.Lfunc_end2:
_tile_overlayer_lowered:
.L_overlay_start_2:
0x520: {  	(tag) =	ssettag $0x2  }
0x521: {  	s0 =	rddreg [dreg:$0x0];
	s2 =	stileid.u32  }
0x522: {  	s1 =	rddreg [dreg:$0x1];
	p0 =	sne.s32 s2, $0x0  }
0x523: {  	s3 =	rddreg [dreg:$0x2];
	[bflag:$0x3] =	sbarrier.arrive $0xFFFF;
	s2 =	simm.s32 @!p0 $0x1C05  }
0x524: {  	[timem:s3], [sflag:s2] =	dma.local @!p0 [hbm:s0], s1  }
0x525: {  	s0 =	simm.s32 @!p0 $0x5  }
0x526: {  	_ =	swait.ge @!p0 [sflag:s0], s1  }
0x527: {  	s1 =	ssub.s32 @!p0 $0x0, s1;
	[sflag:s0] =	ssyncset.done @!p0 $0x0  }
0x528: {  	[sflag:s0] =	ssyncadd.s32 @!p0 s1  }
0x529: {  	[bflag:$0x3] =	sbarrier.arrive $0xFFFF  }
0x52a: {  	_ =	shalt  }

</sc_bundles>
